<compile_context>
chip_gen: v7x
topology: tpu7x:2x2x1
jax: 0.10.2.dev20260603
libtpu: 0.0.44.dev20260713+nightly
codegen_flags: <defaults>
</compile_context>

<pallas_src>
import functools

import jax
import jax.numpy as jnp
from jax import lax
from jax.experimental import pallas as pl
from jax.experimental.pallas import tpu as pltpu
from jax.experimental.pallas import tpu_sc as plsc

B = 512
H = 28
W = 28
N = W * H * 3
K = int(0.75 * N)
N_EXTRA = N - K
NPAD = 2432
LANES = 16
NCHUNK = N // LANES
NC, NS = 2, 16
NW = NC * NS
ROWS_PER_W = B // NW
SENTINEL = 1e30
OUT_ROW = 2 * N
TOP_LEN = 2 * K
EXTRA_LEN = 2 * N_EXTRA


@functools.cache
def _sc_mesh():
    return plsc.VectorSubcoreMesh(
        core_axis_name="c", subcore_axis_name="s",
        num_cores=NC, num_subcores=NS)


def _sc_interp_body(img_hbm, crd_hbm, out_hbm, img_v, crd_v, out_v):
    wid = lax.axis_index("s") * NC + lax.axis_index("c")
    base = wid * ROWS_PER_W
    lane = lax.iota(jnp.int32, LANES)

    def row_body(r, carry):
        b = base + r
        pltpu.sync_copy(img_hbm.at[b], img_v)
        pltpu.sync_copy(crd_hbm.at[b], crd_v)

        def chunk_body(i, c2):
            s = i * LANES
            pos = 2 * s + 2 * lane
            x = plsc.load_gather(crd_v, [pos])
            y = plsc.load_gather(crd_v, [pos + 1])
            u0 = x * jnp.float32(H - 1)
            u1 = y * jnp.float32(W - 1)
            i0 = u0.astype(jnp.int32)
            i1 = u1.astype(jnp.int32)
            f0 = i0.astype(jnp.float32)
            f1 = i1.astype(jnp.float32)
            m0 = u0 - f0
            m1 = u1 - f1
            c0 = i0 + (u0 > f0).astype(jnp.int32)
            c1 = i1 + (u1 > f1).astype(jnp.int32)
            p1 = plsc.load_gather(img_v, [i0 * W + i1])
            p2 = plsc.load_gather(img_v, [c0 * W + i1])
            p3 = plsc.load_gather(img_v, [i0 * W + c1])
            p4 = plsc.load_gather(img_v, [c0 * W + c1])
            a = p1 * (1.0 - m0) + p2 * m0
            bq = p3 * (1.0 - m0) + p4 * m0
            v = a * (1.0 - m1) + bq * m1
            out_v[pl.ds(s, LANES)] = jnp.abs(v)
            return c2

        lax.fori_loop(0, NCHUNK, chunk_body, 0)
        for t in range(NCHUNK, NPAD // LANES):
            out_v[pl.ds(t * LANES, LANES)] = jnp.full((LANES,), SENTINEL,
                                                      jnp.float32)
        pltpu.sync_copy(out_v, out_hbm.at[b])
        return carry

    lax.fori_loop(0, ROWS_PER_W, row_body, 0)


@functools.cache
def _sc_interp():
    return pl.kernel(
        _sc_interp_body,
        out_type=jax.ShapeDtypeStruct((B, NPAD), jnp.float32),
        mesh=_sc_mesh(),
        compiler_params=pltpu.CompilerParams(use_tc_tiling_on_sc=False,
                                             needs_layout_passes=False),
        scratch_types=[
            pltpu.VMEM((H * W,), jnp.float32),
            pltpu.VMEM((OUT_ROW,), jnp.float32),
            pltpu.VMEM((NPAD,), jnp.float32),
        ],
    )


def _tc_rank_body(u_ref, rank_ref, bc_ref):
    nt = NPAD // 128
    sub = lax.broadcasted_iota(jnp.int32, (128, 128), 0)
    lane = lax.broadcasted_iota(jnp.int32, (128, 128), 1)
    tri = sub < lane

    for jb in range(nt):
        uj = u_ref[0, :, pl.ds(jb * 128, 128)]
        bc_ref[pl.ds(jb * 128, 128), :] = jnp.broadcast_to(
            uj, (128, 128)).T

    for ic in range(nt):
        ui = u_ref[0, :, pl.ds(ic * 128, 128)]
        acc = jnp.zeros((128, 128), jnp.float32)
        for jb in range(nt):
            t = bc_ref[pl.ds(jb * 128, 128), :]
            if jb < ic:
                acc = jnp.where(t <= ui, acc + 1.0, acc)
            elif jb == ic:
                acc = jnp.where((t < ui) | ((t <= ui) & tri), acc + 1.0, acc)
            else:
                acc = jnp.where(t < ui, acc + 1.0, acc)
        rank = jnp.sum(acc, axis=0, keepdims=True)
        rank_ref[0, :, pl.ds(ic * 128, 128)] = rank.astype(jnp.int32)


def _tc_ranks(u):
    u3 = u.reshape(B, 1, NPAD)
    out = pl.pallas_call(
        _tc_rank_body,
        grid=(B,),
        in_specs=[pl.BlockSpec((1, 1, NPAD), lambda b: (b, 0, 0))],
        out_specs=pl.BlockSpec((1, 1, NPAD), lambda b: (b, 0, 0)),
        out_shape=jax.ShapeDtypeStruct((B, 1, NPAD), jnp.int32),
        scratch_shapes=[pltpu.VMEM((NPAD, 128), jnp.float32)],
    )(u3)
    return out.reshape(B, NPAD)


def _sc_scatter_body(rank_hbm, crd_hbm, extra_hbm, out_hbm,
                     rank_v, crd_v, out_v):
    wid = lax.axis_index("s") * NC + lax.axis_index("c")
    base = wid * ROWS_PER_W
    lane = lax.iota(jnp.int32, LANES)

    def row_body(r, carry):
        b = base + r
        pltpu.sync_copy(rank_hbm.at[b], rank_v)
        pltpu.sync_copy(crd_hbm.at[b], crd_v)
        pltpu.sync_copy(extra_hbm.at[b], out_v.at[pl.ds(TOP_LEN, EXTRA_LEN)])

        def chunk_body(i, c2):
            s = i * LANES
            pos = 2 * s + 2 * lane
            rk = rank_v[pl.ds(s, LANES)]
            msk = rk < K
            x = plsc.load_gather(crd_v, [pos])
            y = plsc.load_gather(crd_v, [pos + 1])
            plsc.store_scatter(out_v, [2 * rk], x, mask=msk)
            plsc.store_scatter(out_v, [2 * rk + 1], y, mask=msk)
            return c2

        lax.fori_loop(0, NCHUNK, chunk_body, 0)
        pltpu.sync_copy(out_v, out_hbm.at[b])
        return carry

    lax.fori_loop(0, ROWS_PER_W, row_body, 0)


@functools.cache
def _sc_scatter():
    return pl.kernel(
        _sc_scatter_body,
        out_type=jax.ShapeDtypeStruct((B, OUT_ROW), jnp.float32),
        mesh=_sc_mesh(),
        compiler_params=pltpu.CompilerParams(use_tc_tiling_on_sc=False,
                                             needs_layout_passes=False),
        scratch_types=[
            pltpu.VMEM((NPAD,), jnp.int32),
            pltpu.VMEM((OUT_ROW,), jnp.float32),
            pltpu.VMEM((OUT_ROW,), jnp.float32),
        ],
    )


@functools.cache
def _fixed_coords():
    coords = jax.random.uniform(jax.random.key(1), (B, N, 2),
                                dtype=jnp.float32).reshape(B, OUT_ROW)
    extra = jax.random.uniform(jax.random.key(2), (B, N_EXTRA, 2),
                               dtype=jnp.float32).reshape(B, EXTRA_LEN)
    return coords, extra


def kernel(mask_coarse_logits):
    img = mask_coarse_logits[:, :, :, 0].reshape(B, H * W)
    coords, extra = _fixed_coords()
    u_abs = _sc_interp()(img, coords)
    ranks = _tc_ranks(u_abs)
    out = _sc_scatter()(ranks, coords, extra)
    return out.reshape(B, N, 2)

# --- scband reference (transcript-rebuilt; emitter-appended) ---
"""Pipeline reference for scband-get-uncertain-pt-coords-randommness-17961553232034 (READ-ONLY COPY).

The authoritative reference and input builder live on the scoring server;
editing this copy changes nothing except your own understanding.
"""

import jax, jax.numpy as jnp
import numpy as np

OVERSAMPLE_RATIO = 3
IMPORTANT_RATIO = 0.75
CLS = 0


def setup_inputs(seed: int = 0) -> dict:
    key = jax.random.key(seed)
    mask_coarse_logits = jax.random.normal(key, (512, 28, 28, 80), dtype=jnp.float32)
    return {"mask_coarse_logits": mask_coarse_logits}


def _grid_nd_sample(in_tensor, indices):
    # in_tensor: (B, H, W, C); indices: (B, N, 2) float coords in [0, H-1]x[0, W-1]
    interpolation_indices = indices[..., -2:]
    inter_floor = jnp.floor(interpolation_indices)
    inter_ceil = jnp.ceil(interpolation_indices)
    p1 = inter_floor
    p2 = jnp.concatenate([inter_ceil[..., :1], inter_floor[..., 1:2]], axis=-1)
    p3 = jnp.concatenate([inter_floor[..., :1], inter_ceil[..., 1:2]], axis=-1)
    p4 = inter_ceil
    mu = interpolation_indices - inter_floor

    def _gather_one(t, idx):
        idx = idx.astype(jnp.int32)
        return t[idx[..., 0], idx[..., 1]]

    g = jax.vmap(_gather_one)
    p1v = g(in_tensor, p1)
    p2v = g(in_tensor, p2)
    p3v = g(in_tensor, p3)
    p4v = g(in_tensor, p4)
    mu_x = mu[..., 0:1]
    mu_y = mu[..., 1:2]
    p12_interp = p1v * (1 - mu_x) + p2v * mu_x
    p34_interp = p3v * (1 - mu_x) + p4v * mu_x
    vertical_interp = p12_interp * (1 - mu_y) + p34_interp * mu_y
    return vertical_interp


def _uncertainty(logits, cls):
    gt_class_logits = logits[..., cls:cls + 1]
    return -jnp.abs(gt_class_logits)


def reference(mask_coarse_logits):
    B, H, W, C = mask_coarse_logits.shape
    num_sampled = W * H * OVERSAMPLE_RATIO
    num_uncertain_points = int(IMPORTANT_RATIO * num_sampled)
    logits = jax.lax.stop_gradient(mask_coarse_logits)
    k1 = jax.random.key(1)
    k2 = jax.random.key(2)
    random_coords = jax.random.uniform(k1, (B, num_sampled, 2), dtype=jnp.float32)
    unnorm_coords = random_coords * jnp.array([H - 1, W - 1], dtype=jnp.float32)
    point_logits = _grid_nd_sample(logits, unnorm_coords)
    uncertainty_points = _uncertainty(point_logits, CLS)
    uncertainty_points = uncertainty_points.reshape(B, -1)
    _, idx = jax.lax.top_k(uncertainty_points, num_uncertain_points)
    random_points = jnp.take_along_axis(random_coords, idx[..., None], axis=1)
    num_random_points = num_sampled - num_uncertain_points
    extra = jax.random.uniform(k2, (B, num_random_points, 2), dtype=jnp.float32)
    random_points = jnp.concatenate([random_points, extra], axis=1)
    return jax.lax.stop_gradient(random_points)

if __name__ == "__main__":
    import jax
    _d = setup_inputs()
    print(jax.jit(kernel)(*tuple(_d.values())))

</pallas_src>

<mosaic_0001>
#map = affine_map<(d0, d1) -> (0, 0)>
module attributes {stable_mosaic.version = 14 : i64} {
  func.func @_sc_interp_body(%arg0: i32, %arg1: i32, %arg2: memref<512x784xf32, #tpu.memory_space<hbm>>, %arg3: memref<512x4704xf32, #tpu.memory_space<hbm>>, %arg4: memref<512x2432xf32, #tpu.memory_space<hbm>>, %arg5: memref<784xf32, #tpu.memory_space<vmem>>, %arg6: memref<4704xf32, #tpu.memory_space<vmem>>, %arg7: memref<2432xf32, #tpu.memory_space<vmem>>) attributes {dimension_semantics = [#tpu.dimension_semantics<core_parallel>, #tpu.dimension_semantics<subcore_parallel>], iteration_bounds = array<i64: 2, 16>, scalar_prefetch = 0 : i64, scratch_operands = 3 : i64, tpu.core_type = #tpu.core_type<sc_vector_subcore>, window_params = [{transform_indices = #map}, {transform_indices = #map}, {transform_indices = #map}]} {
    %mul3A = arith.constant 2 : i32
    %mul3A_0 = arith.muli %arg1, %mul3A : i32
    %add3A = arith.addi %mul3A_0, %arg0 : i32
    %mul3A_1 = arith.constant 16 : i32
    %mul3A_2 = arith.muli %add3A, %mul3A_1 : i32
    %iota3A = tpu.iota {dimensions = array<i32: 0>} : vector<16xi32>
    %scan3A = arith.constant 0 : i32
    %scan3A_3 = arith.constant 0 : i32
    %scan3A_4 = arith.constant 16 : i32
    %scan3A_5 = arith.addi %scan3A_3, %scan3A_4 : i32
    %scan3A_6 = arith.constant 1 : i32
    scf.for %scan3A_8 = %scan3A_3 to %scan3A_5 step %scan3A_6  : i32 {
      %add3A_9 = arith.addi %mul3A_2, %scan3A_8 : i32
      "tpu.region"() ({
        %run_scoped3A = tpu.sem_alloc : memref<!tpu.dma_semaphore, #tpu.memory_space<semaphore_mem>>
        %dma_start3A = arith.constant 0 : i32
        %dma_start3A_34 = tpu.memref_slice %arg2[%add3A_9, %dma_start3A] : memref<512x784xf32, #tpu.memory_space<hbm>> -> memref<1x784xf32, #tpu.memory_space<hbm>>
        %dma_start3A_35 = tpu.memref_squeeze %dma_start3A_34 : memref<1x784xf32, #tpu.memory_space<hbm>> -> memref<784xf32, #tpu.memory_space<hbm>>
        %dma_start3A_36 = arith.constant 0 : i32
        %dma_start3A_37 = tpu.memref_slice %arg2[%add3A_9, %dma_start3A_36] : memref<512x784xf32, #tpu.memory_space<hbm>> -> memref<1x784xf32, #tpu.memory_space<hbm>>
        %dma_start3A_38 = tpu.memref_squeeze %dma_start3A_37 : memref<1x784xf32, #tpu.memory_space<hbm>> -> memref<784xf32, #tpu.memory_space<hbm>>
        tpu.enqueue_dma source(%dma_start3A_38 : memref<784xf32, #tpu.memory_space<hbm>>) target(%arg5 : memref<784xf32, #tpu.memory_space<vmem>>) target_semaphore(%run_scoped3A : memref<!tpu.dma_semaphore, #tpu.memory_space<semaphore_mem>>)
        %dma_wait3A = arith.constant 0 : i32
        %dma_wait3A_39 = tpu.memref_slice %arg2[%add3A_9, %dma_wait3A] : memref<512x784xf32, #tpu.memory_space<hbm>> -> memref<1x784xf32, #tpu.memory_space<hbm>>
        %dma_wait3A_40 = tpu.memref_squeeze %dma_wait3A_39 : memref<1x784xf32, #tpu.memory_space<hbm>> -> memref<784xf32, #tpu.memory_space<hbm>>
        %dma_wait3A_41 = arith.constant 0 : i32
        %dma_wait3A_42 = tpu.memref_slice %arg2[%add3A_9, %dma_wait3A_41] : memref<512x784xf32, #tpu.memory_space<hbm>> -> memref<1x784xf32, #tpu.memory_space<hbm>>
        %dma_wait3A_43 = tpu.memref_squeeze %dma_wait3A_42 : memref<1x784xf32, #tpu.memory_space<hbm>> -> memref<784xf32, #tpu.memory_space<hbm>>
        tpu.wait_dma2 semaphore(%run_scoped3A : memref<!tpu.dma_semaphore, #tpu.memory_space<semaphore_mem>>) src(%dma_wait3A_43 : memref<784xf32, #tpu.memory_space<hbm>>) dst(%arg5 : memref<784xf32, #tpu.memory_space<vmem>>)
        tpu.yield
      }) : () -> ()
      "tpu.region"() ({
        %run_scoped3A = tpu.sem_alloc : memref<!tpu.dma_semaphore, #tpu.memory_space<semaphore_mem>>
        %dma_start3A = arith.constant 0 : i32
        %dma_start3A_34 = tpu.memref_slice %arg3[%add3A_9, %dma_start3A] : memref<512x4704xf32, #tpu.memory_space<hbm>> -> memref<1x4704xf32, #tpu.memory_space<hbm>>
        %dma_start3A_35 = tpu.memref_squeeze %dma_start3A_34 : memref<1x4704xf32, #tpu.memory_space<hbm>> -> memref<4704xf32, #tpu.memory_space<hbm>>
        %dma_start3A_36 = arith.constant 0 : i32
        %dma_start3A_37 = tpu.memref_slice %arg3[%add3A_9, %dma_start3A_36] : memref<512x4704xf32, #tpu.memory_space<hbm>> -> memref<1x4704xf32, #tpu.memory_space<hbm>>
        %dma_start3A_38 = tpu.memref_squeeze %dma_start3A_37 : memref<1x4704xf32, #tpu.memory_space<hbm>> -> memref<4704xf32, #tpu.memory_space<hbm>>
        tpu.enqueue_dma source(%dma_start3A_38 : memref<4704xf32, #tpu.memory_space<hbm>>) target(%arg6 : memref<4704xf32, #tpu.memory_space<vmem>>) target_semaphore(%run_scoped3A : memref<!tpu.dma_semaphore, #tpu.memory_space<semaphore_mem>>)
        %dma_wait3A = arith.constant 0 : i32
        %dma_wait3A_39 = tpu.memref_slice %arg3[%add3A_9, %dma_wait3A] : memref<512x4704xf32, #tpu.memory_space<hbm>> -> memref<1x4704xf32, #tpu.memory_space<hbm>>
        %dma_wait3A_40 = tpu.memref_squeeze %dma_wait3A_39 : memref<1x4704xf32, #tpu.memory_space<hbm>> -> memref<4704xf32, #tpu.memory_space<hbm>>
        %dma_wait3A_41 = arith.constant 0 : i32
        %dma_wait3A_42 = tpu.memref_slice %arg3[%add3A_9, %dma_wait3A_41] : memref<512x4704xf32, #tpu.memory_space<hbm>> -> memref<1x4704xf32, #tpu.memory_space<hbm>>
        %dma_wait3A_43 = tpu.memref_squeeze %dma_wait3A_42 : memref<1x4704xf32, #tpu.memory_space<hbm>> -> memref<4704xf32, #tpu.memory_space<hbm>>
        tpu.wait_dma2 semaphore(%run_scoped3A : memref<!tpu.dma_semaphore, #tpu.memory_space<semaphore_mem>>) src(%dma_wait3A_43 : memref<4704xf32, #tpu.memory_space<hbm>>) dst(%arg6 : memref<4704xf32, #tpu.memory_space<vmem>>)
        tpu.yield
      }) : () -> ()
      %scan3A_10 = arith.constant 0 : i32
      %scan3A_11 = arith.constant 0 : i32
      %scan3A_12 = arith.constant 147 : i32
      %scan3A_13 = arith.addi %scan3A_11, %scan3A_12 : i32
      %scan3A_14 = arith.constant 1 : i32
      scf.for %scan3A_34 = %scan3A_11 to %scan3A_13 step %scan3A_14  : i32 {
        %mul3A_35 = arith.constant 16 : i32
        %mul3A_36 = arith.muli %scan3A_34, %mul3A_35 : i32
        %mul3A_37 = arith.constant 2 : i32
        %mul3A_38 = arith.muli %mul3A_37, %mul3A_36 : i32
        %mul3A_39 = arith.constant 2 : i32
        %mul3A_40 = vector.broadcast %mul3A_39 : i32 to vector<16xi32>
        %mul3A_41 = arith.muli %mul3A_40, %iota3A : vector<16xi32>
        %add3A_42 = vector.broadcast %mul3A_38 : i32 to vector<16xi32>
        %add3A_43 = arith.addi %add3A_42, %mul3A_41 : vector<16xi32>
        %gather3A = tpu.vector_load_idx %arg6[%add3A_43] : memref<4704xf32, #tpu.memory_space<vmem>>[vector<16xi32>], vector<16xf32>,
        %add3A_44 = arith.constant 1 : i32
        %add3A_45 = vector.broadcast %add3A_44 : i32 to vector<16xi32>
        %add3A_46 = arith.addi %add3A_43, %add3A_45 : vector<16xi32>
        %gather3A_47 = tpu.vector_load_idx %arg6[%add3A_46] : memref<4704xf32, #tpu.memory_space<vmem>>[vector<16xi32>], vector<16xf32>,
        %mul3A_48 = arith.constant 2.700000e+01 : f32
        %mul3A_49 = vector.broadcast %mul3A_48 : f32 to vector<16xf32>
        %mul3A_50 = arith.mulf %gather3A, %mul3A_49 : vector<16xf32>
        %mul3A_51 = arith.constant 2.700000e+01 : f32
        %mul3A_52 = vector.broadcast %mul3A_51 : f32 to vector<16xf32>
        %mul3A_53 = arith.mulf %gather3A_47, %mul3A_52 : vector<16xf32>
        %convert_element_type3A = arith.fptosi %mul3A_50 : vector<16xf32> to vector<16xi32>
        %convert_element_type3A_54 = arith.fptosi %mul3A_53 : vector<16xf32> to vector<16xi32>
        %convert_element_type3A_55 = arith.sitofp %convert_element_type3A : vector<16xi32> to vector<16xf32>
        %convert_element_type3A_56 = arith.sitofp %convert_element_type3A_54 : vector<16xi32> to vector<16xf32>
        %sub3A = arith.subf %mul3A_50, %convert_element_type3A_55 : vector<16xf32>
        %sub3A_57 = arith.subf %mul3A_53, %convert_element_type3A_56 : vector<16xf32>
        %gt3A = arith.cmpf ogt, %mul3A_50, %convert_element_type3A_55 : vector<16xf32>
        %convert_element_type3A_58 = arith.extui %gt3A : vector<16xi1> to vector<16xi32>
        %add3A_59 = arith.addi %convert_element_type3A, %convert_element_type3A_58 : vector<16xi32>
        %gt3A_60 = arith.cmpf ogt, %mul3A_53, %convert_element_type3A_56 : vector<16xf32>
        %convert_element_type3A_61 = arith.extui %gt3A_60 : vector<16xi1> to vector<16xi32>
        %add3A_62 = arith.addi %convert_element_type3A_54, %convert_element_type3A_61 : vector<16xi32>
        %mul3A_63 = arith.constant 28 : i32
        %mul3A_64 = vector.broadcast %mul3A_63 : i32 to vector<16xi32>
        %mul3A_65 = arith.muli %convert_element_type3A, %mul3A_64 : vector<16xi32>
        %add3A_66 = arith.addi %mul3A_65, %convert_element_type3A_54 : vector<16xi32>
        %gather3A_67 = tpu.vector_load_idx %arg5[%add3A_66] : memref<784xf32, #tpu.memory_space<vmem>>[vector<16xi32>], vector<16xf32>,
        %mul3A_68 = arith.constant 28 : i32
        %mul3A_69 = vector.broadcast %mul3A_68 : i32 to vector<16xi32>
        %mul3A_70 = arith.muli %add3A_59, %mul3A_69 : vector<16xi32>
        %add3A_71 = arith.addi %mul3A_70, %convert_element_type3A_54 : vector<16xi32>
        %gather3A_72 = tpu.vector_load_idx %arg5[%add3A_71] : memref<784xf32, #tpu.memory_space<vmem>>[vector<16xi32>], vector<16xf32>,
        %mul3A_73 = arith.constant 28 : i32
        %mul3A_74 = vector.broadcast %mul3A_73 : i32 to vector<16xi32>
        %mul3A_75 = arith.muli %convert_element_type3A, %mul3A_74 : vector<16xi32>
        %add3A_76 = arith.addi %mul3A_75, %add3A_62 : vector<16xi32>
        %gather3A_77 = tpu.vector_load_idx %arg5[%add3A_76] : memref<784xf32, #tpu.memory_space<vmem>>[vector<16xi32>], vector<16xf32>,
        %mul3A_78 = arith.constant 28 : i32
        %mul3A_79 = vector.broadcast %mul3A_78 : i32 to vector<16xi32>
        %mul3A_80 = arith.muli %add3A_59, %mul3A_79 : vector<16xi32>
        %add3A_81 = arith.addi %mul3A_80, %add3A_62 : vector<16xi32>
        %gather3A_82 = tpu.vector_load_idx %arg5[%add3A_81] : memref<784xf32, #tpu.memory_space<vmem>>[vector<16xi32>], vector<16xf32>,
        %sub3A_83 = arith.constant 1.000000e+00 : f32
        %sub3A_84 = vector.broadcast %sub3A_83 : f32 to vector<16xf32>
        %sub3A_85 = arith.subf %sub3A_84, %sub3A : vector<16xf32>
        %mul3A_86 = arith.mulf %gather3A_67, %sub3A_85 : vector<16xf32>
        %mul3A_87 = arith.mulf %gather3A_72, %sub3A : vector<16xf32>
        %add3A_88 = arith.addf %mul3A_86, %mul3A_87 : vector<16xf32>
        %sub3A_89 = arith.constant 1.000000e+00 : f32
        %sub3A_90 = vector.broadcast %sub3A_89 : f32 to vector<16xf32>
        %sub3A_91 = arith.subf %sub3A_90, %sub3A : vector<16xf32>
        %mul3A_92 = arith.mulf %gather3A_77, %sub3A_91 : vector<16xf32>
        %mul3A_93 = arith.mulf %gather3A_82, %sub3A : vector<16xf32>
        %add3A_94 = arith.addf %mul3A_92, %mul3A_93 : vector<16xf32>
        %sub3A_95 = arith.constant 1.000000e+00 : f32
        %sub3A_96 = vector.broadcast %sub3A_95 : f32 to vector<16xf32>
        %sub3A_97 = arith.subf %sub3A_96, %sub3A_57 : vector<16xf32>
        %mul3A_98 = arith.mulf %add3A_88, %sub3A_97 : vector<16xf32>
        %mul3A_99 = arith.mulf %add3A_94, %sub3A_57 : vector<16xf32>
        %add3A_100 = arith.addf %mul3A_98, %mul3A_99 : vector<16xf32>
        %abs3A = math.absf %add3A_100 : vector<16xf32>
        %swap3A_101 = arith.index_cast %mul3A_36 : i32 to index
        %swap3A_102 = tpu.vector_load %arg7[%swap3A_101] {strides = array<i32>} : memref<2432xf32, #tpu.memory_space<vmem>>, vector<16xf32>,
        tpu.vector_store %arg7[%swap3A_101], %abs3A {strides = array<i32>} : memref<2432xf32, #tpu.memory_space<vmem>>, vector<16xf32>,
      }
      %scan3A_15 = arith.constant 147 : i32
      %broadcast_in_dim3A = arith.constant 1.000000e+30 : f32
      %broadcast_in_dim3A_16 = vector.broadcast %broadcast_in_dim3A : f32 to vector<16xf32>
      %swap3A = arith.constant 2352 : index
      %swap3A_17 = tpu.vector_load %arg7[%swap3A] {strides = array<i32>} : memref<2432xf32, #tpu.memory_space<vmem>>, vector<16xf32>,
      tpu.vector_store %arg7[%swap3A], %broadcast_in_dim3A_16 {strides = array<i32>} : memref<2432xf32, #tpu.memory_space<vmem>>, vector<16xf32>,
      %broadcast_in_dim3A_18 = arith.constant 1.000000e+30 : f32
      %broadcast_in_dim3A_19 = vector.broadcast %broadcast_in_dim3A_18 : f32 to vector<16xf32>
      %swap3A_20 = arith.constant 2368 : index
      %swap3A_21 = tpu.vector_load %arg7[%swap3A_20] {strides = array<i32>} : memref<2432xf32, #tpu.memory_space<vmem>>, vector<16xf32>,
      tpu.vector_store %arg7[%swap3A_20], %broadcast_in_dim3A_19 {strides = array<i32>} : memref<2432xf32, #tpu.memory_space<vmem>>, vector<16xf32>,
      %broadcast_in_dim3A_22 = arith.constant 1.000000e+30 : f32
      %broadcast_in_dim3A_23 = vector.broadcast %broadcast_in_dim3A_22 : f32 to vector<16xf32>
      %swap3A_24 = arith.constant 2384 : index
      %swap3A_25 = tpu.vector_load %arg7[%swap3A_24] {strides = array<i32>} : memref<2432xf32, #tpu.memory_space<vmem>>, vector<16xf32>,
      tpu.vector_store %arg7[%swap3A_24], %broadcast_in_dim3A_23 {strides = array<i32>} : memref<2432xf32, #tpu.memory_space<vmem>>, vector<16xf32>,
      %broadcast_in_dim3A_26 = arith.constant 1.000000e+30 : f32
      %broadcast_in_dim3A_27 = vector.broadcast %broadcast_in_dim3A_26 : f32 to vector<16xf32>
      %swap3A_28 = arith.constant 2400 : index
      %swap3A_29 = tpu.vector_load %arg7[%swap3A_28] {strides = array<i32>} : memref<2432xf32, #tpu.memory_space<vmem>>, vector<16xf32>,
      tpu.vector_store %arg7[%swap3A_28], %broadcast_in_dim3A_27 {strides = array<i32>} : memref<2432xf32, #tpu.memory_space<vmem>>, vector<16xf32>,
      %broadcast_in_dim3A_30 = arith.constant 1.000000e+30 : f32
      %broadcast_in_dim3A_31 = vector.broadcast %broadcast_in_dim3A_30 : f32 to vector<16xf32>
      %swap3A_32 = arith.constant 2416 : index
      %swap3A_33 = tpu.vector_load %arg7[%swap3A_32] {strides = array<i32>} : memref<2432xf32, #tpu.memory_space<vmem>>, vector<16xf32>,
      tpu.vector_store %arg7[%swap3A_32], %broadcast_in_dim3A_31 {strides = array<i32>} : memref<2432xf32, #tpu.memory_space<vmem>>, vector<16xf32>,
      "tpu.region"() ({
        %run_scoped3A = tpu.sem_alloc : memref<!tpu.dma_semaphore, #tpu.memory_space<semaphore_mem>>
        %dma_start3A = arith.constant 0 : i32
        %dma_start3A_34 = tpu.memref_slice %arg4[%add3A_9, %dma_start3A] : memref<512x2432xf32, #tpu.memory_space<hbm>> -> memref<1x2432xf32, #tpu.memory_space<hbm>>
        %dma_start3A_35 = tpu.memref_squeeze %dma_start3A_34 : memref<1x2432xf32, #tpu.memory_space<hbm>> -> memref<2432xf32, #tpu.memory_space<hbm>>
        %dma_start3A_36 = arith.constant 0 : i32
        %dma_start3A_37 = tpu.memref_slice %arg4[%add3A_9, %dma_start3A_36] : memref<512x2432xf32, #tpu.memory_space<hbm>> -> memref<1x2432xf32, #tpu.memory_space<hbm>>
        %dma_start3A_38 = tpu.memref_squeeze %dma_start3A_37 : memref<1x2432xf32, #tpu.memory_space<hbm>> -> memref<2432xf32, #tpu.memory_space<hbm>>
        tpu.enqueue_dma source(%arg7 : memref<2432xf32, #tpu.memory_space<vmem>>) target(%dma_start3A_38 : memref<2432xf32, #tpu.memory_space<hbm>>) target_semaphore(%run_scoped3A : memref<!tpu.dma_semaphore, #tpu.memory_space<semaphore_mem>>)
        %dma_wait3A = arith.constant 0 : i32
        %dma_wait3A_39 = tpu.memref_slice %arg4[%add3A_9, %dma_wait3A] : memref<512x2432xf32, #tpu.memory_space<hbm>> -> memref<1x2432xf32, #tpu.memory_space<hbm>>
        %dma_wait3A_40 = tpu.memref_squeeze %dma_wait3A_39 : memref<1x2432xf32, #tpu.memory_space<hbm>> -> memref<2432xf32, #tpu.memory_space<hbm>>
        %dma_wait3A_41 = arith.constant 0 : i32
        %dma_wait3A_42 = tpu.memref_slice %arg4[%add3A_9, %dma_wait3A_41] : memref<512x2432xf32, #tpu.memory_space<hbm>> -> memref<1x2432xf32, #tpu.memory_space<hbm>>
        %dma_wait3A_43 = tpu.memref_squeeze %dma_wait3A_42 : memref<1x2432xf32, #tpu.memory_space<hbm>> -> memref<2432xf32, #tpu.memory_space<hbm>>
        tpu.wait_dma2 semaphore(%run_scoped3A : memref<!tpu.dma_semaphore, #tpu.memory_space<semaphore_mem>>) src(%arg7 : memref<2432xf32, #tpu.memory_space<vmem>>) dst(%dma_wait3A_43 : memref<2432xf32, #tpu.memory_space<hbm>>)
        tpu.yield
      }) : () -> ()
    }
    %scan3A_7 = arith.constant 16 : i32
    return
  }
}

#map = affine_map<(d0, d1) -> (0, 0)>
module attributes {stable_mosaic.version = 14 : i64} {
  func.func @_sc_scatter_body(%arg0: i32, %arg1: i32, %arg2: memref<512x2432xi32, #tpu.memory_space<hbm>>, %arg3: memref<512x4704xf32, #tpu.memory_space<hbm>>, %arg4: memref<512x1176xf32, #tpu.memory_space<hbm>>, %arg5: memref<512x4704xf32, #tpu.memory_space<hbm>>, %arg6: memref<2432xi32, #tpu.memory_space<vmem>>, %arg7: memref<4704xf32, #tpu.memory_space<vmem>>, %arg8: memref<4704xf32, #tpu.memory_space<vmem>>) attributes {dimension_semantics = [#tpu.dimension_semantics<core_parallel>, #tpu.dimension_semantics<subcore_parallel>], iteration_bounds = array<i64: 2, 16>, scalar_prefetch = 0 : i64, scratch_operands = 3 : i64, tpu.core_type = #tpu.core_type<sc_vector_subcore>, window_params = [{transform_indices = #map}, {transform_indices = #map}, {transform_indices = #map}, {transform_indices = #map}]} {
    %mul3A = arith.constant 2 : i32
    %mul3A_0 = arith.muli %arg1, %mul3A : i32
    %add3A = arith.addi %mul3A_0, %arg0 : i32
    %mul3A_1 = arith.constant 16 : i32
    %mul3A_2 = arith.muli %add3A, %mul3A_1 : i32
    %iota3A = tpu.iota {dimensions = array<i32: 0>} : vector<16xi32>
    %scan3A = arith.constant 0 : i32
    %scan3A_3 = arith.constant 0 : i32
    %scan3A_4 = arith.constant 16 : i32
    %scan3A_5 = arith.addi %scan3A_3, %scan3A_4 : i32
    %scan3A_6 = arith.constant 1 : i32
    scf.for %scan3A_8 = %scan3A_3 to %scan3A_5 step %scan3A_6  : i32 {
      %add3A_9 = arith.addi %mul3A_2, %scan3A_8 : i32
      "tpu.region"() ({
        %run_scoped3A = tpu.sem_alloc : memref<!tpu.dma_semaphore, #tpu.memory_space<semaphore_mem>>
        %dma_start3A = arith.constant 0 : i32
        %dma_start3A_16 = tpu.memref_slice %arg2[%add3A_9, %dma_start3A] : memref<512x2432xi32, #tpu.memory_space<hbm>> -> memref<1x2432xi32, #tpu.memory_space<hbm>>
        %dma_start3A_17 = tpu.memref_squeeze %dma_start3A_16 : memref<1x2432xi32, #tpu.memory_space<hbm>> -> memref<2432xi32, #tpu.memory_space<hbm>>
        %dma_start3A_18 = arith.constant 0 : i32
        %dma_start3A_19 = tpu.memref_slice %arg2[%add3A_9, %dma_start3A_18] : memref<512x2432xi32, #tpu.memory_space<hbm>> -> memref<1x2432xi32, #tpu.memory_space<hbm>>
        %dma_start3A_20 = tpu.memref_squeeze %dma_start3A_19 : memref<1x2432xi32, #tpu.memory_space<hbm>> -> memref<2432xi32, #tpu.memory_space<hbm>>
        tpu.enqueue_dma source(%dma_start3A_20 : memref<2432xi32, #tpu.memory_space<hbm>>) target(%arg6 : memref<2432xi32, #tpu.memory_space<vmem>>) target_semaphore(%run_scoped3A : memref<!tpu.dma_semaphore, #tpu.memory_space<semaphore_mem>>)
        %dma_wait3A = arith.constant 0 : i32
        %dma_wait3A_21 = tpu.memref_slice %arg2[%add3A_9, %dma_wait3A] : memref<512x2432xi32, #tpu.memory_space<hbm>> -> memref<1x2432xi32, #tpu.memory_space<hbm>>
        %dma_wait3A_22 = tpu.memref_squeeze %dma_wait3A_21 : memref<1x2432xi32, #tpu.memory_space<hbm>> -> memref<2432xi32, #tpu.memory_space<hbm>>
        %dma_wait3A_23 = arith.constant 0 : i32
        %dma_wait3A_24 = tpu.memref_slice %arg2[%add3A_9, %dma_wait3A_23] : memref<512x2432xi32, #tpu.memory_space<hbm>> -> memref<1x2432xi32, #tpu.memory_space<hbm>>
        %dma_wait3A_25 = tpu.memref_squeeze %dma_wait3A_24 : memref<1x2432xi32, #tpu.memory_space<hbm>> -> memref<2432xi32, #tpu.memory_space<hbm>>
        tpu.wait_dma2 semaphore(%run_scoped3A : memref<!tpu.dma_semaphore, #tpu.memory_space<semaphore_mem>>) src(%dma_wait3A_25 : memref<2432xi32, #tpu.memory_space<hbm>>) dst(%arg6 : memref<2432xi32, #tpu.memory_space<vmem>>)
        tpu.yield
      }) : () -> ()
      "tpu.region"() ({
        %run_scoped3A = tpu.sem_alloc : memref<!tpu.dma_semaphore, #tpu.memory_space<semaphore_mem>>
        %dma_start3A = arith.constant 0 : i32
        %dma_start3A_16 = tpu.memref_slice %arg3[%add3A_9, %dma_start3A] : memref<512x4704xf32, #tpu.memory_space<hbm>> -> memref<1x4704xf32, #tpu.memory_space<hbm>>
        %dma_start3A_17 = tpu.memref_squeeze %dma_start3A_16 : memref<1x4704xf32, #tpu.memory_space<hbm>> -> memref<4704xf32, #tpu.memory_space<hbm>>
        %dma_start3A_18 = arith.constant 0 : i32
        %dma_start3A_19 = tpu.memref_slice %arg3[%add3A_9, %dma_start3A_18] : memref<512x4704xf32, #tpu.memory_space<hbm>> -> memref<1x4704xf32, #tpu.memory_space<hbm>>
        %dma_start3A_20 = tpu.memref_squeeze %dma_start3A_19 : memref<1x4704xf32, #tpu.memory_space<hbm>> -> memref<4704xf32, #tpu.memory_space<hbm>>
        tpu.enqueue_dma source(%dma_start3A_20 : memref<4704xf32, #tpu.memory_space<hbm>>) target(%arg7 : memref<4704xf32, #tpu.memory_space<vmem>>) target_semaphore(%run_scoped3A : memref<!tpu.dma_semaphore, #tpu.memory_space<semaphore_mem>>)
        %dma_wait3A = arith.constant 0 : i32
        %dma_wait3A_21 = tpu.memref_slice %arg3[%add3A_9, %dma_wait3A] : memref<512x4704xf32, #tpu.memory_space<hbm>> -> memref<1x4704xf32, #tpu.memory_space<hbm>>
        %dma_wait3A_22 = tpu.memref_squeeze %dma_wait3A_21 : memref<1x4704xf32, #tpu.memory_space<hbm>> -> memref<4704xf32, #tpu.memory_space<hbm>>
        %dma_wait3A_23 = arith.constant 0 : i32
        %dma_wait3A_24 = tpu.memref_slice %arg3[%add3A_9, %dma_wait3A_23] : memref<512x4704xf32, #tpu.memory_space<hbm>> -> memref<1x4704xf32, #tpu.memory_space<hbm>>
        %dma_wait3A_25 = tpu.memref_squeeze %dma_wait3A_24 : memref<1x4704xf32, #tpu.memory_space<hbm>> -> memref<4704xf32, #tpu.memory_space<hbm>>
        tpu.wait_dma2 semaphore(%run_scoped3A : memref<!tpu.dma_semaphore, #tpu.memory_space<semaphore_mem>>) src(%dma_wait3A_25 : memref<4704xf32, #tpu.memory_space<hbm>>) dst(%arg7 : memref<4704xf32, #tpu.memory_space<vmem>>)
        tpu.yield
      }) : () -> ()
      "tpu.region"() ({
        %run_scoped3A = tpu.sem_alloc : memref<!tpu.dma_semaphore, #tpu.memory_space<semaphore_mem>>
        %dma_start3A = arith.constant 3528 : i32
        %dma_start3A_16 = tpu.memref_slice %arg8[%dma_start3A] : memref<4704xf32, #tpu.memory_space<vmem>> -> memref<1176xf32, #tpu.memory_space<vmem>>
        %dma_start3A_17 = arith.constant 0 : i32
        %dma_start3A_18 = tpu.memref_slice %arg4[%add3A_9, %dma_start3A_17] : memref<512x1176xf32, #tpu.memory_space<hbm>> -> memref<1x1176xf32, #tpu.memory_space<hbm>>
        %dma_start3A_19 = tpu.memref_squeeze %dma_start3A_18 : memref<1x1176xf32, #tpu.memory_space<hbm>> -> memref<1176xf32, #tpu.memory_space<hbm>>
        %dma_start3A_20 = arith.constant 3528 : i32
        %dma_start3A_21 = tpu.memref_slice %arg8[%dma_start3A_20] : memref<4704xf32, #tpu.memory_space<vmem>> -> memref<1176xf32, #tpu.memory_space<vmem>>
        %dma_start3A_22 = arith.constant 0 : i32
        %dma_start3A_23 = tpu.memref_slice %arg4[%add3A_9, %dma_start3A_22] : memref<512x1176xf32, #tpu.memory_space<hbm>> -> memref<1x1176xf32, #tpu.memory_space<hbm>>
        %dma_start3A_24 = tpu.memref_squeeze %dma_start3A_23 : memref<1x1176xf32, #tpu.memory_space<hbm>> -> memref<1176xf32, #tpu.memory_space<hbm>>
        tpu.enqueue_dma source(%dma_start3A_24 : memref<1176xf32, #tpu.memory_space<hbm>>) target(%dma_start3A_21 : memref<1176xf32, #tpu.memory_space<vmem>>) target_semaphore(%run_scoped3A : memref<!tpu.dma_semaphore, #tpu.memory_space<semaphore_mem>>)
        %dma_wait3A = arith.constant 3528 : i32
        %dma_wait3A_25 = tpu.memref_slice %arg8[%dma_wait3A] : memref<4704xf32, #tpu.memory_space<vmem>> -> memref<1176xf32, #tpu.memory_space<vmem>>
        %dma_wait3A_26 = arith.constant 0 : i32
        %dma_wait3A_27 = tpu.memref_slice %arg4[%add3A_9, %dma_wait3A_26] : memref<512x1176xf32, #tpu.memory_space<hbm>> -> memref<1x1176xf32, #tpu.memory_space<hbm>>
        %dma_wait3A_28 = tpu.memref_squeeze %dma_wait3A_27 : memref<1x1176xf32, #tpu.memory_space<hbm>> -> memref<1176xf32, #tpu.memory_space<hbm>>
        %dma_wait3A_29 = arith.constant 3528 : i32
        %dma_wait3A_30 = tpu.memref_slice %arg8[%dma_wait3A_29] : memref<4704xf32, #tpu.memory_space<vmem>> -> memref<1176xf32, #tpu.memory_space<vmem>>
        %dma_wait3A_31 = arith.constant 0 : i32
        %dma_wait3A_32 = tpu.memref_slice %arg4[%add3A_9, %dma_wait3A_31] : memref<512x1176xf32, #tpu.memory_space<hbm>> -> memref<1x1176xf32, #tpu.memory_space<hbm>>
        %dma_wait3A_33 = tpu.memref_squeeze %dma_wait3A_32 : memref<1x1176xf32, #tpu.memory_space<hbm>> -> memref<1176xf32, #tpu.memory_space<hbm>>
        tpu.wait_dma2 semaphore(%run_scoped3A : memref<!tpu.dma_semaphore, #tpu.memory_space<semaphore_mem>>) src(%dma_wait3A_33 : memref<1176xf32, #tpu.memory_space<hbm>>) dst(%dma_wait3A_30 : memref<1176xf32, #tpu.memory_space<vmem>>)
        tpu.yield
      }) : () -> ()
      %scan3A_10 = arith.constant 0 : i32
      %scan3A_11 = arith.constant 0 : i32
      %scan3A_12 = arith.constant 147 : i32
      %scan3A_13 = arith.addi %scan3A_11, %scan3A_12 : i32
      %scan3A_14 = arith.constant 1 : i32
      scf.for %scan3A_16 = %scan3A_11 to %scan3A_13 step %scan3A_14  : i32 {
        %mul3A_17 = arith.constant 16 : i32
        %mul3A_18 = arith.muli %scan3A_16, %mul3A_17 : i32
        %mul3A_19 = arith.constant 2 : i32
        %mul3A_20 = arith.muli %mul3A_19, %mul3A_18 : i32
        %mul3A_21 = arith.constant 2 : i32
        %mul3A_22 = vector.broadcast %mul3A_21 : i32 to vector<16xi32>
        %mul3A_23 = arith.muli %mul3A_22, %iota3A : vector<16xi32>
        %add3A_24 = vector.broadcast %mul3A_20 : i32 to vector<16xi32>
        %add3A_25 = arith.addi %add3A_24, %mul3A_23 : vector<16xi32>
        %get3A = arith.index_cast %mul3A_18 : i32 to index
        %get3A_26 = tpu.vector_load %arg6[%get3A] {strides = array<i32>} : memref<2432xi32, #tpu.memory_space<vmem>>, vector<16xi32>,
        %lt3A = arith.constant 1764 : i32
        %lt3A_27 = vector.broadcast %lt3A : i32 to vector<16xi32>
        %lt3A_28 = arith.cmpi slt, %get3A_26, %lt3A_27 : vector<16xi32>
        %gather3A = tpu.vector_load_idx %arg7[%add3A_25] : memref<4704xf32, #tpu.memory_space<vmem>>[vector<16xi32>], vector<16xf32>,
        %add3A_29 = arith.constant 1 : i32
        %add3A_30 = vector.broadcast %add3A_29 : i32 to vector<16xi32>
        %add3A_31 = arith.addi %add3A_25, %add3A_30 : vector<16xi32>
        %gather3A_32 = tpu.vector_load_idx %arg7[%add3A_31] : memref<4704xf32, #tpu.memory_space<vmem>>[vector<16xi32>], vector<16xf32>,
        %mul3A_33 = arith.constant 2 : i32
        %mul3A_34 = vector.broadcast %mul3A_33 : i32 to vector<16xi32>
        %mul3A_35 = arith.muli %mul3A_34, %get3A_26 : vector<16xi32>
        tpu.vector_store_idx %arg8[%mul3A_35], %gather3A masked %lt3A_28 : memref<4704xf32, #tpu.memory_space<vmem>>[vector<16xi32>], vector<16xf32>, vector<16xi1>
        %mul3A_36 = arith.constant 2 : i32
        %mul3A_37 = vector.broadcast %mul3A_36 : i32 to vector<16xi32>
        %mul3A_38 = arith.muli %mul3A_37, %get3A_26 : vector<16xi32>
        %add3A_39 = arith.constant 1 : i32
        %add3A_40 = vector.broadcast %add3A_39 : i32 to vector<16xi32>
        %add3A_41 = arith.addi %mul3A_38, %add3A_40 : vector<16xi32>
        tpu.vector_store_idx %arg8[%add3A_41], %gather3A_32 masked %lt3A_28 : memref<4704xf32, #tpu.memory_space<vmem>>[vector<16xi32>], vector<16xf32>, vector<16xi1>
      }
      %scan3A_15 = arith.constant 147 : i32
      "tpu.region"() ({
        %run_scoped3A = tpu.sem_alloc : memref<!tpu.dma_semaphore, #tpu.memory_space<semaphore_mem>>
        %dma_start3A = arith.constant 0 : i32
        %dma_start3A_16 = tpu.memref_slice %arg5[%add3A_9, %dma_start3A] : memref<512x4704xf32, #tpu.memory_space<hbm>> -> memref<1x4704xf32, #tpu.memory_space<hbm>>
        %dma_start3A_17 = tpu.memref_squeeze %dma_start3A_16 : memref<1x4704xf32, #tpu.memory_space<hbm>> -> memref<4704xf32, #tpu.memory_space<hbm>>
        %dma_start3A_18 = arith.constant 0 : i32
        %dma_start3A_19 = tpu.memref_slice %arg5[%add3A_9, %dma_start3A_18] : memref<512x4704xf32, #tpu.memory_space<hbm>> -> memref<1x4704xf32, #tpu.memory_space<hbm>>
        %dma_start3A_20 = tpu.memref_squeeze %dma_start3A_19 : memref<1x4704xf32, #tpu.memory_space<hbm>> -> memref<4704xf32, #tpu.memory_space<hbm>>
        tpu.enqueue_dma source(%arg8 : memref<4704xf32, #tpu.memory_space<vmem>>) target(%dma_start3A_20 : memref<4704xf32, #tpu.memory_space<hbm>>) target_semaphore(%run_scoped3A : memref<!tpu.dma_semaphore, #tpu.memory_space<semaphore_mem>>)
        %dma_wait3A = arith.constant 0 : i32
        %dma_wait3A_21 = tpu.memref_slice %arg5[%add3A_9, %dma_wait3A] : memref<512x4704xf32, #tpu.memory_space<hbm>> -> memref<1x4704xf32, #tpu.memory_space<hbm>>
        %dma_wait3A_22 = tpu.memref_squeeze %dma_wait3A_21 : memref<1x4704xf32, #tpu.memory_space<hbm>> -> memref<4704xf32, #tpu.memory_space<hbm>>
        %dma_wait3A_23 = arith.constant 0 : i32
        %dma_wait3A_24 = tpu.memref_slice %arg5[%add3A_9, %dma_wait3A_23] : memref<512x4704xf32, #tpu.memory_space<hbm>> -> memref<1x4704xf32, #tpu.memory_space<hbm>>
        %dma_wait3A_25 = tpu.memref_squeeze %dma_wait3A_24 : memref<1x4704xf32, #tpu.memory_space<hbm>> -> memref<4704xf32, #tpu.memory_space<hbm>>
        tpu.wait_dma2 semaphore(%run_scoped3A : memref<!tpu.dma_semaphore, #tpu.memory_space<semaphore_mem>>) src(%arg8 : memref<4704xf32, #tpu.memory_space<vmem>>) dst(%dma_wait3A_25 : memref<4704xf32, #tpu.memory_space<hbm>>)
        tpu.yield
      }) : () -> ()
    }
    %scan3A_7 = arith.constant 16 : i32
    return
  }
}

module attributes {stable_mosaic.version = 14 : i64} {
  func.func @_tc_rank_body(%arg0: i32, %arg1: memref<1x1x2432xf32, #tpu.memory_space<vmem>>, %arg2: memref<1x1x2432xi32, #tpu.memory_space<vmem>>, %arg3: memref<2432x128xf32, #tpu.memory_space<vmem>>) attributes {dimension_semantics = [#tpu.dimension_semantics<arbitrary>], iteration_bounds = array<i64: 512>, scalar_prefetch = 0 : i64, scratch_operands = 1 : i64, tpu.core_type = #tpu.core_type<tc>, window_params = [{transform_indices = @transform_0, window_bounds = array<i64: 1, 1, 2432>}, {transform_indices = @transform_1, window_bounds = array<i64: 1, 1, 2432>}]} {
    %iota3A = tpu.iota {dimensions = array<i32: 0>} : vector<128x128xi32>
    %iota3A_0 = tpu.iota {dimensions = array<i32: 1>} : vector<128x128xi32>
    %lt3A = arith.cmpi slt, %iota3A, %iota3A_0 : vector<128x128xi32>
    %get3A = arith.constant 0 : index
    %get3A_1 = arith.constant 0 : index
    %get3A_2 = arith.constant 0 : index
    %get3A_3 = vector.load %arg1[%get3A, %get3A_1, %get3A_2] : memref<1x1x2432xf32, #tpu.memory_space<vmem>>, vector<1x1x128xf32>
    %get3A_4 = vector.shape_cast %get3A_3 : vector<1x1x128xf32> to vector<1x128xf32>
    %broadcast_in_dim3A = vector.shape_cast %get3A_4 : vector<1x128xf32> to vector<1x128xf32>
    %broadcast_in_dim3A_5 = vector.broadcast %broadcast_in_dim3A : vector<1x128xf32> to vector<128x128xf32>
    %transpose3A = tpu.transpose %broadcast_in_dim3A_5, [1, 0] : vector<128x128xf32> -> vector<128x128xf32>
    %swap3A = arith.constant 0 : index
    %swap3A_6 = arith.constant 0 : index
    %swap3A_7 = vector.load %arg3[%swap3A, %swap3A_6] : memref<2432x128xf32, #tpu.memory_space<vmem>>, vector<128x128xf32>
    tpu.vector_store %arg3[%swap3A, %swap3A_6], %transpose3A {strides = array<i32>} : memref<2432x128xf32, #tpu.memory_space<vmem>>, vector<128x128xf32>,
    %get3A_8 = arith.constant 0 : index
    %get3A_9 = arith.constant 0 : index
    %get3A_10 = arith.constant 128 : index
    %get3A_11 = vector.load %arg1[%get3A_8, %get3A_9, %get3A_10] : memref<1x1x2432xf32, #tpu.memory_space<vmem>>, vector<1x1x128xf32>
    %get3A_12 = vector.shape_cast %get3A_11 : vector<1x1x128xf32> to vector<1x128xf32>
    %broadcast_in_dim3A_13 = vector.shape_cast %get3A_12 : vector<1x128xf32> to vector<1x128xf32>
    %broadcast_in_dim3A_14 = vector.broadcast %broadcast_in_dim3A_13 : vector<1x128xf32> to vector<128x128xf32>
    %transpose3A_15 = tpu.transpose %broadcast_in_dim3A_14, [1, 0] : vector<128x128xf32> -> vector<128x128xf32>
    %swap3A_16 = arith.constant 128 : index
    %swap3A_17 = arith.constant 0 : index
    %swap3A_18 = vector.load %arg3[%swap3A_16, %swap3A_17] : memref<2432x128xf32, #tpu.memory_space<vmem>>, vector<128x128xf32>
    tpu.vector_store %arg3[%swap3A_16, %swap3A_17], %transpose3A_15 {strides = array<i32>} : memref<2432x128xf32, #tpu.memory_space<vmem>>, vector<128x128xf32>,
    %get3A_19 = arith.constant 0 : index
    %get3A_20 = arith.constant 0 : index
    %get3A_21 = arith.constant 256 : index
    %get3A_22 = vector.load %arg1[%get3A_19, %get3A_20, %get3A_21] : memref<1x1x2432xf32, #tpu.memory_space<vmem>>, vector<1x1x128xf32>
    %get3A_23 = vector.shape_cast %get3A_22 : vector<1x1x128xf32> to vector<1x128xf32>
    %broadcast_in_dim3A_24 = vector.shape_cast %get3A_23 : vector<1x128xf32> to vector<1x128xf32>
    %broadcast_in_dim3A_25 = vector.broadcast %broadcast_in_dim3A_24 : vector<1x128xf32> to vector<128x128xf32>
    %transpose3A_26 = tpu.transpose %broadcast_in_dim3A_25, [1, 0] : vector<128x128xf32> -> vector<128x128xf32>
    %swap3A_27 = arith.constant 256 : index
    %swap3A_28 = arith.constant 0 : index
    %swap3A_29 = vector.load %arg3[%swap3A_27, %swap3A_28] : memref<2432x128xf32, #tpu.memory_space<vmem>>, vector<128x128xf32>
    tpu.vector_store %arg3[%swap3A_27, %swap3A_28], %transpose3A_26 {strides = array<i32>} : memref<2432x128xf32, #tpu.memory_space<vmem>>, vector<128x128xf32>,
    %get3A_30 = arith.constant 0 : index
    %get3A_31 = arith.constant 0 : index
    %get3A_32 = arith.constant 384 : index
    %get3A_33 = vector.load %arg1[%get3A_30, %get3A_31, %get3A_32] : memref<1x1x2432xf32, #tpu.memory_space<vmem>>, vector<1x1x128xf32>
    %get3A_34 = vector.shape_cast %get3A_33 : vector<1x1x128xf32> to vector<1x128xf32>
    %broadcast_in_dim3A_35 = vector.shape_cast %get3A_34 : vector<1x128xf32> to vector<1x128xf32>
    %broadcast_in_dim3A_36 = vector.broadcast %broadcast_in_dim3A_35 : vector<1x128xf32> to vector<128x128xf32>
    %transpose3A_37 = tpu.transpose %broadcast_in_dim3A_36, [1, 0] : vector<128x128xf32> -> vector<128x128xf32>
    %swap3A_38 = arith.constant 384 : index
    %swap3A_39 = arith.constant 0 : index
    %swap3A_40 = vector.load %arg3[%swap3A_38, %swap3A_39] : memref<2432x128xf32, #tpu.memory_space<vmem>>, vector<128x128xf32>
    tpu.vector_store %arg3[%swap3A_38, %swap3A_39], %transpose3A_37 {strides = array<i32>} : memref<2432x128xf32, #tpu.memory_space<vmem>>, vector<128x128xf32>,
    %get3A_41 = arith.constant 0 : index
    %get3A_42 = arith.constant 0 : index
    %get3A_43 = arith.constant 512 : index
    %get3A_44 = vector.load %arg1[%get3A_41, %get3A_42, %get3A_43] : memref<1x1x2432xf32, #tpu.memory_space<vmem>>, vector<1x1x128xf32>
    %get3A_45 = vector.shape_cast %get3A_44 : vector<1x1x128xf32> to vector<1x128xf32>
    %broadcast_in_dim3A_46 = vector.shape_cast %get3A_45 : vector<1x128xf32> to vector<1x128xf32>
    %broadcast_in_dim3A_47 = vector.broadcast %broadcast_in_dim3A_46 : vector<1x128xf32> to vector<128x128xf32>
    %transpose3A_48 = tpu.transpose %broadcast_in_dim3A_47, [1, 0] : vector<128x128xf32> -> vector<128x128xf32>
    %swap3A_49 = arith.constant 512 : index
    %swap3A_50 = arith.constant 0 : index
    %swap3A_51 = vector.load %arg3[%swap3A_49, %swap3A_50] : memref<2432x128xf32, #tpu.memory_space<vmem>>, vector<128x128xf32>
    tpu.vector_store %arg3[%swap3A_49, %swap3A_50], %transpose3A_48 {strides = array<i32>} : memref<2432x128xf32, #tpu.memory_space<vmem>>, vector<128x128xf32>,
    %get3A_52 = arith.constant 0 : index
    %get3A_53 = arith.constant 0 : index
    %get3A_54 = arith.constant 640 : index
    %get3A_55 = vector.load %arg1[%get3A_52, %get3A_53, %get3A_54] : memref<1x1x2432xf32, #tpu.memory_space<vmem>>, vector<1x1x128xf32>
    %get3A_56 = vector.shape_cast %get3A_55 : vector<1x1x128xf32> to vector<1x128xf32>
    %broadcast_in_dim3A_57 = vector.shape_cast %get3A_56 : vector<1x128xf32> to vector<1x128xf32>
    %broadcast_in_dim3A_58 = vector.broadcast %broadcast_in_dim3A_57 : vector<1x128xf32> to vector<128x128xf32>
    %transpose3A_59 = tpu.transpose %broadcast_in_dim3A_58, [1, 0] : vector<128x128xf32> -> vector<128x128xf32>
    %swap3A_60 = arith.constant 640 : index
    %swap3A_61 = arith.constant 0 : index
    %swap3A_62 = vector.load %arg3[%swap3A_60, %swap3A_61] : memref<2432x128xf32, #tpu.memory_space<vmem>>, vector<128x128xf32>
    tpu.vector_store %arg3[%swap3A_60, %swap3A_61], %transpose3A_59 {strides = array<i32>} : memref<2432x128xf32, #tpu.memory_space<vmem>>, vector<128x128xf32>,
    %get3A_63 = arith.constant 0 : index
    %get3A_64 = arith.constant 0 : index
    %get3A_65 = arith.constant 768 : index
    %get3A_66 = vector.load %arg1[%get3A_63, %get3A_64, %get3A_65] : memref<1x1x2432xf32, #tpu.memory_space<vmem>>, vector<1x1x128xf32>
    %get3A_67 = vector.shape_cast %get3A_66 : vector<1x1x128xf32> to vector<1x128xf32>
    %broadcast_in_dim3A_68 = vector.shape_cast %get3A_67 : vector<1x128xf32> to vector<1x128xf32>
    %broadcast_in_dim3A_69 = vector.broadcast %broadcast_in_dim3A_68 : vector<1x128xf32> to vector<128x128xf32>
    %transpose3A_70 = tpu.transpose %broadcast_in_dim3A_69, [1, 0] : vector<128x128xf32> -> vector<128x128xf32>
    %swap3A_71 = arith.constant 768 : index
    %swap3A_72 = arith.constant 0 : index
    %swap3A_73 = vector.load %arg3[%swap3A_71, %swap3A_72] : memref<2432x128xf32, #tpu.memory_space<vmem>>, vector<128x128xf32>
    tpu.vector_store %arg3[%swap3A_71, %swap3A_72], %transpose3A_70 {strides = array<i32>} : memref<2432x128xf32, #tpu.memory_space<vmem>>, vector<128x128xf32>,
    %get3A_74 = arith.constant 0 : index
    %get3A_75 = arith.constant 0 : index
    %get3A_76 = arith.constant 896 : index
    %get3A_77 = vector.load %arg1[%get3A_74, %get3A_75, %get3A_76] : memref<1x1x2432xf32, #tpu.memory_space<vmem>>, vector<1x1x128xf32>
    %get3A_78 = vector.shape_cast %get3A_77 : vector<1x1x128xf32> to vector<1x128xf32>
    %broadcast_in_dim3A_79 = vector.shape_cast %get3A_78 : vector<1x128xf32> to vector<1x128xf32>
    %broadcast_in_dim3A_80 = vector.broadcast %broadcast_in_dim3A_79 : vector<1x128xf32> to vector<128x128xf32>
    %transpose3A_81 = tpu.transpose %broadcast_in_dim3A_80, [1, 0] : vector<128x128xf32> -> vector<128x128xf32>
    %swap3A_82 = arith.constant 896 : index
    %swap3A_83 = arith.constant 0 : index
    %swap3A_84 = vector.load %arg3[%swap3A_82, %swap3A_83] : memref<2432x128xf32, #tpu.memory_space<vmem>>, vector<128x128xf32>
    tpu.vector_store %arg3[%swap3A_82, %swap3A_83], %transpose3A_81 {strides = array<i32>} : memref<2432x128xf32, #tpu.memory_space<vmem>>, vector<128x128xf32>,
    %get3A_85 = arith.constant 0 : index
    %get3A_86 = arith.constant 0 : index
    %get3A_87 = arith.constant 1024 : index
    %get3A_88 = vector.load %arg1[%get3A_85, %get3A_86, %get3A_87] : memref<1x1x2432xf32, #tpu.memory_space<vmem>>, vector<1x1x128xf32>
    %get3A_89 = vector.shape_cast %get3A_88 : vector<1x1x128xf32> to vector<1x128xf32>
    %broadcast_in_dim3A_90 = vector.shape_cast %get3A_89 : vector<1x128xf32> to vector<1x128xf32>
    %broadcast_in_dim3A_91 = vector.broadcast %broadcast_in_dim3A_90 : vector<1x128xf32> to vector<128x128xf32>
    %transpose3A_92 = tpu.transpose %broadcast_in_dim3A_91, [1, 0] : vector<128x128xf32> -> vector<128x128xf32>
    %swap3A_93 = arith.constant 1024 : index
    %swap3A_94 = arith.constant 0 : index
    %swap3A_95 = vector.load %arg3[%swap3A_93, %swap3A_94] : memref<2432x128xf32, #tpu.memory_space<vmem>>, vector<128x128xf32>
    tpu.vector_store %arg3[%swap3A_93, %swap3A_94], %transpose3A_92 {strides = array<i32>} : memref<2432x128xf32, #tpu.memory_space<vmem>>, vector<128x128xf32>,
    %get3A_96 = arith.constant 0 : index
    %get3A_97 = arith.constant 0 : index
    %get3A_98 = arith.constant 1152 : index
    %get3A_99 = vector.load %arg1[%get3A_96, %get3A_97, %get3A_98] : memref<1x1x2432xf32, #tpu.memory_space<vmem>>, vector<1x1x128xf32>
    %get3A_100 = vector.shape_cast %get3A_99 : vector<1x1x128xf32> to vector<1x128xf32>
    %broadcast_in_dim3A_101 = vector.shape_cast %get3A_100 : vector<1x128xf32> to vector<1x128xf32>
    %broadcast_in_dim3A_102 = vector.broadcast %broadcast_in_dim3A_101 : vector<1x128xf32> to vector<128x128xf32>
    %transpose3A_103 = tpu.transpose %broadcast_in_dim3A_102, [1, 0] : vector<128x128xf32> -> vector<128x128xf32>
    %swap3A_104 = arith.constant 1152 : index
    %swap3A_105 = arith.constant 0 : index
    %swap3A_106 = vector.load %arg3[%swap3A_104, %swap3A_105] : memref<2432x128xf32, #tpu.memory_space<vmem>>, vector<128x128xf32>
    tpu.vector_store %arg3[%swap3A_104, %swap3A_105], %transpose3A_103 {strides = array<i32>} : memref<2432x128xf32, #tpu.memory_space<vmem>>, vector<128x128xf32>,
    %get3A_107 = arith.constant 0 : index
    %get3A_108 = arith.constant 0 : index
    %get3A_109 = arith.constant 1280 : index
    %get3A_110 = vector.load %arg1[%get3A_107, %get3A_108, %get3A_109] : memref<1x1x2432xf32, #tpu.memory_space<vmem>>, vector<1x1x128xf32>
    %get3A_111 = vector.shape_cast %get3A_110 : vector<1x1x128xf32> to vector<1x128xf32>
    %broadcast_in_dim3A_112 = vector.shape_cast %get3A_111 : vector<1x128xf32> to vector<1x128xf32>
    %broadcast_in_dim3A_113 = vector.broadcast %broadcast_in_dim3A_112 : vector<1x128xf32> to vector<128x128xf32>
    %transpose3A_114 = tpu.transpose %broadcast_in_dim3A_113, [1, 0] : vector<128x128xf32> -> vector<128x128xf32>
    %swap3A_115 = arith.constant 1280 : index
    %swap3A_116 = arith.constant 0 : index
    %swap3A_117 = vector.load %arg3[%swap3A_115, %swap3A_116] : memref<2432x128xf32, #tpu.memory_space<vmem>>, vector<128x128xf32>
    tpu.vector_store %arg3[%swap3A_115, %swap3A_116], %transpose3A_114 {strides = array<i32>} : memref<2432x128xf32, #tpu.memory_space<vmem>>, vector<128x128xf32>,
    %get3A_118 = arith.constant 0 : index
    %get3A_119 = arith.constant 0 : index
    %get3A_120 = arith.constant 1408 : index
    %get3A_121 = vector.load %arg1[%get3A_118, %get3A_119, %get3A_120] : memref<1x1x2432xf32, #tpu.memory_space<vmem>>, vector<1x1x128xf32>
    %get3A_122 = vector.shape_cast %get3A_121 : vector<1x1x128xf32> to vector<1x128xf32>
    %broadcast_in_dim3A_123 = vector.shape_cast %get3A_122 : vector<1x128xf32> to vector<1x128xf32>
    %broadcast_in_dim3A_124 = vector.broadcast %broadcast_in_dim3A_123 : vector<1x128xf32> to vector<128x128xf32>
    %transpose3A_125 = tpu.transpose %broadcast_in_dim3A_124, [1, 0] : vector<128x128xf32> -> vector<128x128xf32>
    %swap3A_126 = arith.constant 1408 : index
    %swap3A_127 = arith.constant 0 : index
    %swap3A_128 = vector.load %arg3[%swap3A_126, %swap3A_127] : memref<2432x128xf32, #tpu.memory_space<vmem>>, vector<128x128xf32>
    tpu.vector_store %arg3[%swap3A_126, %swap3A_127], %transpose3A_125 {strides = array<i32>} : memref<2432x128xf32, #tpu.memory_space<vmem>>, vector<128x128xf32>,
    %get3A_129 = arith.constant 0 : index
    %get3A_130 = arith.constant 0 : index
    %get3A_131 = arith.constant 1536 : index
    %get3A_132 = vector.load %arg1[%get3A_129, %get3A_130, %get3A_131] : memref<1x1x2432xf32, #tpu.memory_space<vmem>>, vector<1x1x128xf32>
    %get3A_133 = vector.shape_cast %get3A_132 : vector<1x1x128xf32> to vector<1x128xf32>
    %broadcast_in_dim3A_134 = vector.shape_cast %get3A_133 : vector<1x128xf32> to vector<1x128xf32>
    %broadcast_in_dim3A_135 = vector.broadcast %broadcast_in_dim3A_134 : vector<1x128xf32> to vector<128x128xf32>
    %transpose3A_136 = tpu.transpose %broadcast_in_dim3A_135, [1, 0] : vector<128x128xf32> -> vector<128x128xf32>
    %swap3A_137 = arith.constant 1536 : index
    %swap3A_138 = arith.constant 0 : index
    %swap3A_139 = vector.load %arg3[%swap3A_137, %swap3A_138] : memref<2432x128xf32, #tpu.memory_space<vmem>>, vector<128x128xf32>
    tpu.vector_store %arg3[%swap3A_137, %swap3A_138], %transpose3A_136 {strides = array<i32>} : memref<2432x128xf32, #tpu.memory_space<vmem>>, vector<128x128xf32>,
    %get3A_140 = arith.constant 0 : index
    %get3A_141 = arith.constant 0 : index
    %get3A_142 = arith.constant 1664 : index
    %get3A_143 = vector.load %arg1[%get3A_140, %get3A_141, %get3A_142] : memref<1x1x2432xf32, #tpu.memory_space<vmem>>, vector<1x1x128xf32>
    %get3A_144 = vector.shape_cast %get3A_143 : vector<1x1x128xf32> to vector<1x128xf32>
    %broadcast_in_dim3A_145 = vector.shape_cast %get3A_144 : vector<1x128xf32> to vector<1x128xf32>
    %broadcast_in_dim3A_146 = vector.broadcast %broadcast_in_dim3A_145 : vector<1x128xf32> to vector<128x128xf32>
    %transpose3A_147 = tpu.transpose %broadcast_in_dim3A_146, [1, 0] : vector<128x128xf32> -> vector<128x128xf32>
    %swap3A_148 = arith.constant 1664 : index
    %swap3A_149 = arith.constant 0 : index
    %swap3A_150 = vector.load %arg3[%swap3A_148, %swap3A_149] : memref<2432x128xf32, #tpu.memory_space<vmem>>, vector<128x128xf32>
    tpu.vector_store %arg3[%swap3A_148, %swap3A_149], %transpose3A_147 {strides = array<i32>} : memref<2432x128xf32, #tpu.memory_space<vmem>>, vector<128x128xf32>,
    %get3A_151 = arith.constant 0 : index
    %get3A_152 = arith.constant 0 : index
    %get3A_153 = arith.constant 1792 : index
    %get3A_154 = vector.load %arg1[%get3A_151, %get3A_152, %get3A_153] : memref<1x1x2432xf32, #tpu.memory_space<vmem>>, vector<1x1x128xf32>
    %get3A_155 = vector.shape_cast %get3A_154 : vector<1x1x128xf32> to vector<1x128xf32>
    %broadcast_in_dim3A_156 = vector.shape_cast %get3A_155 : vector<1x128xf32> to vector<1x128xf32>
    %broadcast_in_dim3A_157 = vector.broadcast %broadcast_in_dim3A_156 : vector<1x128xf32> to vector<128x128xf32>
    %transpose3A_158 = tpu.transpose %broadcast_in_dim3A_157, [1, 0] : vector<128x128xf32> -> vector<128x128xf32>
    %swap3A_159 = arith.constant 1792 : index
    %swap3A_160 = arith.constant 0 : index
    %swap3A_161 = vector.load %arg3[%swap3A_159, %swap3A_160] : memref<2432x128xf32, #tpu.memory_space<vmem>>, vector<128x128xf32>
    tpu.vector_store %arg3[%swap3A_159, %swap3A_160], %transpose3A_158 {strides = array<i32>} : memref<2432x128xf32, #tpu.memory_space<vmem>>, vector<128x128xf32>,
    %get3A_162 = arith.constant 0 : index
    %get3A_163 = arith.constant 0 : index
    %get3A_164 = arith.constant 1920 : index
    %get3A_165 = vector.load %arg1[%get3A_162, %get3A_163, %get3A_164] : memref<1x1x2432xf32, #tpu.memory_space<vmem>>, vector<1x1x128xf32>
    %get3A_166 = vector.shape_cast %get3A_165 : vector<1x1x128xf32> to vector<1x128xf32>
    %broadcast_in_dim3A_167 = vector.shape_cast %get3A_166 : vector<1x128xf32> to vector<1x128xf32>
    %broadcast_in_dim3A_168 = vector.broadcast %broadcast_in_dim3A_167 : vector<1x128xf32> to vector<128x128xf32>
    %transpose3A_169 = tpu.transpose %broadcast_in_dim3A_168, [1, 0] : vector<128x128xf32> -> vector<128x128xf32>
    %swap3A_170 = arith.constant 1920 : index
    %swap3A_171 = arith.constant 0 : index
    %swap3A_172 = vector.load %arg3[%swap3A_170, %swap3A_171] : memref<2432x128xf32, #tpu.memory_space<vmem>>, vector<128x128xf32>
    tpu.vector_store %arg3[%swap3A_170, %swap3A_171], %transpose3A_169 {strides = array<i32>} : memref<2432x128xf32, #tpu.memory_space<vmem>>, vector<128x128xf32>,
    %get3A_173 = arith.constant 0 : index
    %get3A_174 = arith.constant 0 : index
    %get3A_175 = arith.constant 2048 : index
    %get3A_176 = vector.load %arg1[%get3A_173, %get3A_174, %get3A_175] : memref<1x1x2432xf32, #tpu.memory_space<vmem>>, vector<1x1x128xf32>
    %get3A_177 = vector.shape_cast %get3A_176 : vector<1x1x128xf32> to vector<1x128xf32>
    %broadcast_in_dim3A_178 = vector.shape_cast %get3A_177 : vector<1x128xf32> to vector<1x128xf32>
    %broadcast_in_dim3A_179 = vector.broadcast %broadcast_in_dim3A_178 : vector<1x128xf32> to vector<128x128xf32>
    %transpose3A_180 = tpu.transpose %broadcast_in_dim3A_179, [1, 0] : vector<128x128xf32> -> vector<128x128xf32>
    %swap3A_181 = arith.constant 2048 : index
    %swap3A_182 = arith.constant 0 : index
    %swap3A_183 = vector.load %arg3[%swap3A_181, %swap3A_182] : memref<2432x128xf32, #tpu.memory_space<vmem>>, vector<128x128xf32>
    tpu.vector_store %arg3[%swap3A_181, %swap3A_182], %transpose3A_180 {strides = array<i32>} : memref<2432x128xf32, #tpu.memory_space<vmem>>, vector<128x128xf32>,
    %get3A_184 = arith.constant 0 : index
    %get3A_185 = arith.constant 0 : index
    %get3A_186 = arith.constant 2176 : index
    %get3A_187 = vector.load %arg1[%get3A_184, %get3A_185, %get3A_186] : memref<1x1x2432xf32, #tpu.memory_space<vmem>>, vector<1x1x128xf32>
    %get3A_188 = vector.shape_cast %get3A_187 : vector<1x1x128xf32> to vector<1x128xf32>
    %broadcast_in_dim3A_189 = vector.shape_cast %get3A_188 : vector<1x128xf32> to vector<1x128xf32>
    %broadcast_in_dim3A_190 = vector.broadcast %broadcast_in_dim3A_189 : vector<1x128xf32> to vector<128x128xf32>
    %transpose3A_191 = tpu.transpose %broadcast_in_dim3A_190, [1, 0] : vector<128x128xf32> -> vector<128x128xf32>
    %swap3A_192 = arith.constant 2176 : index
    %swap3A_193 = arith.constant 0 : index
    %swap3A_194 = vector.load %arg3[%swap3A_192, %swap3A_193] : memref<2432x128xf32, #tpu.memory_space<vmem>>, vector<128x128xf32>
    tpu.vector_store %arg3[%swap3A_192, %swap3A_193], %transpose3A_191 {strides = array<i32>} : memref<2432x128xf32, #tpu.memory_space<vmem>>, vector<128x128xf32>,
    %get3A_195 = arith.constant 0 : index
    %get3A_196 = arith.constant 0 : index
    %get3A_197 = arith.constant 2304 : index
    %get3A_198 = vector.load %arg1[%get3A_195, %get3A_196, %get3A_197] : memref<1x1x2432xf32, #tpu.memory_space<vmem>>, vector<1x1x128xf32>
    %get3A_199 = vector.shape_cast %get3A_198 : vector<1x1x128xf32> to vector<1x128xf32>
    %broadcast_in_dim3A_200 = vector.shape_cast %get3A_199 : vector<1x128xf32> to vector<1x128xf32>
    %broadcast_in_dim3A_201 = vector.broadcast %broadcast_in_dim3A_200 : vector<1x128xf32> to vector<128x128xf32>
    %transpose3A_202 = tpu.transpose %broadcast_in_dim3A_201, [1, 0] : vector<128x128xf32> -> vector<128x128xf32>
    %swap3A_203 = arith.constant 2304 : index
    %swap3A_204 = arith.constant 0 : index
    %swap3A_205 = vector.load %arg3[%swap3A_203, %swap3A_204] : memref<2432x128xf32, #tpu.memory_space<vmem>>, vector<128x128xf32>
    tpu.vector_store %arg3[%swap3A_203, %swap3A_204], %transpose3A_202 {strides = array<i32>} : memref<2432x128xf32, #tpu.memory_space<vmem>>, vector<128x128xf32>,
    %get3A_206 = arith.constant 0 : index
    %get3A_207 = arith.constant 0 : index
    %get3A_208 = arith.constant 0 : index
    %get3A_209 = vector.load %arg1[%get3A_206, %get3A_207, %get3A_208] : memref<1x1x2432xf32, #tpu.memory_space<vmem>>, vector<1x1x128xf32>
    %get3A_210 = vector.shape_cast %get3A_209 : vector<1x1x128xf32> to vector<1x128xf32>
    %broadcast_in_dim3A_211 = arith.constant 0.000000e+00 : f32
    %broadcast_in_dim3A_212 = vector.broadcast %broadcast_in_dim3A_211 : f32 to vector<128x128xf32>
    %get3A_213 = arith.constant 0 : index
    %get3A_214 = arith.constant 0 : index
    %get3A_215 = vector.load %arg3[%get3A_213, %get3A_214] : memref<2432x128xf32, #tpu.memory_space<vmem>>, vector<128x128xf32>
    %lt3A_216 = vector.broadcast %get3A_210 : vector<1x128xf32> to vector<128x128xf32>
    %lt3A_217 = arith.cmpf olt, %get3A_215, %lt3A_216 : vector<128x128xf32>
    %le3A = vector.broadcast %get3A_210 : vector<1x128xf32> to vector<128x128xf32>
    %le3A_218 = arith.cmpf ole, %get3A_215, %le3A : vector<128x128xf32>
    %and3A = arith.andi %le3A_218, %lt3A : vector<128x128xi1>
    %or3A = arith.ori %lt3A_217, %and3A : vector<128x128xi1>
    %add3A = arith.constant 1.000000e+00 : f32
    %add3A_219 = vector.broadcast %add3A : f32 to vector<128x128xf32>
    %add3A_220 = arith.addf %broadcast_in_dim3A_212, %add3A_219 : vector<128x128xf32>
    %select_n3A = arith.select %or3A, %add3A_220, %broadcast_in_dim3A_212 : vector<128x128xi1>, vector<128x128xf32>
    %get3A_221 = arith.constant 128 : index
    %get3A_222 = arith.constant 0 : index
    %get3A_223 = vector.load %arg3[%get3A_221, %get3A_222] : memref<2432x128xf32, #tpu.memory_space<vmem>>, vector<128x128xf32>
    %lt3A_224 = vector.broadcast %get3A_210 : vector<1x128xf32> to vector<128x128xf32>
    %lt3A_225 = arith.cmpf olt, %get3A_223, %lt3A_224 : vector<128x128xf32>
    %add3A_226 = arith.constant 1.000000e+00 : f32
    %add3A_227 = vector.broadcast %add3A_226 : f32 to vector<128x128xf32>
    %add3A_228 = arith.addf %select_n3A, %add3A_227 : vector<128x128xf32>
    %select_n3A_229 = arith.select %lt3A_225, %add3A_228, %select_n3A : vector<128x128xi1>, vector<128x128xf32>
    %get3A_230 = arith.constant 256 : index
    %get3A_231 = arith.constant 0 : index
    %get3A_232 = vector.load %arg3[%get3A_230, %get3A_231] : memref<2432x128xf32, #tpu.memory_space<vmem>>, vector<128x128xf32>
    %lt3A_233 = vector.broadcast %get3A_210 : vector<1x128xf32> to vector<128x128xf32>
    %lt3A_234 = arith.cmpf olt, %get3A_232, %lt3A_233 : vector<128x128xf32>
    %add3A_235 = arith.constant 1.000000e+00 : f32
    %add3A_236 = vector.broadcast %add3A_235 : f32 to vector<128x128xf32>
    %add3A_237 = arith.addf %select_n3A_229, %add3A_236 : vector<128x128xf32>
    %select_n3A_238 = arith.select %lt3A_234, %add3A_237, %select_n3A_229 : vector<128x128xi1>, vector<128x128xf32>
    %get3A_239 = arith.constant 384 : index
    %get3A_240 = arith.constant 0 : index
    %get3A_241 = vector.load %arg3[%get3A_239, %get3A_240] : memref<2432x128xf32, #tpu.memory_space<vmem>>, vector<128x128xf32>
    %lt3A_242 = vector.broadcast %get3A_210 : vector<1x128xf32> to vector<128x128xf32>
    %lt3A_243 = arith.cmpf olt, %get3A_241, %lt3A_242 : vector<128x128xf32>
    %add3A_244 = arith.constant 1.000000e+00 : f32
    %add3A_245 = vector.broadcast %add3A_244 : f32 to vector<128x128xf32>
    %add3A_246 = arith.addf %select_n3A_238, %add3A_245 : vector<128x128xf32>
    %select_n3A_247 = arith.select %lt3A_243, %add3A_246, %select_n3A_238 : vector<128x128xi1>, vector<128x128xf32>
    %get3A_248 = arith.constant 512 : index
    %get3A_249 = arith.constant 0 : index
    %get3A_250 = vector.load %arg3[%get3A_248, %get3A_249] : memref<2432x128xf32, #tpu.memory_space<vmem>>, vector<128x128xf32>
    %lt3A_251 = vector.broadcast %get3A_210 : vector<1x128xf32> to vector<128x128xf32>
    %lt3A_252 = arith.cmpf olt, %get3A_250, %lt3A_251 : vector<128x128xf32>
    %add3A_253 = arith.constant 1.000000e+00 : f32
    %add3A_254 = vector.broadcast %add3A_253 : f32 to vector<128x128xf32>
    %add3A_255 = arith.addf %select_n3A_247, %add3A_254 : vector<128x128xf32>
    %select_n3A_256 = arith.select %lt3A_252, %add3A_255, %select_n3A_247 : vector<128x128xi1>, vector<128x128xf32>
    %get3A_257 = arith.constant 640 : index
    %get3A_258 = arith.constant 0 : index
    %get3A_259 = vector.load %arg3[%get3A_257, %get3A_258] : memref<2432x128xf32, #tpu.memory_space<vmem>>, vector<128x128xf32>
    %lt3A_260 = vector.broadcast %get3A_210 : vector<1x128xf32> to vector<128x128xf32>
    %lt3A_261 = arith.cmpf olt, %get3A_259, %lt3A_260 : vector<128x128xf32>
    %add3A_262 = arith.constant 1.000000e+00 : f32
    %add3A_263 = vector.broadcast %add3A_262 : f32 to vector<128x128xf32>
    %add3A_264 = arith.addf %select_n3A_256, %add3A_263 : vector<128x128xf32>
    %select_n3A_265 = arith.select %lt3A_261, %add3A_264, %select_n3A_256 : vector<128x128xi1>, vector<128x128xf32>
    %get3A_266 = arith.constant 768 : index
    %get3A_267 = arith.constant 0 : index
    %get3A_268 = vector.load %arg3[%get3A_266, %get3A_267] : memref<2432x128xf32, #tpu.memory_space<vmem>>, vector<128x128xf32>
    %lt3A_269 = vector.broadcast %get3A_210 : vector<1x128xf32> to vector<128x128xf32>
    %lt3A_270 = arith.cmpf olt, %get3A_268, %lt3A_269 : vector<128x128xf32>
    %add3A_271 = arith.constant 1.000000e+00 : f32
    %add3A_272 = vector.broadcast %add3A_271 : f32 to vector<128x128xf32>
    %add3A_273 = arith.addf %select_n3A_265, %add3A_272 : vector<128x128xf32>
    %select_n3A_274 = arith.select %lt3A_270, %add3A_273, %select_n3A_265 : vector<128x128xi1>, vector<128x128xf32>
    %get3A_275 = arith.constant 896 : index
    %get3A_276 = arith.constant 0 : index
    %get3A_277 = vector.load %arg3[%get3A_275, %get3A_276] : memref<2432x128xf32, #tpu.memory_space<vmem>>, vector<128x128xf32>
    %lt3A_278 = vector.broadcast %get3A_210 : vector<1x128xf32> to vector<128x128xf32>
    %lt3A_279 = arith.cmpf olt, %get3A_277, %lt3A_278 : vector<128x128xf32>
    %add3A_280 = arith.constant 1.000000e+00 : f32
    %add3A_281 = vector.broadcast %add3A_280 : f32 to vector<128x128xf32>
    %add3A_282 = arith.addf %select_n3A_274, %add3A_281 : vector<128x128xf32>
    %select_n3A_283 = arith.select %lt3A_279, %add3A_282, %select_n3A_274 : vector<128x128xi1>, vector<128x128xf32>
    %get3A_284 = arith.constant 1024 : index
    %get3A_285 = arith.constant 0 : index
    %get3A_286 = vector.load %arg3[%get3A_284, %get3A_285] : memref<2432x128xf32, #tpu.memory_space<vmem>>, vector<128x128xf32>
    %lt3A_287 = vector.broadcast %get3A_210 : vector<1x128xf32> to vector<128x128xf32>
    %lt3A_288 = arith.cmpf olt, %get3A_286, %lt3A_287 : vector<128x128xf32>
    %add3A_289 = arith.constant 1.000000e+00 : f32
    %add3A_290 = vector.broadcast %add3A_289 : f32 to vector<128x128xf32>
    %add3A_291 = arith.addf %select_n3A_283, %add3A_290 : vector<128x128xf32>
    %select_n3A_292 = arith.select %lt3A_288, %add3A_291, %select_n3A_283 : vector<128x128xi1>, vector<128x128xf32>
    %get3A_293 = arith.constant 1152 : index
    %get3A_294 = arith.constant 0 : index
    %get3A_295 = vector.load %arg3[%get3A_293, %get3A_294] : memref<2432x128xf32, #tpu.memory_space<vmem>>, vector<128x128xf32>
    %lt3A_296 = vector.broadcast %get3A_210 : vector<1x128xf32> to vector<128x128xf32>
    %lt3A_297 = arith.cmpf olt, %get3A_295, %lt3A_296 : vector<128x128xf32>
    %add3A_298 = arith.constant 1.000000e+00 : f32
    %add3A_299 = vector.broadcast %add3A_298 : f32 to vector<128x128xf32>
    %add3A_300 = arith.addf %select_n3A_292, %add3A_299 : vector<128x128xf32>
    %select_n3A_301 = arith.select %lt3A_297, %add3A_300, %select_n3A_292 : vector<128x128xi1>, vector<128x128xf32>
    %get3A_302 = arith.constant 1280 : index
    %get3A_303 = arith.constant 0 : index
    %get3A_304 = vector.load %arg3[%get3A_302, %get3A_303] : memref<2432x128xf32, #tpu.memory_space<vmem>>, vector<128x128xf32>
    %lt3A_305 = vector.broadcast %get3A_210 : vector<1x128xf32> to vector<128x128xf32>
    %lt3A_306 = arith.cmpf olt, %get3A_304, %lt3A_305 : vector<128x128xf32>
    %add3A_307 = arith.constant 1.000000e+00 : f32
    %add3A_308 = vector.broadcast %add3A_307 : f32 to vector<128x128xf32>
    %add3A_309 = arith.addf %select_n3A_301, %add3A_308 : vector<128x128xf32>
    %select_n3A_310 = arith.select %lt3A_306, %add3A_309, %select_n3A_301 : vector<128x128xi1>, vector<128x128xf32>
    %get3A_311 = arith.constant 1408 : index
    %get3A_312 = arith.constant 0 : index
    %get3A_313 = vector.load %arg3[%get3A_311, %get3A_312] : memref<2432x128xf32, #tpu.memory_space<vmem>>, vector<128x128xf32>
    %lt3A_314 = vector.broadcast %get3A_210 : vector<1x128xf32> to vector<128x128xf32>
    %lt3A_315 = arith.cmpf olt, %get3A_313, %lt3A_314 : vector<128x128xf32>
    %add3A_316 = arith.constant 1.000000e+00 : f32
    %add3A_317 = vector.broadcast %add3A_316 : f32 to vector<128x128xf32>
    %add3A_318 = arith.addf %select_n3A_310, %add3A_317 : vector<128x128xf32>
    %select_n3A_319 = arith.select %lt3A_315, %add3A_318, %select_n3A_310 : vector<128x128xi1>, vector<128x128xf32>
    %get3A_320 = arith.constant 1536 : index
    %get3A_321 = arith.constant 0 : index
    %get3A_322 = vector.load %arg3[%get3A_320, %get3A_321] : memref<2432x128xf32, #tpu.memory_space<vmem>>, vector<128x128xf32>
    %lt3A_323 = vector.broadcast %get3A_210 : vector<1x128xf32> to vector<128x128xf32>
    %lt3A_324 = arith.cmpf olt, %get3A_322, %lt3A_323 : vector<128x128xf32>
    %add3A_325 = arith.constant 1.000000e+00 : f32
    %add3A_326 = vector.broadcast %add3A_325 : f32 to vector<128x128xf32>
    %add3A_327 = arith.addf %select_n3A_319, %add3A_326 : vector<128x128xf32>
    %select_n3A_328 = arith.select %lt3A_324, %add3A_327, %select_n3A_319 : vector<128x128xi1>, vector<128x128xf32>
    %get3A_329 = arith.constant 1664 : index
    %get3A_330 = arith.constant 0 : index
    %get3A_331 = vector.load %arg3[%get3A_329, %get3A_330] : memref<2432x128xf32, #tpu.memory_space<vmem>>, vector<128x128xf32>
    %lt3A_332 = vector.broadcast %get3A_210 : vector<1x128xf32> to vector<128x128xf32>
    %lt3A_333 = arith.cmpf olt, %get3A_331, %lt3A_332 : vector<128x128xf32>
    %add3A_334 = arith.constant 1.000000e+00 : f32
    %add3A_335 = vector.broadcast %add3A_334 : f32 to vector<128x128xf32>
    %add3A_336 = arith.addf %select_n3A_328, %add3A_335 : vector<128x128xf32>
    %select_n3A_337 = arith.select %lt3A_333, %add3A_336, %select_n3A_328 : vector<128x128xi1>, vector<128x128xf32>
    %get3A_338 = arith.constant 1792 : index
    %get3A_339 = arith.constant 0 : index
    %get3A_340 = vector.load %arg3[%get3A_338, %get3A_339] : memref<2432x128xf32, #tpu.memory_space<vmem>>, vector<128x128xf32>
    %lt3A_341 = vector.broadcast %get3A_210 : vector<1x128xf32> to vector<128x128xf32>
    %lt3A_342 = arith.cmpf olt, %get3A_340, %lt3A_341 : vector<128x128xf32>
    %add3A_343 = arith.constant 1.000000e+00 : f32
    %add3A_344 = vector.broadcast %add3A_343 : f32 to vector<128x128xf32>
    %add3A_345 = arith.addf %select_n3A_337, %add3A_344 : vector<128x128xf32>
    %select_n3A_346 = arith.select %lt3A_342, %add3A_345, %select_n3A_337 : vector<128x128xi1>, vector<128x128xf32>
    %get3A_347 = arith.constant 1920 : index
    %get3A_348 = arith.constant 0 : index
    %get3A_349 = vector.load %arg3[%get3A_347, %get3A_348] : memref<2432x128xf32, #tpu.memory_space<vmem>>, vector<128x128xf32>
    %lt3A_350 = vector.broadcast %get3A_210 : vector<1x128xf32> to vector<128x128xf32>
    %lt3A_351 = arith.cmpf olt, %get3A_349, %lt3A_350 : vector<128x128xf32>
    %add3A_352 = arith.constant 1.000000e+00 : f32
    %add3A_353 = vector.broadcast %add3A_352 : f32 to vector<128x128xf32>
    %add3A_354 = arith.addf %select_n3A_346, %add3A_353 : vector<128x128xf32>
    %select_n3A_355 = arith.select %lt3A_351, %add3A_354, %select_n3A_346 : vector<128x128xi1>, vector<128x128xf32>
    %get3A_356 = arith.constant 2048 : index
    %get3A_357 = arith.constant 0 : index
    %get3A_358 = vector.load %arg3[%get3A_356, %get3A_357] : memref<2432x128xf32, #tpu.memory_space<vmem>>, vector<128x128xf32>
    %lt3A_359 = vector.broadcast %get3A_210 : vector<1x128xf32> to vector<128x128xf32>
    %lt3A_360 = arith.cmpf olt, %get3A_358, %lt3A_359 : vector<128x128xf32>
    %add3A_361 = arith.constant 1.000000e+00 : f32
    %add3A_362 = vector.broadcast %add3A_361 : f32 to vector<128x128xf32>
    %add3A_363 = arith.addf %select_n3A_355, %add3A_362 : vector<128x128xf32>
    %select_n3A_364 = arith.select %lt3A_360, %add3A_363, %select_n3A_355 : vector<128x128xi1>, vector<128x128xf32>
    %get3A_365 = arith.constant 2176 : index
    %get3A_366 = arith.constant 0 : index
    %get3A_367 = vector.load %arg3[%get3A_365, %get3A_366] : memref<2432x128xf32, #tpu.memory_space<vmem>>, vector<128x128xf32>
    %lt3A_368 = vector.broadcast %get3A_210 : vector<1x128xf32> to vector<128x128xf32>
    %lt3A_369 = arith.cmpf olt, %get3A_367, %lt3A_368 : vector<128x128xf32>
    %add3A_370 = arith.constant 1.000000e+00 : f32
    %add3A_371 = vector.broadcast %add3A_370 : f32 to vector<128x128xf32>
    %add3A_372 = arith.addf %select_n3A_364, %add3A_371 : vector<128x128xf32>
    %select_n3A_373 = arith.select %lt3A_369, %add3A_372, %select_n3A_364 : vector<128x128xi1>, vector<128x128xf32>
    %get3A_374 = arith.constant 2304 : index
    %get3A_375 = arith.constant 0 : index
    %get3A_376 = vector.load %arg3[%get3A_374, %get3A_375] : memref<2432x128xf32, #tpu.memory_space<vmem>>, vector<128x128xf32>
    %lt3A_377 = vector.broadcast %get3A_210 : vector<1x128xf32> to vector<128x128xf32>
    %lt3A_378 = arith.cmpf olt, %get3A_376, %lt3A_377 : vector<128x128xf32>
    %add3A_379 = arith.constant 1.000000e+00 : f32
    %add3A_380 = vector.broadcast %add3A_379 : f32 to vector<128x128xf32>
    %add3A_381 = arith.addf %select_n3A_373, %add3A_380 : vector<128x128xf32>
    %select_n3A_382 = arith.select %lt3A_378, %add3A_381, %select_n3A_373 : vector<128x128xi1>, vector<128x128xf32>
    %reduce_sum3A = arith.constant dense<0.000000e+00> : vector<128xf32>
    %reduce_sum3A_383 = vector.multi_reduction <add>, %select_n3A_382, %reduce_sum3A [0] : vector<128x128xf32> to vector<128xf32>
    %broadcast_in_dim3A_384 = vector.shape_cast %reduce_sum3A_383 : vector<128xf32> to vector<1x128xf32>
    %convert_element_type3A = arith.fptosi %broadcast_in_dim3A_384 : vector<1x128xf32> to vector<1x128xi32>
    %swap3A_385 = arith.constant 0 : index
    %swap3A_386 = arith.constant 0 : index
    %swap3A_387 = arith.constant 0 : index
    %swap3A_388 = vector.load %arg2[%swap3A_385, %swap3A_386, %swap3A_387] : memref<1x1x2432xi32, #tpu.memory_space<vmem>>, vector<1x1x128xi32>
    %swap3A_389 = vector.shape_cast %swap3A_388 : vector<1x1x128xi32> to vector<1x128xi32>
    %swap3A_390 = vector.shape_cast %convert_element_type3A : vector<1x128xi32> to vector<1x1x128xi32>
    tpu.vector_store %arg2[%swap3A_385, %swap3A_386, %swap3A_387], %swap3A_390 {strides = array<i32>} : memref<1x1x2432xi32, #tpu.memory_space<vmem>>, vector<1x1x128xi32>,
    %get3A_391 = arith.constant 0 : index
    %get3A_392 = arith.constant 0 : index
    %get3A_393 = arith.constant 128 : index
    %get3A_394 = vector.load %arg1[%get3A_391, %get3A_392, %get3A_393] : memref<1x1x2432xf32, #tpu.memory_space<vmem>>, vector<1x1x128xf32>
    %get3A_395 = vector.shape_cast %get3A_394 : vector<1x1x128xf32> to vector<1x128xf32>
    %broadcast_in_dim3A_396 = arith.constant 0.000000e+00 : f32
    %broadcast_in_dim3A_397 = vector.broadcast %broadcast_in_dim3A_396 : f32 to vector<128x128xf32>
    %get3A_398 = arith.constant 0 : index
    %get3A_399 = arith.constant 0 : index
    %get3A_400 = vector.load %arg3[%get3A_398, %get3A_399] : memref<2432x128xf32, #tpu.memory_space<vmem>>, vector<128x128xf32>
    %le3A_401 = vector.broadcast %get3A_395 : vector<1x128xf32> to vector<128x128xf32>
    %le3A_402 = arith.cmpf ole, %get3A_400, %le3A_401 : vector<128x128xf32>
    %add3A_403 = arith.constant 1.000000e+00 : f32
    %add3A_404 = vector.broadcast %add3A_403 : f32 to vector<128x128xf32>
    %add3A_405 = arith.addf %broadcast_in_dim3A_397, %add3A_404 : vector<128x128xf32>
    %select_n3A_406 = arith.select %le3A_402, %add3A_405, %broadcast_in_dim3A_397 : vector<128x128xi1>, vector<128x128xf32>
    %get3A_407 = arith.constant 128 : index
    %get3A_408 = arith.constant 0 : index
    %get3A_409 = vector.load %arg3[%get3A_407, %get3A_408] : memref<2432x128xf32, #tpu.memory_space<vmem>>, vector<128x128xf32>
    %lt3A_410 = vector.broadcast %get3A_395 : vector<1x128xf32> to vector<128x128xf32>
    %lt3A_411 = arith.cmpf olt, %get3A_409, %lt3A_410 : vector<128x128xf32>
    %le3A_412 = vector.broadcast %get3A_395 : vector<1x128xf32> to vector<128x128xf32>
    %le3A_413 = arith.cmpf ole, %get3A_409, %le3A_412 : vector<128x128xf32>
    %and3A_414 = arith.andi %le3A_413, %lt3A : vector<128x128xi1>
    %or3A_415 = arith.ori %lt3A_411, %and3A_414 : vector<128x128xi1>
    %add3A_416 = arith.constant 1.000000e+00 : f32
    %add3A_417 = vector.broadcast %add3A_416 : f32 to vector<128x128xf32>
    %add3A_418 = arith.addf %select_n3A_406, %add3A_417 : vector<128x128xf32>
    %select_n3A_419 = arith.select %or3A_415, %add3A_418, %select_n3A_406 : vector<128x128xi1>, vector<128x128xf32>
    %get3A_420 = arith.constant 256 : index
    %get3A_421 = arith.constant 0 : index
    %get3A_422 = vector.load %arg3[%get3A_420, %get3A_421] : memref<2432x128xf32, #tpu.memory_space<vmem>>, vector<128x128xf32>
    %lt3A_423 = vector.broadcast %get3A_395 : vector<1x128xf32> to vector<128x128xf32>
    %lt3A_424 = arith.cmpf olt, %get3A_422, %lt3A_423 : vector<128x128xf32>
    %add3A_425 = arith.constant 1.000000e+00 : f32
    %add3A_426 = vector.broadcast %add3A_425 : f32 to vector<128x128xf32>
    %add3A_427 = arith.addf %select_n3A_419, %add3A_426 : vector<128x128xf32>
    %select_n3A_428 = arith.select %lt3A_424, %add3A_427, %select_n3A_419 : vector<128x128xi1>, vector<128x128xf32>
    %get3A_429 = arith.constant 384 : index
    %get3A_430 = arith.constant 0 : index
    %get3A_431 = vector.load %arg3[%get3A_429, %get3A_430] : memref<2432x128xf32, #tpu.memory_space<vmem>>, vector<128x128xf32>
    %lt3A_432 = vector.broadcast %get3A_395 : vector<1x128xf32> to vector<128x128xf32>
    %lt3A_433 = arith.cmpf olt, %get3A_431, %lt3A_432 : vector<128x128xf32>
    %add3A_434 = arith.constant 1.000000e+00 : f32
    %add3A_435 = vector.broadcast %add3A_434 : f32 to vector<128x128xf32>
    %add3A_436 = arith.addf %select_n3A_428, %add3A_435 : vector<128x128xf32>
    %select_n3A_437 = arith.select %lt3A_433, %add3A_436, %select_n3A_428 : vector<128x128xi1>, vector<128x128xf32>
    %get3A_438 = arith.constant 512 : index
    %get3A_439 = arith.constant 0 : index
    %get3A_440 = vector.load %arg3[%get3A_438, %get3A_439] : memref<2432x128xf32, #tpu.memory_space<vmem>>, vector<128x128xf32>
    %lt3A_441 = vector.broadcast %get3A_395 : vector<1x128xf32> to vector<128x128xf32>
    %lt3A_442 = arith.cmpf olt, %get3A_440, %lt3A_441 : vector<128x128xf32>
    %add3A_443 = arith.constant 1.000000e+00 : f32
    %add3A_444 = vector.broadcast %add3A_443 : f32 to vector<128x128xf32>
    %add3A_445 = arith.addf %select_n3A_437, %add3A_444 : vector<128x128xf32>
    %select_n3A_446 = arith.select %lt3A_442, %add3A_445, %select_n3A_437 : vector<128x128xi1>, vector<128x128xf32>
    %get3A_447 = arith.constant 640 : index
    %get3A_448 = arith.constant 0 : index
    %get3A_449 = vector.load %arg3[%get3A_447, %get3A_448] : memref<2432x128xf32, #tpu.memory_space<vmem>>, vector<128x128xf32>
    %lt3A_450 = vector.broadcast %get3A_395 : vector<1x128xf32> to vector<128x128xf32>
    %lt3A_451 = arith.cmpf olt, %get3A_449, %lt3A_450 : vector<128x128xf32>
    %add3A_452 = arith.constant 1.000000e+00 : f32
    %add3A_453 = vector.broadcast %add3A_452 : f32 to vector<128x128xf32>
    %add3A_454 = arith.addf %select_n3A_446, %add3A_453 : vector<128x128xf32>
    %select_n3A_455 = arith.select %lt3A_451, %add3A_454, %select_n3A_446 : vector<128x128xi1>, vector<128x128xf32>
    %get3A_456 = arith.constant 768 : index
    %get3A_457 = arith.constant 0 : index
    %get3A_458 = vector.load %arg3[%get3A_456, %get3A_457] : memref<2432x128xf32, #tpu.memory_space<vmem>>, vector<128x128xf32>
    %lt3A_459 = vector.broadcast %get3A_395 : vector<1x128xf32> to vector<128x128xf32>
    %lt3A_460 = arith.cmpf olt, %get3A_458, %lt3A_459 : vector<128x128xf32>
    %add3A_461 = arith.constant 1.000000e+00 : f32
    %add3A_462 = vector.broadcast %add3A_461 : f32 to vector<128x128xf32>
    %add3A_463 = arith.addf %select_n3A_455, %add3A_462 : vector<128x128xf32>
    %select_n3A_464 = arith.select %lt3A_460, %add3A_463, %select_n3A_455 : vector<128x128xi1>, vector<128x128xf32>
    %get3A_465 = arith.constant 896 : index
    %get3A_466 = arith.constant 0 : index
    %get3A_467 = vector.load %arg3[%get3A_465, %get3A_466] : memref<2432x128xf32, #tpu.memory_space<vmem>>, vector<128x128xf32>
    %lt3A_468 = vector.broadcast %get3A_395 : vector<1x128xf32> to vector<128x128xf32>
    %lt3A_469 = arith.cmpf olt, %get3A_467, %lt3A_468 : vector<128x128xf32>
    %add3A_470 = arith.constant 1.000000e+00 : f32
    %add3A_471 = vector.broadcast %add3A_470 : f32 to vector<128x128xf32>
    %add3A_472 = arith.addf %select_n3A_464, %add3A_471 : vector<128x128xf32>
    %select_n3A_473 = arith.select %lt3A_469, %add3A_472, %select_n3A_464 : vector<128x128xi1>, vector<128x128xf32>
    %get3A_474 = arith.constant 1024 : index
    %get3A_475 = arith.constant 0 : index
    %get3A_476 = vector.load %arg3[%get3A_474, %get3A_475] : memref<2432x128xf32, #tpu.memory_space<vmem>>, vector<128x128xf32>
    %lt3A_477 = vector.broadcast %get3A_395 : vector<1x128xf32> to vector<128x128xf32>
    %lt3A_478 = arith.cmpf olt, %get3A_476, %lt3A_477 : vector<128x128xf32>
    %add3A_479 = arith.constant 1.000000e+00 : f32
    %add3A_480 = vector.broadcast %add3A_479 : f32 to vector<128x128xf32>
    %add3A_481 = arith.addf %select_n3A_473, %add3A_480 : vector<128x128xf32>
    %select_n3A_482 = arith.select %lt3A_478, %add3A_481, %select_n3A_473 : vector<128x128xi1>, vector<128x128xf32>
    %get3A_483 = arith.constant 1152 : index
    %get3A_484 = arith.constant 0 : index
    %get3A_485 = vector.load %arg3[%get3A_483, %get3A_484] : memref<2432x128xf32, #tpu.memory_space<vmem>>, vector<128x128xf32>
    %lt3A_486 = vector.broadcast %get3A_395 : vector<1x128xf32> to vector<128x128xf32>
    %lt3A_487 = arith.cmpf olt, %get3A_485, %lt3A_486 : vector<128x128xf32>
    %add3A_488 = arith.constant 1.000000e+00 : f32
    %add3A_489 = vector.broadcast %add3A_488 : f32 to vector<128x128xf32>
    %add3A_490 = arith.addf %select_n3A_482, %add3A_489 : vector<128x128xf32>
    %select_n3A_491 = arith.select %lt3A_487, %add3A_490, %select_n3A_482 : vector<128x128xi1>, vector<128x128xf32>
    %get3A_492 = arith.constant 1280 : index
    %get3A_493 = arith.constant 0 : index
    %get3A_494 = vector.load %arg3[%get3A_492, %get3A_493] : memref<2432x128xf32, #tpu.memory_space<vmem>>, vector<128x128xf32>
    %lt3A_495 = vector.broadcast %get3A_395 : vector<1x128xf32> to vector<128x128xf32>
    %lt3A_496 = arith.cmpf olt, %get3A_494, %lt3A_495 : vector<128x128xf32>
    %add3A_497 = arith.constant 1.000000e+00 : f32
    %add3A_498 = vector.broadcast %add3A_497 : f32 to vector<128x128xf32>
    %add3A_499 = arith.addf %select_n3A_491, %add3A_498 : vector<128x128xf32>
    %select_n3A_500 = arith.select %lt3A_496, %add3A_499, %select_n3A_491 : vector<128x128xi1>, vector<128x128xf32>
    %get3A_501 = arith.constant 1408 : index
    %get3A_502 = arith.constant 0 : index
    %get3A_503 = vector.load %arg3[%get3A_501, %get3A_502] : memref<2432x128xf32, #tpu.memory_space<vmem>>, vector<128x128xf32>
    %lt3A_504 = vector.broadcast %get3A_395 : vector<1x128xf32> to vector<128x128xf32>
    %lt3A_505 = arith.cmpf olt, %get3A_503, %lt3A_504 : vector<128x128xf32>
    %add3A_506 = arith.constant 1.000000e+00 : f32
    %add3A_507 = vector.broadcast %add3A_506 : f32 to vector<128x128xf32>
    %add3A_508 = arith.addf %select_n3A_500, %add3A_507 : vector<128x128xf32>
    %select_n3A_509 = arith.select %lt3A_505, %add3A_508, %select_n3A_500 : vector<128x128xi1>, vector<128x128xf32>
    %get3A_510 = arith.constant 1536 : index
    %get3A_511 = arith.constant 0 : index
    %get3A_512 = vector.load %arg3[%get3A_510, %get3A_511] : memref<2432x128xf32, #tpu.memory_space<vmem>>, vector<128x128xf32>
    %lt3A_513 = vector.broadcast %get3A_395 : vector<1x128xf32> to vector<128x128xf32>
    %lt3A_514 = arith.cmpf olt, %get3A_512, %lt3A_513 : vector<128x128xf32>
    %add3A_515 = arith.constant 1.000000e+00 : f32
    %add3A_516 = vector.broadcast %add3A_515 : f32 to vector<128x128xf32>
    %add3A_517 = arith.addf %select_n3A_509, %add3A_516 : vector<128x128xf32>
    %select_n3A_518 = arith.select %lt3A_514, %add3A_517, %select_n3A_509 : vector<128x128xi1>, vector<128x128xf32>
    %get3A_519 = arith.constant 1664 : index
    %get3A_520 = arith.constant 0 : index
    %get3A_521 = vector.load %arg3[%get3A_519, %get3A_520] : memref<2432x128xf32, #tpu.memory_space<vmem>>, vector<128x128xf32>
    %lt3A_522 = vector.broadcast %get3A_395 : vector<1x128xf32> to vector<128x128xf32>
    %lt3A_523 = arith.cmpf olt, %get3A_521, %lt3A_522 : vector<128x128xf32>
    %add3A_524 = arith.constant 1.000000e+00 : f32
    %add3A_525 = vector.broadcast %add3A_524 : f32 to vector<128x128xf32>
    %add3A_526 = arith.addf %select_n3A_518, %add3A_525 : vector<128x128xf32>
    %select_n3A_527 = arith.select %lt3A_523, %add3A_526, %select_n3A_518 : vector<128x128xi1>, vector<128x128xf32>
    %get3A_528 = arith.constant 1792 : index
    %get3A_529 = arith.constant 0 : index
    %get3A_530 = vector.load %arg3[%get3A_528, %get3A_529] : memref<2432x128xf32, #tpu.memory_space<vmem>>, vector<128x128xf32>
    %lt3A_531 = vector.broadcast %get3A_395 : vector<1x128xf32> to vector<128x128xf32>
    %lt3A_532 = arith.cmpf olt, %get3A_530, %lt3A_531 : vector<128x128xf32>
    %add3A_533 = arith.constant 1.000000e+00 : f32
    %add3A_534 = vector.broadcast %add3A_533 : f32 to vector<128x128xf32>
    %add3A_535 = arith.addf %select_n3A_527, %add3A_534 : vector<128x128xf32>
    %select_n3A_536 = arith.select %lt3A_532, %add3A_535, %select_n3A_527 : vector<128x128xi1>, vector<128x128xf32>
    %get3A_537 = arith.constant 1920 : index
    %get3A_538 = arith.constant 0 : index
    %get3A_539 = vector.load %arg3[%get3A_537, %get3A_538] : memref<2432x128xf32, #tpu.memory_space<vmem>>, vector<128x128xf32>
    %lt3A_540 = vector.broadcast %get3A_395 : vector<1x128xf32> to vector<128x128xf32>
    %lt3A_541 = arith.cmpf olt, %get3A_539, %lt3A_540 : vector<128x128xf32>
    %add3A_542 = arith.constant 1.000000e+00 : f32
    %add3A_543 = vector.broadcast %add3A_542 : f32 to vector<128x128xf32>
    %add3A_544 = arith.addf %select_n3A_536, %add3A_543 : vector<128x128xf32>
    %select_n3A_545 = arith.select %lt3A_541, %add3A_544, %select_n3A_536 : vector<128x128xi1>, vector<128x128xf32>
    %get3A_546 = arith.constant 2048 : index
    %get3A_547 = arith.constant 0 : index
    %get3A_548 = vector.load %arg3[%get3A_546, %get3A_547] : memref<2432x128xf32, #tpu.memory_space<vmem>>, vector<128x128xf32>
    %lt3A_549 = vector.broadcast %get3A_395 : vector<1x128xf32> to vector<128x128xf32>
    %lt3A_550 = arith.cmpf olt, %get3A_548, %lt3A_549 : vector<128x128xf32>
    %add3A_551 = arith.constant 1.000000e+00 : f32
    %add3A_552 = vector.broadcast %add3A_551 : f32 to vector<128x128xf32>
    %add3A_553 = arith.addf %select_n3A_545, %add3A_552 : vector<128x128xf32>
    %select_n3A_554 = arith.select %lt3A_550, %add3A_553, %select_n3A_545 : vector<128x128xi1>, vector<128x128xf32>
    %get3A_555 = arith.constant 2176 : index
    %get3A_556 = arith.constant 0 : index
    %get3A_557 = vector.load %arg3[%get3A_555, %get3A_556] : memref<2432x128xf32, #tpu.memory_space<vmem>>, vector<128x128xf32>
    %lt3A_558 = vector.broadcast %get3A_395 : vector<1x128xf32> to vector<128x128xf32>
    %lt3A_559 = arith.cmpf olt, %get3A_557, %lt3A_558 : vector<128x128xf32>
    %add3A_560 = arith.constant 1.000000e+00 : f32
    %add3A_561 = vector.broadcast %add3A_560 : f32 to vector<128x128xf32>
    %add3A_562 = arith.addf %select_n3A_554, %add3A_561 : vector<128x128xf32>
    %select_n3A_563 = arith.select %lt3A_559, %add3A_562, %select_n3A_554 : vector<128x128xi1>, vector<128x128xf32>
    %get3A_564 = arith.constant 2304 : index
    %get3A_565 = arith.constant 0 : index
    %get3A_566 = vector.load %arg3[%get3A_564, %get3A_565] : memref<2432x128xf32, #tpu.memory_space<vmem>>, vector<128x128xf32>
    %lt3A_567 = vector.broadcast %get3A_395 : vector<1x128xf32> to vector<128x128xf32>
    %lt3A_568 = arith.cmpf olt, %get3A_566, %lt3A_567 : vector<128x128xf32>
    %add3A_569 = arith.constant 1.000000e+00 : f32
    %add3A_570 = vector.broadcast %add3A_569 : f32 to vector<128x128xf32>
    %add3A_571 = arith.addf %select_n3A_563, %add3A_570 : vector<128x128xf32>
    %select_n3A_572 = arith.select %lt3A_568, %add3A_571, %select_n3A_563 : vector<128x128xi1>, vector<128x128xf32>
    %reduce_sum3A_573 = arith.constant dense<0.000000e+00> : vector<128xf32>
    %reduce_sum3A_574 = vector.multi_reduction <add>, %select_n3A_572, %reduce_sum3A_573 [0] : vector<128x128xf32> to vector<128xf32>
    %broadcast_in_dim3A_575 = vector.shape_cast %reduce_sum3A_574 : vector<128xf32> to vector<1x128xf32>
    %convert_element_type3A_576 = arith.fptosi %broadcast_in_dim3A_575 : vector<1x128xf32> to vector<1x128xi32>
    %swap3A_577 = arith.constant 0 : index
    %swap3A_578 = arith.constant 0 : index
    %swap3A_579 = arith.constant 128 : index
    %swap3A_580 = vector.load %arg2[%swap3A_577, %swap3A_578, %swap3A_579] : memref<1x1x2432xi32, #tpu.memory_space<vmem>>, vector<1x1x128xi32>
    %swap3A_581 = vector.shape_cast %swap3A_580 : vector<1x1x128xi32> to vector<1x128xi32>
    %swap3A_582 = vector.shape_cast %convert_element_type3A_576 : vector<1x128xi32> to vector<1x1x128xi32>
    tpu.vector_store %arg2[%swap3A_577, %swap3A_578, %swap3A_579], %swap3A_582 {strides = array<i32>} : memref<1x1x2432xi32, #tpu.memory_space<vmem>>, vector<1x1x128xi32>,
    %get3A_583 = arith.constant 0 : index
    %get3A_584 = arith.constant 0 : index
    %get3A_585 = arith.constant 256 : index
    %get3A_586 = vector.load %arg1[%get3A_583, %get3A_584, %get3A_585] : memref<1x1x2432xf32, #tpu.memory_space<vmem>>, vector<1x1x128xf32>
    %get3A_587 = vector.shape_cast %get3A_586 : vector<1x1x128xf32> to vector<1x128xf32>
    %broadcast_in_dim3A_588 = arith.constant 0.000000e+00 : f32
    %broadcast_in_dim3A_589 = vector.broadcast %broadcast_in_dim3A_588 : f32 to vector<128x128xf32>
    %get3A_590 = arith.constant 0 : index
    %get3A_591 = arith.constant 0 : index
    %get3A_592 = vector.load %arg3[%get3A_590, %get3A_591] : memref<2432x128xf32, #tpu.memory_space<vmem>>, vector<128x128xf32>
    %le3A_593 = vector.broadcast %get3A_587 : vector<1x128xf32> to vector<128x128xf32>
    %le3A_594 = arith.cmpf ole, %get3A_592, %le3A_593 : vector<128x128xf32>
    %add3A_595 = arith.constant 1.000000e+00 : f32
    %add3A_596 = vector.broadcast %add3A_595 : f32 to vector<128x128xf32>
    %add3A_597 = arith.addf %broadcast_in_dim3A_589, %add3A_596 : vector<128x128xf32>
    %select_n3A_598 = arith.select %le3A_594, %add3A_597, %broadcast_in_dim3A_589 : vector<128x128xi1>, vector<128x128xf32>
    %get3A_599 = arith.constant 128 : index
    %get3A_600 = arith.constant 0 : index
    %get3A_601 = vector.load %arg3[%get3A_599, %get3A_600] : memref<2432x128xf32, #tpu.memory_space<vmem>>, vector<128x128xf32>
    %le3A_602 = vector.broadcast %get3A_587 : vector<1x128xf32> to vector<128x128xf32>
    %le3A_603 = arith.cmpf ole, %get3A_601, %le3A_602 : vector<128x128xf32>
    %add3A_604 = arith.constant 1.000000e+00 : f32
    %add3A_605 = vector.broadcast %add3A_604 : f32 to vector<128x128xf32>
    %add3A_606 = arith.addf %select_n3A_598, %add3A_605 : vector<128x128xf32>
    %select_n3A_607 = arith.select %le3A_603, %add3A_606, %select_n3A_598 : vector<128x128xi1>, vector<128x128xf32>
    %get3A_608 = arith.constant 256 : index
    %get3A_609 = arith.constant 0 : index
    %get3A_610 = vector.load %arg3[%get3A_608, %get3A_609] : memref<2432x128xf32, #tpu.memory_space<vmem>>, vector<128x128xf32>
    %lt3A_611 = vector.broadcast %get3A_587 : vector<1x128xf32> to vector<128x128xf32>
    %lt3A_612 = arith.cmpf olt, %get3A_610, %lt3A_611 : vector<128x128xf32>
    %le3A_613 = vector.broadcast %get3A_587 : vector<1x128xf32> to vector<128x128xf32>
    %le3A_614 = arith.cmpf ole, %get3A_610, %le3A_613 : vector<128x128xf32>
    %and3A_615 = arith.andi %le3A_614, %lt3A : vector<128x128xi1>
    %or3A_616 = arith.ori %lt3A_612, %and3A_615 : vector<128x128xi1>
    %add3A_617 = arith.constant 1.000000e+00 : f32
    %add3A_618 = vector.broadcast %add3A_617 : f32 to vector<128x128xf32>
    %add3A_619 = arith.addf %select_n3A_607, %add3A_618 : vector<128x128xf32>
    %select_n3A_620 = arith.select %or3A_616, %add3A_619, %select_n3A_607 : vector<128x128xi1>, vector<128x128xf32>
    %get3A_621 = arith.constant 384 : index
    %get3A_622 = arith.constant 0 : index
    %get3A_623 = vector.load %arg3[%get3A_621, %get3A_622] : memref<2432x128xf32, #tpu.memory_space<vmem>>, vector<128x128xf32>
    %lt3A_624 = vector.broadcast %get3A_587 : vector<1x128xf32> to vector<128x128xf32>
    %lt3A_625 = arith.cmpf olt, %get3A_623, %lt3A_624 : vector<128x128xf32>
    %add3A_626 = arith.constant 1.000000e+00 : f32
    %add3A_627 = vector.broadcast %add3A_626 : f32 to vector<128x128xf32>
    %add3A_628 = arith.addf %select_n3A_620, %add3A_627 : vector<128x128xf32>
    %select_n3A_629 = arith.select %lt3A_625, %add3A_628, %select_n3A_620 : vector<128x128xi1>, vector<128x128xf32>
    %get3A_630 = arith.constant 512 : index
    %get3A_631 = arith.constant 0 : index
    %get3A_632 = vector.load %arg3[%get3A_630, %get3A_631] : memref<2432x128xf32, #tpu.memory_space<vmem>>, vector<128x128xf32>
    %lt3A_633 = vector.broadcast %get3A_587 : vector<1x128xf32> to vector<128x128xf32>
    %lt3A_634 = arith.cmpf olt, %get3A_632, %lt3A_633 : vector<128x128xf32>
    %add3A_635 = arith.constant 1.000000e+00 : f32
    %add3A_636 = vector.broadcast %add3A_635 : f32 to vector<128x128xf32>
    %add3A_637 = arith.addf %select_n3A_629, %add3A_636 : vector<128x128xf32>
    %select_n3A_638 = arith.select %lt3A_634, %add3A_637, %select_n3A_629 : vector<128x128xi1>, vector<128x128xf32>
    %get3A_639 = arith.constant 640 : index
    %get3A_640 = arith.constant 0 : index
    %get3A_641 = vector.load %arg3[%get3A_639, %get3A_640] : memref<2432x128xf32, #tpu.memory_space<vmem>>, vector<128x128xf32>
    %lt3A_642 = vector.broadcast %get3A_587 : vector<1x128xf32> to vector<128x128xf32>
    %lt3A_643 = arith.cmpf olt, %get3A_641, %lt3A_642 : vector<128x128xf32>
    %add3A_644 = arith.constant 1.000000e+00 : f32
    %add3A_645 = vector.broadcast %add3A_644 : f32 to vector<128x128xf32>
    %add3A_646 = arith.addf %select_n3A_638, %add3A_645 : vector<128x128xf32>
    %select_n3A_647 = arith.select %lt3A_643, %add3A_646, %select_n3A_638 : vector<128x128xi1>, vector<128x128xf32>
    %get3A_648 = arith.constant 768 : index
    %get3A_649 = arith.constant 0 : index
    %get3A_650 = vector.load %arg3[%get3A_648, %get3A_649] : memref<2432x128xf32, #tpu.memory_space<vmem>>, vector<128x128xf32>
    %lt3A_651 = vector.broadcast %get3A_587 : vector<1x128xf32> to vector<128x128xf32>
    %lt3A_652 = arith.cmpf olt, %get3A_650, %lt3A_651 : vector<128x128xf32>
    %add3A_653 = arith.constant 1.000000e+00 : f32
    %add3A_654 = vector.broadcast %add3A_653 : f32 to vector<128x128xf32>
    %add3A_655 = arith.addf %select_n3A_647, %add3A_654 : vector<128x128xf32>
    %select_n3A_656 = arith.select %lt3A_652, %add3A_655, %select_n3A_647 : vector<128x128xi1>, vector<128x128xf32>
    %get3A_657 = arith.constant 896 : index
    %get3A_658 = arith.constant 0 : index
    %get3A_659 = vector.load %arg3[%get3A_657, %get3A_658] : memref<2432x128xf32, #tpu.memory_space<vmem>>, vector<128x128xf32>
    %lt3A_660 = vector.broadcast %get3A_587 : vector<1x128xf32> to vector<128x128xf32>
    %lt3A_661 = arith.cmpf olt, %get3A_659, %lt3A_660 : vector<128x128xf32>
    %add3A_662 = arith.constant 1.000000e+00 : f32
    %add3A_663 = vector.broadcast %add3A_662 : f32 to vector<128x128xf32>
    %add3A_664 = arith.addf %select_n3A_656, %add3A_663 : vector<128x128xf32>
    %select_n3A_665 = arith.select %lt3A_661, %add3A_664, %select_n3A_656 : vector<128x128xi1>, vector<128x128xf32>
    %get3A_666 = arith.constant 1024 : index
    %get3A_667 = arith.constant 0 : index
    %get3A_668 = vector.load %arg3[%get3A_666, %get3A_667] : memref<2432x128xf32, #tpu.memory_space<vmem>>, vector<128x128xf32>
    %lt3A_669 = vector.broadcast %get3A_587 : vector<1x128xf32> to vector<128x128xf32>
    %lt3A_670 = arith.cmpf olt, %get3A_668, %lt3A_669 : vector<128x128xf32>
    %add3A_671 = arith.constant 1.000000e+00 : f32
    %add3A_672 = vector.broadcast %add3A_671 : f32 to vector<128x128xf32>
    %add3A_673 = arith.addf %select_n3A_665, %add3A_672 : vector<128x128xf32>
    %select_n3A_674 = arith.select %lt3A_670, %add3A_673, %select_n3A_665 : vector<128x128xi1>, vector<128x128xf32>
    %get3A_675 = arith.constant 1152 : index
    %get3A_676 = arith.constant 0 : index
    %get3A_677 = vector.load %arg3[%get3A_675, %get3A_676] : memref<2432x128xf32, #tpu.memory_space<vmem>>, vector<128x128xf32>
    %lt3A_678 = vector.broadcast %get3A_587 : vector<1x128xf32> to vector<128x128xf32>
    %lt3A_679 = arith.cmpf olt, %get3A_677, %lt3A_678 : vector<128x128xf32>
    %add3A_680 = arith.constant 1.000000e+00 : f32
    %add3A_681 = vector.broadcast %add3A_680 : f32 to vector<128x128xf32>
    %add3A_682 = arith.addf %select_n3A_674, %add3A_681 : vector<128x128xf32>
    %select_n3A_683 = arith.select %lt3A_679, %add3A_682, %select_n3A_674 : vector<128x128xi1>, vector<128x128xf32>
    %get3A_684 = arith.constant 1280 : index
    %get3A_685 = arith.constant 0 : index
    %get3A_686 = vector.load %arg3[%get3A_684, %get3A_685] : memref<2432x128xf32, #tpu.memory_space<vmem>>, vector<128x128xf32>
    %lt3A_687 = vector.broadcast %get3A_587 : vector<1x128xf32> to vector<128x128xf32>
    %lt3A_688 = arith.cmpf olt, %get3A_686, %lt3A_687 : vector<128x128xf32>
    %add3A_689 = arith.constant 1.000000e+00 : f32
    %add3A_690 = vector.broadcast %add3A_689 : f32 to vector<128x128xf32>
    %add3A_691 = arith.addf %select_n3A_683, %add3A_690 : vector<128x128xf32>
    %select_n3A_692 = arith.select %lt3A_688, %add3A_691, %select_n3A_683 : vector<128x128xi1>, vector<128x128xf32>
    %get3A_693 = arith.constant 1408 : index
    %get3A_694 = arith.constant 0 : index
    %get3A_695 = vector.load %arg3[%get3A_693, %get3A_694] : memref<2432x128xf32, #tpu.memory_space<vmem>>, vector<128x128xf32>
    %lt3A_696 = vector.broadcast %get3A_587 : vector<1x128xf32> to vector<128x128xf32>
    %lt3A_697 = arith.cmpf olt, %get3A_695, %lt3A_696 : vector<128x128xf32>
    %add3A_698 = arith.constant 1.000000e+00 : f32
    %add3A_699 = vector.broadcast %add3A_698 : f32 to vector<128x128xf32>
    %add3A_700 = arith.addf %select_n3A_692, %add3A_699 : vector<128x128xf32>
    %select_n3A_701 = arith.select %lt3A_697, %add3A_700, %select_n3A_692 : vector<128x128xi1>, vector<128x128xf32>
    %get3A_702 = arith.constant 1536 : index
    %get3A_703 = arith.constant 0 : index
    %get3A_704 = vector.load %arg3[%get3A_702, %get3A_703] : memref<2432x128xf32, #tpu.memory_space<vmem>>, vector<128x128xf32>
    %lt3A_705 = vector.broadcast %get3A_587 : vector<1x128xf32> to vector<128x128xf32>
    %lt3A_706 = arith.cmpf olt, %get3A_704, %lt3A_705 : vector<128x128xf32>
    %add3A_707 = arith.constant 1.000000e+00 : f32
    %add3A_708 = vector.broadcast %add3A_707 : f32 to vector<128x128xf32>
    %add3A_709 = arith.addf %select_n3A_701, %add3A_708 : vector<128x128xf32>
    %select_n3A_710 = arith.select %lt3A_706, %add3A_709, %select_n3A_701 : vector<128x128xi1>, vector<128x128xf32>
    %get3A_711 = arith.constant 1664 : index
    %get3A_712 = arith.constant 0 : index
    %get3A_713 = vector.load %arg3[%get3A_711, %get3A_712] : memref<2432x128xf32, #tpu.memory_space<vmem>>, vector<128x128xf32>
    %lt3A_714 = vector.broadcast %get3A_587 : vector<1x128xf32> to vector<128x128xf32>
    %lt3A_715 = arith.cmpf olt, %get3A_713, %lt3A_714 : vector<128x128xf32>
    %add3A_716 = arith.constant 1.000000e+00 : f32
    %add3A_717 = vector.broadcast %add3A_716 : f32 to vector<128x128xf32>
    %add3A_718 = arith.addf %select_n3A_710, %add3A_717 : vector<128x128xf32>
    %select_n3A_719 = arith.select %lt3A_715, %add3A_718, %select_n3A_710 : vector<128x128xi1>, vector<128x128xf32>
    %get3A_720 = arith.constant 1792 : index
    %get3A_721 = arith.constant 0 : index
    %get3A_722 = vector.load %arg3[%get3A_720, %get3A_721] : memref<2432x128xf32, #tpu.memory_space<vmem>>, vector<128x128xf32>
    %lt3A_723 = vector.broadcast %get3A_587 : vector<1x128xf32> to vector<128x128xf32>
    %lt3A_724 = arith.cmpf olt, %get3A_722, %lt3A_723 : vector<128x128xf32>
    %add3A_725 = arith.constant 1.000000e+00 : f32
    %add3A_726 = vector.broadcast %add3A_725 : f32 to vector<128x128xf32>
    %add3A_727 = arith.addf %select_n3A_719, %add3A_726 : vector<128x128xf32>
    %select_n3A_728 = arith.select %lt3A_724, %add3A_727, %select_n3A_719 : vector<128x128xi1>, vector<128x128xf32>
    %get3A_729 = arith.constant 1920 : index
    %get3A_730 = arith.constant 0 : index
    %get3A_731 = vector.load %arg3[%get3A_729, %get3A_730] : memref<2432x128xf32, #tpu.memory_space<vmem>>, vector<128x128xf32>
    %lt3A_732 = vector.broadcast %get3A_587 : vector<1x128xf32> to vector<128x128xf32>
    %lt3A_733 = arith.cmpf olt, %get3A_731, %lt3A_732 : vector<128x128xf32>
    %add3A_734 = arith.constant 1.000000e+00 : f32
    %add3A_735 = vector.broadcast %add3A_734 : f32 to vector<128x128xf32>
    %add3A_736 = arith.addf %select_n3A_728, %add3A_735 : vector<128x128xf32>
    %select_n3A_737 = arith.select %lt3A_733, %add3A_736, %select_n3A_728 : vector<128x128xi1>, vector<128x128xf32>
    %get3A_738 = arith.constant 2048 : index
    %get3A_739 = arith.constant 0 : index
    %get3A_740 = vector.load %arg3[%get3A_738, %get3A_739] : memref<2432x128xf32, #tpu.memory_space<vmem>>, vector<128x128xf32>
    %lt3A_741 = vector.broadcast %get3A_587 : vector<1x128xf32> to vector<128x128xf32>
    %lt3A_742 = arith.cmpf olt, %get3A_740, %lt3A_741 : vector<128x128xf32>
    %add3A_743 = arith.constant 1.000000e+00 : f32
    %add3A_744 = vector.broadcast %add3A_743 : f32 to vector<128x128xf32>
    %add3A_745 = arith.addf %select_n3A_737, %add3A_744 : vector<128x128xf32>
    %select_n3A_746 = arith.select %lt3A_742, %add3A_745, %select_n3A_737 : vector<128x128xi1>, vector<128x128xf32>
    %get3A_747 = arith.constant 2176 : index
    %get3A_748 = arith.constant 0 : index
    %get3A_749 = vector.load %arg3[%get3A_747, %get3A_748] : memref<2432x128xf32, #tpu.memory_space<vmem>>, vector<128x128xf32>
    %lt3A_750 = vector.broadcast %get3A_587 : vector<1x128xf32> to vector<128x128xf32>
    %lt3A_751 = arith.cmpf olt, %get3A_749, %lt3A_750 : vector<128x128xf32>
    %add3A_752 = arith.constant 1.000000e+00 : f32
    %add3A_753 = vector.broadcast %add3A_752 : f32 to vector<128x128xf32>
    %add3A_754 = arith.addf %select_n3A_746, %add3A_753 : vector<128x128xf32>
    %select_n3A_755 = arith.select %lt3A_751, %add3A_754, %select_n3A_746 : vector<128x128xi1>, vector<128x128xf32>
    %get3A_756 = arith.constant 2304 : index
    %get3A_757 = arith.constant 0 : index
    %get3A_758 = vector.load %arg3[%get3A_756, %get3A_757] : memref<2432x128xf32, #tpu.memory_space<vmem>>, vector<128x128xf32>
    %lt3A_759 = vector.broadcast %get3A_587 : vector<1x128xf32> to vector<128x128xf32>
    %lt3A_760 = arith.cmpf olt, %get3A_758, %lt3A_759 : vector<128x128xf32>
    %add3A_761 = arith.constant 1.000000e+00 : f32
    %add3A_762 = vector.broadcast %add3A_761 : f32 to vector<128x128xf32>
    %add3A_763 = arith.addf %select_n3A_755, %add3A_762 : vector<128x128xf32>
    %select_n3A_764 = arith.select %lt3A_760, %add3A_763, %select_n3A_755 : vector<128x128xi1>, vector<128x128xf32>
    %reduce_sum3A_765 = arith.constant dense<0.000000e+00> : vector<128xf32>
    %reduce_sum3A_766 = vector.multi_reduction <add>, %select_n3A_764, %reduce_sum3A_765 [0] : vector<128x128xf32> to vector<128xf32>
    %broadcast_in_dim3A_767 = vector.shape_cast %reduce_sum3A_766 : vector<128xf32> to vector<1x128xf32>
    %convert_element_type3A_768 = arith.fptosi %broadcast_in_dim3A_767 : vector<1x128xf32> to vector<1x128xi32>
    %swap3A_769 = arith.constant 0 : index
    %swap3A_770 = arith.constant 0 : index
    %swap3A_771 = arith.constant 256 : index
    %swap3A_772 = vector.load %arg2[%swap3A_769, %swap3A_770, %swap3A_771] : memref<1x1x2432xi32, #tpu.memory_space<vmem>>, vector<1x1x128xi32>
    %swap3A_773 = vector.shape_cast %swap3A_772 : vector<1x1x128xi32> to vector<1x128xi32>
    %swap3A_774 = vector.shape_cast %convert_element_type3A_768 : vector<1x128xi32> to vector<1x1x128xi32>
    tpu.vector_store %arg2[%swap3A_769, %swap3A_770, %swap3A_771], %swap3A_774 {strides = array<i32>} : memref<1x1x2432xi32, #tpu.memory_space<vmem>>, vector<1x1x128xi32>,
    %get3A_775 = arith.constant 0 : index
    %get3A_776 = arith.constant 0 : index
    %get3A_777 = arith.constant 384 : index
    %get3A_778 = vector.load %arg1[%get3A_775, %get3A_776, %get3A_777] : memref<1x1x2432xf32, #tpu.memory_space<vmem>>, vector<1x1x128xf32>
    %get3A_779 = vector.shape_cast %get3A_778 : vector<1x1x128xf32> to vector<1x128xf32>
    %broadcast_in_dim3A_780 = arith.constant 0.000000e+00 : f32
    %broadcast_in_dim3A_781 = vector.broadcast %broadcast_in_dim3A_780 : f32 to vector<128x128xf32>
    %get3A_782 = arith.constant 0 : index
    %get3A_783 = arith.constant 0 : index
    %get3A_784 = vector.load %arg3[%get3A_782, %get3A_783] : memref<2432x128xf32, #tpu.memory_space<vmem>>, vector<128x128xf32>
    %le3A_785 = vector.broadcast %get3A_779 : vector<1x128xf32> to vector<128x128xf32>
    %le3A_786 = arith.cmpf ole, %get3A_784, %le3A_785 : vector<128x128xf32>
    %add3A_787 = arith.constant 1.000000e+00 : f32
    %add3A_788 = vector.broadcast %add3A_787 : f32 to vector<128x128xf32>
    %add3A_789 = arith.addf %broadcast_in_dim3A_781, %add3A_788 : vector<128x128xf32>
    %select_n3A_790 = arith.select %le3A_786, %add3A_789, %broadcast_in_dim3A_781 : vector<128x128xi1>, vector<128x128xf32>
    %get3A_791 = arith.constant 128 : index
    %get3A_792 = arith.constant 0 : index
    %get3A_793 = vector.load %arg3[%get3A_791, %get3A_792] : memref<2432x128xf32, #tpu.memory_space<vmem>>, vector<128x128xf32>
    %le3A_794 = vector.broadcast %get3A_779 : vector<1x128xf32> to vector<128x128xf32>
    %le3A_795 = arith.cmpf ole, %get3A_793, %le3A_794 : vector<128x128xf32>
    %add3A_796 = arith.constant 1.000000e+00 : f32
    %add3A_797 = vector.broadcast %add3A_796 : f32 to vector<128x128xf32>
    %add3A_798 = arith.addf %select_n3A_790, %add3A_797 : vector<128x128xf32>
    %select_n3A_799 = arith.select %le3A_795, %add3A_798, %select_n3A_790 : vector<128x128xi1>, vector<128x128xf32>
    %get3A_800 = arith.constant 256 : index
    %get3A_801 = arith.constant 0 : index
    %get3A_802 = vector.load %arg3[%get3A_800, %get3A_801] : memref<2432x128xf32, #tpu.memory_space<vmem>>, vector<128x128xf32>
    %le3A_803 = vector.broadcast %get3A_779 : vector<1x128xf32> to vector<128x128xf32>
    %le3A_804 = arith.cmpf ole, %get3A_802, %le3A_803 : vector<128x128xf32>
    %add3A_805 = arith.constant 1.000000e+00 : f32
    %add3A_806 = vector.broadcast %add3A_805 : f32 to vector<128x128xf32>
    %add3A_807 = arith.addf %select_n3A_799, %add3A_806 : vector<128x128xf32>
    %select_n3A_808 = arith.select %le3A_804, %add3A_807, %select_n3A_799 : vector<128x128xi1>, vector<128x128xf32>
    %get3A_809 = arith.constant 384 : index
    %get3A_810 = arith.constant 0 : index
    %get3A_811 = vector.load %arg3[%get3A_809, %get3A_810] : memref<2432x128xf32, #tpu.memory_space<vmem>>, vector<128x128xf32>
    %lt3A_812 = vector.broadcast %get3A_779 : vector<1x128xf32> to vector<128x128xf32>
    %lt3A_813 = arith.cmpf olt, %get3A_811, %lt3A_812 : vector<128x128xf32>
    %le3A_814 = vector.broadcast %get3A_779 : vector<1x128xf32> to vector<128x128xf32>
    %le3A_815 = arith.cmpf ole, %get3A_811, %le3A_814 : vector<128x128xf32>
    %and3A_816 = arith.andi %le3A_815, %lt3A : vector<128x128xi1>
    %or3A_817 = arith.ori %lt3A_813, %and3A_816 : vector<128x128xi1>
    %add3A_818 = arith.constant 1.000000e+00 : f32
    %add3A_819 = vector.broadcast %add3A_818 : f32 to vector<128x128xf32>
    %add3A_820 = arith.addf %select_n3A_808, %add3A_819 : vector<128x128xf32>
    %select_n3A_821 = arith.select %or3A_817, %add3A_820, %select_n3A_808 : vector<128x128xi1>, vector<128x128xf32>
    %get3A_822 = arith.constant 512 : index
    %get3A_823 = arith.constant 0 : index
    %get3A_824 = vector.load %arg3[%get3A_822, %get3A_823] : memref<2432x128xf32, #tpu.memory_space<vmem>>, vector<128x128xf32>
    %lt3A_825 = vector.broadcast %get3A_779 : vector<1x128xf32> to vector<128x128xf32>
    %lt3A_826 = arith.cmpf olt, %get3A_824, %lt3A_825 : vector<128x128xf32>
    %add3A_827 = arith.constant 1.000000e+00 : f32
    %add3A_828 = vector.broadcast %add3A_827 : f32 to vector<128x128xf32>
    %add3A_829 = arith.addf %select_n3A_821, %add3A_828 : vector<128x128xf32>
    %select_n3A_830 = arith.select %lt3A_826, %add3A_829, %select_n3A_821 : vector<128x128xi1>, vector<128x128xf32>
    %get3A_831 = arith.constant 640 : index
    %get3A_832 = arith.constant 0 : index
    %get3A_833 = vector.load %arg3[%get3A_831, %get3A_832] : memref<2432x128xf32, #tpu.memory_space<vmem>>, vector<128x128xf32>
    %lt3A_834 = vector.broadcast %get3A_779 : vector<1x128xf32> to vector<128x128xf32>
    %lt3A_835 = arith.cmpf olt, %get3A_833, %lt3A_834 : vector<128x128xf32>
    %add3A_836 = arith.constant 1.000000e+00 : f32
    %add3A_837 = vector.broadcast %add3A_836 : f32 to vector<128x128xf32>
    %add3A_838 = arith.addf %select_n3A_830, %add3A_837 : vector<128x128xf32>
    %select_n3A_839 = arith.select %lt3A_835, %add3A_838, %select_n3A_830 : vector<128x128xi1>, vector<128x128xf32>
    %get3A_840 = arith.constant 768 : index
    %get3A_841 = arith.constant 0 : index
    %get3A_842 = vector.load %arg3[%get3A_840, %get3A_841] : memref<2432x128xf32, #tpu.memory_space<vmem>>, vector<128x128xf32>
    %lt3A_843 = vector.broadcast %get3A_779 : vector<1x128xf32> to vector<128x128xf32>
    %lt3A_844 = arith.cmpf olt, %get3A_842, %lt3A_843 : vector<128x128xf32>
    %add3A_845 = arith.constant 1.000000e+00 : f32
    %add3A_846 = vector.broadcast %add3A_845 : f32 to vector<128x128xf32>
    %add3A_847 = arith.addf %select_n3A_839, %add3A_846 : vector<128x128xf32>
    %select_n3A_848 = arith.select %lt3A_844, %add3A_847, %select_n3A_839 : vector<128x128xi1>, vector<128x128xf32>
    %get3A_849 = arith.constant 896 : index
    %get3A_850 = arith.constant 0 : index
    %get3A_851 = vector.load %arg3[%get3A_849, %get3A_850] : memref<2432x128xf32, #tpu.memory_space<vmem>>, vector<128x128xf32>
    %lt3A_852 = vector.broadcast %get3A_779 : vector<1x128xf32> to vector<128x128xf32>
    %lt3A_853 = arith.cmpf olt, %get3A_851, %lt3A_852 : vector<128x128xf32>
    %add3A_854 = arith.constant 1.000000e+00 : f32
    %add3A_855 = vector.broadcast %add3A_854 : f32 to vector<128x128xf32>
    %add3A_856 = arith.addf %select_n3A_848, %add3A_855 : vector<128x128xf32>
    %select_n3A_857 = arith.select %lt3A_853, %add3A_856, %select_n3A_848 : vector<128x128xi1>, vector<128x128xf32>
    %get3A_858 = arith.constant 1024 : index
    %get3A_859 = arith.constant 0 : index
    %get3A_860 = vector.load %arg3[%get3A_858, %get3A_859] : memref<2432x128xf32, #tpu.memory_space<vmem>>, vector<128x128xf32>
    %lt3A_861 = vector.broadcast %get3A_779 : vector<1x128xf32> to vector<128x128xf32>
    %lt3A_862 = arith.cmpf olt, %get3A_860, %lt3A_861 : vector<128x128xf32>
    %add3A_863 = arith.constant 1.000000e+00 : f32
    %add3A_864 = vector.broadcast %add3A_863 : f32 to vector<128x128xf32>
    %add3A_865 = arith.addf %select_n3A_857, %add3A_864 : vector<128x128xf32>
    %select_n3A_866 = arith.select %lt3A_862, %add3A_865, %select_n3A_857 : vector<128x128xi1>, vector<128x128xf32>
    %get3A_867 = arith.constant 1152 : index
    %get3A_868 = arith.constant 0 : index
    %get3A_869 = vector.load %arg3[%get3A_867, %get3A_868] : memref<2432x128xf32, #tpu.memory_space<vmem>>, vector<128x128xf32>
    %lt3A_870 = vector.broadcast %get3A_779 : vector<1x128xf32> to vector<128x128xf32>
    %lt3A_871 = arith.cmpf olt, %get3A_869, %lt3A_870 : vector<128x128xf32>
    %add3A_872 = arith.constant 1.000000e+00 : f32
    %add3A_873 = vector.broadcast %add3A_872 : f32 to vector<128x128xf32>
    %add3A_874 = arith.addf %select_n3A_866, %add3A_873 : vector<128x128xf32>
    %select_n3A_875 = arith.select %lt3A_871, %add3A_874, %select_n3A_866 : vector<128x128xi1>, vector<128x128xf32>
    %get3A_876 = arith.constant 1280 : index
    %get3A_877 = arith.constant 0 : index
    %get3A_878 = vector.load %arg3[%get3A_876, %get3A_877] : memref<2432x128xf32, #tpu.memory_space<vmem>>, vector<128x128xf32>
    %lt3A_879 = vector.broadcast %get3A_779 : vector<1x128xf32> to vector<128x128xf32>
    %lt3A_880 = arith.cmpf olt, %get3A_878, %lt3A_879 : vector<128x128xf32>
    %add3A_881 = arith.constant 1.000000e+00 : f32
    %add3A_882 = vector.broadcast %add3A_881 : f32 to vector<128x128xf32>
    %add3A_883 = arith.addf %select_n3A_875, %add3A_882 : vector<128x128xf32>
    %select_n3A_884 = arith.select %lt3A_880, %add3A_883, %select_n3A_875 : vector<128x128xi1>, vector<128x128xf32>
    %get3A_885 = arith.constant 1408 : index
    %get3A_886 = arith.constant 0 : index
    %get3A_887 = vector.load %arg3[%get3A_885, %get3A_886] : memref<2432x128xf32, #tpu.memory_space<vmem>>, vector<128x128xf32>
    %lt3A_888 = vector.broadcast %get3A_779 : vector<1x128xf32> to vector<128x128xf32>
    %lt3A_889 = arith.cmpf olt, %get3A_887, %lt3A_888 : vector<128x128xf32>
    %add3A_890 = arith.constant 1.000000e+00 : f32
    %add3A_891 = vector.broadcast %add3A_890 : f32 to vector<128x128xf32>
    %add3A_892 = arith.addf %select_n3A_884, %add3A_891 : vector<128x128xf32>
    %select_n3A_893 = arith.select %lt3A_889, %add3A_892, %select_n3A_884 : vector<128x128xi1>, vector<128x128xf32>
    %get3A_894 = arith.constant 1536 : index
    %get3A_895 = arith.constant 0 : index
    %get3A_896 = vector.load %arg3[%get3A_894, %get3A_895] : memref<2432x128xf32, #tpu.memory_space<vmem>>, vector<128x128xf32>
    %lt3A_897 = vector.broadcast %get3A_779 : vector<1x128xf32> to vector<128x128xf32>
    %lt3A_898 = arith.cmpf olt, %get3A_896, %lt3A_897 : vector<128x128xf32>
    %add3A_899 = arith.constant 1.000000e+00 : f32
    %add3A_900 = vector.broadcast %add3A_899 : f32 to vector<128x128xf32>
    %add3A_901 = arith.addf %select_n3A_893, %add3A_900 : vector<128x128xf32>
    %select_n3A_902 = arith.select %lt3A_898, %add3A_901, %select_n3A_893 : vector<128x128xi1>, vector<128x128xf32>
    %get3A_903 = arith.constant 1664 : index
    %get3A_904 = arith.constant 0 : index
    %get3A_905 = vector.load %arg3[%get3A_903, %get3A_904] : memref<2432x128xf32, #tpu.memory_space<vmem>>, vector<128x128xf32>
    %lt3A_906 = vector.broadcast %get3A_779 : vector<1x128xf32> to vector<128x128xf32>
    %lt3A_907 = arith.cmpf olt, %get3A_905, %lt3A_906 : vector<128x128xf32>
    %add3A_908 = arith.constant 1.000000e+00 : f32
    %add3A_909 = vector.broadcast %add3A_908 : f32 to vector<128x128xf32>
    %add3A_910 = arith.addf %select_n3A_902, %add3A_909 : vector<128x128xf32>
    %select_n3A_911 = arith.select %lt3A_907, %add3A_910, %select_n3A_902 : vector<128x128xi1>, vector<128x128xf32>
    %get3A_912 = arith.constant 1792 : index
    %get3A_913 = arith.constant 0 : index
    %get3A_914 = vector.load %arg3[%get3A_912, %get3A_913] : memref<2432x128xf32, #tpu.memory_space<vmem>>, vector<128x128xf32>
    %lt3A_915 = vector.broadcast %get3A_779 : vector<1x128xf32> to vector<128x128xf32>
    %lt3A_916 = arith.cmpf olt, %get3A_914, %lt3A_915 : vector<128x128xf32>
    %add3A_917 = arith.constant 1.000000e+00 : f32
    %add3A_918 = vector.broadcast %add3A_917 : f32 to vector<128x128xf32>
    %add3A_919 = arith.addf %select_n3A_911, %add3A_918 : vector<128x128xf32>
    %select_n3A_920 = arith.select %lt3A_916, %add3A_919, %select_n3A_911 : vector<128x128xi1>, vector<128x128xf32>
    %get3A_921 = arith.constant 1920 : index
    %get3A_922 = arith.constant 0 : index
    %get3A_923 = vector.load %arg3[%get3A_921, %get3A_922] : memref<2432x128xf32, #tpu.memory_space<vmem>>, vector<128x128xf32>
    %lt3A_924 = vector.broadcast %get3A_779 : vector<1x128xf32> to vector<128x128xf32>
    %lt3A_925 = arith.cmpf olt, %get3A_923, %lt3A_924 : vector<128x128xf32>
    %add3A_926 = arith.constant 1.000000e+00 : f32
    %add3A_927 = vector.broadcast %add3A_926 : f32 to vector<128x128xf32>
    %add3A_928 = arith.addf %select_n3A_920, %add3A_927 : vector<128x128xf32>
    %select_n3A_929 = arith.select %lt3A_925, %add3A_928, %select_n3A_920 : vector<128x128xi1>, vector<128x128xf32>
    %get3A_930 = arith.constant 2048 : index
    %get3A_931 = arith.constant 0 : index
    %get3A_932 = vector.load %arg3[%get3A_930, %get3A_931] : memref<2432x128xf32, #tpu.memory_space<vmem>>, vector<128x128xf32>
    %lt3A_933 = vector.broadcast %get3A_779 : vector<1x128xf32> to vector<128x128xf32>
    %lt3A_934 = arith.cmpf olt, %get3A_932, %lt3A_933 : vector<128x128xf32>
    %add3A_935 = arith.constant 1.000000e+00 : f32
    %add3A_936 = vector.broadcast %add3A_935 : f32 to vector<128x128xf32>
    %add3A_937 = arith.addf %select_n3A_929, %add3A_936 : vector<128x128xf32>
    %select_n3A_938 = arith.select %lt3A_934, %add3A_937, %select_n3A_929 : vector<128x128xi1>, vector<128x128xf32>
    %get3A_939 = arith.constant 2176 : index
    %get3A_940 = arith.constant 0 : index
    %get3A_941 = vector.load %arg3[%get3A_939, %get3A_940] : memref<2432x128xf32, #tpu.memory_space<vmem>>, vector<128x128xf32>
    %lt3A_942 = vector.broadcast %get3A_779 : vector<1x128xf32> to vector<128x128xf32>
    %lt3A_943 = arith.cmpf olt, %get3A_941, %lt3A_942 : vector<128x128xf32>
    %add3A_944 = arith.constant 1.000000e+00 : f32
    %add3A_945 = vector.broadcast %add3A_944 : f32 to vector<128x128xf32>
    %add3A_946 = arith.addf %select_n3A_938, %add3A_945 : vector<128x128xf32>
    %select_n3A_947 = arith.select %lt3A_943, %add3A_946, %select_n3A_938 : vector<128x128xi1>, vector<128x128xf32>
    %get3A_948 = arith.constant 2304 : index
    %get3A_949 = arith.constant 0 : index
    %get3A_950 = vector.load %arg3[%get3A_948, %get3A_949] : memref<2432x128xf32, #tpu.memory_space<vmem>>, vector<128x128xf32>
    %lt3A_951 = vector.broadcast %get3A_779 : vector<1x128xf32> to vector<128x128xf32>
    %lt3A_952 = arith.cmpf olt, %get3A_950, %lt3A_951 : vector<128x128xf32>
    %add3A_953 = arith.constant 1.000000e+00 : f32
    %add3A_954 = vector.broadcast %add3A_953 : f32 to vector<128x128xf32>
    %add3A_955 = arith.addf %select_n3A_947, %add3A_954 : vector<128x128xf32>
    %select_n3A_956 = arith.select %lt3A_952, %add3A_955, %select_n3A_947 : vector<128x128xi1>, vector<128x128xf32>
    %reduce_sum3A_957 = arith.constant dense<0.000000e+00> : vector<128xf32>
    %reduce_sum3A_958 = vector.multi_reduction <add>, %select_n3A_956, %reduce_sum3A_957 [0] : vector<128x128xf32> to vector<128xf32>
    %broadcast_in_dim3A_959 = vector.shape_cast %reduce_sum3A_958 : vector<128xf32> to vector<1x128xf32>
    %convert_element_type3A_960 = arith.fptosi %broadcast_in_dim3A_959 : vector<1x128xf32> to vector<1x128xi32>
    %swap3A_961 = arith.constant 0 : index
    %swap3A_962 = arith.constant 0 : index
    %swap3A_963 = arith.constant 384 : index
    %swap3A_964 = vector.load %arg2[%swap3A_961, %swap3A_962, %swap3A_963] : memref<1x1x2432xi32, #tpu.memory_space<vmem>>, vector<1x1x128xi32>
    %swap3A_965 = vector.shape_cast %swap3A_964 : vector<1x1x128xi32> to vector<1x128xi32>
    %swap3A_966 = vector.shape_cast %convert_element_type3A_960 : vector<1x128xi32> to vector<1x1x128xi32>
    tpu.vector_store %arg2[%swap3A_961, %swap3A_962, %swap3A_963], %swap3A_966 {strides = array<i32>} : memref<1x1x2432xi32, #tpu.memory_space<vmem>>, vector<1x1x128xi32>,
    %get3A_967 = arith.constant 0 : index
    %get3A_968 = arith.constant 0 : index
    %get3A_969 = arith.constant 512 : index
    %get3A_970 = vector.load %arg1[%get3A_967, %get3A_968, %get3A_969] : memref<1x1x2432xf32, #tpu.memory_space<vmem>>, vector<1x1x128xf32>
    %get3A_971 = vector.shape_cast %get3A_970 : vector<1x1x128xf32> to vector<1x128xf32>
    %broadcast_in_dim3A_972 = arith.constant 0.000000e+00 : f32
    %broadcast_in_dim3A_973 = vector.broadcast %broadcast_in_dim3A_972 : f32 to vector<128x128xf32>
    %get3A_974 = arith.constant 0 : index
    %get3A_975 = arith.constant 0 : index
    %get3A_976 = vector.load %arg3[%get3A_974, %get3A_975] : memref<2432x128xf32, #tpu.memory_space<vmem>>, vector<128x128xf32>
    %le3A_977 = vector.broadcast %get3A_971 : vector<1x128xf32> to vector<128x128xf32>
    %le3A_978 = arith.cmpf ole, %get3A_976, %le3A_977 : vector<128x128xf32>
    %add3A_979 = arith.constant 1.000000e+00 : f32
    %add3A_980 = vector.broadcast %add3A_979 : f32 to vector<128x128xf32>
    %add3A_981 = arith.addf %broadcast_in_dim3A_973, %add3A_980 : vector<128x128xf32>
    %select_n3A_982 = arith.select %le3A_978, %add3A_981, %broadcast_in_dim3A_973 : vector<128x128xi1>, vector<128x128xf32>
    %get3A_983 = arith.constant 128 : index
    %get3A_984 = arith.constant 0 : index
    %get3A_985 = vector.load %arg3[%get3A_983, %get3A_984] : memref<2432x128xf32, #tpu.memory_space<vmem>>, vector<128x128xf32>
    %le3A_986 = vector.broadcast %get3A_971 : vector<1x128xf32> to vector<128x128xf32>
    %le3A_987 = arith.cmpf ole, %get3A_985, %le3A_986 : vector<128x128xf32>
    %add3A_988 = arith.constant 1.000000e+00 : f32
    %add3A_989 = vector.broadcast %add3A_988 : f32 to vector<128x128xf32>
    %add3A_990 = arith.addf %select_n3A_982, %add3A_989 : vector<128x128xf32>
    %select_n3A_991 = arith.select %le3A_987, %add3A_990, %select_n3A_982 : vector<128x128xi1>, vector<128x128xf32>
    %get3A_992 = arith.constant 256 : index
    %get3A_993 = arith.constant 0 : index
    %get3A_994 = vector.load %arg3[%get3A_992, %get3A_993] : memref<2432x128xf32, #tpu.memory_space<vmem>>, vector<128x128xf32>
    %le3A_995 = vector.broadcast %get3A_971 : vector<1x128xf32> to vector<128x128xf32>
    %le3A_996 = arith.cmpf ole, %get3A_994, %le3A_995 : vector<128x128xf32>
    %add3A_997 = arith.constant 1.000000e+00 : f32
    %add3A_998 = vector.broadcast %add3A_997 : f32 to vector<128x128xf32>
    %add3A_999 = arith.addf %select_n3A_991, %add3A_998 : vector<128x128xf32>
    %select_n3A_1000 = arith.select %le3A_996, %add3A_999, %select_n3A_991 : vector<128x128xi1>, vector<128x128xf32>
    %get3A_1001 = arith.constant 384 : index
    %get3A_1002 = arith.constant 0 : index
    %get3A_1003 = vector.load %arg3[%get3A_1001, %get3A_1002] : memref<2432x128xf32, #tpu.memory_space<vmem>>, vector<128x128xf32>
    %le3A_1004 = vector.broadcast %get3A_971 : vector<1x128xf32> to vector<128x128xf32>
    %le3A_1005 = arith.cmpf ole, %get3A_1003, %le3A_1004 : vector<128x128xf32>
    %add3A_1006 = arith.constant 1.000000e+00 : f32
    %add3A_1007 = vector.broadcast %add3A_1006 : f32 to vector<128x128xf32>
    %add3A_1008 = arith.addf %select_n3A_1000, %add3A_1007 : vector<128x128xf32>
    %select_n3A_1009 = arith.select %le3A_1005, %add3A_1008, %select_n3A_1000 : vector<128x128xi1>, vector<128x128xf32>
    %get3A_1010 = arith.constant 512 : index
    %get3A_1011 = arith.constant 0 : index
    %get3A_1012 = vector.load %arg3[%get3A_1010, %get3A_1011] : memref<2432x128xf32, #tpu.memory_space<vmem>>, vector<128x128xf32>
    %lt3A_1013 = vector.broadcast %get3A_971 : vector<1x128xf32> to vector<128x128xf32>
    %lt3A_1014 = arith.cmpf olt, %get3A_1012, %lt3A_1013 : vector<128x128xf32>
    %le3A_1015 = vector.broadcast %get3A_971 : vector<1x128xf32> to vector<128x128xf32>
    %le3A_1016 = arith.cmpf ole, %get3A_1012, %le3A_1015 : vector<128x128xf32>
    %and3A_1017 = arith.andi %le3A_1016, %lt3A : vector<128x128xi1>
    %or3A_1018 = arith.ori %lt3A_1014, %and3A_1017 : vector<128x128xi1>
    %add3A_1019 = arith.constant 1.000000e+00 : f32
    %add3A_1020 = vector.broadcast %add3A_1019 : f32 to vector<128x128xf32>
    %add3A_1021 = arith.addf %select_n3A_1009, %add3A_1020 : vector<128x128xf32>
    %select_n3A_1022 = arith.select %or3A_1018, %add3A_1021, %select_n3A_1009 : vector<128x128xi1>, vector<128x128xf32>
    %get3A_1023 = arith.constant 640 : index
    %get3A_1024 = arith.constant 0 : index
    %get3A_1025 = vector.load %arg3[%get3A_1023, %get3A_1024] : memref<2432x128xf32, #tpu.memory_space<vmem>>, vector<128x128xf32>
    %lt3A_1026 = vector.broadcast %get3A_971 : vector<1x128xf32> to vector<128x128xf32>
    %lt3A_1027 = arith.cmpf olt, %get3A_1025, %lt3A_1026 : vector<128x128xf32>
    %add3A_1028 = arith.constant 1.000000e+00 : f32
    %add3A_1029 = vector.broadcast %add3A_1028 : f32 to vector<128x128xf32>
    %add3A_1030 = arith.addf %select_n3A_1022, %add3A_1029 : vector<128x128xf32>
    %select_n3A_1031 = arith.select %lt3A_1027, %add3A_1030, %select_n3A_1022 : vector<128x128xi1>, vector<128x128xf32>
    %get3A_1032 = arith.constant 768 : index
    %get3A_1033 = arith.constant 0 : index
    %get3A_1034 = vector.load %arg3[%get3A_1032, %get3A_1033] : memref<2432x128xf32, #tpu.memory_space<vmem>>, vector<128x128xf32>
    %lt3A_1035 = vector.broadcast %get3A_971 : vector<1x128xf32> to vector<128x128xf32>
    %lt3A_1036 = arith.cmpf olt, %get3A_1034, %lt3A_1035 : vector<128x128xf32>
    %add3A_1037 = arith.constant 1.000000e+00 : f32
    %add3A_1038 = vector.broadcast %add3A_1037 : f32 to vector<128x128xf32>
    %add3A_1039 = arith.addf %select_n3A_1031, %add3A_1038 : vector<128x128xf32>
    %select_n3A_1040 = arith.select %lt3A_1036, %add3A_1039, %select_n3A_1031 : vector<128x128xi1>, vector<128x128xf32>
    %get3A_1041 = arith.constant 896 : index
    %get3A_1042 = arith.constant 0 : index
    %get3A_1043 = vector.load %arg3[%get3A_1041, %get3A_1042] : memref<2432x128xf32, #tpu.memory_space<vmem>>, vector<128x128xf32>
    %lt3A_1044 = vector.broadcast %get3A_971 : vector<1x128xf32> to vector<128x128xf32>
    %lt3A_1045 = arith.cmpf olt, %get3A_1043, %lt3A_1044 : vector<128x128xf32>
    %add3A_1046 = arith.constant 1.000000e+00 : f32
    %add3A_1047 = vector.broadcast %add3A_1046 : f32 to vector<128x128xf32>
    %add3A_1048 = arith.addf %select_n3A_1040, %add3A_1047 : vector<128x128xf32>
    %select_n3A_1049 = arith.select %lt3A_1045, %add3A_1048, %select_n3A_1040 : vector<128x128xi1>, vector<128x128xf32>
    %get3A_1050 = arith.constant 1024 : index
    %get3A_1051 = arith.constant 0 : index
    %get3A_1052 = vector.load %arg3[%get3A_1050, %get3A_1051] : memref<2432x128xf32, #tpu.memory_space<vmem>>, vector<128x128xf32>
    %lt3A_1053 = vector.broadcast %get3A_971 : vector<1x128xf32> to vector<128x128xf32>
    %lt3A_1054 = arith.cmpf olt, %get3A_1052, %lt3A_1053 : vector<128x128xf32>
    %add3A_1055 = arith.constant 1.000000e+00 : f32
    %add3A_1056 = vector.broadcast %add3A_1055 : f32 to vector<128x128xf32>
    %add3A_1057 = arith.addf %select_n3A_1049, %add3A_1056 : vector<128x128xf32>
    %select_n3A_1058 = arith.select %lt3A_1054, %add3A_1057, %select_n3A_1049 : vector<128x128xi1>, vector<128x128xf32>
    %get3A_1059 = arith.constant 1152 : index
    %get3A_1060 = arith.constant 0 : index
    %get3A_1061 = vector.load %arg3[%get3A_1059, %get3A_1060] : memref<2432x128xf32, #tpu.memory_space<vmem>>, vector<128x128xf32>
    %lt3A_1062 = vector.broadcast %get3A_971 : vector<1x128xf32> to vector<128x128xf32>
    %lt3A_1063 = arith.cmpf olt, %get3A_1061, %lt3A_1062 : vector<128x128xf32>
    %add3A_1064 = arith.constant 1.000000e+00 : f32
    %add3A_1065 = vector.broadcast %add3A_1064 : f32 to vector<128x128xf32>
    %add3A_1066 = arith.addf %select_n3A_1058, %add3A_1065 : vector<128x128xf32>
    %select_n3A_1067 = arith.select %lt3A_1063, %add3A_1066, %select_n3A_1058 : vector<128x128xi1>, vector<128x128xf32>
    %get3A_1068 = arith.constant 1280 : index
    %get3A_1069 = arith.constant 0 : index
    %get3A_1070 = vector.load %arg3[%get3A_1068, %get3A_1069] : memref<2432x128xf32, #tpu.memory_space<vmem>>, vector<128x128xf32>
    %lt3A_1071 = vector.broadcast %get3A_971 : vector<1x128xf32> to vector<128x128xf32>
    %lt3A_1072 = arith.cmpf olt, %get3A_1070, %lt3A_1071 : vector<128x128xf32>
    %add3A_1073 = arith.constant 1.000000e+00 : f32
    %add3A_1074 = vector.broadcast %add3A_1073 : f32 to vector<128x128xf32>
    %add3A_1075 = arith.addf %select_n3A_1067, %add3A_1074 : vector<128x128xf32>
    %select_n3A_1076 = arith.select %lt3A_1072, %add3A_1075, %select_n3A_1067 : vector<128x128xi1>, vector<128x128xf32>
    %get3A_1077 = arith.constant 1408 : index
    %get3A_1078 = arith.constant 0 : index
    %get3A_1079 = vector.load %arg3[%get3A_1077, %get3A_1078] : memref<2432x128xf32, #tpu.memory_space<vmem>>, vector<128x128xf32>
    %lt3A_1080 = vector.broadcast %get3A_971 : vector<1x128xf32> to vector<128x128xf32>
    %lt3A_1081 = arith.cmpf olt, %get3A_1079, %lt3A_1080 : vector<128x128xf32>
    %add3A_1082 = arith.constant 1.000000e+00 : f32
    %add3A_1083 = vector.broadcast %add3A_1082 : f32 to vector<128x128xf32>
    %add3A_1084 = arith.addf %select_n3A_1076, %add3A_1083 : vector<128x128xf32>
    %select_n3A_1085 = arith.select %lt3A_1081, %add3A_1084, %select_n3A_1076 : vector<128x128xi1>, vector<128x128xf32>
    %get3A_1086 = arith.constant 1536 : index
    %get3A_1087 = arith.constant 0 : index
    %get3A_1088 = vector.load %arg3[%get3A_1086, %get3A_1087] : memref<2432x128xf32, #tpu.memory_space<vmem>>, vector<128x128xf32>
    %lt3A_1089 = vector.broadcast %get3A_971 : vector<1x128xf32> to vector<128x128xf32>
    %lt3A_1090 = arith.cmpf olt, %get3A_1088, %lt3A_1089 : vector<128x128xf32>
    %add3A_1091 = arith.constant 1.000000e+00 : f32
    %add3A_1092 = vector.broadcast %add3A_1091 : f32 to vector<128x128xf32>
    %add3A_1093 = arith.addf %select_n3A_1085, %add3A_1092 : vector<128x128xf32>
    %select_n3A_1094 = arith.select %lt3A_1090, %add3A_1093, %select_n3A_1085 : vector<128x128xi1>, vector<128x128xf32>
    %get3A_1095 = arith.constant 1664 : index
    %get3A_1096 = arith.constant 0 : index
    %get3A_1097 = vector.load %arg3[%get3A_1095, %get3A_1096] : memref<2432x128xf32, #tpu.memory_space<vmem>>, vector<128x128xf32>
    %lt3A_1098 = vector.broadcast %get3A_971 : vector<1x128xf32> to vector<128x128xf32>
    %lt3A_1099 = arith.cmpf olt, %get3A_1097, %lt3A_1098 : vector<128x128xf32>
    %add3A_1100 = arith.constant 1.000000e+00 : f32
    %add3A_1101 = vector.broadcast %add3A_1100 : f32 to vector<128x128xf32>
    %add3A_1102 = arith.addf %select_n3A_1094, %add3A_1101 : vector<128x128xf32>
    %select_n3A_1103 = arith.select %lt3A_1099, %add3A_1102, %select_n3A_1094 : vector<128x128xi1>, vector<128x128xf32>
    %get3A_1104 = arith.constant 1792 : index
    %get3A_1105 = arith.constant 0 : index
    %get3A_1106 = vector.load %arg3[%get3A_1104, %get3A_1105] : memref<2432x128xf32, #tpu.memory_space<vmem>>, vector<128x128xf32>
    %lt3A_1107 = vector.broadcast %get3A_971 : vector<1x128xf32> to vector<128x128xf32>
    %lt3A_1108 = arith.cmpf olt, %get3A_1106, %lt3A_1107 : vector<128x128xf32>
    %add3A_1109 = arith.constant 1.000000e+00 : f32
    %add3A_1110 = vector.broadcast %add3A_1109 : f32 to vector<128x128xf32>
    %add3A_1111 = arith.addf %select_n3A_1103, %add3A_1110 : vector<128x128xf32>
    %select_n3A_1112 = arith.select %lt3A_1108, %add3A_1111, %select_n3A_1103 : vector<128x128xi1>, vector<128x128xf32>
    %get3A_1113 = arith.constant 1920 : index
    %get3A_1114 = arith.constant 0 : index
    %get3A_1115 = vector.load %arg3[%get3A_1113, %get3A_1114] : memref<2432x128xf32, #tpu.memory_space<vmem>>, vector<128x128xf32>
    %lt3A_1116 = vector.broadcast %get3A_971 : vector<1x128xf32> to vector<128x128xf32>
    %lt3A_1117 = arith.cmpf olt, %get3A_1115, %lt3A_1116 : vector<128x128xf32>
    %add3A_1118 = arith.constant 1.000000e+00 : f32
    %add3A_1119 = vector.broadcast %add3A_1118 : f32 to vector<128x128xf32>
    %add3A_1120 = arith.addf %select_n3A_1112, %add3A_1119 : vector<128x128xf32>
    %select_n3A_1121 = arith.select %lt3A_1117, %add3A_1120, %select_n3A_1112 : vector<128x128xi1>, vector<128x128xf32>
    %get3A_1122 = arith.constant 2048 : index
    %get3A_1123 = arith.constant 0 : index
    %get3A_1124 = vector.load %arg3[%get3A_1122, %get3A_1123] : memref<2432x128xf32, #tpu.memory_space<vmem>>, vector<128x128xf32>
    %lt3A_1125 = vector.broadcast %get3A_971 : vector<1x128xf32> to vector<128x128xf32>
    %lt3A_1126 = arith.cmpf olt, %get3A_1124, %lt3A_1125 : vector<128x128xf32>
    %add3A_1127 = arith.constant 1.000000e+00 : f32
    %add3A_1128 = vector.broadcast %add3A_1127 : f32 to vector<128x128xf32>
    %add3A_1129 = arith.addf %select_n3A_1121, %add3A_1128 : vector<128x128xf32>
    %select_n3A_1130 = arith.select %lt3A_1126, %add3A_1129, %select_n3A_1121 : vector<128x128xi1>, vector<128x128xf32>
    %get3A_1131 = arith.constant 2176 : index
    %get3A_1132 = arith.constant 0 : index
    %get3A_1133 = vector.load %arg3[%get3A_1131, %get3A_1132] : memref<2432x128xf32, #tpu.memory_space<vmem>>, vector<128x128xf32>
    %lt3A_1134 = vector.broadcast %get3A_971 : vector<1x128xf32> to vector<128x128xf32>
    %lt3A_1135 = arith.cmpf olt, %get3A_1133, %lt3A_1134 : vector<128x128xf32>
    %add3A_1136 = arith.constant 1.000000e+00 : f32
    %add3A_1137 = vector.broadcast %add3A_1136 : f32 to vector<128x128xf32>
    %add3A_1138 = arith.addf %select_n3A_1130, %add3A_1137 : vector<128x128xf32>
    %select_n3A_1139 = arith.select %lt3A_1135, %add3A_1138, %select_n3A_1130 : vector<128x128xi1>, vector<128x128xf32>
    %get3A_1140 = arith.constant 2304 : index
    %get3A_1141 = arith.constant 0 : index
    %get3A_1142 = vector.load %arg3[%get3A_1140, %get3A_1141] : memref<2432x128xf32, #tpu.memory_space<vmem>>, vector<128x128xf32>
    %lt3A_1143 = vector.broadcast %get3A_971 : vector<1x128xf32> to vector<128x128xf32>
    %lt3A_1144 = arith.cmpf olt, %get3A_1142, %lt3A_1143 : vector<128x128xf32>
    %add3A_1145 = arith.constant 1.000000e+00 : f32
    %add3A_1146 = vector.broadcast %add3A_1145 : f32 to vector<128x128xf32>
    %add3A_1147 = arith.addf %select_n3A_1139, %add3A_1146 : vector<128x128xf32>
    %select_n3A_1148 = arith.select %lt3A_1144, %add3A_1147, %select_n3A_1139 : vector<128x128xi1>, vector<128x128xf32>
    %reduce_sum3A_1149 = arith.constant dense<0.000000e+00> : vector<128xf32>
    %reduce_sum3A_1150 = vector.multi_reduction <add>, %select_n3A_1148, %reduce_sum3A_1149 [0] : vector<128x128xf32> to vector<128xf32>
    %broadcast_in_dim3A_1151 = vector.shape_cast %reduce_sum3A_1150 : vector<128xf32> to vector<1x128xf32>
    %convert_element_type3A_1152 = arith.fptosi %broadcast_in_dim3A_1151 : vector<1x128xf32> to vector<1x128xi32>
    %swap3A_1153 = arith.constant 0 : index
    %swap3A_1154 = arith.constant 0 : index
    %swap3A_1155 = arith.constant 512 : index
    %swap3A_1156 = vector.load %arg2[%swap3A_1153, %swap3A_1154, %swap3A_1155] : memref<1x1x2432xi32, #tpu.memory_space<vmem>>, vector<1x1x128xi32>
    %swap3A_1157 = vector.shape_cast %swap3A_1156 : vector<1x1x128xi32> to vector<1x128xi32>
    %swap3A_1158 = vector.shape_cast %convert_element_type3A_1152 : vector<1x128xi32> to vector<1x1x128xi32>
    tpu.vector_store %arg2[%swap3A_1153, %swap3A_1154, %swap3A_1155], %swap3A_1158 {strides = array<i32>} : memref<1x1x2432xi32, #tpu.memory_space<vmem>>, vector<1x1x128xi32>,
    %get3A_1159 = arith.constant 0 : index
    %get3A_1160 = arith.constant 0 : index
    %get3A_1161 = arith.constant 640 : index
    %get3A_1162 = vector.load %arg1[%get3A_1159, %get3A_1160, %get3A_1161] : memref<1x1x2432xf32, #tpu.memory_space<vmem>>, vector<1x1x128xf32>
    %get3A_1163 = vector.shape_cast %get3A_1162 : vector<1x1x128xf32> to vector<1x128xf32>
    %broadcast_in_dim3A_1164 = arith.constant 0.000000e+00 : f32
    %broadcast_in_dim3A_1165 = vector.broadcast %broadcast_in_dim3A_1164 : f32 to vector<128x128xf32>
    %get3A_1166 = arith.constant 0 : index
    %get3A_1167 = arith.constant 0 : index
    %get3A_1168 = vector.load %arg3[%get3A_1166, %get3A_1167] : memref<2432x128xf32, #tpu.memory_space<vmem>>, vector<128x128xf32>
    %le3A_1169 = vector.broadcast %get3A_1163 : vector<1x128xf32> to vector<128x128xf32>
    %le3A_1170 = arith.cmpf ole, %get3A_1168, %le3A_1169 : vector<128x128xf32>
    %add3A_1171 = arith.constant 1.000000e+00 : f32
    %add3A_1172 = vector.broadcast %add3A_1171 : f32 to vector<128x128xf32>
    %add3A_1173 = arith.addf %broadcast_in_dim3A_1165, %add3A_1172 : vector<128x128xf32>
    %select_n3A_1174 = arith.select %le3A_1170, %add3A_1173, %broadcast_in_dim3A_1165 : vector<128x128xi1>, vector<128x128xf32>
    %get3A_1175 = arith.constant 128 : index
    %get3A_1176 = arith.constant 0 : index
    %get3A_1177 = vector.load %arg3[%get3A_1175, %get3A_1176] : memref<2432x128xf32, #tpu.memory_space<vmem>>, vector<128x128xf32>
    %le3A_1178 = vector.broadcast %get3A_1163 : vector<1x128xf32> to vector<128x128xf32>
    %le3A_1179 = arith.cmpf ole, %get3A_1177, %le3A_1178 : vector<128x128xf32>
    %add3A_1180 = arith.constant 1.000000e+00 : f32
    %add3A_1181 = vector.broadcast %add3A_1180 : f32 to vector<128x128xf32>
    %add3A_1182 = arith.addf %select_n3A_1174, %add3A_1181 : vector<128x128xf32>
    %select_n3A_1183 = arith.select %le3A_1179, %add3A_1182, %select_n3A_1174 : vector<128x128xi1>, vector<128x128xf32>
    %get3A_1184 = arith.constant 256 : index
    %get3A_1185 = arith.constant 0 : index
    %get3A_1186 = vector.load %arg3[%get3A_1184, %get3A_1185] : memref<2432x128xf32, #tpu.memory_space<vmem>>, vector<128x128xf32>
    %le3A_1187 = vector.broadcast %get3A_1163 : vector<1x128xf32> to vector<128x128xf32>
    %le3A_1188 = arith.cmpf ole, %get3A_1186, %le3A_1187 : vector<128x128xf32>
    %add3A_1189 = arith.constant 1.000000e+00 : f32
    %add3A_1190 = vector.broadcast %add3A_1189 : f32 to vector<128x128xf32>
    %add3A_1191 = arith.addf %select_n3A_1183, %add3A_1190 : vector<128x128xf32>
    %select_n3A_1192 = arith.select %le3A_1188, %add3A_1191, %select_n3A_1183 : vector<128x128xi1>, vector<128x128xf32>
    %get3A_1193 = arith.constant 384 : index
    %get3A_1194 = arith.constant 0 : index
    %get3A_1195 = vector.load %arg3[%get3A_1193, %get3A_1194] : memref<2432x128xf32, #tpu.memory_space<vmem>>, vector<128x128xf32>
    %le3A_1196 = vector.broadcast %get3A_1163 : vector<1x128xf32> to vector<128x128xf32>
    %le3A_1197 = arith.cmpf ole, %get3A_1195, %le3A_1196 : vector<128x128xf32>
    %add3A_1198 = arith.constant 1.000000e+00 : f32
    %add3A_1199 = vector.broadcast %add3A_1198 : f32 to vector<128x128xf32>
    %add3A_1200 = arith.addf %select_n3A_1192, %add3A_1199 : vector<128x128xf32>
    %select_n3A_1201 = arith.select %le3A_1197, %add3A_1200, %select_n3A_1192 : vector<128x128xi1>, vector<128x128xf32>
    %get3A_1202 = arith.constant 512 : index
    %get3A_1203 = arith.constant 0 : index
    %get3A_1204 = vector.load %arg3[%get3A_1202, %get3A_1203] : memref<2432x128xf32, #tpu.memory_space<vmem>>, vector<128x128xf32>
    %le3A_1205 = vector.broadcast %get3A_1163 : vector<1x128xf32> to vector<128x128xf32>
    %le3A_1206 = arith.cmpf ole, %get3A_1204, %le3A_1205 : vector<128x128xf32>
    %add3A_1207 = arith.constant 1.000000e+00 : f32
    %add3A_1208 = vector.broadcast %add3A_1207 : f32 to vector<128x128xf32>
    %add3A_1209 = arith.addf %select_n3A_1201, %add3A_1208 : vector<128x128xf32>
    %select_n3A_1210 = arith.select %le3A_1206, %add3A_1209, %select_n3A_1201 : vector<128x128xi1>, vector<128x128xf32>
    %get3A_1211 = arith.constant 640 : index
    %get3A_1212 = arith.constant 0 : index
    %get3A_1213 = vector.load %arg3[%get3A_1211, %get3A_1212] : memref<2432x128xf32, #tpu.memory_space<vmem>>, vector<128x128xf32>
    %lt3A_1214 = vector.broadcast %get3A_1163 : vector<1x128xf32> to vector<128x128xf32>
    %lt3A_1215 = arith.cmpf olt, %get3A_1213, %lt3A_1214 : vector<128x128xf32>
    %le3A_1216 = vector.broadcast %get3A_1163 : vector<1x128xf32> to vector<128x128xf32>
    %le3A_1217 = arith.cmpf ole, %get3A_1213, %le3A_1216 : vector<128x128xf32>
    %and3A_1218 = arith.andi %le3A_1217, %lt3A : vector<128x128xi1>
    %or3A_1219 = arith.ori %lt3A_1215, %and3A_1218 : vector<128x128xi1>
    %add3A_1220 = arith.constant 1.000000e+00 : f32
    %add3A_1221 = vector.broadcast %add3A_1220 : f32 to vector<128x128xf32>
    %add3A_1222 = arith.addf %select_n3A_1210, %add3A_1221 : vector<128x128xf32>
    %select_n3A_1223 = arith.select %or3A_1219, %add3A_1222, %select_n3A_1210 : vector<128x128xi1>, vector<128x128xf32>
    %get3A_1224 = arith.constant 768 : index
    %get3A_1225 = arith.constant 0 : index
    %get3A_1226 = vector.load %arg3[%get3A_1224, %get3A_1225] : memref<2432x128xf32, #tpu.memory_space<vmem>>, vector<128x128xf32>
    %lt3A_1227 = vector.broadcast %get3A_1163 : vector<1x128xf32> to vector<128x128xf32>
    %lt3A_1228 = arith.cmpf olt, %get3A_1226, %lt3A_1227 : vector<128x128xf32>
    %add3A_1229 = arith.constant 1.000000e+00 : f32
    %add3A_1230 = vector.broadcast %add3A_1229 : f32 to vector<128x128xf32>
    %add3A_1231 = arith.addf %select_n3A_1223, %add3A_1230 : vector<128x128xf32>
    %select_n3A_1232 = arith.select %lt3A_1228, %add3A_1231, %select_n3A_1223 : vector<128x128xi1>, vector<128x128xf32>
    %get3A_1233 = arith.constant 896 : index
    %get3A_1234 = arith.constant 0 : index
    %get3A_1235 = vector.load %arg3[%get3A_1233, %get3A_1234] : memref<2432x128xf32, #tpu.memory_space<vmem>>, vector<128x128xf32>
    %lt3A_1236 = vector.broadcast %get3A_1163 : vector<1x128xf32> to vector<128x128xf32>
    %lt3A_1237 = arith.cmpf olt, %get3A_1235, %lt3A_1236 : vector<128x128xf32>
    %add3A_1238 = arith.constant 1.000000e+00 : f32
    %add3A_1239 = vector.broadcast %add3A_1238 : f32 to vector<128x128xf32>
    %add3A_1240 = arith.addf %select_n3A_1232, %add3A_1239 : vector<128x128xf32>
    %select_n3A_1241 = arith.select %lt3A_1237, %add3A_1240, %select_n3A_1232 : vector<128x128xi1>, vector<128x128xf32>
    %get3A_1242 = arith.constant 1024 : index
    %get3A_1243 = arith.constant 0 : index
    %get3A_1244 = vector.load %arg3[%get3A_1242, %get3A_1243] : memref<2432x128xf32, #tpu.memory_space<vmem>>, vector<128x128xf32>
    %lt3A_1245 = vector.broadcast %get3A_1163 : vector<1x128xf32> to vector<128x128xf32>
    %lt3A_1246 = arith.cmpf olt, %get3A_1244, %lt3A_1245 : vector<128x128xf32>
    %add3A_1247 = arith.constant 1.000000e+00 : f32
    %add3A_1248 = vector.broadcast %add3A_1247 : f32 to vector<128x128xf32>
    %add3A_1249 = arith.addf %select_n3A_1241, %add3A_1248 : vector<128x128xf32>
    %select_n3A_1250 = arith.select %lt3A_1246, %add3A_1249, %select_n3A_1241 : vector<128x128xi1>, vector<128x128xf32>
    %get3A_1251 = arith.constant 1152 : index
    %get3A_1252 = arith.constant 0 : index
    %get3A_1253 = vector.load %arg3[%get3A_1251, %get3A_1252] : memref<2432x128xf32, #tpu.memory_space<vmem>>, vector<128x128xf32>
    %lt3A_1254 = vector.broadcast %get3A_1163 : vector<1x128xf32> to vector<128x128xf32>
    %lt3A_1255 = arith.cmpf olt, %get3A_1253, %lt3A_1254 : vector<128x128xf32>
    %add3A_1256 = arith.constant 1.000000e+00 : f32
    %add3A_1257 = vector.broadcast %add3A_1256 : f32 to vector<128x128xf32>
    %add3A_1258 = arith.addf %select_n3A_1250, %add3A_1257 : vector<128x128xf32>
    %select_n3A_1259 = arith.select %lt3A_1255, %add3A_1258, %select_n3A_1250 : vector<128x128xi1>, vector<128x128xf32>
    %get3A_1260 = arith.constant 1280 : index
    %get3A_1261 = arith.constant 0 : index
    %get3A_1262 = vector.load %arg3[%get3A_1260, %get3A_1261] : memref<2432x128xf32, #tpu.memory_space<vmem>>, vector<128x128xf32>
    %lt3A_1263 = vector.broadcast %get3A_1163 : vector<1x128xf32> to vector<128x128xf32>
    %lt3A_1264 = arith.cmpf olt, %get3A_1262, %lt3A_1263 : vector<128x128xf32>
    %add3A_1265 = arith.constant 1.000000e+00 : f32
    %add3A_1266 = vector.broadcast %add3A_1265 : f32 to vector<128x128xf32>
    %add3A_1267 = arith.addf %select_n3A_1259, %add3A_1266 : vector<128x128xf32>
    %select_n3A_1268 = arith.select %lt3A_1264, %add3A_1267, %select_n3A_1259 : vector<128x128xi1>, vector<128x128xf32>
    %get3A_1269 = arith.constant 1408 : index
    %get3A_1270 = arith.constant 0 : index
    %get3A_1271 = vector.load %arg3[%get3A_1269, %get3A_1270] : memref<2432x128xf32, #tpu.memory_space<vmem>>, vector<128x128xf32>
    %lt3A_1272 = vector.broadcast %get3A_1163 : vector<1x128xf32> to vector<128x128xf32>
    %lt3A_1273 = arith.cmpf olt, %get3A_1271, %lt3A_1272 : vector<128x128xf32>
    %add3A_1274 = arith.constant 1.000000e+00 : f32
    %add3A_1275 = vector.broadcast %add3A_1274 : f32 to vector<128x128xf32>
    %add3A_1276 = arith.addf %select_n3A_1268, %add3A_1275 : vector<128x128xf32>
    %select_n3A_1277 = arith.select %lt3A_1273, %add3A_1276, %select_n3A_1268 : vector<128x128xi1>, vector<128x128xf32>
    %get3A_1278 = arith.constant 1536 : index
    %get3A_1279 = arith.constant 0 : index
    %get3A_1280 = vector.load %arg3[%get3A_1278, %get3A_1279] : memref<2432x128xf32, #tpu.memory_space<vmem>>, vector<128x128xf32>
    %lt3A_1281 = vector.broadcast %get3A_1163 : vector<1x128xf32> to vector<128x128xf32>
    %lt3A_1282 = arith.cmpf olt, %get3A_1280, %lt3A_1281 : vector<128x128xf32>
    %add3A_1283 = arith.constant 1.000000e+00 : f32
    %add3A_1284 = vector.broadcast %add3A_1283 : f32 to vector<128x128xf32>
    %add3A_1285 = arith.addf %select_n3A_1277, %add3A_1284 : vector<128x128xf32>
    %select_n3A_1286 = arith.select %lt3A_1282, %add3A_1285, %select_n3A_1277 : vector<128x128xi1>, vector<128x128xf32>
    %get3A_1287 = arith.constant 1664 : index
    %get3A_1288 = arith.constant 0 : index
    %get3A_1289 = vector.load %arg3[%get3A_1287, %get3A_1288] : memref<2432x128xf32, #tpu.memory_space<vmem>>, vector<128x128xf32>
    %lt3A_1290 = vector.broadcast %get3A_1163 : vector<1x128xf32> to vector<128x128xf32>
    %lt3A_1291 = arith.cmpf olt, %get3A_1289, %lt3A_1290 : vector<128x128xf32>
    %add3A_1292 = arith.constant 1.000000e+00 : f32
    %add3A_1293 = vector.broadcast %add3A_1292 : f32 to vector<128x128xf32>
    %add3A_1294 = arith.addf %select_n3A_1286, %add3A_1293 : vector<128x128xf32>
    %select_n3A_1295 = arith.select %lt3A_1291, %add3A_1294, %select_n3A_1286 : vector<128x128xi1>, vector<128x128xf32>
    %get3A_1296 = arith.constant 1792 : index
    %get3A_1297 = arith.constant 0 : index
    %get3A_1298 = vector.load %arg3[%get3A_1296, %get3A_1297] : memref<2432x128xf32, #tpu.memory_space<vmem>>, vector<128x128xf32>
    %lt3A_1299 = vector.broadcast %get3A_1163 : vector<1x128xf32> to vector<128x128xf32>
    %lt3A_1300 = arith.cmpf olt, %get3A_1298, %lt3A_1299 : vector<128x128xf32>
    %add3A_1301 = arith.constant 1.000000e+00 : f32
    %add3A_1302 = vector.broadcast %add3A_1301 : f32 to vector<128x128xf32>
    %add3A_1303 = arith.addf %select_n3A_1295, %add3A_1302 : vector<128x128xf32>
    %select_n3A_1304 = arith.select %lt3A_1300, %add3A_1303, %select_n3A_1295 : vector<128x128xi1>, vector<128x128xf32>
    %get3A_1305 = arith.constant 1920 : index
    %get3A_1306 = arith.constant 0 : index
    %get3A_1307 = vector.load %arg3[%get3A_1305, %get3A_1306] : memref<2432x128xf32, #tpu.memory_space<vmem>>, vector<128x128xf32>
    %lt3A_1308 = vector.broadcast %get3A_1163 : vector<1x128xf32> to vector<128x128xf32>
    %lt3A_1309 = arith.cmpf olt, %get3A_1307, %lt3A_1308 : vector<128x128xf32>
    %add3A_1310 = arith.constant 1.000000e+00 : f32
    %add3A_1311 = vector.broadcast %add3A_1310 : f32 to vector<128x128xf32>
    %add3A_1312 = arith.addf %select_n3A_1304, %add3A_1311 : vector<128x128xf32>
    %select_n3A_1313 = arith.select %lt3A_1309, %add3A_1312, %select_n3A_1304 : vector<128x128xi1>, vector<128x128xf32>
    %get3A_1314 = arith.constant 2048 : index
    %get3A_1315 = arith.constant 0 : index
    %get3A_1316 = vector.load %arg3[%get3A_1314, %get3A_1315] : memref<2432x128xf32, #tpu.memory_space<vmem>>, vector<128x128xf32>
    %lt3A_1317 = vector.broadcast %get3A_1163 : vector<1x128xf32> to vector<128x128xf32>
    %lt3A_1318 = arith.cmpf olt, %get3A_1316, %lt3A_1317 : vector<128x128xf32>
    %add3A_1319 = arith.constant 1.000000e+00 : f32
    %add3A_1320 = vector.broadcast %add3A_1319 : f32 to vector<128x128xf32>
    %add3A_1321 = arith.addf %select_n3A_1313, %add3A_1320 : vector<128x128xf32>
    %select_n3A_1322 = arith.select %lt3A_1318, %add3A_1321, %select_n3A_1313 : vector<128x128xi1>, vector<128x128xf32>
    %get3A_1323 = arith.constant 2176 : index
    %get3A_1324 = arith.constant 0 : index
    %get3A_1325 = vector.load %arg3[%get3A_1323, %get3A_1324] : memref<2432x128xf32, #tpu.memory_space<vmem>>, vector<128x128xf32>
    %lt3A_1326 = vector.broadcast %get3A_1163 : vector<1x128xf32> to vector<128x128xf32>
    %lt3A_1327 = arith.cmpf olt, %get3A_1325, %lt3A_1326 : vector<128x128xf32>
    %add3A_1328 = arith.constant 1.000000e+00 : f32
    %add3A_1329 = vector.broadcast %add3A_1328 : f32 to vector<128x128xf32>
    %add3A_1330 = arith.addf %select_n3A_1322, %add3A_1329 : vector<128x128xf32>
    %select_n3A_1331 = arith.select %lt3A_1327, %add3A_1330, %select_n3A_1322 : vector<128x128xi1>, vector<128x128xf32>
    %get3A_1332 = arith.constant 2304 : index
    %get3A_1333 = arith.constant 0 : index
    %get3A_1334 = vector.load %arg3[%get3A_1332, %get3A_1333] : memref<2432x128xf32, #tpu.memory_space<vmem>>, vector<128x128xf32>
    %lt3A_1335 = vector.broadcast %get3A_1163 : vector<1x128xf32> to vector<128x128xf32>
    %lt3A_1336 = arith.cmpf olt, %get3A_1334, %lt3A_1335 : vector<128x128xf32>
    %add3A_1337 = arith.constant 1.000000e+00 : f32
    %add3A_1338 = vector.broadcast %add3A_1337 : f32 to vector<128x128xf32>
    %add3A_1339 = arith.addf %select_n3A_1331, %add3A_1338 : vector<128x128xf32>
    %select_n3A_1340 = arith.select %lt3A_1336, %add3A_1339, %select_n3A_1331 : vector<128x128xi1>, vector<128x128xf32>
    %reduce_sum3A_1341 = arith.constant dense<0.000000e+00> : vector<128xf32>
    %reduce_sum3A_1342 = vector.multi_reduction <add>, %select_n3A_1340, %reduce_sum3A_1341 [0] : vector<128x128xf32> to vector<128xf32>
    %broadcast_in_dim3A_1343 = vector.shape_cast %reduce_sum3A_1342 : vector<128xf32> to vector<1x128xf32>
    %convert_element_type3A_1344 = arith.fptosi %broadcast_in_dim3A_1343 : vector<1x128xf32> to vector<1x128xi32>
    %swap3A_1345 = arith.constant 0 : index
    %swap3A_1346 = arith.constant 0 : index
    %swap3A_1347 = arith.constant 640 : index
    %swap3A_1348 = vector.load %arg2[%swap3A_1345, %swap3A_1346, %swap3A_1347] : memref<1x1x2432xi32, #tpu.memory_space<vmem>>, vector<1x1x128xi32>
    %swap3A_1349 = vector.shape_cast %swap3A_1348 : vector<1x1x128xi32> to vector<1x128xi32>
    %swap3A_1350 = vector.shape_cast %convert_element_type3A_1344 : vector<1x128xi32> to vector<1x1x128xi32>
    tpu.vector_store %arg2[%swap3A_1345, %swap3A_1346, %swap3A_1347], %swap3A_1350 {strides = array<i32>} : memref<1x1x2432xi32, #tpu.memory_space<vmem>>, vector<1x1x128xi32>,
    %get3A_1351 = arith.constant 0 : index
    %get3A_1352 = arith.constant 0 : index
    %get3A_1353 = arith.constant 768 : index
    %get3A_1354 = vector.load %arg1[%get3A_1351, %get3A_1352, %get3A_1353] : memref<1x1x2432xf32, #tpu.memory_space<vmem>>, vector<1x1x128xf32>
    %get3A_1355 = vector.shape_cast %get3A_1354 : vector<1x1x128xf32> to vector<1x128xf32>
    %broadcast_in_dim3A_1356 = arith.constant 0.000000e+00 : f32
    %broadcast_in_dim3A_1357 = vector.broadcast %broadcast_in_dim3A_1356 : f32 to vector<128x128xf32>
    %get3A_1358 = arith.constant 0 : index
    %get3A_1359 = arith.constant 0 : index
    %get3A_1360 = vector.load %arg3[%get3A_1358, %get3A_1359] : memref<2432x128xf32, #tpu.memory_space<vmem>>, vector<128x128xf32>
    %le3A_1361 = vector.broadcast %get3A_1355 : vector<1x128xf32> to vector<128x128xf32>
    %le3A_1362 = arith.cmpf ole, %get3A_1360, %le3A_1361 : vector<128x128xf32>
    %add3A_1363 = arith.constant 1.000000e+00 : f32
    %add3A_1364 = vector.broadcast %add3A_1363 : f32 to vector<128x128xf32>
    %add3A_1365 = arith.addf %broadcast_in_dim3A_1357, %add3A_1364 : vector<128x128xf32>
    %select_n3A_1366 = arith.select %le3A_1362, %add3A_1365, %broadcast_in_dim3A_1357 : vector<128x128xi1>, vector<128x128xf32>
    %get3A_1367 = arith.constant 128 : index
    %get3A_1368 = arith.constant 0 : index
    %get3A_1369 = vector.load %arg3[%get3A_1367, %get3A_1368] : memref<2432x128xf32, #tpu.memory_space<vmem>>, vector<128x128xf32>
    %le3A_1370 = vector.broadcast %get3A_1355 : vector<1x128xf32> to vector<128x128xf32>
    %le3A_1371 = arith.cmpf ole, %get3A_1369, %le3A_1370 : vector<128x128xf32>
    %add3A_1372 = arith.constant 1.000000e+00 : f32
    %add3A_1373 = vector.broadcast %add3A_1372 : f32 to vector<128x128xf32>
    %add3A_1374 = arith.addf %select_n3A_1366, %add3A_1373 : vector<128x128xf32>
    %select_n3A_1375 = arith.select %le3A_1371, %add3A_1374, %select_n3A_1366 : vector<128x128xi1>, vector<128x128xf32>
    %get3A_1376 = arith.constant 256 : index
    %get3A_1377 = arith.constant 0 : index
    %get3A_1378 = vector.load %arg3[%get3A_1376, %get3A_1377] : memref<2432x128xf32, #tpu.memory_space<vmem>>, vector<128x128xf32>
    %le3A_1379 = vector.broadcast %get3A_1355 : vector<1x128xf32> to vector<128x128xf32>
    %le3A_1380 = arith.cmpf ole, %get3A_1378, %le3A_1379 : vector<128x128xf32>
    %add3A_1381 = arith.constant 1.000000e+00 : f32
    %add3A_1382 = vector.broadcast %add3A_1381 : f32 to vector<128x128xf32>
    %add3A_1383 = arith.addf %select_n3A_1375, %add3A_1382 : vector<128x128xf32>
    %select_n3A_1384 = arith.select %le3A_1380, %add3A_1383, %select_n3A_1375 : vector<128x128xi1>, vector<128x128xf32>
    %get3A_1385 = arith.constant 384 : index
    %get3A_1386 = arith.constant 0 : index
    %get3A_1387 = vector.load %arg3[%get3A_1385, %get3A_1386] : memref<2432x128xf32, #tpu.memory_space<vmem>>, vector<128x128xf32>
    %le3A_1388 = vector.broadcast %get3A_1355 : vector<1x128xf32> to vector<128x128xf32>
    %le3A_1389 = arith.cmpf ole, %get3A_1387, %le3A_1388 : vector<128x128xf32>
    %add3A_1390 = arith.constant 1.000000e+00 : f32
    %add3A_1391 = vector.broadcast %add3A_1390 : f32 to vector<128x128xf32>
    %add3A_1392 = arith.addf %select_n3A_1384, %add3A_1391 : vector<128x128xf32>
    %select_n3A_1393 = arith.select %le3A_1389, %add3A_1392, %select_n3A_1384 : vector<128x128xi1>, vector<128x128xf32>
    %get3A_1394 = arith.constant 512 : index
    %get3A_1395 = arith.constant 0 : index
    %get3A_1396 = vector.load %arg3[%get3A_1394, %get3A_1395] : memref<2432x128xf32, #tpu.memory_space<vmem>>, vector<128x128xf32>
    %le3A_1397 = vector.broadcast %get3A_1355 : vector<1x128xf32> to vector<128x128xf32>
    %le3A_1398 = arith.cmpf ole, %get3A_1396, %le3A_1397 : vector<128x128xf32>
    %add3A_1399 = arith.constant 1.000000e+00 : f32
    %add3A_1400 = vector.broadcast %add3A_1399 : f32 to vector<128x128xf32>
    %add3A_1401 = arith.addf %select_n3A_1393, %add3A_1400 : vector<128x128xf32>
    %select_n3A_1402 = arith.select %le3A_1398, %add3A_1401, %select_n3A_1393 : vector<128x128xi1>, vector<128x128xf32>
    %get3A_1403 = arith.constant 640 : index
    %get3A_1404 = arith.constant 0 : index
    %get3A_1405 = vector.load %arg3[%get3A_1403, %get3A_1404] : memref<2432x128xf32, #tpu.memory_space<vmem>>, vector<128x128xf32>
    %le3A_1406 = vector.broadcast %get3A_1355 : vector<1x128xf32> to vector<128x128xf32>
    %le3A_1407 = arith.cmpf ole, %get3A_1405, %le3A_1406 : vector<128x128xf32>
    %add3A_1408 = arith.constant 1.000000e+00 : f32
    %add3A_1409 = vector.broadcast %add3A_1408 : f32 to vector<128x128xf32>
    %add3A_1410 = arith.addf %select_n3A_1402, %add3A_1409 : vector<128x128xf32>
    %select_n3A_1411 = arith.select %le3A_1407, %add3A_1410, %select_n3A_1402 : vector<128x128xi1>, vector<128x128xf32>
    %get3A_1412 = arith.constant 768 : index
    %get3A_1413 = arith.constant 0 : index
    %get3A_1414 = vector.load %arg3[%get3A_1412, %get3A_1413] : memref<2432x128xf32, #tpu.memory_space<vmem>>, vector<128x128xf32>
    %lt3A_1415 = vector.broadcast %get3A_1355 : vector<1x128xf32> to vector<128x128xf32>
    %lt3A_1416 = arith.cmpf olt, %get3A_1414, %lt3A_1415 : vector<128x128xf32>
    %le3A_1417 = vector.broadcast %get3A_1355 : vector<1x128xf32> to vector<128x128xf32>
    %le3A_1418 = arith.cmpf ole, %get3A_1414, %le3A_1417 : vector<128x128xf32>
    %and3A_1419 = arith.andi %le3A_1418, %lt3A : vector<128x128xi1>
    %or3A_1420 = arith.ori %lt3A_1416, %and3A_1419 : vector<128x128xi1>
    %add3A_1421 = arith.constant 1.000000e+00 : f32
    %add3A_1422 = vector.broadcast %add3A_1421 : f32 to vector<128x128xf32>
    %add3A_1423 = arith.addf %select_n3A_1411, %add3A_1422 : vector<128x128xf32>
    %select_n3A_1424 = arith.select %or3A_1420, %add3A_1423, %select_n3A_1411 : vector<128x128xi1>, vector<128x128xf32>
    %get3A_1425 = arith.constant 896 : index
    %get3A_1426 = arith.constant 0 : index
    %get3A_1427 = vector.load %arg3[%get3A_1425, %get3A_1426] : memref<2432x128xf32, #tpu.memory_space<vmem>>, vector<128x128xf32>
    %lt3A_1428 = vector.broadcast %get3A_1355 : vector<1x128xf32> to vector<128x128xf32>
    %lt3A_1429 = arith.cmpf olt, %get3A_1427, %lt3A_1428 : vector<128x128xf32>
    %add3A_1430 = arith.constant 1.000000e+00 : f32
    %add3A_1431 = vector.broadcast %add3A_1430 : f32 to vector<128x128xf32>
    %add3A_1432 = arith.addf %select_n3A_1424, %add3A_1431 : vector<128x128xf32>
    %select_n3A_1433 = arith.select %lt3A_1429, %add3A_1432, %select_n3A_1424 : vector<128x128xi1>, vector<128x128xf32>
    %get3A_1434 = arith.constant 1024 : index
    %get3A_1435 = arith.constant 0 : index
    %get3A_1436 = vector.load %arg3[%get3A_1434, %get3A_1435] : memref<2432x128xf32, #tpu.memory_space<vmem>>, vector<128x128xf32>
    %lt3A_1437 = vector.broadcast %get3A_1355 : vector<1x128xf32> to vector<128x128xf32>
    %lt3A_1438 = arith.cmpf olt, %get3A_1436, %lt3A_1437 : vector<128x128xf32>
    %add3A_1439 = arith.constant 1.000000e+00 : f32
    %add3A_1440 = vector.broadcast %add3A_1439 : f32 to vector<128x128xf32>
    %add3A_1441 = arith.addf %select_n3A_1433, %add3A_1440 : vector<128x128xf32>
    %select_n3A_1442 = arith.select %lt3A_1438, %add3A_1441, %select_n3A_1433 : vector<128x128xi1>, vector<128x128xf32>
    %get3A_1443 = arith.constant 1152 : index
    %get3A_1444 = arith.constant 0 : index
    %get3A_1445 = vector.load %arg3[%get3A_1443, %get3A_1444] : memref<2432x128xf32, #tpu.memory_space<vmem>>, vector<128x128xf32>
    %lt3A_1446 = vector.broadcast %get3A_1355 : vector<1x128xf32> to vector<128x128xf32>
    %lt3A_1447 = arith.cmpf olt, %get3A_1445, %lt3A_1446 : vector<128x128xf32>
    %add3A_1448 = arith.constant 1.000000e+00 : f32
    %add3A_1449 = vector.broadcast %add3A_1448 : f32 to vector<128x128xf32>
    %add3A_1450 = arith.addf %select_n3A_1442, %add3A_1449 : vector<128x128xf32>
    %select_n3A_1451 = arith.select %lt3A_1447, %add3A_1450, %select_n3A_1442 : vector<128x128xi1>, vector<128x128xf32>
    %get3A_1452 = arith.constant 1280 : index
    %get3A_1453 = arith.constant 0 : index
    %get3A_1454 = vector.load %arg3[%get3A_1452, %get3A_1453] : memref<2432x128xf32, #tpu.memory_space<vmem>>, vector<128x128xf32>
    %lt3A_1455 = vector.broadcast %get3A_1355 : vector<1x128xf32> to vector<128x128xf32>
    %lt3A_1456 = arith.cmpf olt, %get3A_1454, %lt3A_1455 : vector<128x128xf32>
    %add3A_1457 = arith.constant 1.000000e+00 : f32
    %add3A_1458 = vector.broadcast %add3A_1457 : f32 to vector<128x128xf32>
    %add3A_1459 = arith.addf %select_n3A_1451, %add3A_1458 : vector<128x128xf32>
    %select_n3A_1460 = arith.select %lt3A_1456, %add3A_1459, %select_n3A_1451 : vector<128x128xi1>, vector<128x128xf32>
    %get3A_1461 = arith.constant 1408 : index
    %get3A_1462 = arith.constant 0 : index
    %get3A_1463 = vector.load %arg3[%get3A_1461, %get3A_1462] : memref<2432x128xf32, #tpu.memory_space<vmem>>, vector<128x128xf32>
    %lt3A_1464 = vector.broadcast %get3A_1355 : vector<1x128xf32> to vector<128x128xf32>
    %lt3A_1465 = arith.cmpf olt, %get3A_1463, %lt3A_1464 : vector<128x128xf32>
    %add3A_1466 = arith.constant 1.000000e+00 : f32
    %add3A_1467 = vector.broadcast %add3A_1466 : f32 to vector<128x128xf32>
    %add3A_1468 = arith.addf %select_n3A_1460, %add3A_1467 : vector<128x128xf32>
    %select_n3A_1469 = arith.select %lt3A_1465, %add3A_1468, %select_n3A_1460 : vector<128x128xi1>, vector<128x128xf32>
    %get3A_1470 = arith.constant 1536 : index
    %get3A_1471 = arith.constant 0 : index
    %get3A_1472 = vector.load %arg3[%get3A_1470, %get3A_1471] : memref<2432x128xf32, #tpu.memory_space<vmem>>, vector<128x128xf32>
    %lt3A_1473 = vector.broadcast %get3A_1355 : vector<1x128xf32> to vector<128x128xf32>
    %lt3A_1474 = arith.cmpf olt, %get3A_1472, %lt3A_1473 : vector<128x128xf32>
    %add3A_1475 = arith.constant 1.000000e+00 : f32
    %add3A_1476 = vector.broadcast %add3A_1475 : f32 to vector<128x128xf32>
    %add3A_1477 = arith.addf %select_n3A_1469, %add3A_1476 : vector<128x128xf32>
    %select_n3A_1478 = arith.select %lt3A_1474, %add3A_1477, %select_n3A_1469 : vector<128x128xi1>, vector<128x128xf32>
    %get3A_1479 = arith.constant 1664 : index
    %get3A_1480 = arith.constant 0 : index
    %get3A_1481 = vector.load %arg3[%get3A_1479, %get3A_1480] : memref<2432x128xf32, #tpu.memory_space<vmem>>, vector<128x128xf32>
    %lt3A_1482 = vector.broadcast %get3A_1355 : vector<1x128xf32> to vector<128x128xf32>
    %lt3A_1483 = arith.cmpf olt, %get3A_1481, %lt3A_1482 : vector<128x128xf32>
    %add3A_1484 = arith.constant 1.000000e+00 : f32
    %add3A_1485 = vector.broadcast %add3A_1484 : f32 to vector<128x128xf32>
    %add3A_1486 = arith.addf %select_n3A_1478, %add3A_1485 : vector<128x128xf32>
    %select_n3A_1487 = arith.select %lt3A_1483, %add3A_1486, %select_n3A_1478 : vector<128x128xi1>, vector<128x128xf32>
    %get3A_1488 = arith.constant 1792 : index
    %get3A_1489 = arith.constant 0 : index
    %get3A_1490 = vector.load %arg3[%get3A_1488, %get3A_1489] : memref<2432x128xf32, #tpu.memory_space<vmem>>, vector<128x128xf32>
    %lt3A_1491 = vector.broadcast %get3A_1355 : vector<1x128xf32> to vector<128x128xf32>
    %lt3A_1492 = arith.cmpf olt, %get3A_1490, %lt3A_1491 : vector<128x128xf32>
    %add3A_1493 = arith.constant 1.000000e+00 : f32
    %add3A_1494 = vector.broadcast %add3A_1493 : f32 to vector<128x128xf32>
    %add3A_1495 = arith.addf %select_n3A_1487, %add3A_1494 : vector<128x128xf32>
    %select_n3A_1496 = arith.select %lt3A_1492, %add3A_1495, %select_n3A_1487 : vector<128x128xi1>, vector<128x128xf32>
    %get3A_1497 = arith.constant 1920 : index
    %get3A_1498 = arith.constant 0 : index
    %get3A_1499 = vector.load %arg3[%get3A_1497, %get3A_1498] : memref<2432x128xf32, #tpu.memory_space<vmem>>, vector<128x128xf32>
    %lt3A_1500 = vector.broadcast %get3A_1355 : vector<1x128xf32> to vector<128x128xf32>
    %lt3A_1501 = arith.cmpf olt, %get3A_1499, %lt3A_1500 : vector<128x128xf32>
    %add3A_1502 = arith.constant 1.000000e+00 : f32
    %add3A_1503 = vector.broadcast %add3A_1502 : f32 to vector<128x128xf32>
    %add3A_1504 = arith.addf %select_n3A_1496, %add3A_1503 : vector<128x128xf32>
    %select_n3A_1505 = arith.select %lt3A_1501, %add3A_1504, %select_n3A_1496 : vector<128x128xi1>, vector<128x128xf32>
    %get3A_1506 = arith.constant 2048 : index
    %get3A_1507 = arith.constant 0 : index
    %get3A_1508 = vector.load %arg3[%get3A_1506, %get3A_1507] : memref<2432x128xf32, #tpu.memory_space<vmem>>, vector<128x128xf32>
    %lt3A_1509 = vector.broadcast %get3A_1355 : vector<1x128xf32> to vector<128x128xf32>
    %lt3A_1510 = arith.cmpf olt, %get3A_1508, %lt3A_1509 : vector<128x128xf32>
    %add3A_1511 = arith.constant 1.000000e+00 : f32
    %add3A_1512 = vector.broadcast %add3A_1511 : f32 to vector<128x128xf32>
    %add3A_1513 = arith.addf %select_n3A_1505, %add3A_1512 : vector<128x128xf32>
    %select_n3A_1514 = arith.select %lt3A_1510, %add3A_1513, %select_n3A_1505 : vector<128x128xi1>, vector<128x128xf32>
    %get3A_1515 = arith.constant 2176 : index
    %get3A_1516 = arith.constant 0 : index
    %get3A_1517 = vector.load %arg3[%get3A_1515, %get3A_1516] : memref<2432x128xf32, #tpu.memory_space<vmem>>, vector<128x128xf32>
    %lt3A_1518 = vector.broadcast %get3A_1355 : vector<1x128xf32> to vector<128x128xf32>
    %lt3A_1519 = arith.cmpf olt, %get3A_1517, %lt3A_1518 : vector<128x128xf32>
    %add3A_1520 = arith.constant 1.000000e+00 : f32
    %add3A_1521 = vector.broadcast %add3A_1520 : f32 to vector<128x128xf32>
    %add3A_1522 = arith.addf %select_n3A_1514, %add3A_1521 : vector<128x128xf32>
    %select_n3A_1523 = arith.select %lt3A_1519, %add3A_1522, %select_n3A_1514 : vector<128x128xi1>, vector<128x128xf32>
    %get3A_1524 = arith.constant 2304 : index
    %get3A_1525 = arith.constant 0 : index
    %get3A_1526 = vector.load %arg3[%get3A_1524, %get3A_1525] : memref<2432x128xf32, #tpu.memory_space<vmem>>, vector<128x128xf32>
    %lt3A_1527 = vector.broadcast %get3A_1355 : vector<1x128xf32> to vector<128x128xf32>
    %lt3A_1528 = arith.cmpf olt, %get3A_1526, %lt3A_1527 : vector<128x128xf32>
    %add3A_1529 = arith.constant 1.000000e+00 : f32
    %add3A_1530 = vector.broadcast %add3A_1529 : f32 to vector<128x128xf32>
    %add3A_1531 = arith.addf %select_n3A_1523, %add3A_1530 : vector<128x128xf32>
    %select_n3A_1532 = arith.select %lt3A_1528, %add3A_1531, %select_n3A_1523 : vector<128x128xi1>, vector<128x128xf32>
    %reduce_sum3A_1533 = arith.constant dense<0.000000e+00> : vector<128xf32>
    %reduce_sum3A_1534 = vector.multi_reduction <add>, %select_n3A_1532, %reduce_sum3A_1533 [0] : vector<128x128xf32> to vector<128xf32>
    %broadcast_in_dim3A_1535 = vector.shape_cast %reduce_sum3A_1534 : vector<128xf32> to vector<1x128xf32>
    %convert_element_type3A_1536 = arith.fptosi %broadcast_in_dim3A_1535 : vector<1x128xf32> to vector<1x128xi32>
    %swap3A_1537 = arith.constant 0 : index
    %swap3A_1538 = arith.constant 0 : index
    %swap3A_1539 = arith.constant 768 : index
    %swap3A_1540 = vector.load %arg2[%swap3A_1537, %swap3A_1538, %swap3A_1539] : memref<1x1x2432xi32, #tpu.memory_space<vmem>>, vector<1x1x128xi32>
    %swap3A_1541 = vector.shape_cast %swap3A_1540 : vector<1x1x128xi32> to vector<1x128xi32>
    %swap3A_1542 = vector.shape_cast %convert_element_type3A_1536 : vector<1x128xi32> to vector<1x1x128xi32>
    tpu.vector_store %arg2[%swap3A_1537, %swap3A_1538, %swap3A_1539], %swap3A_1542 {strides = array<i32>} : memref<1x1x2432xi32, #tpu.memory_space<vmem>>, vector<1x1x128xi32>,
    %get3A_1543 = arith.constant 0 : index
    %get3A_1544 = arith.constant 0 : index
    %get3A_1545 = arith.constant 896 : index
    %get3A_1546 = vector.load %arg1[%get3A_1543, %get3A_1544, %get3A_1545] : memref<1x1x2432xf32, #tpu.memory_space<vmem>>, vector<1x1x128xf32>
    %get3A_1547 = vector.shape_cast %get3A_1546 : vector<1x1x128xf32> to vector<1x128xf32>
    %broadcast_in_dim3A_1548 = arith.constant 0.000000e+00 : f32
    %broadcast_in_dim3A_1549 = vector.broadcast %broadcast_in_dim3A_1548 : f32 to vector<128x128xf32>
    %get3A_1550 = arith.constant 0 : index
    %get3A_1551 = arith.constant 0 : index
    %get3A_1552 = vector.load %arg3[%get3A_1550, %get3A_1551] : memref<2432x128xf32, #tpu.memory_space<vmem>>, vector<128x128xf32>
    %le3A_1553 = vector.broadcast %get3A_1547 : vector<1x128xf32> to vector<128x128xf32>
    %le3A_1554 = arith.cmpf ole, %get3A_1552, %le3A_1553 : vector<128x128xf32>
    %add3A_1555 = arith.constant 1.000000e+00 : f32
    %add3A_1556 = vector.broadcast %add3A_1555 : f32 to vector<128x128xf32>
    %add3A_1557 = arith.addf %broadcast_in_dim3A_1549, %add3A_1556 : vector<128x128xf32>
    %select_n3A_1558 = arith.select %le3A_1554, %add3A_1557, %broadcast_in_dim3A_1549 : vector<128x128xi1>, vector<128x128xf32>
    %get3A_1559 = arith.constant 128 : index
    %get3A_1560 = arith.constant 0 : index
    %get3A_1561 = vector.load %arg3[%get3A_1559, %get3A_1560] : memref<2432x128xf32, #tpu.memory_space<vmem>>, vector<128x128xf32>
    %le3A_1562 = vector.broadcast %get3A_1547 : vector<1x128xf32> to vector<128x128xf32>
    %le3A_1563 = arith.cmpf ole, %get3A_1561, %le3A_1562 : vector<128x128xf32>
    %add3A_1564 = arith.constant 1.000000e+00 : f32
    %add3A_1565 = vector.broadcast %add3A_1564 : f32 to vector<128x128xf32>
    %add3A_1566 = arith.addf %select_n3A_1558, %add3A_1565 : vector<128x128xf32>
    %select_n3A_1567 = arith.select %le3A_1563, %add3A_1566, %select_n3A_1558 : vector<128x128xi1>, vector<128x128xf32>
    %get3A_1568 = arith.constant 256 : index
    %get3A_1569 = arith.constant 0 : index
    %get3A_1570 = vector.load %arg3[%get3A_1568, %get3A_1569] : memref<2432x128xf32, #tpu.memory_space<vmem>>, vector<128x128xf32>
    %le3A_1571 = vector.broadcast %get3A_1547 : vector<1x128xf32> to vector<128x128xf32>
    %le3A_1572 = arith.cmpf ole, %get3A_1570, %le3A_1571 : vector<128x128xf32>
    %add3A_1573 = arith.constant 1.000000e+00 : f32
    %add3A_1574 = vector.broadcast %add3A_1573 : f32 to vector<128x128xf32>
    %add3A_1575 = arith.addf %select_n3A_1567, %add3A_1574 : vector<128x128xf32>
    %select_n3A_1576 = arith.select %le3A_1572, %add3A_1575, %select_n3A_1567 : vector<128x128xi1>, vector<128x128xf32>
    %get3A_1577 = arith.constant 384 : index
    %get3A_1578 = arith.constant 0 : index
    %get3A_1579 = vector.load %arg3[%get3A_1577, %get3A_1578] : memref<2432x128xf32, #tpu.memory_space<vmem>>, vector<128x128xf32>
    %le3A_1580 = vector.broadcast %get3A_1547 : vector<1x128xf32> to vector<128x128xf32>
    %le3A_1581 = arith.cmpf ole, %get3A_1579, %le3A_1580 : vector<128x128xf32>
    %add3A_1582 = arith.constant 1.000000e+00 : f32
    %add3A_1583 = vector.broadcast %add3A_1582 : f32 to vector<128x128xf32>
    %add3A_1584 = arith.addf %select_n3A_1576, %add3A_1583 : vector<128x128xf32>
    %select_n3A_1585 = arith.select %le3A_1581, %add3A_1584, %select_n3A_1576 : vector<128x128xi1>, vector<128x128xf32>
    %get3A_1586 = arith.constant 512 : index
    %get3A_1587 = arith.constant 0 : index
    %get3A_1588 = vector.load %arg3[%get3A_1586, %get3A_1587] : memref<2432x128xf32, #tpu.memory_space<vmem>>, vector<128x128xf32>
    %le3A_1589 = vector.broadcast %get3A_1547 : vector<1x128xf32> to vector<128x128xf32>
    %le3A_1590 = arith.cmpf ole, %get3A_1588, %le3A_1589 : vector<128x128xf32>
    %add3A_1591 = arith.constant 1.000000e+00 : f32
    %add3A_1592 = vector.broadcast %add3A_1591 : f32 to vector<128x128xf32>
    %add3A_1593 = arith.addf %select_n3A_1585, %add3A_1592 : vector<128x128xf32>
    %select_n3A_1594 = arith.select %le3A_1590, %add3A_1593, %select_n3A_1585 : vector<128x128xi1>, vector<128x128xf32>
    %get3A_1595 = arith.constant 640 : index
    %get3A_1596 = arith.constant 0 : index
    %get3A_1597 = vector.load %arg3[%get3A_1595, %get3A_1596] : memref<2432x128xf32, #tpu.memory_space<vmem>>, vector<128x128xf32>
    %le3A_1598 = vector.broadcast %get3A_1547 : vector<1x128xf32> to vector<128x128xf32>
    %le3A_1599 = arith.cmpf ole, %get3A_1597, %le3A_1598 : vector<128x128xf32>
    %add3A_1600 = arith.constant 1.000000e+00 : f32
    %add3A_1601 = vector.broadcast %add3A_1600 : f32 to vector<128x128xf32>
    %add3A_1602 = arith.addf %select_n3A_1594, %add3A_1601 : vector<128x128xf32>
    %select_n3A_1603 = arith.select %le3A_1599, %add3A_1602, %select_n3A_1594 : vector<128x128xi1>, vector<128x128xf32>
    %get3A_1604 = arith.constant 768 : index
    %get3A_1605 = arith.constant 0 : index
    %get3A_1606 = vector.load %arg3[%get3A_1604, %get3A_1605] : memref<2432x128xf32, #tpu.memory_space<vmem>>, vector<128x128xf32>
    %le3A_1607 = vector.broadcast %get3A_1547 : vector<1x128xf32> to vector<128x128xf32>
    %le3A_1608 = arith.cmpf ole, %get3A_1606, %le3A_1607 : vector<128x128xf32>
    %add3A_1609 = arith.constant 1.000000e+00 : f32
    %add3A_1610 = vector.broadcast %add3A_1609 : f32 to vector<128x128xf32>
    %add3A_1611 = arith.addf %select_n3A_1603, %add3A_1610 : vector<128x128xf32>
    %select_n3A_1612 = arith.select %le3A_1608, %add3A_1611, %select_n3A_1603 : vector<128x128xi1>, vector<128x128xf32>
    %get3A_1613 = arith.constant 896 : index
    %get3A_1614 = arith.constant 0 : index
    %get3A_1615 = vector.load %arg3[%get3A_1613, %get3A_1614] : memref<2432x128xf32, #tpu.memory_space<vmem>>, vector<128x128xf32>
    %lt3A_1616 = vector.broadcast %get3A_1547 : vector<1x128xf32> to vector<128x128xf32>
    %lt3A_1617 = arith.cmpf olt, %get3A_1615, %lt3A_1616 : vector<128x128xf32>
    %le3A_1618 = vector.broadcast %get3A_1547 : vector<1x128xf32> to vector<128x128xf32>
    %le3A_1619 = arith.cmpf ole, %get3A_1615, %le3A_1618 : vector<128x128xf32>
    %and3A_1620 = arith.andi %le3A_1619, %lt3A : vector<128x128xi1>
    %or3A_1621 = arith.ori %lt3A_1617, %and3A_1620 : vector<128x128xi1>
    %add3A_1622 = arith.constant 1.000000e+00 : f32
    %add3A_1623 = vector.broadcast %add3A_1622 : f32 to vector<128x128xf32>
    %add3A_1624 = arith.addf %select_n3A_1612, %add3A_1623 : vector<128x128xf32>
    %select_n3A_1625 = arith.select %or3A_1621, %add3A_1624, %select_n3A_1612 : vector<128x128xi1>, vector<128x128xf32>
    %get3A_1626 = arith.constant 1024 : index
    %get3A_1627 = arith.constant 0 : index
    %get3A_1628 = vector.load %arg3[%get3A_1626, %get3A_1627] : memref<2432x128xf32, #tpu.memory_space<vmem>>, vector<128x128xf32>
    %lt3A_1629 = vector.broadcast %get3A_1547 : vector<1x128xf32> to vector<128x128xf32>
    %lt3A_1630 = arith.cmpf olt, %get3A_1628, %lt3A_1629 : vector<128x128xf32>
    %add3A_1631 = arith.constant 1.000000e+00 : f32
    %add3A_1632 = vector.broadcast %add3A_1631 : f32 to vector<128x128xf32>
    %add3A_1633 = arith.addf %select_n3A_1625, %add3A_1632 : vector<128x128xf32>
    %select_n3A_1634 = arith.select %lt3A_1630, %add3A_1633, %select_n3A_1625 : vector<128x128xi1>, vector<128x128xf32>
    %get3A_1635 = arith.constant 1152 : index
    %get3A_1636 = arith.constant 0 : index
    %get3A_1637 = vector.load %arg3[%get3A_1635, %get3A_1636] : memref<2432x128xf32, #tpu.memory_space<vmem>>, vector<128x128xf32>
    %lt3A_1638 = vector.broadcast %get3A_1547 : vector<1x128xf32> to vector<128x128xf32>
    %lt3A_1639 = arith.cmpf olt, %get3A_1637, %lt3A_1638 : vector<128x128xf32>
    %add3A_1640 = arith.constant 1.000000e+00 : f32
    %add3A_1641 = vector.broadcast %add3A_1640 : f32 to vector<128x128xf32>
    %add3A_1642 = arith.addf %select_n3A_1634, %add3A_1641 : vector<128x128xf32>
    %select_n3A_1643 = arith.select %lt3A_1639, %add3A_1642, %select_n3A_1634 : vector<128x128xi1>, vector<128x128xf32>
    %get3A_1644 = arith.constant 1280 : index
    %get3A_1645 = arith.constant 0 : index
    %get3A_1646 = vector.load %arg3[%get3A_1644, %get3A_1645] : memref<2432x128xf32, #tpu.memory_space<vmem>>, vector<128x128xf32>
    %lt3A_1647 = vector.broadcast %get3A_1547 : vector<1x128xf32> to vector<128x128xf32>
    %lt3A_1648 = arith.cmpf olt, %get3A_1646, %lt3A_1647 : vector<128x128xf32>
    %add3A_1649 = arith.constant 1.000000e+00 : f32
    %add3A_1650 = vector.broadcast %add3A_1649 : f32 to vector<128x128xf32>
    %add3A_1651 = arith.addf %select_n3A_1643, %add3A_1650 : vector<128x128xf32>
    %select_n3A_1652 = arith.select %lt3A_1648, %add3A_1651, %select_n3A_1643 : vector<128x128xi1>, vector<128x128xf32>
    %get3A_1653 = arith.constant 1408 : index
    %get3A_1654 = arith.constant 0 : index
    %get3A_1655 = vector.load %arg3[%get3A_1653, %get3A_1654] : memref<2432x128xf32, #tpu.memory_space<vmem>>, vector<128x128xf32>
    %lt3A_1656 = vector.broadcast %get3A_1547 : vector<1x128xf32> to vector<128x128xf32>
    %lt3A_1657 = arith.cmpf olt, %get3A_1655, %lt3A_1656 : vector<128x128xf32>
    %add3A_1658 = arith.constant 1.000000e+00 : f32
    %add3A_1659 = vector.broadcast %add3A_1658 : f32 to vector<128x128xf32>
    %add3A_1660 = arith.addf %select_n3A_1652, %add3A_1659 : vector<128x128xf32>
    %select_n3A_1661 = arith.select %lt3A_1657, %add3A_1660, %select_n3A_1652 : vector<128x128xi1>, vector<128x128xf32>
    %get3A_1662 = arith.constant 1536 : index
    %get3A_1663 = arith.constant 0 : index
    %get3A_1664 = vector.load %arg3[%get3A_1662, %get3A_1663] : memref<2432x128xf32, #tpu.memory_space<vmem>>, vector<128x128xf32>
    %lt3A_1665 = vector.broadcast %get3A_1547 : vector<1x128xf32> to vector<128x128xf32>
    %lt3A_1666 = arith.cmpf olt, %get3A_1664, %lt3A_1665 : vector<128x128xf32>
    %add3A_1667 = arith.constant 1.000000e+00 : f32
    %add3A_1668 = vector.broadcast %add3A_1667 : f32 to vector<128x128xf32>
    %add3A_1669 = arith.addf %select_n3A_1661, %add3A_1668 : vector<128x128xf32>
    %select_n3A_1670 = arith.select %lt3A_1666, %add3A_1669, %select_n3A_1661 : vector<128x128xi1>, vector<128x128xf32>
    %get3A_1671 = arith.constant 1664 : index
    %get3A_1672 = arith.constant 0 : index
    %get3A_1673 = vector.load %arg3[%get3A_1671, %get3A_1672] : memref<2432x128xf32, #tpu.memory_space<vmem>>, vector<128x128xf32>
    %lt3A_1674 = vector.broadcast %get3A_1547 : vector<1x128xf32> to vector<128x128xf32>
    %lt3A_1675 = arith.cmpf olt, %get3A_1673, %lt3A_1674 : vector<128x128xf32>
    %add3A_1676 = arith.constant 1.000000e+00 : f32
    %add3A_1677 = vector.broadcast %add3A_1676 : f32 to vector<128x128xf32>
    %add3A_1678 = arith.addf %select_n3A_1670, %add3A_1677 : vector<128x128xf32>
    %select_n3A_1679 = arith.select %lt3A_1675, %add3A_1678, %select_n3A_1670 : vector<128x128xi1>, vector<128x128xf32>
    %get3A_1680 = arith.constant 1792 : index
    %get3A_1681 = arith.constant 0 : index
    %get3A_1682 = vector.load %arg3[%get3A_1680, %get3A_1681] : memref<2432x128xf32, #tpu.memory_space<vmem>>, vector<128x128xf32>
    %lt3A_1683 = vector.broadcast %get3A_1547 : vector<1x128xf32> to vector<128x128xf32>
    %lt3A_1684 = arith.cmpf olt, %get3A_1682, %lt3A_1683 : vector<128x128xf32>
    %add3A_1685 = arith.constant 1.000000e+00 : f32
    %add3A_1686 = vector.broadcast %add3A_1685 : f32 to vector<128x128xf32>
    %add3A_1687 = arith.addf %select_n3A_1679, %add3A_1686 : vector<128x128xf32>
    %select_n3A_1688 = arith.select %lt3A_1684, %add3A_1687, %select_n3A_1679 : vector<128x128xi1>, vector<128x128xf32>
    %get3A_1689 = arith.constant 1920 : index
    %get3A_1690 = arith.constant 0 : index
    %get3A_1691 = vector.load %arg3[%get3A_1689, %get3A_1690] : memref<2432x128xf32, #tpu.memory_space<vmem>>, vector<128x128xf32>
    %lt3A_1692 = vector.broadcast %get3A_1547 : vector<1x128xf32> to vector<128x128xf32>
    %lt3A_1693 = arith.cmpf olt, %get3A_1691, %lt3A_1692 : vector<128x128xf32>
    %add3A_1694 = arith.constant 1.000000e+00 : f32
    %add3A_1695 = vector.broadcast %add3A_1694 : f32 to vector<128x128xf32>
    %add3A_1696 = arith.addf %select_n3A_1688, %add3A_1695 : vector<128x128xf32>
    %select_n3A_1697 = arith.select %lt3A_1693, %add3A_1696, %select_n3A_1688 : vector<128x128xi1>, vector<128x128xf32>
    %get3A_1698 = arith.constant 2048 : index
    %get3A_1699 = arith.constant 0 : index
    %get3A_1700 = vector.load %arg3[%get3A_1698, %get3A_1699] : memref<2432x128xf32, #tpu.memory_space<vmem>>, vector<128x128xf32>
    %lt3A_1701 = vector.broadcast %get3A_1547 : vector<1x128xf32> to vector<128x128xf32>
    %lt3A_1702 = arith.cmpf olt, %get3A_1700, %lt3A_1701 : vector<128x128xf32>
    %add3A_1703 = arith.constant 1.000000e+00 : f32
    %add3A_1704 = vector.broadcast %add3A_1703 : f32 to vector<128x128xf32>
    %add3A_1705 = arith.addf %select_n3A_1697, %add3A_1704 : vector<128x128xf32>
    %select_n3A_1706 = arith.select %lt3A_1702, %add3A_1705, %select_n3A_1697 : vector<128x128xi1>, vector<128x128xf32>
    %get3A_1707 = arith.constant 2176 : index
    %get3A_1708 = arith.constant 0 : index
    %get3A_1709 = vector.load %arg3[%get3A_1707, %get3A_1708] : memref<2432x128xf32, #tpu.memory_space<vmem>>, vector<128x128xf32>
    %lt3A_1710 = vector.broadcast %get3A_1547 : vector<1x128xf32> to vector<128x128xf32>
    %lt3A_1711 = arith.cmpf olt, %get3A_1709, %lt3A_1710 : vector<128x128xf32>
    %add3A_1712 = arith.constant 1.000000e+00 : f32
    %add3A_1713 = vector.broadcast %add3A_1712 : f32 to vector<128x128xf32>
    %add3A_1714 = arith.addf %select_n3A_1706, %add3A_1713 : vector<128x128xf32>
    %select_n3A_1715 = arith.select %lt3A_1711, %add3A_1714, %select_n3A_1706 : vector<128x128xi1>, vector<128x128xf32>
    %get3A_1716 = arith.constant 2304 : index
    %get3A_1717 = arith.constant 0 : index
    %get3A_1718 = vector.load %arg3[%get3A_1716, %get3A_1717] : memref<2432x128xf32, #tpu.memory_space<vmem>>, vector<128x128xf32>
    %lt3A_1719 = vector.broadcast %get3A_1547 : vector<1x128xf32> to vector<128x128xf32>
    %lt3A_1720 = arith.cmpf olt, %get3A_1718, %lt3A_1719 : vector<128x128xf32>
    %add3A_1721 = arith.constant 1.000000e+00 : f32
    %add3A_1722 = vector.broadcast %add3A_1721 : f32 to vector<128x128xf32>
    %add3A_1723 = arith.addf %select_n3A_1715, %add3A_1722 : vector<128x128xf32>
    %select_n3A_1724 = arith.select %lt3A_1720, %add3A_1723, %select_n3A_1715 : vector<128x128xi1>, vector<128x128xf32>
    %reduce_sum3A_1725 = arith.constant dense<0.000000e+00> : vector<128xf32>
    %reduce_sum3A_1726 = vector.multi_reduction <add>, %select_n3A_1724, %reduce_sum3A_1725 [0] : vector<128x128xf32> to vector<128xf32>
    %broadcast_in_dim3A_1727 = vector.shape_cast %reduce_sum3A_1726 : vector<128xf32> to vector<1x128xf32>
    %convert_element_type3A_1728 = arith.fptosi %broadcast_in_dim3A_1727 : vector<1x128xf32> to vector<1x128xi32>
    %swap3A_1729 = arith.constant 0 : index
    %swap3A_1730 = arith.constant 0 : index
    %swap3A_1731 = arith.constant 896 : index
    %swap3A_1732 = vector.load %arg2[%swap3A_1729, %swap3A_1730, %swap3A_1731] : memref<1x1x2432xi32, #tpu.memory_space<vmem>>, vector<1x1x128xi32>
    %swap3A_1733 = vector.shape_cast %swap3A_1732 : vector<1x1x128xi32> to vector<1x128xi32>
    %swap3A_1734 = vector.shape_cast %convert_element_type3A_1728 : vector<1x128xi32> to vector<1x1x128xi32>
    tpu.vector_store %arg2[%swap3A_1729, %swap3A_1730, %swap3A_1731], %swap3A_1734 {strides = array<i32>} : memref<1x1x2432xi32, #tpu.memory_space<vmem>>, vector<1x1x128xi32>,
    %get3A_1735 = arith.constant 0 : index
    %get3A_1736 = arith.constant 0 : index
    %get3A_1737 = arith.constant 1024 : index
    %get3A_1738 = vector.load %arg1[%get3A_1735, %get3A_1736, %get3A_1737] : memref<1x1x2432xf32, #tpu.memory_space<vmem>>, vector<1x1x128xf32>
    %get3A_1739 = vector.shape_cast %get3A_1738 : vector<1x1x128xf32> to vector<1x128xf32>
    %broadcast_in_dim3A_1740 = arith.constant 0.000000e+00 : f32
    %broadcast_in_dim3A_1741 = vector.broadcast %broadcast_in_dim3A_1740 : f32 to vector<128x128xf32>
    %get3A_1742 = arith.constant 0 : index
    %get3A_1743 = arith.constant 0 : index
    %get3A_1744 = vector.load %arg3[%get3A_1742, %get3A_1743] : memref<2432x128xf32, #tpu.memory_space<vmem>>, vector<128x128xf32>
    %le3A_1745 = vector.broadcast %get3A_1739 : vector<1x128xf32> to vector<128x128xf32>
    %le3A_1746 = arith.cmpf ole, %get3A_1744, %le3A_1745 : vector<128x128xf32>
    %add3A_1747 = arith.constant 1.000000e+00 : f32
    %add3A_1748 = vector.broadcast %add3A_1747 : f32 to vector<128x128xf32>
    %add3A_1749 = arith.addf %broadcast_in_dim3A_1741, %add3A_1748 : vector<128x128xf32>
    %select_n3A_1750 = arith.select %le3A_1746, %add3A_1749, %broadcast_in_dim3A_1741 : vector<128x128xi1>, vector<128x128xf32>
    %get3A_1751 = arith.constant 128 : index
    %get3A_1752 = arith.constant 0 : index
    %get3A_1753 = vector.load %arg3[%get3A_1751, %get3A_1752] : memref<2432x128xf32, #tpu.memory_space<vmem>>, vector<128x128xf32>
    %le3A_1754 = vector.broadcast %get3A_1739 : vector<1x128xf32> to vector<128x128xf32>
    %le3A_1755 = arith.cmpf ole, %get3A_1753, %le3A_1754 : vector<128x128xf32>
    %add3A_1756 = arith.constant 1.000000e+00 : f32
    %add3A_1757 = vector.broadcast %add3A_1756 : f32 to vector<128x128xf32>
    %add3A_1758 = arith.addf %select_n3A_1750, %add3A_1757 : vector<128x128xf32>
    %select_n3A_1759 = arith.select %le3A_1755, %add3A_1758, %select_n3A_1750 : vector<128x128xi1>, vector<128x128xf32>
    %get3A_1760 = arith.constant 256 : index
    %get3A_1761 = arith.constant 0 : index
    %get3A_1762 = vector.load %arg3[%get3A_1760, %get3A_1761] : memref<2432x128xf32, #tpu.memory_space<vmem>>, vector<128x128xf32>
    %le3A_1763 = vector.broadcast %get3A_1739 : vector<1x128xf32> to vector<128x128xf32>
    %le3A_1764 = arith.cmpf ole, %get3A_1762, %le3A_1763 : vector<128x128xf32>
    %add3A_1765 = arith.constant 1.000000e+00 : f32
    %add3A_1766 = vector.broadcast %add3A_1765 : f32 to vector<128x128xf32>
    %add3A_1767 = arith.addf %select_n3A_1759, %add3A_1766 : vector<128x128xf32>
    %select_n3A_1768 = arith.select %le3A_1764, %add3A_1767, %select_n3A_1759 : vector<128x128xi1>, vector<128x128xf32>
    %get3A_1769 = arith.constant 384 : index
    %get3A_1770 = arith.constant 0 : index
    %get3A_1771 = vector.load %arg3[%get3A_1769, %get3A_1770] : memref<2432x128xf32, #tpu.memory_space<vmem>>, vector<128x128xf32>
    %le3A_1772 = vector.broadcast %get3A_1739 : vector<1x128xf32> to vector<128x128xf32>
    %le3A_1773 = arith.cmpf ole, %get3A_1771, %le3A_1772 : vector<128x128xf32>
    %add3A_1774 = arith.constant 1.000000e+00 : f32
    %add3A_1775 = vector.broadcast %add3A_1774 : f32 to vector<128x128xf32>
    %add3A_1776 = arith.addf %select_n3A_1768, %add3A_1775 : vector<128x128xf32>
    %select_n3A_1777 = arith.select %le3A_1773, %add3A_1776, %select_n3A_1768 : vector<128x128xi1>, vector<128x128xf32>
    %get3A_1778 = arith.constant 512 : index
    %get3A_1779 = arith.constant 0 : index
    %get3A_1780 = vector.load %arg3[%get3A_1778, %get3A_1779] : memref<2432x128xf32, #tpu.memory_space<vmem>>, vector<128x128xf32>
    %le3A_1781 = vector.broadcast %get3A_1739 : vector<1x128xf32> to vector<128x128xf32>
    %le3A_1782 = arith.cmpf ole, %get3A_1780, %le3A_1781 : vector<128x128xf32>
    %add3A_1783 = arith.constant 1.000000e+00 : f32
    %add3A_1784 = vector.broadcast %add3A_1783 : f32 to vector<128x128xf32>
    %add3A_1785 = arith.addf %select_n3A_1777, %add3A_1784 : vector<128x128xf32>
    %select_n3A_1786 = arith.select %le3A_1782, %add3A_1785, %select_n3A_1777 : vector<128x128xi1>, vector<128x128xf32>
    %get3A_1787 = arith.constant 640 : index
    %get3A_1788 = arith.constant 0 : index
    %get3A_1789 = vector.load %arg3[%get3A_1787, %get3A_1788] : memref<2432x128xf32, #tpu.memory_space<vmem>>, vector<128x128xf32>
    %le3A_1790 = vector.broadcast %get3A_1739 : vector<1x128xf32> to vector<128x128xf32>
    %le3A_1791 = arith.cmpf ole, %get3A_1789, %le3A_1790 : vector<128x128xf32>
    %add3A_1792 = arith.constant 1.000000e+00 : f32
    %add3A_1793 = vector.broadcast %add3A_1792 : f32 to vector<128x128xf32>
    %add3A_1794 = arith.addf %select_n3A_1786, %add3A_1793 : vector<128x128xf32>
    %select_n3A_1795 = arith.select %le3A_1791, %add3A_1794, %select_n3A_1786 : vector<128x128xi1>, vector<128x128xf32>
    %get3A_1796 = arith.constant 768 : index
    %get3A_1797 = arith.constant 0 : index
    %get3A_1798 = vector.load %arg3[%get3A_1796, %get3A_1797] : memref<2432x128xf32, #tpu.memory_space<vmem>>, vector<128x128xf32>
    %le3A_1799 = vector.broadcast %get3A_1739 : vector<1x128xf32> to vector<128x128xf32>
    %le3A_1800 = arith.cmpf ole, %get3A_1798, %le3A_1799 : vector<128x128xf32>
    %add3A_1801 = arith.constant 1.000000e+00 : f32
    %add3A_1802 = vector.broadcast %add3A_1801 : f32 to vector<128x128xf32>
    %add3A_1803 = arith.addf %select_n3A_1795, %add3A_1802 : vector<128x128xf32>
    %select_n3A_1804 = arith.select %le3A_1800, %add3A_1803, %select_n3A_1795 : vector<128x128xi1>, vector<128x128xf32>
    %get3A_1805 = arith.constant 896 : index
    %get3A_1806 = arith.constant 0 : index
    %get3A_1807 = vector.load %arg3[%get3A_1805, %get3A_1806] : memref<2432x128xf32, #tpu.memory_space<vmem>>, vector<128x128xf32>
    %le3A_1808 = vector.broadcast %get3A_1739 : vector<1x128xf32> to vector<128x128xf32>
    %le3A_1809 = arith.cmpf ole, %get3A_1807, %le3A_1808 : vector<128x128xf32>
    %add3A_1810 = arith.constant 1.000000e+00 : f32
    %add3A_1811 = vector.broadcast %add3A_1810 : f32 to vector<128x128xf32>
    %add3A_1812 = arith.addf %select_n3A_1804, %add3A_1811 : vector<128x128xf32>
    %select_n3A_1813 = arith.select %le3A_1809, %add3A_1812, %select_n3A_1804 : vector<128x128xi1>, vector<128x128xf32>
    %get3A_1814 = arith.constant 1024 : index
    %get3A_1815 = arith.constant 0 : index
    %get3A_1816 = vector.load %arg3[%get3A_1814, %get3A_1815] : memref<2432x128xf32, #tpu.memory_space<vmem>>, vector<128x128xf32>
    %lt3A_1817 = vector.broadcast %get3A_1739 : vector<1x128xf32> to vector<128x128xf32>
    %lt3A_1818 = arith.cmpf olt, %get3A_1816, %lt3A_1817 : vector<128x128xf32>
    %le3A_1819 = vector.broadcast %get3A_1739 : vector<1x128xf32> to vector<128x128xf32>
    %le3A_1820 = arith.cmpf ole, %get3A_1816, %le3A_1819 : vector<128x128xf32>
    %and3A_1821 = arith.andi %le3A_1820, %lt3A : vector<128x128xi1>
    %or3A_1822 = arith.ori %lt3A_1818, %and3A_1821 : vector<128x128xi1>
    %add3A_1823 = arith.constant 1.000000e+00 : f32
    %add3A_1824 = vector.broadcast %add3A_1823 : f32 to vector<128x128xf32>
    %add3A_1825 = arith.addf %select_n3A_1813, %add3A_1824 : vector<128x128xf32>
    %select_n3A_1826 = arith.select %or3A_1822, %add3A_1825, %select_n3A_1813 : vector<128x128xi1>, vector<128x128xf32>
    %get3A_1827 = arith.constant 1152 : index
    %get3A_1828 = arith.constant 0 : index
    %get3A_1829 = vector.load %arg3[%get3A_1827, %get3A_1828] : memref<2432x128xf32, #tpu.memory_space<vmem>>, vector<128x128xf32>
    %lt3A_1830 = vector.broadcast %get3A_1739 : vector<1x128xf32> to vector<128x128xf32>
    %lt3A_1831 = arith.cmpf olt, %get3A_1829, %lt3A_1830 : vector<128x128xf32>
    %add3A_1832 = arith.constant 1.000000e+00 : f32
    %add3A_1833 = vector.broadcast %add3A_1832 : f32 to vector<128x128xf32>
    %add3A_1834 = arith.addf %select_n3A_1826, %add3A_1833 : vector<128x128xf32>
    %select_n3A_1835 = arith.select %lt3A_1831, %add3A_1834, %select_n3A_1826 : vector<128x128xi1>, vector<128x128xf32>
    %get3A_1836 = arith.constant 1280 : index
    %get3A_1837 = arith.constant 0 : index
    %get3A_1838 = vector.load %arg3[%get3A_1836, %get3A_1837] : memref<2432x128xf32, #tpu.memory_space<vmem>>, vector<128x128xf32>
    %lt3A_1839 = vector.broadcast %get3A_1739 : vector<1x128xf32> to vector<128x128xf32>
    %lt3A_1840 = arith.cmpf olt, %get3A_1838, %lt3A_1839 : vector<128x128xf32>
    %add3A_1841 = arith.constant 1.000000e+00 : f32
    %add3A_1842 = vector.broadcast %add3A_1841 : f32 to vector<128x128xf32>
    %add3A_1843 = arith.addf %select_n3A_1835, %add3A_1842 : vector<128x128xf32>
    %select_n3A_1844 = arith.select %lt3A_1840, %add3A_1843, %select_n3A_1835 : vector<128x128xi1>, vector<128x128xf32>
    %get3A_1845 = arith.constant 1408 : index
    %get3A_1846 = arith.constant 0 : index
    %get3A_1847 = vector.load %arg3[%get3A_1845, %get3A_1846] : memref<2432x128xf32, #tpu.memory_space<vmem>>, vector<128x128xf32>
    %lt3A_1848 = vector.broadcast %get3A_1739 : vector<1x128xf32> to vector<128x128xf32>
    %lt3A_1849 = arith.cmpf olt, %get3A_1847, %lt3A_1848 : vector<128x128xf32>
    %add3A_1850 = arith.constant 1.000000e+00 : f32
    %add3A_1851 = vector.broadcast %add3A_1850 : f32 to vector<128x128xf32>
    %add3A_1852 = arith.addf %select_n3A_1844, %add3A_1851 : vector<128x128xf32>
    %select_n3A_1853 = arith.select %lt3A_1849, %add3A_1852, %select_n3A_1844 : vector<128x128xi1>, vector<128x128xf32>
    %get3A_1854 = arith.constant 1536 : index
    %get3A_1855 = arith.constant 0 : index
    %get3A_1856 = vector.load %arg3[%get3A_1854, %get3A_1855] : memref<2432x128xf32, #tpu.memory_space<vmem>>, vector<128x128xf32>
    %lt3A_1857 = vector.broadcast %get3A_1739 : vector<1x128xf32> to vector<128x128xf32>
    %lt3A_1858 = arith.cmpf olt, %get3A_1856, %lt3A_1857 : vector<128x128xf32>
    %add3A_1859 = arith.constant 1.000000e+00 : f32
    %add3A_1860 = vector.broadcast %add3A_1859 : f32 to vector<128x128xf32>
    %add3A_1861 = arith.addf %select_n3A_1853, %add3A_1860 : vector<128x128xf32>
    %select_n3A_1862 = arith.select %lt3A_1858, %add3A_1861, %select_n3A_1853 : vector<128x128xi1>, vector<128x128xf32>
    %get3A_1863 = arith.constant 1664 : index
    %get3A_1864 = arith.constant 0 : index
    %get3A_1865 = vector.load %arg3[%get3A_1863, %get3A_1864] : memref<2432x128xf32, #tpu.memory_space<vmem>>, vector<128x128xf32>
    %lt3A_1866 = vector.broadcast %get3A_1739 : vector<1x128xf32> to vector<128x128xf32>
    %lt3A_1867 = arith.cmpf olt, %get3A_1865, %lt3A_1866 : vector<128x128xf32>
    %add3A_1868 = arith.constant 1.000000e+00 : f32
    %add3A_1869 = vector.broadcast %add3A_1868 : f32 to vector<128x128xf32>
    %add3A_1870 = arith.addf %select_n3A_1862, %add3A_1869 : vector<128x128xf32>
    %select_n3A_1871 = arith.select %lt3A_1867, %add3A_1870, %select_n3A_1862 : vector<128x128xi1>, vector<128x128xf32>
    %get3A_1872 = arith.constant 1792 : index
    %get3A_1873 = arith.constant 0 : index
    %get3A_1874 = vector.load %arg3[%get3A_1872, %get3A_1873] : memref<2432x128xf32, #tpu.memory_space<vmem>>, vector<128x128xf32>
    %lt3A_1875 = vector.broadcast %get3A_1739 : vector<1x128xf32> to vector<128x128xf32>
    %lt3A_1876 = arith.cmpf olt, %get3A_1874, %lt3A_1875 : vector<128x128xf32>
    %add3A_1877 = arith.constant 1.000000e+00 : f32
    %add3A_1878 = vector.broadcast %add3A_1877 : f32 to vector<128x128xf32>
    %add3A_1879 = arith.addf %select_n3A_1871, %add3A_1878 : vector<128x128xf32>
    %select_n3A_1880 = arith.select %lt3A_1876, %add3A_1879, %select_n3A_1871 : vector<128x128xi1>, vector<128x128xf32>
    %get3A_1881 = arith.constant 1920 : index
    %get3A_1882 = arith.constant 0 : index
    %get3A_1883 = vector.load %arg3[%get3A_1881, %get3A_1882] : memref<2432x128xf32, #tpu.memory_space<vmem>>, vector<128x128xf32>
    %lt3A_1884 = vector.broadcast %get3A_1739 : vector<1x128xf32> to vector<128x128xf32>
    %lt3A_1885 = arith.cmpf olt, %get3A_1883, %lt3A_1884 : vector<128x128xf32>
    %add3A_1886 = arith.constant 1.000000e+00 : f32
    %add3A_1887 = vector.broadcast %add3A_1886 : f32 to vector<128x128xf32>
    %add3A_1888 = arith.addf %select_n3A_1880, %add3A_1887 : vector<128x128xf32>
    %select_n3A_1889 = arith.select %lt3A_1885, %add3A_1888, %select_n3A_1880 : vector<128x128xi1>, vector<128x128xf32>
    %get3A_1890 = arith.constant 2048 : index
    %get3A_1891 = arith.constant 0 : index
    %get3A_1892 = vector.load %arg3[%get3A_1890, %get3A_1891] : memref<2432x128xf32, #tpu.memory_space<vmem>>, vector<128x128xf32>
    %lt3A_1893 = vector.broadcast %get3A_1739 : vector<1x128xf32> to vector<128x128xf32>
    %lt3A_1894 = arith.cmpf olt, %get3A_1892, %lt3A_1893 : vector<128x128xf32>
    %add3A_1895 = arith.constant 1.000000e+00 : f32
    %add3A_1896 = vector.broadcast %add3A_1895 : f32 to vector<128x128xf32>
    %add3A_1897 = arith.addf %select_n3A_1889, %add3A_1896 : vector<128x128xf32>
    %select_n3A_1898 = arith.select %lt3A_1894, %add3A_1897, %select_n3A_1889 : vector<128x128xi1>, vector<128x128xf32>
    %get3A_1899 = arith.constant 2176 : index
    %get3A_1900 = arith.constant 0 : index
    %get3A_1901 = vector.load %arg3[%get3A_1899, %get3A_1900] : memref<2432x128xf32, #tpu.memory_space<vmem>>, vector<128x128xf32>
    %lt3A_1902 = vector.broadcast %get3A_1739 : vector<1x128xf32> to vector<128x128xf32>
    %lt3A_1903 = arith.cmpf olt, %get3A_1901, %lt3A_1902 : vector<128x128xf32>
    %add3A_1904 = arith.constant 1.000000e+00 : f32
    %add3A_1905 = vector.broadcast %add3A_1904 : f32 to vector<128x128xf32>
    %add3A_1906 = arith.addf %select_n3A_1898, %add3A_1905 : vector<128x128xf32>
    %select_n3A_1907 = arith.select %lt3A_1903, %add3A_1906, %select_n3A_1898 : vector<128x128xi1>, vector<128x128xf32>
    %get3A_1908 = arith.constant 2304 : index
    %get3A_1909 = arith.constant 0 : index
    %get3A_1910 = vector.load %arg3[%get3A_1908, %get3A_1909] : memref<2432x128xf32, #tpu.memory_space<vmem>>, vector<128x128xf32>
    %lt3A_1911 = vector.broadcast %get3A_1739 : vector<1x128xf32> to vector<128x128xf32>
    %lt3A_1912 = arith.cmpf olt, %get3A_1910, %lt3A_1911 : vector<128x128xf32>
    %add3A_1913 = arith.constant 1.000000e+00 : f32
    %add3A_1914 = vector.broadcast %add3A_1913 : f32 to vector<128x128xf32>
    %add3A_1915 = arith.addf %select_n3A_1907, %add3A_1914 : vector<128x128xf32>
    %select_n3A_1916 = arith.select %lt3A_1912, %add3A_1915, %select_n3A_1907 : vector<128x128xi1>, vector<128x128xf32>
    %reduce_sum3A_1917 = arith.constant dense<0.000000e+00> : vector<128xf32>
    %reduce_sum3A_1918 = vector.multi_reduction <add>, %select_n3A_1916, %reduce_sum3A_1917 [0] : vector<128x128xf32> to vector<128xf32>
    %broadcast_in_dim3A_1919 = vector.shape_cast %reduce_sum3A_1918 : vector<128xf32> to vector<1x128xf32>
    %convert_element_type3A_1920 = arith.fptosi %broadcast_in_dim3A_1919 : vector<1x128xf32> to vector<1x128xi32>
    %swap3A_1921 = arith.constant 0 : index
    %swap3A_1922 = arith.constant 0 : index
    %swap3A_1923 = arith.constant 1024 : index
    %swap3A_1924 = vector.load %arg2[%swap3A_1921, %swap3A_1922, %swap3A_1923] : memref<1x1x2432xi32, #tpu.memory_space<vmem>>, vector<1x1x128xi32>
    %swap3A_1925 = vector.shape_cast %swap3A_1924 : vector<1x1x128xi32> to vector<1x128xi32>
    %swap3A_1926 = vector.shape_cast %convert_element_type3A_1920 : vector<1x128xi32> to vector<1x1x128xi32>
    tpu.vector_store %arg2[%swap3A_1921, %swap3A_1922, %swap3A_1923], %swap3A_1926 {strides = array<i32>} : memref<1x1x2432xi32, #tpu.memory_space<vmem>>, vector<1x1x128xi32>,
    %get3A_1927 = arith.constant 0 : index
    %get3A_1928 = arith.constant 0 : index
    %get3A_1929 = arith.constant 1152 : index
    %get3A_1930 = vector.load %arg1[%get3A_1927, %get3A_1928, %get3A_1929] : memref<1x1x2432xf32, #tpu.memory_space<vmem>>, vector<1x1x128xf32>
    %get3A_1931 = vector.shape_cast %get3A_1930 : vector<1x1x128xf32> to vector<1x128xf32>
    %broadcast_in_dim3A_1932 = arith.constant 0.000000e+00 : f32
    %broadcast_in_dim3A_1933 = vector.broadcast %broadcast_in_dim3A_1932 : f32 to vector<128x128xf32>
    %get3A_1934 = arith.constant 0 : index
    %get3A_1935 = arith.constant 0 : index
    %get3A_1936 = vector.load %arg3[%get3A_1934, %get3A_1935] : memref<2432x128xf32, #tpu.memory_space<vmem>>, vector<128x128xf32>
    %le3A_1937 = vector.broadcast %get3A_1931 : vector<1x128xf32> to vector<128x128xf32>
    %le3A_1938 = arith.cmpf ole, %get3A_1936, %le3A_1937 : vector<128x128xf32>
    %add3A_1939 = arith.constant 1.000000e+00 : f32
    %add3A_1940 = vector.broadcast %add3A_1939 : f32 to vector<128x128xf32>
    %add3A_1941 = arith.addf %broadcast_in_dim3A_1933, %add3A_1940 : vector<128x128xf32>
    %select_n3A_1942 = arith.select %le3A_1938, %add3A_1941, %broadcast_in_dim3A_1933 : vector<128x128xi1>, vector<128x128xf32>
    %get3A_1943 = arith.constant 128 : index
    %get3A_1944 = arith.constant 0 : index
    %get3A_1945 = vector.load %arg3[%get3A_1943, %get3A_1944] : memref<2432x128xf32, #tpu.memory_space<vmem>>, vector<128x128xf32>
    %le3A_1946 = vector.broadcast %get3A_1931 : vector<1x128xf32> to vector<128x128xf32>
    %le3A_1947 = arith.cmpf ole, %get3A_1945, %le3A_1946 : vector<128x128xf32>
    %add3A_1948 = arith.constant 1.000000e+00 : f32
    %add3A_1949 = vector.broadcast %add3A_1948 : f32 to vector<128x128xf32>
    %add3A_1950 = arith.addf %select_n3A_1942, %add3A_1949 : vector<128x128xf32>
    %select_n3A_1951 = arith.select %le3A_1947, %add3A_1950, %select_n3A_1942 : vector<128x128xi1>, vector<128x128xf32>
    %get3A_1952 = arith.constant 256 : index
    %get3A_1953 = arith.constant 0 : index
    %get3A_1954 = vector.load %arg3[%get3A_1952, %get3A_1953] : memref<2432x128xf32, #tpu.memory_space<vmem>>, vector<128x128xf32>
    %le3A_1955 = vector.broadcast %get3A_1931 : vector<1x128xf32> to vector<128x128xf32>
    %le3A_1956 = arith.cmpf ole, %get3A_1954, %le3A_1955 : vector<128x128xf32>
    %add3A_1957 = arith.constant 1.000000e+00 : f32
    %add3A_1958 = vector.broadcast %add3A_1957 : f32 to vector<128x128xf32>
    %add3A_1959 = arith.addf %select_n3A_1951, %add3A_1958 : vector<128x128xf32>
    %select_n3A_1960 = arith.select %le3A_1956, %add3A_1959, %select_n3A_1951 : vector<128x128xi1>, vector<128x128xf32>
    %get3A_1961 = arith.constant 384 : index
    %get3A_1962 = arith.constant 0 : index
    %get3A_1963 = vector.load %arg3[%get3A_1961, %get3A_1962] : memref<2432x128xf32, #tpu.memory_space<vmem>>, vector<128x128xf32>
    %le3A_1964 = vector.broadcast %get3A_1931 : vector<1x128xf32> to vector<128x128xf32>
    %le3A_1965 = arith.cmpf ole, %get3A_1963, %le3A_1964 : vector<128x128xf32>
    %add3A_1966 = arith.constant 1.000000e+00 : f32
    %add3A_1967 = vector.broadcast %add3A_1966 : f32 to vector<128x128xf32>
    %add3A_1968 = arith.addf %select_n3A_1960, %add3A_1967 : vector<128x128xf32>
    %select_n3A_1969 = arith.select %le3A_1965, %add3A_1968, %select_n3A_1960 : vector<128x128xi1>, vector<128x128xf32>
    %get3A_1970 = arith.constant 512 : index
    %get3A_1971 = arith.constant 0 : index
    %get3A_1972 = vector.load %arg3[%get3A_1970, %get3A_1971] : memref<2432x128xf32, #tpu.memory_space<vmem>>, vector<128x128xf32>
    %le3A_1973 = vector.broadcast %get3A_1931 : vector<1x128xf32> to vector<128x128xf32>
    %le3A_1974 = arith.cmpf ole, %get3A_1972, %le3A_1973 : vector<128x128xf32>
    %add3A_1975 = arith.constant 1.000000e+00 : f32
    %add3A_1976 = vector.broadcast %add3A_1975 : f32 to vector<128x128xf32>
    %add3A_1977 = arith.addf %select_n3A_1969, %add3A_1976 : vector<128x128xf32>
    %select_n3A_1978 = arith.select %le3A_1974, %add3A_1977, %select_n3A_1969 : vector<128x128xi1>, vector<128x128xf32>
    %get3A_1979 = arith.constant 640 : index
    %get3A_1980 = arith.constant 0 : index
    %get3A_1981 = vector.load %arg3[%get3A_1979, %get3A_1980] : memref<2432x128xf32, #tpu.memory_space<vmem>>, vector<128x128xf32>
    %le3A_1982 = vector.broadcast %get3A_1931 : vector<1x128xf32> to vector<128x128xf32>
    %le3A_1983 = arith.cmpf ole, %get3A_1981, %le3A_1982 : vector<128x128xf32>
    %add3A_1984 = arith.constant 1.000000e+00 : f32
    %add3A_1985 = vector.broadcast %add3A_1984 : f32 to vector<128x128xf32>
    %add3A_1986 = arith.addf %select_n3A_1978, %add3A_1985 : vector<128x128xf32>
    %select_n3A_1987 = arith.select %le3A_1983, %add3A_1986, %select_n3A_1978 : vector<128x128xi1>, vector<128x128xf32>
    %get3A_1988 = arith.constant 768 : index
    %get3A_1989 = arith.constant 0 : index
    %get3A_1990 = vector.load %arg3[%get3A_1988, %get3A_1989] : memref<2432x128xf32, #tpu.memory_space<vmem>>, vector<128x128xf32>
    %le3A_1991 = vector.broadcast %get3A_1931 : vector<1x128xf32> to vector<128x128xf32>
    %le3A_1992 = arith.cmpf ole, %get3A_1990, %le3A_1991 : vector<128x128xf32>
    %add3A_1993 = arith.constant 1.000000e+00 : f32
    %add3A_1994 = vector.broadcast %add3A_1993 : f32 to vector<128x128xf32>
    %add3A_1995 = arith.addf %select_n3A_1987, %add3A_1994 : vector<128x128xf32>
    %select_n3A_1996 = arith.select %le3A_1992, %add3A_1995, %select_n3A_1987 : vector<128x128xi1>, vector<128x128xf32>
    %get3A_1997 = arith.constant 896 : index
    %get3A_1998 = arith.constant 0 : index
    %get3A_1999 = vector.load %arg3[%get3A_1997, %get3A_1998] : memref<2432x128xf32, #tpu.memory_space<vmem>>, vector<128x128xf32>
    %le3A_2000 = vector.broadcast %get3A_1931 : vector<1x128xf32> to vector<128x128xf32>
    %le3A_2001 = arith.cmpf ole, %get3A_1999, %le3A_2000 : vector<128x128xf32>
    %add3A_2002 = arith.constant 1.000000e+00 : f32
    %add3A_2003 = vector.broadcast %add3A_2002 : f32 to vector<128x128xf32>
    %add3A_2004 = arith.addf %select_n3A_1996, %add3A_2003 : vector<128x128xf32>
    %select_n3A_2005 = arith.select %le3A_2001, %add3A_2004, %select_n3A_1996 : vector<128x128xi1>, vector<128x128xf32>
    %get3A_2006 = arith.constant 1024 : index
    %get3A_2007 = arith.constant 0 : index
    %get3A_2008 = vector.load %arg3[%get3A_2006, %get3A_2007] : memref<2432x128xf32, #tpu.memory_space<vmem>>, vector<128x128xf32>
    %le3A_2009 = vector.broadcast %get3A_1931 : vector<1x128xf32> to vector<128x128xf32>
    %le3A_2010 = arith.cmpf ole, %get3A_2008, %le3A_2009 : vector<128x128xf32>
    %add3A_2011 = arith.constant 1.000000e+00 : f32
    %add3A_2012 = vector.broadcast %add3A_2011 : f32 to vector<128x128xf32>
    %add3A_2013 = arith.addf %select_n3A_2005, %add3A_2012 : vector<128x128xf32>
    %select_n3A_2014 = arith.select %le3A_2010, %add3A_2013, %select_n3A_2005 : vector<128x128xi1>, vector<128x128xf32>
    %get3A_2015 = arith.constant 1152 : index
    %get3A_2016 = arith.constant 0 : index
    %get3A_2017 = vector.load %arg3[%get3A_2015, %get3A_2016] : memref<2432x128xf32, #tpu.memory_space<vmem>>, vector<128x128xf32>
    %lt3A_2018 = vector.broadcast %get3A_1931 : vector<1x128xf32> to vector<128x128xf32>
    %lt3A_2019 = arith.cmpf olt, %get3A_2017, %lt3A_2018 : vector<128x128xf32>
    %le3A_2020 = vector.broadcast %get3A_1931 : vector<1x128xf32> to vector<128x128xf32>
    %le3A_2021 = arith.cmpf ole, %get3A_2017, %le3A_2020 : vector<128x128xf32>
    %and3A_2022 = arith.andi %le3A_2021, %lt3A : vector<128x128xi1>
    %or3A_2023 = arith.ori %lt3A_2019, %and3A_2022 : vector<128x128xi1>
    %add3A_2024 = arith.constant 1.000000e+00 : f32
    %add3A_2025 = vector.broadcast %add3A_2024 : f32 to vector<128x128xf32>
    %add3A_2026 = arith.addf %select_n3A_2014, %add3A_2025 : vector<128x128xf32>
    %select_n3A_2027 = arith.select %or3A_2023, %add3A_2026, %select_n3A_2014 : vector<128x128xi1>, vector<128x128xf32>
    %get3A_2028 = arith.constant 1280 : index
    %get3A_2029 = arith.constant 0 : index
    %get3A_2030 = vector.load %arg3[%get3A_2028, %get3A_2029] : memref<2432x128xf32, #tpu.memory_space<vmem>>, vector<128x128xf32>
    %lt3A_2031 = vector.broadcast %get3A_1931 : vector<1x128xf32> to vector<128x128xf32>
    %lt3A_2032 = arith.cmpf olt, %get3A_2030, %lt3A_2031 : vector<128x128xf32>
    %add3A_2033 = arith.constant 1.000000e+00 : f32
    %add3A_2034 = vector.broadcast %add3A_2033 : f32 to vector<128x128xf32>
    %add3A_2035 = arith.addf %select_n3A_2027, %add3A_2034 : vector<128x128xf32>
    %select_n3A_2036 = arith.select %lt3A_2032, %add3A_2035, %select_n3A_2027 : vector<128x128xi1>, vector<128x128xf32>
    %get3A_2037 = arith.constant 1408 : index
    %get3A_2038 = arith.constant 0 : index
    %get3A_2039 = vector.load %arg3[%get3A_2037, %get3A_2038] : memref<2432x128xf32, #tpu.memory_space<vmem>>, vector<128x128xf32>
    %lt3A_2040 = vector.broadcast %get3A_1931 : vector<1x128xf32> to vector<128x128xf32>
    %lt3A_2041 = arith.cmpf olt, %get3A_2039, %lt3A_2040 : vector<128x128xf32>
    %add3A_2042 = arith.constant 1.000000e+00 : f32
    %add3A_2043 = vector.broadcast %add3A_2042 : f32 to vector<128x128xf32>
    %add3A_2044 = arith.addf %select_n3A_2036, %add3A_2043 : vector<128x128xf32>
    %select_n3A_2045 = arith.select %lt3A_2041, %add3A_2044, %select_n3A_2036 : vector<128x128xi1>, vector<128x128xf32>
    %get3A_2046 = arith.constant 1536 : index
    %get3A_2047 = arith.constant 0 : index
    %get3A_2048 = vector.load %arg3[%get3A_2046, %get3A_2047] : memref<2432x128xf32, #tpu.memory_space<vmem>>, vector<128x128xf32>
    %lt3A_2049 = vector.broadcast %get3A_1931 : vector<1x128xf32> to vector<128x128xf32>
    %lt3A_2050 = arith.cmpf olt, %get3A_2048, %lt3A_2049 : vector<128x128xf32>
    %add3A_2051 = arith.constant 1.000000e+00 : f32
    %add3A_2052 = vector.broadcast %add3A_2051 : f32 to vector<128x128xf32>
    %add3A_2053 = arith.addf %select_n3A_2045, %add3A_2052 : vector<128x128xf32>
    %select_n3A_2054 = arith.select %lt3A_2050, %add3A_2053, %select_n3A_2045 : vector<128x128xi1>, vector<128x128xf32>
    %get3A_2055 = arith.constant 1664 : index
    %get3A_2056 = arith.constant 0 : index
    %get3A_2057 = vector.load %arg3[%get3A_2055, %get3A_2056] : memref<2432x128xf32, #tpu.memory_space<vmem>>, vector<128x128xf32>
    %lt3A_2058 = vector.broadcast %get3A_1931 : vector<1x128xf32> to vector<128x128xf32>
    %lt3A_2059 = arith.cmpf olt, %get3A_2057, %lt3A_2058 : vector<128x128xf32>
    %add3A_2060 = arith.constant 1.000000e+00 : f32
    %add3A_2061 = vector.broadcast %add3A_2060 : f32 to vector<128x128xf32>
    %add3A_2062 = arith.addf %select_n3A_2054, %add3A_2061 : vector<128x128xf32>
    %select_n3A_2063 = arith.select %lt3A_2059, %add3A_2062, %select_n3A_2054 : vector<128x128xi1>, vector<128x128xf32>
    %get3A_2064 = arith.constant 1792 : index
    %get3A_2065 = arith.constant 0 : index
    %get3A_2066 = vector.load %arg3[%get3A_2064, %get3A_2065] : memref<2432x128xf32, #tpu.memory_space<vmem>>, vector<128x128xf32>
    %lt3A_2067 = vector.broadcast %get3A_1931 : vector<1x128xf32> to vector<128x128xf32>
    %lt3A_2068 = arith.cmpf olt, %get3A_2066, %lt3A_2067 : vector<128x128xf32>
    %add3A_2069 = arith.constant 1.000000e+00 : f32
    %add3A_2070 = vector.broadcast %add3A_2069 : f32 to vector<128x128xf32>
    %add3A_2071 = arith.addf %select_n3A_2063, %add3A_2070 : vector<128x128xf32>
    %select_n3A_2072 = arith.select %lt3A_2068, %add3A_2071, %select_n3A_2063 : vector<128x128xi1>, vector<128x128xf32>
    %get3A_2073 = arith.constant 1920 : index
    %get3A_2074 = arith.constant 0 : index
    %get3A_2075 = vector.load %arg3[%get3A_2073, %get3A_2074] : memref<2432x128xf32, #tpu.memory_space<vmem>>, vector<128x128xf32>
    %lt3A_2076 = vector.broadcast %get3A_1931 : vector<1x128xf32> to vector<128x128xf32>
    %lt3A_2077 = arith.cmpf olt, %get3A_2075, %lt3A_2076 : vector<128x128xf32>
    %add3A_2078 = arith.constant 1.000000e+00 : f32
    %add3A_2079 = vector.broadcast %add3A_2078 : f32 to vector<128x128xf32>
    %add3A_2080 = arith.addf %select_n3A_2072, %add3A_2079 : vector<128x128xf32>
    %select_n3A_2081 = arith.select %lt3A_2077, %add3A_2080, %select_n3A_2072 : vector<128x128xi1>, vector<128x128xf32>
    %get3A_2082 = arith.constant 2048 : index
    %get3A_2083 = arith.constant 0 : index
    %get3A_2084 = vector.load %arg3[%get3A_2082, %get3A_2083] : memref<2432x128xf32, #tpu.memory_space<vmem>>, vector<128x128xf32>
    %lt3A_2085 = vector.broadcast %get3A_1931 : vector<1x128xf32> to vector<128x128xf32>
    %lt3A_2086 = arith.cmpf olt, %get3A_2084, %lt3A_2085 : vector<128x128xf32>
    %add3A_2087 = arith.constant 1.000000e+00 : f32
    %add3A_2088 = vector.broadcast %add3A_2087 : f32 to vector<128x128xf32>
    %add3A_2089 = arith.addf %select_n3A_2081, %add3A_2088 : vector<128x128xf32>
    %select_n3A_2090 = arith.select %lt3A_2086, %add3A_2089, %select_n3A_2081 : vector<128x128xi1>, vector<128x128xf32>
    %get3A_2091 = arith.constant 2176 : index
    %get3A_2092 = arith.constant 0 : index
    %get3A_2093 = vector.load %arg3[%get3A_2091, %get3A_2092] : memref<2432x128xf32, #tpu.memory_space<vmem>>, vector<128x128xf32>
    %lt3A_2094 = vector.broadcast %get3A_1931 : vector<1x128xf32> to vector<128x128xf32>
    %lt3A_2095 = arith.cmpf olt, %get3A_2093, %lt3A_2094 : vector<128x128xf32>
    %add3A_2096 = arith.constant 1.000000e+00 : f32
    %add3A_2097 = vector.broadcast %add3A_2096 : f32 to vector<128x128xf32>
    %add3A_2098 = arith.addf %select_n3A_2090, %add3A_2097 : vector<128x128xf32>
    %select_n3A_2099 = arith.select %lt3A_2095, %add3A_2098, %select_n3A_2090 : vector<128x128xi1>, vector<128x128xf32>
    %get3A_2100 = arith.constant 2304 : index
    %get3A_2101 = arith.constant 0 : index
    %get3A_2102 = vector.load %arg3[%get3A_2100, %get3A_2101] : memref<2432x128xf32, #tpu.memory_space<vmem>>, vector<128x128xf32>
    %lt3A_2103 = vector.broadcast %get3A_1931 : vector<1x128xf32> to vector<128x128xf32>
    %lt3A_2104 = arith.cmpf olt, %get3A_2102, %lt3A_2103 : vector<128x128xf32>
    %add3A_2105 = arith.constant 1.000000e+00 : f32
    %add3A_2106 = vector.broadcast %add3A_2105 : f32 to vector<128x128xf32>
    %add3A_2107 = arith.addf %select_n3A_2099, %add3A_2106 : vector<128x128xf32>
    %select_n3A_2108 = arith.select %lt3A_2104, %add3A_2107, %select_n3A_2099 : vector<128x128xi1>, vector<128x128xf32>
    %reduce_sum3A_2109 = arith.constant dense<0.000000e+00> : vector<128xf32>
    %reduce_sum3A_2110 = vector.multi_reduction <add>, %select_n3A_2108, %reduce_sum3A_2109 [0] : vector<128x128xf32> to vector<128xf32>
    %broadcast_in_dim3A_2111 = vector.shape_cast %reduce_sum3A_2110 : vector<128xf32> to vector<1x128xf32>
    %convert_element_type3A_2112 = arith.fptosi %broadcast_in_dim3A_2111 : vector<1x128xf32> to vector<1x128xi32>
    %swap3A_2113 = arith.constant 0 : index
    %swap3A_2114 = arith.constant 0 : index
    %swap3A_2115 = arith.constant 1152 : index
    %swap3A_2116 = vector.load %arg2[%swap3A_2113, %swap3A_2114, %swap3A_2115] : memref<1x1x2432xi32, #tpu.memory_space<vmem>>, vector<1x1x128xi32>
    %swap3A_2117 = vector.shape_cast %swap3A_2116 : vector<1x1x128xi32> to vector<1x128xi32>
    %swap3A_2118 = vector.shape_cast %convert_element_type3A_2112 : vector<1x128xi32> to vector<1x1x128xi32>
    tpu.vector_store %arg2[%swap3A_2113, %swap3A_2114, %swap3A_2115], %swap3A_2118 {strides = array<i32>} : memref<1x1x2432xi32, #tpu.memory_space<vmem>>, vector<1x1x128xi32>,
    %get3A_2119 = arith.constant 0 : index
    %get3A_2120 = arith.constant 0 : index
    %get3A_2121 = arith.constant 1280 : index
    %get3A_2122 = vector.load %arg1[%get3A_2119, %get3A_2120, %get3A_2121] : memref<1x1x2432xf32, #tpu.memory_space<vmem>>, vector<1x1x128xf32>
    %get3A_2123 = vector.shape_cast %get3A_2122 : vector<1x1x128xf32> to vector<1x128xf32>
    %broadcast_in_dim3A_2124 = arith.constant 0.000000e+00 : f32
    %broadcast_in_dim3A_2125 = vector.broadcast %broadcast_in_dim3A_2124 : f32 to vector<128x128xf32>
    %get3A_2126 = arith.constant 0 : index
    %get3A_2127 = arith.constant 0 : index
    %get3A_2128 = vector.load %arg3[%get3A_2126, %get3A_2127] : memref<2432x128xf32, #tpu.memory_space<vmem>>, vector<128x128xf32>
    %le3A_2129 = vector.broadcast %get3A_2123 : vector<1x128xf32> to vector<128x128xf32>
    %le3A_2130 = arith.cmpf ole, %get3A_2128, %le3A_2129 : vector<128x128xf32>
    %add3A_2131 = arith.constant 1.000000e+00 : f32
    %add3A_2132 = vector.broadcast %add3A_2131 : f32 to vector<128x128xf32>
    %add3A_2133 = arith.addf %broadcast_in_dim3A_2125, %add3A_2132 : vector<128x128xf32>
    %select_n3A_2134 = arith.select %le3A_2130, %add3A_2133, %broadcast_in_dim3A_2125 : vector<128x128xi1>, vector<128x128xf32>
    %get3A_2135 = arith.constant 128 : index
    %get3A_2136 = arith.constant 0 : index
    %get3A_2137 = vector.load %arg3[%get3A_2135, %get3A_2136] : memref<2432x128xf32, #tpu.memory_space<vmem>>, vector<128x128xf32>
    %le3A_2138 = vector.broadcast %get3A_2123 : vector<1x128xf32> to vector<128x128xf32>
    %le3A_2139 = arith.cmpf ole, %get3A_2137, %le3A_2138 : vector<128x128xf32>
    %add3A_2140 = arith.constant 1.000000e+00 : f32
    %add3A_2141 = vector.broadcast %add3A_2140 : f32 to vector<128x128xf32>
    %add3A_2142 = arith.addf %select_n3A_2134, %add3A_2141 : vector<128x128xf32>
    %select_n3A_2143 = arith.select %le3A_2139, %add3A_2142, %select_n3A_2134 : vector<128x128xi1>, vector<128x128xf32>
    %get3A_2144 = arith.constant 256 : index
    %get3A_2145 = arith.constant 0 : index
    %get3A_2146 = vector.load %arg3[%get3A_2144, %get3A_2145] : memref<2432x128xf32, #tpu.memory_space<vmem>>, vector<128x128xf32>
    %le3A_2147 = vector.broadcast %get3A_2123 : vector<1x128xf32> to vector<128x128xf32>
    %le3A_2148 = arith.cmpf ole, %get3A_2146, %le3A_2147 : vector<128x128xf32>
    %add3A_2149 = arith.constant 1.000000e+00 : f32
    %add3A_2150 = vector.broadcast %add3A_2149 : f32 to vector<128x128xf32>
    %add3A_2151 = arith.addf %select_n3A_2143, %add3A_2150 : vector<128x128xf32>
    %select_n3A_2152 = arith.select %le3A_2148, %add3A_2151, %select_n3A_2143 : vector<128x128xi1>, vector<128x128xf32>
    %get3A_2153 = arith.constant 384 : index
    %get3A_2154 = arith.constant 0 : index
    %get3A_2155 = vector.load %arg3[%get3A_2153, %get3A_2154] : memref<2432x128xf32, #tpu.memory_space<vmem>>, vector<128x128xf32>
    %le3A_2156 = vector.broadcast %get3A_2123 : vector<1x128xf32> to vector<128x128xf32>
    %le3A_2157 = arith.cmpf ole, %get3A_2155, %le3A_2156 : vector<128x128xf32>
    %add3A_2158 = arith.constant 1.000000e+00 : f32
    %add3A_2159 = vector.broadcast %add3A_2158 : f32 to vector<128x128xf32>
    %add3A_2160 = arith.addf %select_n3A_2152, %add3A_2159 : vector<128x128xf32>
    %select_n3A_2161 = arith.select %le3A_2157, %add3A_2160, %select_n3A_2152 : vector<128x128xi1>, vector<128x128xf32>
    %get3A_2162 = arith.constant 512 : index
    %get3A_2163 = arith.constant 0 : index
    %get3A_2164 = vector.load %arg3[%get3A_2162, %get3A_2163] : memref<2432x128xf32, #tpu.memory_space<vmem>>, vector<128x128xf32>
    %le3A_2165 = vector.broadcast %get3A_2123 : vector<1x128xf32> to vector<128x128xf32>
    %le3A_2166 = arith.cmpf ole, %get3A_2164, %le3A_2165 : vector<128x128xf32>
    %add3A_2167 = arith.constant 1.000000e+00 : f32
    %add3A_2168 = vector.broadcast %add3A_2167 : f32 to vector<128x128xf32>
    %add3A_2169 = arith.addf %select_n3A_2161, %add3A_2168 : vector<128x128xf32>
    %select_n3A_2170 = arith.select %le3A_2166, %add3A_2169, %select_n3A_2161 : vector<128x128xi1>, vector<128x128xf32>
    %get3A_2171 = arith.constant 640 : index
    %get3A_2172 = arith.constant 0 : index
    %get3A_2173 = vector.load %arg3[%get3A_2171, %get3A_2172] : memref<2432x128xf32, #tpu.memory_space<vmem>>, vector<128x128xf32>
    %le3A_2174 = vector.broadcast %get3A_2123 : vector<1x128xf32> to vector<128x128xf32>
    %le3A_2175 = arith.cmpf ole, %get3A_2173, %le3A_2174 : vector<128x128xf32>
    %add3A_2176 = arith.constant 1.000000e+00 : f32
    %add3A_2177 = vector.broadcast %add3A_2176 : f32 to vector<128x128xf32>
    %add3A_2178 = arith.addf %select_n3A_2170, %add3A_2177 : vector<128x128xf32>
    %select_n3A_2179 = arith.select %le3A_2175, %add3A_2178, %select_n3A_2170 : vector<128x128xi1>, vector<128x128xf32>
    %get3A_2180 = arith.constant 768 : index
    %get3A_2181 = arith.constant 0 : index
    %get3A_2182 = vector.load %arg3[%get3A_2180, %get3A_2181] : memref<2432x128xf32, #tpu.memory_space<vmem>>, vector<128x128xf32>
    %le3A_2183 = vector.broadcast %get3A_2123 : vector<1x128xf32> to vector<128x128xf32>
    %le3A_2184 = arith.cmpf ole, %get3A_2182, %le3A_2183 : vector<128x128xf32>
    %add3A_2185 = arith.constant 1.000000e+00 : f32
    %add3A_2186 = vector.broadcast %add3A_2185 : f32 to vector<128x128xf32>
    %add3A_2187 = arith.addf %select_n3A_2179, %add3A_2186 : vector<128x128xf32>
    %select_n3A_2188 = arith.select %le3A_2184, %add3A_2187, %select_n3A_2179 : vector<128x128xi1>, vector<128x128xf32>
    %get3A_2189 = arith.constant 896 : index
    %get3A_2190 = arith.constant 0 : index
    %get3A_2191 = vector.load %arg3[%get3A_2189, %get3A_2190] : memref<2432x128xf32, #tpu.memory_space<vmem>>, vector<128x128xf32>
    %le3A_2192 = vector.broadcast %get3A_2123 : vector<1x128xf32> to vector<128x128xf32>
    %le3A_2193 = arith.cmpf ole, %get3A_2191, %le3A_2192 : vector<128x128xf32>
    %add3A_2194 = arith.constant 1.000000e+00 : f32
    %add3A_2195 = vector.broadcast %add3A_2194 : f32 to vector<128x128xf32>
    %add3A_2196 = arith.addf %select_n3A_2188, %add3A_2195 : vector<128x128xf32>
    %select_n3A_2197 = arith.select %le3A_2193, %add3A_2196, %select_n3A_2188 : vector<128x128xi1>, vector<128x128xf32>
    %get3A_2198 = arith.constant 1024 : index
    %get3A_2199 = arith.constant 0 : index
    %get3A_2200 = vector.load %arg3[%get3A_2198, %get3A_2199] : memref<2432x128xf32, #tpu.memory_space<vmem>>, vector<128x128xf32>
    %le3A_2201 = vector.broadcast %get3A_2123 : vector<1x128xf32> to vector<128x128xf32>
    %le3A_2202 = arith.cmpf ole, %get3A_2200, %le3A_2201 : vector<128x128xf32>
    %add3A_2203 = arith.constant 1.000000e+00 : f32
    %add3A_2204 = vector.broadcast %add3A_2203 : f32 to vector<128x128xf32>
    %add3A_2205 = arith.addf %select_n3A_2197, %add3A_2204 : vector<128x128xf32>
    %select_n3A_2206 = arith.select %le3A_2202, %add3A_2205, %select_n3A_2197 : vector<128x128xi1>, vector<128x128xf32>
    %get3A_2207 = arith.constant 1152 : index
    %get3A_2208 = arith.constant 0 : index
    %get3A_2209 = vector.load %arg3[%get3A_2207, %get3A_2208] : memref<2432x128xf32, #tpu.memory_space<vmem>>, vector<128x128xf32>
    %le3A_2210 = vector.broadcast %get3A_2123 : vector<1x128xf32> to vector<128x128xf32>
    %le3A_2211 = arith.cmpf ole, %get3A_2209, %le3A_2210 : vector<128x128xf32>
    %add3A_2212 = arith.constant 1.000000e+00 : f32
    %add3A_2213 = vector.broadcast %add3A_2212 : f32 to vector<128x128xf32>
    %add3A_2214 = arith.addf %select_n3A_2206, %add3A_2213 : vector<128x128xf32>
    %select_n3A_2215 = arith.select %le3A_2211, %add3A_2214, %select_n3A_2206 : vector<128x128xi1>, vector<128x128xf32>
    %get3A_2216 = arith.constant 1280 : index
    %get3A_2217 = arith.constant 0 : index
    %get3A_2218 = vector.load %arg3[%get3A_2216, %get3A_2217] : memref<2432x128xf32, #tpu.memory_space<vmem>>, vector<128x128xf32>
    %lt3A_2219 = vector.broadcast %get3A_2123 : vector<1x128xf32> to vector<128x128xf32>
    %lt3A_2220 = arith.cmpf olt, %get3A_2218, %lt3A_2219 : vector<128x128xf32>
    %le3A_2221 = vector.broadcast %get3A_2123 : vector<1x128xf32> to vector<128x128xf32>
    %le3A_2222 = arith.cmpf ole, %get3A_2218, %le3A_2221 : vector<128x128xf32>
    %and3A_2223 = arith.andi %le3A_2222, %lt3A : vector<128x128xi1>
    %or3A_2224 = arith.ori %lt3A_2220, %and3A_2223 : vector<128x128xi1>
    %add3A_2225 = arith.constant 1.000000e+00 : f32
    %add3A_2226 = vector.broadcast %add3A_2225 : f32 to vector<128x128xf32>
    %add3A_2227 = arith.addf %select_n3A_2215, %add3A_2226 : vector<128x128xf32>
    %select_n3A_2228 = arith.select %or3A_2224, %add3A_2227, %select_n3A_2215 : vector<128x128xi1>, vector<128x128xf32>
    %get3A_2229 = arith.constant 1408 : index
    %get3A_2230 = arith.constant 0 : index
    %get3A_2231 = vector.load %arg3[%get3A_2229, %get3A_2230] : memref<2432x128xf32, #tpu.memory_space<vmem>>, vector<128x128xf32>
    %lt3A_2232 = vector.broadcast %get3A_2123 : vector<1x128xf32> to vector<128x128xf32>
    %lt3A_2233 = arith.cmpf olt, %get3A_2231, %lt3A_2232 : vector<128x128xf32>
    %add3A_2234 = arith.constant 1.000000e+00 : f32
    %add3A_2235 = vector.broadcast %add3A_2234 : f32 to vector<128x128xf32>
    %add3A_2236 = arith.addf %select_n3A_2228, %add3A_2235 : vector<128x128xf32>
    %select_n3A_2237 = arith.select %lt3A_2233, %add3A_2236, %select_n3A_2228 : vector<128x128xi1>, vector<128x128xf32>
    %get3A_2238 = arith.constant 1536 : index
    %get3A_2239 = arith.constant 0 : index
    %get3A_2240 = vector.load %arg3[%get3A_2238, %get3A_2239] : memref<2432x128xf32, #tpu.memory_space<vmem>>, vector<128x128xf32>
    %lt3A_2241 = vector.broadcast %get3A_2123 : vector<1x128xf32> to vector<128x128xf32>
    %lt3A_2242 = arith.cmpf olt, %get3A_2240, %lt3A_2241 : vector<128x128xf32>
    %add3A_2243 = arith.constant 1.000000e+00 : f32
    %add3A_2244 = vector.broadcast %add3A_2243 : f32 to vector<128x128xf32>
    %add3A_2245 = arith.addf %select_n3A_2237, %add3A_2244 : vector<128x128xf32>
    %select_n3A_2246 = arith.select %lt3A_2242, %add3A_2245, %select_n3A_2237 : vector<128x128xi1>, vector<128x128xf32>
    %get3A_2247 = arith.constant 1664 : index
    %get3A_2248 = arith.constant 0 : index
    %get3A_2249 = vector.load %arg3[%get3A_2247, %get3A_2248] : memref<2432x128xf32, #tpu.memory_space<vmem>>, vector<128x128xf32>
    %lt3A_2250 = vector.broadcast %get3A_2123 : vector<1x128xf32> to vector<128x128xf32>
    %lt3A_2251 = arith.cmpf olt, %get3A_2249, %lt3A_2250 : vector<128x128xf32>
    %add3A_2252 = arith.constant 1.000000e+00 : f32
    %add3A_2253 = vector.broadcast %add3A_2252 : f32 to vector<128x128xf32>
    %add3A_2254 = arith.addf %select_n3A_2246, %add3A_2253 : vector<128x128xf32>
    %select_n3A_2255 = arith.select %lt3A_2251, %add3A_2254, %select_n3A_2246 : vector<128x128xi1>, vector<128x128xf32>
    %get3A_2256 = arith.constant 1792 : index
    %get3A_2257 = arith.constant 0 : index
    %get3A_2258 = vector.load %arg3[%get3A_2256, %get3A_2257] : memref<2432x128xf32, #tpu.memory_space<vmem>>, vector<128x128xf32>
    %lt3A_2259 = vector.broadcast %get3A_2123 : vector<1x128xf32> to vector<128x128xf32>
    %lt3A_2260 = arith.cmpf olt, %get3A_2258, %lt3A_2259 : vector<128x128xf32>
    %add3A_2261 = arith.constant 1.000000e+00 : f32
    %add3A_2262 = vector.broadcast %add3A_2261 : f32 to vector<128x128xf32>
    %add3A_2263 = arith.addf %select_n3A_2255, %add3A_2262 : vector<128x128xf32>
    %select_n3A_2264 = arith.select %lt3A_2260, %add3A_2263, %select_n3A_2255 : vector<128x128xi1>, vector<128x128xf32>
    %get3A_2265 = arith.constant 1920 : index
    %get3A_2266 = arith.constant 0 : index
    %get3A_2267 = vector.load %arg3[%get3A_2265, %get3A_2266] : memref<2432x128xf32, #tpu.memory_space<vmem>>, vector<128x128xf32>
    %lt3A_2268 = vector.broadcast %get3A_2123 : vector<1x128xf32> to vector<128x128xf32>
    %lt3A_2269 = arith.cmpf olt, %get3A_2267, %lt3A_2268 : vector<128x128xf32>
    %add3A_2270 = arith.constant 1.000000e+00 : f32
    %add3A_2271 = vector.broadcast %add3A_2270 : f32 to vector<128x128xf32>
    %add3A_2272 = arith.addf %select_n3A_2264, %add3A_2271 : vector<128x128xf32>
    %select_n3A_2273 = arith.select %lt3A_2269, %add3A_2272, %select_n3A_2264 : vector<128x128xi1>, vector<128x128xf32>
    %get3A_2274 = arith.constant 2048 : index
    %get3A_2275 = arith.constant 0 : index
    %get3A_2276 = vector.load %arg3[%get3A_2274, %get3A_2275] : memref<2432x128xf32, #tpu.memory_space<vmem>>, vector<128x128xf32>
    %lt3A_2277 = vector.broadcast %get3A_2123 : vector<1x128xf32> to vector<128x128xf32>
    %lt3A_2278 = arith.cmpf olt, %get3A_2276, %lt3A_2277 : vector<128x128xf32>
    %add3A_2279 = arith.constant 1.000000e+00 : f32
    %add3A_2280 = vector.broadcast %add3A_2279 : f32 to vector<128x128xf32>
    %add3A_2281 = arith.addf %select_n3A_2273, %add3A_2280 : vector<128x128xf32>
    %select_n3A_2282 = arith.select %lt3A_2278, %add3A_2281, %select_n3A_2273 : vector<128x128xi1>, vector<128x128xf32>
    %get3A_2283 = arith.constant 2176 : index
    %get3A_2284 = arith.constant 0 : index
    %get3A_2285 = vector.load %arg3[%get3A_2283, %get3A_2284] : memref<2432x128xf32, #tpu.memory_space<vmem>>, vector<128x128xf32>
    %lt3A_2286 = vector.broadcast %get3A_2123 : vector<1x128xf32> to vector<128x128xf32>
    %lt3A_2287 = arith.cmpf olt, %get3A_2285, %lt3A_2286 : vector<128x128xf32>
    %add3A_2288 = arith.constant 1.000000e+00 : f32
    %add3A_2289 = vector.broadcast %add3A_2288 : f32 to vector<128x128xf32>
    %add3A_2290 = arith.addf %select_n3A_2282, %add3A_2289 : vector<128x128xf32>
    %select_n3A_2291 = arith.select %lt3A_2287, %add3A_2290, %select_n3A_2282 : vector<128x128xi1>, vector<128x128xf32>
    %get3A_2292 = arith.constant 2304 : index
    %get3A_2293 = arith.constant 0 : index
    %get3A_2294 = vector.load %arg3[%get3A_2292, %get3A_2293] : memref<2432x128xf32, #tpu.memory_space<vmem>>, vector<128x128xf32>
    %lt3A_2295 = vector.broadcast %get3A_2123 : vector<1x128xf32> to vector<128x128xf32>
    %lt3A_2296 = arith.cmpf olt, %get3A_2294, %lt3A_2295 : vector<128x128xf32>
    %add3A_2297 = arith.constant 1.000000e+00 : f32
    %add3A_2298 = vector.broadcast %add3A_2297 : f32 to vector<128x128xf32>
    %add3A_2299 = arith.addf %select_n3A_2291, %add3A_2298 : vector<128x128xf32>
    %select_n3A_2300 = arith.select %lt3A_2296, %add3A_2299, %select_n3A_2291 : vector<128x128xi1>, vector<128x128xf32>
    %reduce_sum3A_2301 = arith.constant dense<0.000000e+00> : vector<128xf32>
    %reduce_sum3A_2302 = vector.multi_reduction <add>, %select_n3A_2300, %reduce_sum3A_2301 [0] : vector<128x128xf32> to vector<128xf32>
    %broadcast_in_dim3A_2303 = vector.shape_cast %reduce_sum3A_2302 : vector<128xf32> to vector<1x128xf32>
    %convert_element_type3A_2304 = arith.fptosi %broadcast_in_dim3A_2303 : vector<1x128xf32> to vector<1x128xi32>
    %swap3A_2305 = arith.constant 0 : index
    %swap3A_2306 = arith.constant 0 : index
    %swap3A_2307 = arith.constant 1280 : index
    %swap3A_2308 = vector.load %arg2[%swap3A_2305, %swap3A_2306, %swap3A_2307] : memref<1x1x2432xi32, #tpu.memory_space<vmem>>, vector<1x1x128xi32>
    %swap3A_2309 = vector.shape_cast %swap3A_2308 : vector<1x1x128xi32> to vector<1x128xi32>
    %swap3A_2310 = vector.shape_cast %convert_element_type3A_2304 : vector<1x128xi32> to vector<1x1x128xi32>
    tpu.vector_store %arg2[%swap3A_2305, %swap3A_2306, %swap3A_2307], %swap3A_2310 {strides = array<i32>} : memref<1x1x2432xi32, #tpu.memory_space<vmem>>, vector<1x1x128xi32>,
    %get3A_2311 = arith.constant 0 : index
    %get3A_2312 = arith.constant 0 : index
    %get3A_2313 = arith.constant 1408 : index
    %get3A_2314 = vector.load %arg1[%get3A_2311, %get3A_2312, %get3A_2313] : memref<1x1x2432xf32, #tpu.memory_space<vmem>>, vector<1x1x128xf32>
    %get3A_2315 = vector.shape_cast %get3A_2314 : vector<1x1x128xf32> to vector<1x128xf32>
    %broadcast_in_dim3A_2316 = arith.constant 0.000000e+00 : f32
    %broadcast_in_dim3A_2317 = vector.broadcast %broadcast_in_dim3A_2316 : f32 to vector<128x128xf32>
    %get3A_2318 = arith.constant 0 : index
    %get3A_2319 = arith.constant 0 : index
    %get3A_2320 = vector.load %arg3[%get3A_2318, %get3A_2319] : memref<2432x128xf32, #tpu.memory_space<vmem>>, vector<128x128xf32>
    %le3A_2321 = vector.broadcast %get3A_2315 : vector<1x128xf32> to vector<128x128xf32>
    %le3A_2322 = arith.cmpf ole, %get3A_2320, %le3A_2321 : vector<128x128xf32>
    %add3A_2323 = arith.constant 1.000000e+00 : f32
    %add3A_2324 = vector.broadcast %add3A_2323 : f32 to vector<128x128xf32>
    %add3A_2325 = arith.addf %broadcast_in_dim3A_2317, %add3A_2324 : vector<128x128xf32>
    %select_n3A_2326 = arith.select %le3A_2322, %add3A_2325, %broadcast_in_dim3A_2317 : vector<128x128xi1>, vector<128x128xf32>
    %get3A_2327 = arith.constant 128 : index
    %get3A_2328 = arith.constant 0 : index
    %get3A_2329 = vector.load %arg3[%get3A_2327, %get3A_2328] : memref<2432x128xf32, #tpu.memory_space<vmem>>, vector<128x128xf32>
    %le3A_2330 = vector.broadcast %get3A_2315 : vector<1x128xf32> to vector<128x128xf32>
    %le3A_2331 = arith.cmpf ole, %get3A_2329, %le3A_2330 : vector<128x128xf32>
    %add3A_2332 = arith.constant 1.000000e+00 : f32
    %add3A_2333 = vector.broadcast %add3A_2332 : f32 to vector<128x128xf32>
    %add3A_2334 = arith.addf %select_n3A_2326, %add3A_2333 : vector<128x128xf32>
    %select_n3A_2335 = arith.select %le3A_2331, %add3A_2334, %select_n3A_2326 : vector<128x128xi1>, vector<128x128xf32>
    %get3A_2336 = arith.constant 256 : index
    %get3A_2337 = arith.constant 0 : index
    %get3A_2338 = vector.load %arg3[%get3A_2336, %get3A_2337] : memref<2432x128xf32, #tpu.memory_space<vmem>>, vector<128x128xf32>
    %le3A_2339 = vector.broadcast %get3A_2315 : vector<1x128xf32> to vector<128x128xf32>
    %le3A_2340 = arith.cmpf ole, %get3A_2338, %le3A_2339 : vector<128x128xf32>
    %add3A_2341 = arith.constant 1.000000e+00 : f32
    %add3A_2342 = vector.broadcast %add3A_2341 : f32 to vector<128x128xf32>
    %add3A_2343 = arith.addf %select_n3A_2335, %add3A_2342 : vector<128x128xf32>
    %select_n3A_2344 = arith.select %le3A_2340, %add3A_2343, %select_n3A_2335 : vector<128x128xi1>, vector<128x128xf32>
    %get3A_2345 = arith.constant 384 : index
    %get3A_2346 = arith.constant 0 : index
    %get3A_2347 = vector.load %arg3[%get3A_2345, %get3A_2346] : memref<2432x128xf32, #tpu.memory_space<vmem>>, vector<128x128xf32>
    %le3A_2348 = vector.broadcast %get3A_2315 : vector<1x128xf32> to vector<128x128xf32>
    %le3A_2349 = arith.cmpf ole, %get3A_2347, %le3A_2348 : vector<128x128xf32>
    %add3A_2350 = arith.constant 1.000000e+00 : f32
    %add3A_2351 = vector.broadcast %add3A_2350 : f32 to vector<128x128xf32>
    %add3A_2352 = arith.addf %select_n3A_2344, %add3A_2351 : vector<128x128xf32>
    %select_n3A_2353 = arith.select %le3A_2349, %add3A_2352, %select_n3A_2344 : vector<128x128xi1>, vector<128x128xf32>
    %get3A_2354 = arith.constant 512 : index
    %get3A_2355 = arith.constant 0 : index
    %get3A_2356 = vector.load %arg3[%get3A_2354, %get3A_2355] : memref<2432x128xf32, #tpu.memory_space<vmem>>, vector<128x128xf32>
    %le3A_2357 = vector.broadcast %get3A_2315 : vector<1x128xf32> to vector<128x128xf32>
    %le3A_2358 = arith.cmpf ole, %get3A_2356, %le3A_2357 : vector<128x128xf32>
    %add3A_2359 = arith.constant 1.000000e+00 : f32
    %add3A_2360 = vector.broadcast %add3A_2359 : f32 to vector<128x128xf32>
    %add3A_2361 = arith.addf %select_n3A_2353, %add3A_2360 : vector<128x128xf32>
    %select_n3A_2362 = arith.select %le3A_2358, %add3A_2361, %select_n3A_2353 : vector<128x128xi1>, vector<128x128xf32>
    %get3A_2363 = arith.constant 640 : index
    %get3A_2364 = arith.constant 0 : index
    %get3A_2365 = vector.load %arg3[%get3A_2363, %get3A_2364] : memref<2432x128xf32, #tpu.memory_space<vmem>>, vector<128x128xf32>
    %le3A_2366 = vector.broadcast %get3A_2315 : vector<1x128xf32> to vector<128x128xf32>
    %le3A_2367 = arith.cmpf ole, %get3A_2365, %le3A_2366 : vector<128x128xf32>
    %add3A_2368 = arith.constant 1.000000e+00 : f32
    %add3A_2369 = vector.broadcast %add3A_2368 : f32 to vector<128x128xf32>
    %add3A_2370 = arith.addf %select_n3A_2362, %add3A_2369 : vector<128x128xf32>
    %select_n3A_2371 = arith.select %le3A_2367, %add3A_2370, %select_n3A_2362 : vector<128x128xi1>, vector<128x128xf32>
    %get3A_2372 = arith.constant 768 : index
    %get3A_2373 = arith.constant 0 : index
    %get3A_2374 = vector.load %arg3[%get3A_2372, %get3A_2373] : memref<2432x128xf32, #tpu.memory_space<vmem>>, vector<128x128xf32>
    %le3A_2375 = vector.broadcast %get3A_2315 : vector<1x128xf32> to vector<128x128xf32>
    %le3A_2376 = arith.cmpf ole, %get3A_2374, %le3A_2375 : vector<128x128xf32>
    %add3A_2377 = arith.constant 1.000000e+00 : f32
    %add3A_2378 = vector.broadcast %add3A_2377 : f32 to vector<128x128xf32>
    %add3A_2379 = arith.addf %select_n3A_2371, %add3A_2378 : vector<128x128xf32>
    %select_n3A_2380 = arith.select %le3A_2376, %add3A_2379, %select_n3A_2371 : vector<128x128xi1>, vector<128x128xf32>
    %get3A_2381 = arith.constant 896 : index
    %get3A_2382 = arith.constant 0 : index
    %get3A_2383 = vector.load %arg3[%get3A_2381, %get3A_2382] : memref<2432x128xf32, #tpu.memory_space<vmem>>, vector<128x128xf32>
    %le3A_2384 = vector.broadcast %get3A_2315 : vector<1x128xf32> to vector<128x128xf32>
    %le3A_2385 = arith.cmpf ole, %get3A_2383, %le3A_2384 : vector<128x128xf32>
    %add3A_2386 = arith.constant 1.000000e+00 : f32
    %add3A_2387 = vector.broadcast %add3A_2386 : f32 to vector<128x128xf32>
    %add3A_2388 = arith.addf %select_n3A_2380, %add3A_2387 : vector<128x128xf32>
    %select_n3A_2389 = arith.select %le3A_2385, %add3A_2388, %select_n3A_2380 : vector<128x128xi1>, vector<128x128xf32>
    %get3A_2390 = arith.constant 1024 : index
    %get3A_2391 = arith.constant 0 : index
    %get3A_2392 = vector.load %arg3[%get3A_2390, %get3A_2391] : memref<2432x128xf32, #tpu.memory_space<vmem>>, vector<128x128xf32>
    %le3A_2393 = vector.broadcast %get3A_2315 : vector<1x128xf32> to vector<128x128xf32>
    %le3A_2394 = arith.cmpf ole, %get3A_2392, %le3A_2393 : vector<128x128xf32>
    %add3A_2395 = arith.constant 1.000000e+00 : f32
    %add3A_2396 = vector.broadcast %add3A_2395 : f32 to vector<128x128xf32>
    %add3A_2397 = arith.addf %select_n3A_2389, %add3A_2396 : vector<128x128xf32>
    %select_n3A_2398 = arith.select %le3A_2394, %add3A_2397, %select_n3A_2389 : vector<128x128xi1>, vector<128x128xf32>
    %get3A_2399 = arith.constant 1152 : index
    %get3A_2400 = arith.constant 0 : index
    %get3A_2401 = vector.load %arg3[%get3A_2399, %get3A_2400] : memref<2432x128xf32, #tpu.memory_space<vmem>>, vector<128x128xf32>
    %le3A_2402 = vector.broadcast %get3A_2315 : vector<1x128xf32> to vector<128x128xf32>
    %le3A_2403 = arith.cmpf ole, %get3A_2401, %le3A_2402 : vector<128x128xf32>
    %add3A_2404 = arith.constant 1.000000e+00 : f32
    %add3A_2405 = vector.broadcast %add3A_2404 : f32 to vector<128x128xf32>
    %add3A_2406 = arith.addf %select_n3A_2398, %add3A_2405 : vector<128x128xf32>
    %select_n3A_2407 = arith.select %le3A_2403, %add3A_2406, %select_n3A_2398 : vector<128x128xi1>, vector<128x128xf32>
    %get3A_2408 = arith.constant 1280 : index
    %get3A_2409 = arith.constant 0 : index
    %get3A_2410 = vector.load %arg3[%get3A_2408, %get3A_2409] : memref<2432x128xf32, #tpu.memory_space<vmem>>, vector<128x128xf32>
    %le3A_2411 = vector.broadcast %get3A_2315 : vector<1x128xf32> to vector<128x128xf32>
    %le3A_2412 = arith.cmpf ole, %get3A_2410, %le3A_2411 : vector<128x128xf32>
    %add3A_2413 = arith.constant 1.000000e+00 : f32
    %add3A_2414 = vector.broadcast %add3A_2413 : f32 to vector<128x128xf32>
    %add3A_2415 = arith.addf %select_n3A_2407, %add3A_2414 : vector<128x128xf32>
    %select_n3A_2416 = arith.select %le3A_2412, %add3A_2415, %select_n3A_2407 : vector<128x128xi1>, vector<128x128xf32>
    %get3A_2417 = arith.constant 1408 : index
    %get3A_2418 = arith.constant 0 : index
    %get3A_2419 = vector.load %arg3[%get3A_2417, %get3A_2418] : memref<2432x128xf32, #tpu.memory_space<vmem>>, vector<128x128xf32>
    %lt3A_2420 = vector.broadcast %get3A_2315 : vector<1x128xf32> to vector<128x128xf32>
    %lt3A_2421 = arith.cmpf olt, %get3A_2419, %lt3A_2420 : vector<128x128xf32>
    %le3A_2422 = vector.broadcast %get3A_2315 : vector<1x128xf32> to vector<128x128xf32>
    %le3A_2423 = arith.cmpf ole, %get3A_2419, %le3A_2422 : vector<128x128xf32>
    %and3A_2424 = arith.andi %le3A_2423, %lt3A : vector<128x128xi1>
    %or3A_2425 = arith.ori %lt3A_2421, %and3A_2424 : vector<128x128xi1>
    %add3A_2426 = arith.constant 1.000000e+00 : f32
    %add3A_2427 = vector.broadcast %add3A_2426 : f32 to vector<128x128xf32>
    %add3A_2428 = arith.addf %select_n3A_2416, %add3A_2427 : vector<128x128xf32>
    %select_n3A_2429 = arith.select %or3A_2425, %add3A_2428, %select_n3A_2416 : vector<128x128xi1>, vector<128x128xf32>
    %get3A_2430 = arith.constant 1536 : index
    %get3A_2431 = arith.constant 0 : index
    %get3A_2432 = vector.load %arg3[%get3A_2430, %get3A_2431] : memref<2432x128xf32, #tpu.memory_space<vmem>>, vector<128x128xf32>
    %lt3A_2433 = vector.broadcast %get3A_2315 : vector<1x128xf32> to vector<128x128xf32>
    %lt3A_2434 = arith.cmpf olt, %get3A_2432, %lt3A_2433 : vector<128x128xf32>
    %add3A_2435 = arith.constant 1.000000e+00 : f32
    %add3A_2436 = vector.broadcast %add3A_2435 : f32 to vector<128x128xf32>
    %add3A_2437 = arith.addf %select_n3A_2429, %add3A_2436 : vector<128x128xf32>
    %select_n3A_2438 = arith.select %lt3A_2434, %add3A_2437, %select_n3A_2429 : vector<128x128xi1>, vector<128x128xf32>
    %get3A_2439 = arith.constant 1664 : index
    %get3A_2440 = arith.constant 0 : index
    %get3A_2441 = vector.load %arg3[%get3A_2439, %get3A_2440] : memref<2432x128xf32, #tpu.memory_space<vmem>>, vector<128x128xf32>
    %lt3A_2442 = vector.broadcast %get3A_2315 : vector<1x128xf32> to vector<128x128xf32>
    %lt3A_2443 = arith.cmpf olt, %get3A_2441, %lt3A_2442 : vector<128x128xf32>
    %add3A_2444 = arith.constant 1.000000e+00 : f32
    %add3A_2445 = vector.broadcast %add3A_2444 : f32 to vector<128x128xf32>
    %add3A_2446 = arith.addf %select_n3A_2438, %add3A_2445 : vector<128x128xf32>
    %select_n3A_2447 = arith.select %lt3A_2443, %add3A_2446, %select_n3A_2438 : vector<128x128xi1>, vector<128x128xf32>
    %get3A_2448 = arith.constant 1792 : index
    %get3A_2449 = arith.constant 0 : index
    %get3A_2450 = vector.load %arg3[%get3A_2448, %get3A_2449] : memref<2432x128xf32, #tpu.memory_space<vmem>>, vector<128x128xf32>
    %lt3A_2451 = vector.broadcast %get3A_2315 : vector<1x128xf32> to vector<128x128xf32>
    %lt3A_2452 = arith.cmpf olt, %get3A_2450, %lt3A_2451 : vector<128x128xf32>
    %add3A_2453 = arith.constant 1.000000e+00 : f32
    %add3A_2454 = vector.broadcast %add3A_2453 : f32 to vector<128x128xf32>
    %add3A_2455 = arith.addf %select_n3A_2447, %add3A_2454 : vector<128x128xf32>
    %select_n3A_2456 = arith.select %lt3A_2452, %add3A_2455, %select_n3A_2447 : vector<128x128xi1>, vector<128x128xf32>
    %get3A_2457 = arith.constant 1920 : index
    %get3A_2458 = arith.constant 0 : index
    %get3A_2459 = vector.load %arg3[%get3A_2457, %get3A_2458] : memref<2432x128xf32, #tpu.memory_space<vmem>>, vector<128x128xf32>
    %lt3A_2460 = vector.broadcast %get3A_2315 : vector<1x128xf32> to vector<128x128xf32>
    %lt3A_2461 = arith.cmpf olt, %get3A_2459, %lt3A_2460 : vector<128x128xf32>
    %add3A_2462 = arith.constant 1.000000e+00 : f32
    %add3A_2463 = vector.broadcast %add3A_2462 : f32 to vector<128x128xf32>
    %add3A_2464 = arith.addf %select_n3A_2456, %add3A_2463 : vector<128x128xf32>
    %select_n3A_2465 = arith.select %lt3A_2461, %add3A_2464, %select_n3A_2456 : vector<128x128xi1>, vector<128x128xf32>
    %get3A_2466 = arith.constant 2048 : index
    %get3A_2467 = arith.constant 0 : index
    %get3A_2468 = vector.load %arg3[%get3A_2466, %get3A_2467] : memref<2432x128xf32, #tpu.memory_space<vmem>>, vector<128x128xf32>
    %lt3A_2469 = vector.broadcast %get3A_2315 : vector<1x128xf32> to vector<128x128xf32>
    %lt3A_2470 = arith.cmpf olt, %get3A_2468, %lt3A_2469 : vector<128x128xf32>
    %add3A_2471 = arith.constant 1.000000e+00 : f32
    %add3A_2472 = vector.broadcast %add3A_2471 : f32 to vector<128x128xf32>
    %add3A_2473 = arith.addf %select_n3A_2465, %add3A_2472 : vector<128x128xf32>
    %select_n3A_2474 = arith.select %lt3A_2470, %add3A_2473, %select_n3A_2465 : vector<128x128xi1>, vector<128x128xf32>
    %get3A_2475 = arith.constant 2176 : index
    %get3A_2476 = arith.constant 0 : index
    %get3A_2477 = vector.load %arg3[%get3A_2475, %get3A_2476] : memref<2432x128xf32, #tpu.memory_space<vmem>>, vector<128x128xf32>
    %lt3A_2478 = vector.broadcast %get3A_2315 : vector<1x128xf32> to vector<128x128xf32>
    %lt3A_2479 = arith.cmpf olt, %get3A_2477, %lt3A_2478 : vector<128x128xf32>
    %add3A_2480 = arith.constant 1.000000e+00 : f32
    %add3A_2481 = vector.broadcast %add3A_2480 : f32 to vector<128x128xf32>
    %add3A_2482 = arith.addf %select_n3A_2474, %add3A_2481 : vector<128x128xf32>
    %select_n3A_2483 = arith.select %lt3A_2479, %add3A_2482, %select_n3A_2474 : vector<128x128xi1>, vector<128x128xf32>
    %get3A_2484 = arith.constant 2304 : index
    %get3A_2485 = arith.constant 0 : index
    %get3A_2486 = vector.load %arg3[%get3A_2484, %get3A_2485] : memref<2432x128xf32, #tpu.memory_space<vmem>>, vector<128x128xf32>
    %lt3A_2487 = vector.broadcast %get3A_2315 : vector<1x128xf32> to vector<128x128xf32>
    %lt3A_2488 = arith.cmpf olt, %get3A_2486, %lt3A_2487 : vector<128x128xf32>
    %add3A_2489 = arith.constant 1.000000e+00 : f32
    %add3A_2490 = vector.broadcast %add3A_2489 : f32 to vector<128x128xf32>
    %add3A_2491 = arith.addf %select_n3A_2483, %add3A_2490 : vector<128x128xf32>
    %select_n3A_2492 = arith.select %lt3A_2488, %add3A_2491, %select_n3A_2483 : vector<128x128xi1>, vector<128x128xf32>
    %reduce_sum3A_2493 = arith.constant dense<0.000000e+00> : vector<128xf32>
    %reduce_sum3A_2494 = vector.multi_reduction <add>, %select_n3A_2492, %reduce_sum3A_2493 [0] : vector<128x128xf32> to vector<128xf32>
    %broadcast_in_dim3A_2495 = vector.shape_cast %reduce_sum3A_2494 : vector<128xf32> to vector<1x128xf32>
    %convert_element_type3A_2496 = arith.fptosi %broadcast_in_dim3A_2495 : vector<1x128xf32> to vector<1x128xi32>
    %swap3A_2497 = arith.constant 0 : index
    %swap3A_2498 = arith.constant 0 : index
    %swap3A_2499 = arith.constant 1408 : index
    %swap3A_2500 = vector.load %arg2[%swap3A_2497, %swap3A_2498, %swap3A_2499] : memref<1x1x2432xi32, #tpu.memory_space<vmem>>, vector<1x1x128xi32>
    %swap3A_2501 = vector.shape_cast %swap3A_2500 : vector<1x1x128xi32> to vector<1x128xi32>
    %swap3A_2502 = vector.shape_cast %convert_element_type3A_2496 : vector<1x128xi32> to vector<1x1x128xi32>
    tpu.vector_store %arg2[%swap3A_2497, %swap3A_2498, %swap3A_2499], %swap3A_2502 {strides = array<i32>} : memref<1x1x2432xi32, #tpu.memory_space<vmem>>, vector<1x1x128xi32>,
    %get3A_2503 = arith.constant 0 : index
    %get3A_2504 = arith.constant 0 : index
    %get3A_2505 = arith.constant 1536 : index
    %get3A_2506 = vector.load %arg1[%get3A_2503, %get3A_2504, %get3A_2505] : memref<1x1x2432xf32, #tpu.memory_space<vmem>>, vector<1x1x128xf32>
    %get3A_2507 = vector.shape_cast %get3A_2506 : vector<1x1x128xf32> to vector<1x128xf32>
    %broadcast_in_dim3A_2508 = arith.constant 0.000000e+00 : f32
    %broadcast_in_dim3A_2509 = vector.broadcast %broadcast_in_dim3A_2508 : f32 to vector<128x128xf32>
    %get3A_2510 = arith.constant 0 : index
    %get3A_2511 = arith.constant 0 : index
    %get3A_2512 = vector.load %arg3[%get3A_2510, %get3A_2511] : memref<2432x128xf32, #tpu.memory_space<vmem>>, vector<128x128xf32>
    %le3A_2513 = vector.broadcast %get3A_2507 : vector<1x128xf32> to vector<128x128xf32>
    %le3A_2514 = arith.cmpf ole, %get3A_2512, %le3A_2513 : vector<128x128xf32>
    %add3A_2515 = arith.constant 1.000000e+00 : f32
    %add3A_2516 = vector.broadcast %add3A_2515 : f32 to vector<128x128xf32>
    %add3A_2517 = arith.addf %broadcast_in_dim3A_2509, %add3A_2516 : vector<128x128xf32>
    %select_n3A_2518 = arith.select %le3A_2514, %add3A_2517, %broadcast_in_dim3A_2509 : vector<128x128xi1>, vector<128x128xf32>
    %get3A_2519 = arith.constant 128 : index
    %get3A_2520 = arith.constant 0 : index
    %get3A_2521 = vector.load %arg3[%get3A_2519, %get3A_2520] : memref<2432x128xf32, #tpu.memory_space<vmem>>, vector<128x128xf32>
    %le3A_2522 = vector.broadcast %get3A_2507 : vector<1x128xf32> to vector<128x128xf32>
    %le3A_2523 = arith.cmpf ole, %get3A_2521, %le3A_2522 : vector<128x128xf32>
    %add3A_2524 = arith.constant 1.000000e+00 : f32
    %add3A_2525 = vector.broadcast %add3A_2524 : f32 to vector<128x128xf32>
    %add3A_2526 = arith.addf %select_n3A_2518, %add3A_2525 : vector<128x128xf32>
    %select_n3A_2527 = arith.select %le3A_2523, %add3A_2526, %select_n3A_2518 : vector<128x128xi1>, vector<128x128xf32>
    %get3A_2528 = arith.constant 256 : index
    %get3A_2529 = arith.constant 0 : index
    %get3A_2530 = vector.load %arg3[%get3A_2528, %get3A_2529] : memref<2432x128xf32, #tpu.memory_space<vmem>>, vector<128x128xf32>
    %le3A_2531 = vector.broadcast %get3A_2507 : vector<1x128xf32> to vector<128x128xf32>
    %le3A_2532 = arith.cmpf ole, %get3A_2530, %le3A_2531 : vector<128x128xf32>
    %add3A_2533 = arith.constant 1.000000e+00 : f32
    %add3A_2534 = vector.broadcast %add3A_2533 : f32 to vector<128x128xf32>
    %add3A_2535 = arith.addf %select_n3A_2527, %add3A_2534 : vector<128x128xf32>
    %select_n3A_2536 = arith.select %le3A_2532, %add3A_2535, %select_n3A_2527 : vector<128x128xi1>, vector<128x128xf32>
    %get3A_2537 = arith.constant 384 : index
    %get3A_2538 = arith.constant 0 : index
    %get3A_2539 = vector.load %arg3[%get3A_2537, %get3A_2538] : memref<2432x128xf32, #tpu.memory_space<vmem>>, vector<128x128xf32>
    %le3A_2540 = vector.broadcast %get3A_2507 : vector<1x128xf32> to vector<128x128xf32>
    %le3A_2541 = arith.cmpf ole, %get3A_2539, %le3A_2540 : vector<128x128xf32>
    %add3A_2542 = arith.constant 1.000000e+00 : f32
    %add3A_2543 = vector.broadcast %add3A_2542 : f32 to vector<128x128xf32>
    %add3A_2544 = arith.addf %select_n3A_2536, %add3A_2543 : vector<128x128xf32>
    %select_n3A_2545 = arith.select %le3A_2541, %add3A_2544, %select_n3A_2536 : vector<128x128xi1>, vector<128x128xf32>
    %get3A_2546 = arith.constant 512 : index
    %get3A_2547 = arith.constant 0 : index
    %get3A_2548 = vector.load %arg3[%get3A_2546, %get3A_2547] : memref<2432x128xf32, #tpu.memory_space<vmem>>, vector<128x128xf32>
    %le3A_2549 = vector.broadcast %get3A_2507 : vector<1x128xf32> to vector<128x128xf32>
    %le3A_2550 = arith.cmpf ole, %get3A_2548, %le3A_2549 : vector<128x128xf32>
    %add3A_2551 = arith.constant 1.000000e+00 : f32
    %add3A_2552 = vector.broadcast %add3A_2551 : f32 to vector<128x128xf32>
    %add3A_2553 = arith.addf %select_n3A_2545, %add3A_2552 : vector<128x128xf32>
    %select_n3A_2554 = arith.select %le3A_2550, %add3A_2553, %select_n3A_2545 : vector<128x128xi1>, vector<128x128xf32>
    %get3A_2555 = arith.constant 640 : index
    %get3A_2556 = arith.constant 0 : index
    %get3A_2557 = vector.load %arg3[%get3A_2555, %get3A_2556] : memref<2432x128xf32, #tpu.memory_space<vmem>>, vector<128x128xf32>
    %le3A_2558 = vector.broadcast %get3A_2507 : vector<1x128xf32> to vector<128x128xf32>
    %le3A_2559 = arith.cmpf ole, %get3A_2557, %le3A_2558 : vector<128x128xf32>
    %add3A_2560 = arith.constant 1.000000e+00 : f32
    %add3A_2561 = vector.broadcast %add3A_2560 : f32 to vector<128x128xf32>
    %add3A_2562 = arith.addf %select_n3A_2554, %add3A_2561 : vector<128x128xf32>
    %select_n3A_2563 = arith.select %le3A_2559, %add3A_2562, %select_n3A_2554 : vector<128x128xi1>, vector<128x128xf32>
    %get3A_2564 = arith.constant 768 : index
    %get3A_2565 = arith.constant 0 : index
    %get3A_2566 = vector.load %arg3[%get3A_2564, %get3A_2565] : memref<2432x128xf32, #tpu.memory_space<vmem>>, vector<128x128xf32>
    %le3A_2567 = vector.broadcast %get3A_2507 : vector<1x128xf32> to vector<128x128xf32>
    %le3A_2568 = arith.cmpf ole, %get3A_2566, %le3A_2567 : vector<128x128xf32>
    %add3A_2569 = arith.constant 1.000000e+00 : f32
    %add3A_2570 = vector.broadcast %add3A_2569 : f32 to vector<128x128xf32>
    %add3A_2571 = arith.addf %select_n3A_2563, %add3A_2570 : vector<128x128xf32>
    %select_n3A_2572 = arith.select %le3A_2568, %add3A_2571, %select_n3A_2563 : vector<128x128xi1>, vector<128x128xf32>
    %get3A_2573 = arith.constant 896 : index
    %get3A_2574 = arith.constant 0 : index
    %get3A_2575 = vector.load %arg3[%get3A_2573, %get3A_2574] : memref<2432x128xf32, #tpu.memory_space<vmem>>, vector<128x128xf32>
    %le3A_2576 = vector.broadcast %get3A_2507 : vector<1x128xf32> to vector<128x128xf32>
    %le3A_2577 = arith.cmpf ole, %get3A_2575, %le3A_2576 : vector<128x128xf32>
    %add3A_2578 = arith.constant 1.000000e+00 : f32
    %add3A_2579 = vector.broadcast %add3A_2578 : f32 to vector<128x128xf32>
    %add3A_2580 = arith.addf %select_n3A_2572, %add3A_2579 : vector<128x128xf32>
    %select_n3A_2581 = arith.select %le3A_2577, %add3A_2580, %select_n3A_2572 : vector<128x128xi1>, vector<128x128xf32>
    %get3A_2582 = arith.constant 1024 : index
    %get3A_2583 = arith.constant 0 : index
    %get3A_2584 = vector.load %arg3[%get3A_2582, %get3A_2583] : memref<2432x128xf32, #tpu.memory_space<vmem>>, vector<128x128xf32>
    %le3A_2585 = vector.broadcast %get3A_2507 : vector<1x128xf32> to vector<128x128xf32>
    %le3A_2586 = arith.cmpf ole, %get3A_2584, %le3A_2585 : vector<128x128xf32>
    %add3A_2587 = arith.constant 1.000000e+00 : f32
    %add3A_2588 = vector.broadcast %add3A_2587 : f32 to vector<128x128xf32>
    %add3A_2589 = arith.addf %select_n3A_2581, %add3A_2588 : vector<128x128xf32>
    %select_n3A_2590 = arith.select %le3A_2586, %add3A_2589, %select_n3A_2581 : vector<128x128xi1>, vector<128x128xf32>
    %get3A_2591 = arith.constant 1152 : index
    %get3A_2592 = arith.constant 0 : index
    %get3A_2593 = vector.load %arg3[%get3A_2591, %get3A_2592] : memref<2432x128xf32, #tpu.memory_space<vmem>>, vector<128x128xf32>
    %le3A_2594 = vector.broadcast %get3A_2507 : vector<1x128xf32> to vector<128x128xf32>
    %le3A_2595 = arith.cmpf ole, %get3A_2593, %le3A_2594 : vector<128x128xf32>
    %add3A_2596 = arith.constant 1.000000e+00 : f32
    %add3A_2597 = vector.broadcast %add3A_2596 : f32 to vector<128x128xf32>
    %add3A_2598 = arith.addf %select_n3A_2590, %add3A_2597 : vector<128x128xf32>
    %select_n3A_2599 = arith.select %le3A_2595, %add3A_2598, %select_n3A_2590 : vector<128x128xi1>, vector<128x128xf32>
    %get3A_2600 = arith.constant 1280 : index
    %get3A_2601 = arith.constant 0 : index
    %get3A_2602 = vector.load %arg3[%get3A_2600, %get3A_2601] : memref<2432x128xf32, #tpu.memory_space<vmem>>, vector<128x128xf32>
    %le3A_2603 = vector.broadcast %get3A_2507 : vector<1x128xf32> to vector<128x128xf32>
    %le3A_2604 = arith.cmpf ole, %get3A_2602, %le3A_2603 : vector<128x128xf32>
    %add3A_2605 = arith.constant 1.000000e+00 : f32
    %add3A_2606 = vector.broadcast %add3A_2605 : f32 to vector<128x128xf32>
    %add3A_2607 = arith.addf %select_n3A_2599, %add3A_2606 : vector<128x128xf32>
    %select_n3A_2608 = arith.select %le3A_2604, %add3A_2607, %select_n3A_2599 : vector<128x128xi1>, vector<128x128xf32>
    %get3A_2609 = arith.constant 1408 : index
    %get3A_2610 = arith.constant 0 : index
    %get3A_2611 = vector.load %arg3[%get3A_2609, %get3A_2610] : memref<2432x128xf32, #tpu.memory_space<vmem>>, vector<128x128xf32>
    %le3A_2612 = vector.broadcast %get3A_2507 : vector<1x128xf32> to vector<128x128xf32>
    %le3A_2613 = arith.cmpf ole, %get3A_2611, %le3A_2612 : vector<128x128xf32>
    %add3A_2614 = arith.constant 1.000000e+00 : f32
    %add3A_2615 = vector.broadcast %add3A_2614 : f32 to vector<128x128xf32>
    %add3A_2616 = arith.addf %select_n3A_2608, %add3A_2615 : vector<128x128xf32>
    %select_n3A_2617 = arith.select %le3A_2613, %add3A_2616, %select_n3A_2608 : vector<128x128xi1>, vector<128x128xf32>
    %get3A_2618 = arith.constant 1536 : index
    %get3A_2619 = arith.constant 0 : index
    %get3A_2620 = vector.load %arg3[%get3A_2618, %get3A_2619] : memref<2432x128xf32, #tpu.memory_space<vmem>>, vector<128x128xf32>
    %lt3A_2621 = vector.broadcast %get3A_2507 : vector<1x128xf32> to vector<128x128xf32>
    %lt3A_2622 = arith.cmpf olt, %get3A_2620, %lt3A_2621 : vector<128x128xf32>
    %le3A_2623 = vector.broadcast %get3A_2507 : vector<1x128xf32> to vector<128x128xf32>
    %le3A_2624 = arith.cmpf ole, %get3A_2620, %le3A_2623 : vector<128x128xf32>
    %and3A_2625 = arith.andi %le3A_2624, %lt3A : vector<128x128xi1>
    %or3A_2626 = arith.ori %lt3A_2622, %and3A_2625 : vector<128x128xi1>
    %add3A_2627 = arith.constant 1.000000e+00 : f32
    %add3A_2628 = vector.broadcast %add3A_2627 : f32 to vector<128x128xf32>
    %add3A_2629 = arith.addf %select_n3A_2617, %add3A_2628 : vector<128x128xf32>
    %select_n3A_2630 = arith.select %or3A_2626, %add3A_2629, %select_n3A_2617 : vector<128x128xi1>, vector<128x128xf32>
    %get3A_2631 = arith.constant 1664 : index
    %get3A_2632 = arith.constant 0 : index
    %get3A_2633 = vector.load %arg3[%get3A_2631, %get3A_2632] : memref<2432x128xf32, #tpu.memory_space<vmem>>, vector<128x128xf32>
    %lt3A_2634 = vector.broadcast %get3A_2507 : vector<1x128xf32> to vector<128x128xf32>
    %lt3A_2635 = arith.cmpf olt, %get3A_2633, %lt3A_2634 : vector<128x128xf32>
    %add3A_2636 = arith.constant 1.000000e+00 : f32
    %add3A_2637 = vector.broadcast %add3A_2636 : f32 to vector<128x128xf32>
    %add3A_2638 = arith.addf %select_n3A_2630, %add3A_2637 : vector<128x128xf32>
    %select_n3A_2639 = arith.select %lt3A_2635, %add3A_2638, %select_n3A_2630 : vector<128x128xi1>, vector<128x128xf32>
    %get3A_2640 = arith.constant 1792 : index
    %get3A_2641 = arith.constant 0 : index
    %get3A_2642 = vector.load %arg3[%get3A_2640, %get3A_2641] : memref<2432x128xf32, #tpu.memory_space<vmem>>, vector<128x128xf32>
    %lt3A_2643 = vector.broadcast %get3A_2507 : vector<1x128xf32> to vector<128x128xf32>
    %lt3A_2644 = arith.cmpf olt, %get3A_2642, %lt3A_2643 : vector<128x128xf32>
    %add3A_2645 = arith.constant 1.000000e+00 : f32
    %add3A_2646 = vector.broadcast %add3A_2645 : f32 to vector<128x128xf32>
    %add3A_2647 = arith.addf %select_n3A_2639, %add3A_2646 : vector<128x128xf32>
    %select_n3A_2648 = arith.select %lt3A_2644, %add3A_2647, %select_n3A_2639 : vector<128x128xi1>, vector<128x128xf32>
    %get3A_2649 = arith.constant 1920 : index
    %get3A_2650 = arith.constant 0 : index
    %get3A_2651 = vector.load %arg3[%get3A_2649, %get3A_2650] : memref<2432x128xf32, #tpu.memory_space<vmem>>, vector<128x128xf32>
    %lt3A_2652 = vector.broadcast %get3A_2507 : vector<1x128xf32> to vector<128x128xf32>
    %lt3A_2653 = arith.cmpf olt, %get3A_2651, %lt3A_2652 : vector<128x128xf32>
    %add3A_2654 = arith.constant 1.000000e+00 : f32
    %add3A_2655 = vector.broadcast %add3A_2654 : f32 to vector<128x128xf32>
    %add3A_2656 = arith.addf %select_n3A_2648, %add3A_2655 : vector<128x128xf32>
    %select_n3A_2657 = arith.select %lt3A_2653, %add3A_2656, %select_n3A_2648 : vector<128x128xi1>, vector<128x128xf32>
    %get3A_2658 = arith.constant 2048 : index
    %get3A_2659 = arith.constant 0 : index
    %get3A_2660 = vector.load %arg3[%get3A_2658, %get3A_2659] : memref<2432x128xf32, #tpu.memory_space<vmem>>, vector<128x128xf32>
    %lt3A_2661 = vector.broadcast %get3A_2507 : vector<1x128xf32> to vector<128x128xf32>
    %lt3A_2662 = arith.cmpf olt, %get3A_2660, %lt3A_2661 : vector<128x128xf32>
    %add3A_2663 = arith.constant 1.000000e+00 : f32
    %add3A_2664 = vector.broadcast %add3A_2663 : f32 to vector<128x128xf32>
    %add3A_2665 = arith.addf %select_n3A_2657, %add3A_2664 : vector<128x128xf32>
    %select_n3A_2666 = arith.select %lt3A_2662, %add3A_2665, %select_n3A_2657 : vector<128x128xi1>, vector<128x128xf32>
    %get3A_2667 = arith.constant 2176 : index
    %get3A_2668 = arith.constant 0 : index
    %get3A_2669 = vector.load %arg3[%get3A_2667, %get3A_2668] : memref<2432x128xf32, #tpu.memory_space<vmem>>, vector<128x128xf32>
    %lt3A_2670 = vector.broadcast %get3A_2507 : vector<1x128xf32> to vector<128x128xf32>
    %lt3A_2671 = arith.cmpf olt, %get3A_2669, %lt3A_2670 : vector<128x128xf32>
    %add3A_2672 = arith.constant 1.000000e+00 : f32
    %add3A_2673 = vector.broadcast %add3A_2672 : f32 to vector<128x128xf32>
    %add3A_2674 = arith.addf %select_n3A_2666, %add3A_2673 : vector<128x128xf32>
    %select_n3A_2675 = arith.select %lt3A_2671, %add3A_2674, %select_n3A_2666 : vector<128x128xi1>, vector<128x128xf32>
    %get3A_2676 = arith.constant 2304 : index
    %get3A_2677 = arith.constant 0 : index
    %get3A_2678 = vector.load %arg3[%get3A_2676, %get3A_2677] : memref<2432x128xf32, #tpu.memory_space<vmem>>, vector<128x128xf32>
    %lt3A_2679 = vector.broadcast %get3A_2507 : vector<1x128xf32> to vector<128x128xf32>
    %lt3A_2680 = arith.cmpf olt, %get3A_2678, %lt3A_2679 : vector<128x128xf32>
    %add3A_2681 = arith.constant 1.000000e+00 : f32
    %add3A_2682 = vector.broadcast %add3A_2681 : f32 to vector<128x128xf32>
    %add3A_2683 = arith.addf %select_n3A_2675, %add3A_2682 : vector<128x128xf32>
    %select_n3A_2684 = arith.select %lt3A_2680, %add3A_2683, %select_n3A_2675 : vector<128x128xi1>, vector<128x128xf32>
    %reduce_sum3A_2685 = arith.constant dense<0.000000e+00> : vector<128xf32>
    %reduce_sum3A_2686 = vector.multi_reduction <add>, %select_n3A_2684, %reduce_sum3A_2685 [0] : vector<128x128xf32> to vector<128xf32>
    %broadcast_in_dim3A_2687 = vector.shape_cast %reduce_sum3A_2686 : vector<128xf32> to vector<1x128xf32>
    %convert_element_type3A_2688 = arith.fptosi %broadcast_in_dim3A_2687 : vector<1x128xf32> to vector<1x128xi32>
    %swap3A_2689 = arith.constant 0 : index
    %swap3A_2690 = arith.constant 0 : index
    %swap3A_2691 = arith.constant 1536 : index
    %swap3A_2692 = vector.load %arg2[%swap3A_2689, %swap3A_2690, %swap3A_2691] : memref<1x1x2432xi32, #tpu.memory_space<vmem>>, vector<1x1x128xi32>
    %swap3A_2693 = vector.shape_cast %swap3A_2692 : vector<1x1x128xi32> to vector<1x128xi32>
    %swap3A_2694 = vector.shape_cast %convert_element_type3A_2688 : vector<1x128xi32> to vector<1x1x128xi32>
    tpu.vector_store %arg2[%swap3A_2689, %swap3A_2690, %swap3A_2691], %swap3A_2694 {strides = array<i32>} : memref<1x1x2432xi32, #tpu.memory_space<vmem>>, vector<1x1x128xi32>,
    %get3A_2695 = arith.constant 0 : index
    %get3A_2696 = arith.constant 0 : index
    %get3A_2697 = arith.constant 1664 : index
    %get3A_2698 = vector.load %arg1[%get3A_2695, %get3A_2696, %get3A_2697] : memref<1x1x2432xf32, #tpu.memory_space<vmem>>, vector<1x1x128xf32>
    %get3A_2699 = vector.shape_cast %get3A_2698 : vector<1x1x128xf32> to vector<1x128xf32>
    %broadcast_in_dim3A_2700 = arith.constant 0.000000e+00 : f32
    %broadcast_in_dim3A_2701 = vector.broadcast %broadcast_in_dim3A_2700 : f32 to vector<128x128xf32>
    %get3A_2702 = arith.constant 0 : index
    %get3A_2703 = arith.constant 0 : index
    %get3A_2704 = vector.load %arg3[%get3A_2702, %get3A_2703] : memref<2432x128xf32, #tpu.memory_space<vmem>>, vector<128x128xf32>
    %le3A_2705 = vector.broadcast %get3A_2699 : vector<1x128xf32> to vector<128x128xf32>
    %le3A_2706 = arith.cmpf ole, %get3A_2704, %le3A_2705 : vector<128x128xf32>
    %add3A_2707 = arith.constant 1.000000e+00 : f32
    %add3A_2708 = vector.broadcast %add3A_2707 : f32 to vector<128x128xf32>
    %add3A_2709 = arith.addf %broadcast_in_dim3A_2701, %add3A_2708 : vector<128x128xf32>
    %select_n3A_2710 = arith.select %le3A_2706, %add3A_2709, %broadcast_in_dim3A_2701 : vector<128x128xi1>, vector<128x128xf32>
    %get3A_2711 = arith.constant 128 : index
    %get3A_2712 = arith.constant 0 : index
    %get3A_2713 = vector.load %arg3[%get3A_2711, %get3A_2712] : memref<2432x128xf32, #tpu.memory_space<vmem>>, vector<128x128xf32>
    %le3A_2714 = vector.broadcast %get3A_2699 : vector<1x128xf32> to vector<128x128xf32>
    %le3A_2715 = arith.cmpf ole, %get3A_2713, %le3A_2714 : vector<128x128xf32>
    %add3A_2716 = arith.constant 1.000000e+00 : f32
    %add3A_2717 = vector.broadcast %add3A_2716 : f32 to vector<128x128xf32>
    %add3A_2718 = arith.addf %select_n3A_2710, %add3A_2717 : vector<128x128xf32>
    %select_n3A_2719 = arith.select %le3A_2715, %add3A_2718, %select_n3A_2710 : vector<128x128xi1>, vector<128x128xf32>
    %get3A_2720 = arith.constant 256 : index
    %get3A_2721 = arith.constant 0 : index
    %get3A_2722 = vector.load %arg3[%get3A_2720, %get3A_2721] : memref<2432x128xf32, #tpu.memory_space<vmem>>, vector<128x128xf32>
    %le3A_2723 = vector.broadcast %get3A_2699 : vector<1x128xf32> to vector<128x128xf32>
    %le3A_2724 = arith.cmpf ole, %get3A_2722, %le3A_2723 : vector<128x128xf32>
    %add3A_2725 = arith.constant 1.000000e+00 : f32
    %add3A_2726 = vector.broadcast %add3A_2725 : f32 to vector<128x128xf32>
    %add3A_2727 = arith.addf %select_n3A_2719, %add3A_2726 : vector<128x128xf32>
    %select_n3A_2728 = arith.select %le3A_2724, %add3A_2727, %select_n3A_2719 : vector<128x128xi1>, vector<128x128xf32>
    %get3A_2729 = arith.constant 384 : index
    %get3A_2730 = arith.constant 0 : index
    %get3A_2731 = vector.load %arg3[%get3A_2729, %get3A_2730] : memref<2432x128xf32, #tpu.memory_space<vmem>>, vector<128x128xf32>
    %le3A_2732 = vector.broadcast %get3A_2699 : vector<1x128xf32> to vector<128x128xf32>
    %le3A_2733 = arith.cmpf ole, %get3A_2731, %le3A_2732 : vector<128x128xf32>
    %add3A_2734 = arith.constant 1.000000e+00 : f32
    %add3A_2735 = vector.broadcast %add3A_2734 : f32 to vector<128x128xf32>
    %add3A_2736 = arith.addf %select_n3A_2728, %add3A_2735 : vector<128x128xf32>
    %select_n3A_2737 = arith.select %le3A_2733, %add3A_2736, %select_n3A_2728 : vector<128x128xi1>, vector<128x128xf32>
    %get3A_2738 = arith.constant 512 : index
    %get3A_2739 = arith.constant 0 : index
    %get3A_2740 = vector.load %arg3[%get3A_2738, %get3A_2739] : memref<2432x128xf32, #tpu.memory_space<vmem>>, vector<128x128xf32>
    %le3A_2741 = vector.broadcast %get3A_2699 : vector<1x128xf32> to vector<128x128xf32>
    %le3A_2742 = arith.cmpf ole, %get3A_2740, %le3A_2741 : vector<128x128xf32>
    %add3A_2743 = arith.constant 1.000000e+00 : f32
    %add3A_2744 = vector.broadcast %add3A_2743 : f32 to vector<128x128xf32>
    %add3A_2745 = arith.addf %select_n3A_2737, %add3A_2744 : vector<128x128xf32>
    %select_n3A_2746 = arith.select %le3A_2742, %add3A_2745, %select_n3A_2737 : vector<128x128xi1>, vector<128x128xf32>
    %get3A_2747 = arith.constant 640 : index
    %get3A_2748 = arith.constant 0 : index
    %get3A_2749 = vector.load %arg3[%get3A_2747, %get3A_2748] : memref<2432x128xf32, #tpu.memory_space<vmem>>, vector<128x128xf32>
    %le3A_2750 = vector.broadcast %get3A_2699 : vector<1x128xf32> to vector<128x128xf32>
    %le3A_2751 = arith.cmpf ole, %get3A_2749, %le3A_2750 : vector<128x128xf32>
    %add3A_2752 = arith.constant 1.000000e+00 : f32
    %add3A_2753 = vector.broadcast %add3A_2752 : f32 to vector<128x128xf32>
    %add3A_2754 = arith.addf %select_n3A_2746, %add3A_2753 : vector<128x128xf32>
    %select_n3A_2755 = arith.select %le3A_2751, %add3A_2754, %select_n3A_2746 : vector<128x128xi1>, vector<128x128xf32>
    %get3A_2756 = arith.constant 768 : index
    %get3A_2757 = arith.constant 0 : index
    %get3A_2758 = vector.load %arg3[%get3A_2756, %get3A_2757] : memref<2432x128xf32, #tpu.memory_space<vmem>>, vector<128x128xf32>
    %le3A_2759 = vector.broadcast %get3A_2699 : vector<1x128xf32> to vector<128x128xf32>
    %le3A_2760 = arith.cmpf ole, %get3A_2758, %le3A_2759 : vector<128x128xf32>
    %add3A_2761 = arith.constant 1.000000e+00 : f32
    %add3A_2762 = vector.broadcast %add3A_2761 : f32 to vector<128x128xf32>
    %add3A_2763 = arith.addf %select_n3A_2755, %add3A_2762 : vector<128x128xf32>
    %select_n3A_2764 = arith.select %le3A_2760, %add3A_2763, %select_n3A_2755 : vector<128x128xi1>, vector<128x128xf32>
    %get3A_2765 = arith.constant 896 : index
    %get3A_2766 = arith.constant 0 : index
    %get3A_2767 = vector.load %arg3[%get3A_2765, %get3A_2766] : memref<2432x128xf32, #tpu.memory_space<vmem>>, vector<128x128xf32>
    %le3A_2768 = vector.broadcast %get3A_2699 : vector<1x128xf32> to vector<128x128xf32>
    %le3A_2769 = arith.cmpf ole, %get3A_2767, %le3A_2768 : vector<128x128xf32>
    %add3A_2770 = arith.constant 1.000000e+00 : f32
    %add3A_2771 = vector.broadcast %add3A_2770 : f32 to vector<128x128xf32>
    %add3A_2772 = arith.addf %select_n3A_2764, %add3A_2771 : vector<128x128xf32>
    %select_n3A_2773 = arith.select %le3A_2769, %add3A_2772, %select_n3A_2764 : vector<128x128xi1>, vector<128x128xf32>
    %get3A_2774 = arith.constant 1024 : index
    %get3A_2775 = arith.constant 0 : index
    %get3A_2776 = vector.load %arg3[%get3A_2774, %get3A_2775] : memref<2432x128xf32, #tpu.memory_space<vmem>>, vector<128x128xf32>
    %le3A_2777 = vector.broadcast %get3A_2699 : vector<1x128xf32> to vector<128x128xf32>
    %le3A_2778 = arith.cmpf ole, %get3A_2776, %le3A_2777 : vector<128x128xf32>
    %add3A_2779 = arith.constant 1.000000e+00 : f32
    %add3A_2780 = vector.broadcast %add3A_2779 : f32 to vector<128x128xf32>
    %add3A_2781 = arith.addf %select_n3A_2773, %add3A_2780 : vector<128x128xf32>
    %select_n3A_2782 = arith.select %le3A_2778, %add3A_2781, %select_n3A_2773 : vector<128x128xi1>, vector<128x128xf32>
    %get3A_2783 = arith.constant 1152 : index
    %get3A_2784 = arith.constant 0 : index
    %get3A_2785 = vector.load %arg3[%get3A_2783, %get3A_2784] : memref<2432x128xf32, #tpu.memory_space<vmem>>, vector<128x128xf32>
    %le3A_2786 = vector.broadcast %get3A_2699 : vector<1x128xf32> to vector<128x128xf32>
    %le3A_2787 = arith.cmpf ole, %get3A_2785, %le3A_2786 : vector<128x128xf32>
    %add3A_2788 = arith.constant 1.000000e+00 : f32
    %add3A_2789 = vector.broadcast %add3A_2788 : f32 to vector<128x128xf32>
    %add3A_2790 = arith.addf %select_n3A_2782, %add3A_2789 : vector<128x128xf32>
    %select_n3A_2791 = arith.select %le3A_2787, %add3A_2790, %select_n3A_2782 : vector<128x128xi1>, vector<128x128xf32>
    %get3A_2792 = arith.constant 1280 : index
    %get3A_2793 = arith.constant 0 : index
    %get3A_2794 = vector.load %arg3[%get3A_2792, %get3A_2793] : memref<2432x128xf32, #tpu.memory_space<vmem>>, vector<128x128xf32>
    %le3A_2795 = vector.broadcast %get3A_2699 : vector<1x128xf32> to vector<128x128xf32>
    %le3A_2796 = arith.cmpf ole, %get3A_2794, %le3A_2795 : vector<128x128xf32>
    %add3A_2797 = arith.constant 1.000000e+00 : f32
    %add3A_2798 = vector.broadcast %add3A_2797 : f32 to vector<128x128xf32>
    %add3A_2799 = arith.addf %select_n3A_2791, %add3A_2798 : vector<128x128xf32>
    %select_n3A_2800 = arith.select %le3A_2796, %add3A_2799, %select_n3A_2791 : vector<128x128xi1>, vector<128x128xf32>
    %get3A_2801 = arith.constant 1408 : index
    %get3A_2802 = arith.constant 0 : index
    %get3A_2803 = vector.load %arg3[%get3A_2801, %get3A_2802] : memref<2432x128xf32, #tpu.memory_space<vmem>>, vector<128x128xf32>
    %le3A_2804 = vector.broadcast %get3A_2699 : vector<1x128xf32> to vector<128x128xf32>
    %le3A_2805 = arith.cmpf ole, %get3A_2803, %le3A_2804 : vector<128x128xf32>
    %add3A_2806 = arith.constant 1.000000e+00 : f32
    %add3A_2807 = vector.broadcast %add3A_2806 : f32 to vector<128x128xf32>
    %add3A_2808 = arith.addf %select_n3A_2800, %add3A_2807 : vector<128x128xf32>
    %select_n3A_2809 = arith.select %le3A_2805, %add3A_2808, %select_n3A_2800 : vector<128x128xi1>, vector<128x128xf32>
    %get3A_2810 = arith.constant 1536 : index
    %get3A_2811 = arith.constant 0 : index
    %get3A_2812 = vector.load %arg3[%get3A_2810, %get3A_2811] : memref<2432x128xf32, #tpu.memory_space<vmem>>, vector<128x128xf32>
    %le3A_2813 = vector.broadcast %get3A_2699 : vector<1x128xf32> to vector<128x128xf32>
    %le3A_2814 = arith.cmpf ole, %get3A_2812, %le3A_2813 : vector<128x128xf32>
    %add3A_2815 = arith.constant 1.000000e+00 : f32
    %add3A_2816 = vector.broadcast %add3A_2815 : f32 to vector<128x128xf32>
    %add3A_2817 = arith.addf %select_n3A_2809, %add3A_2816 : vector<128x128xf32>
    %select_n3A_2818 = arith.select %le3A_2814, %add3A_2817, %select_n3A_2809 : vector<128x128xi1>, vector<128x128xf32>
    %get3A_2819 = arith.constant 1664 : index
    %get3A_2820 = arith.constant 0 : index
    %get3A_2821 = vector.load %arg3[%get3A_2819, %get3A_2820] : memref<2432x128xf32, #tpu.memory_space<vmem>>, vector<128x128xf32>
    %lt3A_2822 = vector.broadcast %get3A_2699 : vector<1x128xf32> to vector<128x128xf32>
    %lt3A_2823 = arith.cmpf olt, %get3A_2821, %lt3A_2822 : vector<128x128xf32>
    %le3A_2824 = vector.broadcast %get3A_2699 : vector<1x128xf32> to vector<128x128xf32>
    %le3A_2825 = arith.cmpf ole, %get3A_2821, %le3A_2824 : vector<128x128xf32>
    %and3A_2826 = arith.andi %le3A_2825, %lt3A : vector<128x128xi1>
    %or3A_2827 = arith.ori %lt3A_2823, %and3A_2826 : vector<128x128xi1>
    %add3A_2828 = arith.constant 1.000000e+00 : f32
    %add3A_2829 = vector.broadcast %add3A_2828 : f32 to vector<128x128xf32>
    %add3A_2830 = arith.addf %select_n3A_2818, %add3A_2829 : vector<128x128xf32>
    %select_n3A_2831 = arith.select %or3A_2827, %add3A_2830, %select_n3A_2818 : vector<128x128xi1>, vector<128x128xf32>
    %get3A_2832 = arith.constant 1792 : index
    %get3A_2833 = arith.constant 0 : index
    %get3A_2834 = vector.load %arg3[%get3A_2832, %get3A_2833] : memref<2432x128xf32, #tpu.memory_space<vmem>>, vector<128x128xf32>
    %lt3A_2835 = vector.broadcast %get3A_2699 : vector<1x128xf32> to vector<128x128xf32>
    %lt3A_2836 = arith.cmpf olt, %get3A_2834, %lt3A_2835 : vector<128x128xf32>
    %add3A_2837 = arith.constant 1.000000e+00 : f32
    %add3A_2838 = vector.broadcast %add3A_2837 : f32 to vector<128x128xf32>
    %add3A_2839 = arith.addf %select_n3A_2831, %add3A_2838 : vector<128x128xf32>
    %select_n3A_2840 = arith.select %lt3A_2836, %add3A_2839, %select_n3A_2831 : vector<128x128xi1>, vector<128x128xf32>
    %get3A_2841 = arith.constant 1920 : index
    %get3A_2842 = arith.constant 0 : index
    %get3A_2843 = vector.load %arg3[%get3A_2841, %get3A_2842] : memref<2432x128xf32, #tpu.memory_space<vmem>>, vector<128x128xf32>
    %lt3A_2844 = vector.broadcast %get3A_2699 : vector<1x128xf32> to vector<128x128xf32>
    %lt3A_2845 = arith.cmpf olt, %get3A_2843, %lt3A_2844 : vector<128x128xf32>
    %add3A_2846 = arith.constant 1.000000e+00 : f32
    %add3A_2847 = vector.broadcast %add3A_2846 : f32 to vector<128x128xf32>
    %add3A_2848 = arith.addf %select_n3A_2840, %add3A_2847 : vector<128x128xf32>
    %select_n3A_2849 = arith.select %lt3A_2845, %add3A_2848, %select_n3A_2840 : vector<128x128xi1>, vector<128x128xf32>
    %get3A_2850 = arith.constant 2048 : index
    %get3A_2851 = arith.constant 0 : index
    %get3A_2852 = vector.load %arg3[%get3A_2850, %get3A_2851] : memref<2432x128xf32, #tpu.memory_space<vmem>>, vector<128x128xf32>
    %lt3A_2853 = vector.broadcast %get3A_2699 : vector<1x128xf32> to vector<128x128xf32>
    %lt3A_2854 = arith.cmpf olt, %get3A_2852, %lt3A_2853 : vector<128x128xf32>
    %add3A_2855 = arith.constant 1.000000e+00 : f32
    %add3A_2856 = vector.broadcast %add3A_2855 : f32 to vector<128x128xf32>
    %add3A_2857 = arith.addf %select_n3A_2849, %add3A_2856 : vector<128x128xf32>
    %select_n3A_2858 = arith.select %lt3A_2854, %add3A_2857, %select_n3A_2849 : vector<128x128xi1>, vector<128x128xf32>
    %get3A_2859 = arith.constant 2176 : index
    %get3A_2860 = arith.constant 0 : index
    %get3A_2861 = vector.load %arg3[%get3A_2859, %get3A_2860] : memref<2432x128xf32, #tpu.memory_space<vmem>>, vector<128x128xf32>
    %lt3A_2862 = vector.broadcast %get3A_2699 : vector<1x128xf32> to vector<128x128xf32>
    %lt3A_2863 = arith.cmpf olt, %get3A_2861, %lt3A_2862 : vector<128x128xf32>
    %add3A_2864 = arith.constant 1.000000e+00 : f32
    %add3A_2865 = vector.broadcast %add3A_2864 : f32 to vector<128x128xf32>
    %add3A_2866 = arith.addf %select_n3A_2858, %add3A_2865 : vector<128x128xf32>
    %select_n3A_2867 = arith.select %lt3A_2863, %add3A_2866, %select_n3A_2858 : vector<128x128xi1>, vector<128x128xf32>
    %get3A_2868 = arith.constant 2304 : index
    %get3A_2869 = arith.constant 0 : index
    %get3A_2870 = vector.load %arg3[%get3A_2868, %get3A_2869] : memref<2432x128xf32, #tpu.memory_space<vmem>>, vector<128x128xf32>
    %lt3A_2871 = vector.broadcast %get3A_2699 : vector<1x128xf32> to vector<128x128xf32>
    %lt3A_2872 = arith.cmpf olt, %get3A_2870, %lt3A_2871 : vector<128x128xf32>
    %add3A_2873 = arith.constant 1.000000e+00 : f32
    %add3A_2874 = vector.broadcast %add3A_2873 : f32 to vector<128x128xf32>
    %add3A_2875 = arith.addf %select_n3A_2867, %add3A_2874 : vector<128x128xf32>
    %select_n3A_2876 = arith.select %lt3A_2872, %add3A_2875, %select_n3A_2867 : vector<128x128xi1>, vector<128x128xf32>
    %reduce_sum3A_2877 = arith.constant dense<0.000000e+00> : vector<128xf32>
    %reduce_sum3A_2878 = vector.multi_reduction <add>, %select_n3A_2876, %reduce_sum3A_2877 [0] : vector<128x128xf32> to vector<128xf32>
    %broadcast_in_dim3A_2879 = vector.shape_cast %reduce_sum3A_2878 : vector<128xf32> to vector<1x128xf32>
    %convert_element_type3A_2880 = arith.fptosi %broadcast_in_dim3A_2879 : vector<1x128xf32> to vector<1x128xi32>
    %swap3A_2881 = arith.constant 0 : index
    %swap3A_2882 = arith.constant 0 : index
    %swap3A_2883 = arith.constant 1664 : index
    %swap3A_2884 = vector.load %arg2[%swap3A_2881, %swap3A_2882, %swap3A_2883] : memref<1x1x2432xi32, #tpu.memory_space<vmem>>, vector<1x1x128xi32>
    %swap3A_2885 = vector.shape_cast %swap3A_2884 : vector<1x1x128xi32> to vector<1x128xi32>
    %swap3A_2886 = vector.shape_cast %convert_element_type3A_2880 : vector<1x128xi32> to vector<1x1x128xi32>
    tpu.vector_store %arg2[%swap3A_2881, %swap3A_2882, %swap3A_2883], %swap3A_2886 {strides = array<i32>} : memref<1x1x2432xi32, #tpu.memory_space<vmem>>, vector<1x1x128xi32>,
    %get3A_2887 = arith.constant 0 : index
    %get3A_2888 = arith.constant 0 : index
    %get3A_2889 = arith.constant 1792 : index
    %get3A_2890 = vector.load %arg1[%get3A_2887, %get3A_2888, %get3A_2889] : memref<1x1x2432xf32, #tpu.memory_space<vmem>>, vector<1x1x128xf32>
    %get3A_2891 = vector.shape_cast %get3A_2890 : vector<1x1x128xf32> to vector<1x128xf32>
    %broadcast_in_dim3A_2892 = arith.constant 0.000000e+00 : f32
    %broadcast_in_dim3A_2893 = vector.broadcast %broadcast_in_dim3A_2892 : f32 to vector<128x128xf32>
    %get3A_2894 = arith.constant 0 : index
    %get3A_2895 = arith.constant 0 : index
    %get3A_2896 = vector.load %arg3[%get3A_2894, %get3A_2895] : memref<2432x128xf32, #tpu.memory_space<vmem>>, vector<128x128xf32>
    %le3A_2897 = vector.broadcast %get3A_2891 : vector<1x128xf32> to vector<128x128xf32>
    %le3A_2898 = arith.cmpf ole, %get3A_2896, %le3A_2897 : vector<128x128xf32>
    %add3A_2899 = arith.constant 1.000000e+00 : f32
    %add3A_2900 = vector.broadcast %add3A_2899 : f32 to vector<128x128xf32>
    %add3A_2901 = arith.addf %broadcast_in_dim3A_2893, %add3A_2900 : vector<128x128xf32>
    %select_n3A_2902 = arith.select %le3A_2898, %add3A_2901, %broadcast_in_dim3A_2893 : vector<128x128xi1>, vector<128x128xf32>
    %get3A_2903 = arith.constant 128 : index
    %get3A_2904 = arith.constant 0 : index
    %get3A_2905 = vector.load %arg3[%get3A_2903, %get3A_2904] : memref<2432x128xf32, #tpu.memory_space<vmem>>, vector<128x128xf32>
    %le3A_2906 = vector.broadcast %get3A_2891 : vector<1x128xf32> to vector<128x128xf32>
    %le3A_2907 = arith.cmpf ole, %get3A_2905, %le3A_2906 : vector<128x128xf32>
    %add3A_2908 = arith.constant 1.000000e+00 : f32
    %add3A_2909 = vector.broadcast %add3A_2908 : f32 to vector<128x128xf32>
    %add3A_2910 = arith.addf %select_n3A_2902, %add3A_2909 : vector<128x128xf32>
    %select_n3A_2911 = arith.select %le3A_2907, %add3A_2910, %select_n3A_2902 : vector<128x128xi1>, vector<128x128xf32>
    %get3A_2912 = arith.constant 256 : index
    %get3A_2913 = arith.constant 0 : index
    %get3A_2914 = vector.load %arg3[%get3A_2912, %get3A_2913] : memref<2432x128xf32, #tpu.memory_space<vmem>>, vector<128x128xf32>
    %le3A_2915 = vector.broadcast %get3A_2891 : vector<1x128xf32> to vector<128x128xf32>
    %le3A_2916 = arith.cmpf ole, %get3A_2914, %le3A_2915 : vector<128x128xf32>
    %add3A_2917 = arith.constant 1.000000e+00 : f32
    %add3A_2918 = vector.broadcast %add3A_2917 : f32 to vector<128x128xf32>
    %add3A_2919 = arith.addf %select_n3A_2911, %add3A_2918 : vector<128x128xf32>
    %select_n3A_2920 = arith.select %le3A_2916, %add3A_2919, %select_n3A_2911 : vector<128x128xi1>, vector<128x128xf32>
    %get3A_2921 = arith.constant 384 : index
    %get3A_2922 = arith.constant 0 : index
    %get3A_2923 = vector.load %arg3[%get3A_2921, %get3A_2922] : memref<2432x128xf32, #tpu.memory_space<vmem>>, vector<128x128xf32>
    %le3A_2924 = vector.broadcast %get3A_2891 : vector<1x128xf32> to vector<128x128xf32>
    %le3A_2925 = arith.cmpf ole, %get3A_2923, %le3A_2924 : vector<128x128xf32>
    %add3A_2926 = arith.constant 1.000000e+00 : f32
    %add3A_2927 = vector.broadcast %add3A_2926 : f32 to vector<128x128xf32>
    %add3A_2928 = arith.addf %select_n3A_2920, %add3A_2927 : vector<128x128xf32>
    %select_n3A_2929 = arith.select %le3A_2925, %add3A_2928, %select_n3A_2920 : vector<128x128xi1>, vector<128x128xf32>
    %get3A_2930 = arith.constant 512 : index
    %get3A_2931 = arith.constant 0 : index
    %get3A_2932 = vector.load %arg3[%get3A_2930, %get3A_2931] : memref<2432x128xf32, #tpu.memory_space<vmem>>, vector<128x128xf32>
    %le3A_2933 = vector.broadcast %get3A_2891 : vector<1x128xf32> to vector<128x128xf32>
    %le3A_2934 = arith.cmpf ole, %get3A_2932, %le3A_2933 : vector<128x128xf32>
    %add3A_2935 = arith.constant 1.000000e+00 : f32
    %add3A_2936 = vector.broadcast %add3A_2935 : f32 to vector<128x128xf32>
    %add3A_2937 = arith.addf %select_n3A_2929, %add3A_2936 : vector<128x128xf32>
    %select_n3A_2938 = arith.select %le3A_2934, %add3A_2937, %select_n3A_2929 : vector<128x128xi1>, vector<128x128xf32>
    %get3A_2939 = arith.constant 640 : index
    %get3A_2940 = arith.constant 0 : index
    %get3A_2941 = vector.load %arg3[%get3A_2939, %get3A_2940] : memref<2432x128xf32, #tpu.memory_space<vmem>>, vector<128x128xf32>
    %le3A_2942 = vector.broadcast %get3A_2891 : vector<1x128xf32> to vector<128x128xf32>
    %le3A_2943 = arith.cmpf ole, %get3A_2941, %le3A_2942 : vector<128x128xf32>
    %add3A_2944 = arith.constant 1.000000e+00 : f32
    %add3A_2945 = vector.broadcast %add3A_2944 : f32 to vector<128x128xf32>
    %add3A_2946 = arith.addf %select_n3A_2938, %add3A_2945 : vector<128x128xf32>
    %select_n3A_2947 = arith.select %le3A_2943, %add3A_2946, %select_n3A_2938 : vector<128x128xi1>, vector<128x128xf32>
    %get3A_2948 = arith.constant 768 : index
    %get3A_2949 = arith.constant 0 : index
    %get3A_2950 = vector.load %arg3[%get3A_2948, %get3A_2949] : memref<2432x128xf32, #tpu.memory_space<vmem>>, vector<128x128xf32>
    %le3A_2951 = vector.broadcast %get3A_2891 : vector<1x128xf32> to vector<128x128xf32>
    %le3A_2952 = arith.cmpf ole, %get3A_2950, %le3A_2951 : vector<128x128xf32>
    %add3A_2953 = arith.constant 1.000000e+00 : f32
    %add3A_2954 = vector.broadcast %add3A_2953 : f32 to vector<128x128xf32>
    %add3A_2955 = arith.addf %select_n3A_2947, %add3A_2954 : vector<128x128xf32>
    %select_n3A_2956 = arith.select %le3A_2952, %add3A_2955, %select_n3A_2947 : vector<128x128xi1>, vector<128x128xf32>
    %get3A_2957 = arith.constant 896 : index
    %get3A_2958 = arith.constant 0 : index
    %get3A_2959 = vector.load %arg3[%get3A_2957, %get3A_2958] : memref<2432x128xf32, #tpu.memory_space<vmem>>, vector<128x128xf32>
    %le3A_2960 = vector.broadcast %get3A_2891 : vector<1x128xf32> to vector<128x128xf32>
    %le3A_2961 = arith.cmpf ole, %get3A_2959, %le3A_2960 : vector<128x128xf32>
    %add3A_2962 = arith.constant 1.000000e+00 : f32
    %add3A_2963 = vector.broadcast %add3A_2962 : f32 to vector<128x128xf32>
    %add3A_2964 = arith.addf %select_n3A_2956, %add3A_2963 : vector<128x128xf32>
    %select_n3A_2965 = arith.select %le3A_2961, %add3A_2964, %select_n3A_2956 : vector<128x128xi1>, vector<128x128xf32>
    %get3A_2966 = arith.constant 1024 : index
    %get3A_2967 = arith.constant 0 : index
    %get3A_2968 = vector.load %arg3[%get3A_2966, %get3A_2967] : memref<2432x128xf32, #tpu.memory_space<vmem>>, vector<128x128xf32>
    %le3A_2969 = vector.broadcast %get3A_2891 : vector<1x128xf32> to vector<128x128xf32>
    %le3A_2970 = arith.cmpf ole, %get3A_2968, %le3A_2969 : vector<128x128xf32>
    %add3A_2971 = arith.constant 1.000000e+00 : f32
    %add3A_2972 = vector.broadcast %add3A_2971 : f32 to vector<128x128xf32>
    %add3A_2973 = arith.addf %select_n3A_2965, %add3A_2972 : vector<128x128xf32>
    %select_n3A_2974 = arith.select %le3A_2970, %add3A_2973, %select_n3A_2965 : vector<128x128xi1>, vector<128x128xf32>
    %get3A_2975 = arith.constant 1152 : index
    %get3A_2976 = arith.constant 0 : index
    %get3A_2977 = vector.load %arg3[%get3A_2975, %get3A_2976] : memref<2432x128xf32, #tpu.memory_space<vmem>>, vector<128x128xf32>
    %le3A_2978 = vector.broadcast %get3A_2891 : vector<1x128xf32> to vector<128x128xf32>
    %le3A_2979 = arith.cmpf ole, %get3A_2977, %le3A_2978 : vector<128x128xf32>
    %add3A_2980 = arith.constant 1.000000e+00 : f32
    %add3A_2981 = vector.broadcast %add3A_2980 : f32 to vector<128x128xf32>
    %add3A_2982 = arith.addf %select_n3A_2974, %add3A_2981 : vector<128x128xf32>
    %select_n3A_2983 = arith.select %le3A_2979, %add3A_2982, %select_n3A_2974 : vector<128x128xi1>, vector<128x128xf32>
    %get3A_2984 = arith.constant 1280 : index
    %get3A_2985 = arith.constant 0 : index
    %get3A_2986 = vector.load %arg3[%get3A_2984, %get3A_2985] : memref<2432x128xf32, #tpu.memory_space<vmem>>, vector<128x128xf32>
    %le3A_2987 = vector.broadcast %get3A_2891 : vector<1x128xf32> to vector<128x128xf32>
    %le3A_2988 = arith.cmpf ole, %get3A_2986, %le3A_2987 : vector<128x128xf32>
    %add3A_2989 = arith.constant 1.000000e+00 : f32
    %add3A_2990 = vector.broadcast %add3A_2989 : f32 to vector<128x128xf32>
    %add3A_2991 = arith.addf %select_n3A_2983, %add3A_2990 : vector<128x128xf32>
    %select_n3A_2992 = arith.select %le3A_2988, %add3A_2991, %select_n3A_2983 : vector<128x128xi1>, vector<128x128xf32>
    %get3A_2993 = arith.constant 1408 : index
    %get3A_2994 = arith.constant 0 : index
    %get3A_2995 = vector.load %arg3[%get3A_2993, %get3A_2994] : memref<2432x128xf32, #tpu.memory_space<vmem>>, vector<128x128xf32>
    %le3A_2996 = vector.broadcast %get3A_2891 : vector<1x128xf32> to vector<128x128xf32>
    %le3A_2997 = arith.cmpf ole, %get3A_2995, %le3A_2996 : vector<128x128xf32>
    %add3A_2998 = arith.constant 1.000000e+00 : f32
    %add3A_2999 = vector.broadcast %add3A_2998 : f32 to vector<128x128xf32>
    %add3A_3000 = arith.addf %select_n3A_2992, %add3A_2999 : vector<128x128xf32>
    %select_n3A_3001 = arith.select %le3A_2997, %add3A_3000, %select_n3A_2992 : vector<128x128xi1>, vector<128x128xf32>
    %get3A_3002 = arith.constant 1536 : index
    %get3A_3003 = arith.constant 0 : index
    %get3A_3004 = vector.load %arg3[%get3A_3002, %get3A_3003] : memref<2432x128xf32, #tpu.memory_space<vmem>>, vector<128x128xf32>
    %le3A_3005 = vector.broadcast %get3A_2891 : vector<1x128xf32> to vector<128x128xf32>
    %le3A_3006 = arith.cmpf ole, %get3A_3004, %le3A_3005 : vector<128x128xf32>
    %add3A_3007 = arith.constant 1.000000e+00 : f32
    %add3A_3008 = vector.broadcast %add3A_3007 : f32 to vector<128x128xf32>
    %add3A_3009 = arith.addf %select_n3A_3001, %add3A_3008 : vector<128x128xf32>
    %select_n3A_3010 = arith.select %le3A_3006, %add3A_3009, %select_n3A_3001 : vector<128x128xi1>, vector<128x128xf32>
    %get3A_3011 = arith.constant 1664 : index
    %get3A_3012 = arith.constant 0 : index
    %get3A_3013 = vector.load %arg3[%get3A_3011, %get3A_3012] : memref<2432x128xf32, #tpu.memory_space<vmem>>, vector<128x128xf32>
    %le3A_3014 = vector.broadcast %get3A_2891 : vector<1x128xf32> to vector<128x128xf32>
    %le3A_3015 = arith.cmpf ole, %get3A_3013, %le3A_3014 : vector<128x128xf32>
    %add3A_3016 = arith.constant 1.000000e+00 : f32
    %add3A_3017 = vector.broadcast %add3A_3016 : f32 to vector<128x128xf32>
    %add3A_3018 = arith.addf %select_n3A_3010, %add3A_3017 : vector<128x128xf32>
    %select_n3A_3019 = arith.select %le3A_3015, %add3A_3018, %select_n3A_3010 : vector<128x128xi1>, vector<128x128xf32>
    %get3A_3020 = arith.constant 1792 : index
    %get3A_3021 = arith.constant 0 : index
    %get3A_3022 = vector.load %arg3[%get3A_3020, %get3A_3021] : memref<2432x128xf32, #tpu.memory_space<vmem>>, vector<128x128xf32>
    %lt3A_3023 = vector.broadcast %get3A_2891 : vector<1x128xf32> to vector<128x128xf32>
    %lt3A_3024 = arith.cmpf olt, %get3A_3022, %lt3A_3023 : vector<128x128xf32>
    %le3A_3025 = vector.broadcast %get3A_2891 : vector<1x128xf32> to vector<128x128xf32>
    %le3A_3026 = arith.cmpf ole, %get3A_3022, %le3A_3025 : vector<128x128xf32>
    %and3A_3027 = arith.andi %le3A_3026, %lt3A : vector<128x128xi1>
    %or3A_3028 = arith.ori %lt3A_3024, %and3A_3027 : vector<128x128xi1>
    %add3A_3029 = arith.constant 1.000000e+00 : f32
    %add3A_3030 = vector.broadcast %add3A_3029 : f32 to vector<128x128xf32>
    %add3A_3031 = arith.addf %select_n3A_3019, %add3A_3030 : vector<128x128xf32>
    %select_n3A_3032 = arith.select %or3A_3028, %add3A_3031, %select_n3A_3019 : vector<128x128xi1>, vector<128x128xf32>
    %get3A_3033 = arith.constant 1920 : index
    %get3A_3034 = arith.constant 0 : index
    %get3A_3035 = vector.load %arg3[%get3A_3033, %get3A_3034] : memref<2432x128xf32, #tpu.memory_space<vmem>>, vector<128x128xf32>
    %lt3A_3036 = vector.broadcast %get3A_2891 : vector<1x128xf32> to vector<128x128xf32>
    %lt3A_3037 = arith.cmpf olt, %get3A_3035, %lt3A_3036 : vector<128x128xf32>
    %add3A_3038 = arith.constant 1.000000e+00 : f32
    %add3A_3039 = vector.broadcast %add3A_3038 : f32 to vector<128x128xf32>
    %add3A_3040 = arith.addf %select_n3A_3032, %add3A_3039 : vector<128x128xf32>
    %select_n3A_3041 = arith.select %lt3A_3037, %add3A_3040, %select_n3A_3032 : vector<128x128xi1>, vector<128x128xf32>
    %get3A_3042 = arith.constant 2048 : index
    %get3A_3043 = arith.constant 0 : index
    %get3A_3044 = vector.load %arg3[%get3A_3042, %get3A_3043] : memref<2432x128xf32, #tpu.memory_space<vmem>>, vector<128x128xf32>
    %lt3A_3045 = vector.broadcast %get3A_2891 : vector<1x128xf32> to vector<128x128xf32>
    %lt3A_3046 = arith.cmpf olt, %get3A_3044, %lt3A_3045 : vector<128x128xf32>
    %add3A_3047 = arith.constant 1.000000e+00 : f32
    %add3A_3048 = vector.broadcast %add3A_3047 : f32 to vector<128x128xf32>
    %add3A_3049 = arith.addf %select_n3A_3041, %add3A_3048 : vector<128x128xf32>
    %select_n3A_3050 = arith.select %lt3A_3046, %add3A_3049, %select_n3A_3041 : vector<128x128xi1>, vector<128x128xf32>
    %get3A_3051 = arith.constant 2176 : index
    %get3A_3052 = arith.constant 0 : index
    %get3A_3053 = vector.load %arg3[%get3A_3051, %get3A_3052] : memref<2432x128xf32, #tpu.memory_space<vmem>>, vector<128x128xf32>
    %lt3A_3054 = vector.broadcast %get3A_2891 : vector<1x128xf32> to vector<128x128xf32>
    %lt3A_3055 = arith.cmpf olt, %get3A_3053, %lt3A_3054 : vector<128x128xf32>
    %add3A_3056 = arith.constant 1.000000e+00 : f32
    %add3A_3057 = vector.broadcast %add3A_3056 : f32 to vector<128x128xf32>
    %add3A_3058 = arith.addf %select_n3A_3050, %add3A_3057 : vector<128x128xf32>
    %select_n3A_3059 = arith.select %lt3A_3055, %add3A_3058, %select_n3A_3050 : vector<128x128xi1>, vector<128x128xf32>
    %get3A_3060 = arith.constant 2304 : index
    %get3A_3061 = arith.constant 0 : index
    %get3A_3062 = vector.load %arg3[%get3A_3060, %get3A_3061] : memref<2432x128xf32, #tpu.memory_space<vmem>>, vector<128x128xf32>
    %lt3A_3063 = vector.broadcast %get3A_2891 : vector<1x128xf32> to vector<128x128xf32>
    %lt3A_3064 = arith.cmpf olt, %get3A_3062, %lt3A_3063 : vector<128x128xf32>
    %add3A_3065 = arith.constant 1.000000e+00 : f32
    %add3A_3066 = vector.broadcast %add3A_3065 : f32 to vector<128x128xf32>
    %add3A_3067 = arith.addf %select_n3A_3059, %add3A_3066 : vector<128x128xf32>
    %select_n3A_3068 = arith.select %lt3A_3064, %add3A_3067, %select_n3A_3059 : vector<128x128xi1>, vector<128x128xf32>
    %reduce_sum3A_3069 = arith.constant dense<0.000000e+00> : vector<128xf32>
    %reduce_sum3A_3070 = vector.multi_reduction <add>, %select_n3A_3068, %reduce_sum3A_3069 [0] : vector<128x128xf32> to vector<128xf32>
    %broadcast_in_dim3A_3071 = vector.shape_cast %reduce_sum3A_3070 : vector<128xf32> to vector<1x128xf32>
    %convert_element_type3A_3072 = arith.fptosi %broadcast_in_dim3A_3071 : vector<1x128xf32> to vector<1x128xi32>
    %swap3A_3073 = arith.constant 0 : index
    %swap3A_3074 = arith.constant 0 : index
    %swap3A_3075 = arith.constant 1792 : index
    %swap3A_3076 = vector.load %arg2[%swap3A_3073, %swap3A_3074, %swap3A_3075] : memref<1x1x2432xi32, #tpu.memory_space<vmem>>, vector<1x1x128xi32>
    %swap3A_3077 = vector.shape_cast %swap3A_3076 : vector<1x1x128xi32> to vector<1x128xi32>
    %swap3A_3078 = vector.shape_cast %convert_element_type3A_3072 : vector<1x128xi32> to vector<1x1x128xi32>
    tpu.vector_store %arg2[%swap3A_3073, %swap3A_3074, %swap3A_3075], %swap3A_3078 {strides = array<i32>} : memref<1x1x2432xi32, #tpu.memory_space<vmem>>, vector<1x1x128xi32>,
    %get3A_3079 = arith.constant 0 : index
    %get3A_3080 = arith.constant 0 : index
    %get3A_3081 = arith.constant 1920 : index
    %get3A_3082 = vector.load %arg1[%get3A_3079, %get3A_3080, %get3A_3081] : memref<1x1x2432xf32, #tpu.memory_space<vmem>>, vector<1x1x128xf32>
    %get3A_3083 = vector.shape_cast %get3A_3082 : vector<1x1x128xf32> to vector<1x128xf32>
    %broadcast_in_dim3A_3084 = arith.constant 0.000000e+00 : f32
    %broadcast_in_dim3A_3085 = vector.broadcast %broadcast_in_dim3A_3084 : f32 to vector<128x128xf32>
    %get3A_3086 = arith.constant 0 : index
    %get3A_3087 = arith.constant 0 : index
    %get3A_3088 = vector.load %arg3[%get3A_3086, %get3A_3087] : memref<2432x128xf32, #tpu.memory_space<vmem>>, vector<128x128xf32>
    %le3A_3089 = vector.broadcast %get3A_3083 : vector<1x128xf32> to vector<128x128xf32>
    %le3A_3090 = arith.cmpf ole, %get3A_3088, %le3A_3089 : vector<128x128xf32>
    %add3A_3091 = arith.constant 1.000000e+00 : f32
    %add3A_3092 = vector.broadcast %add3A_3091 : f32 to vector<128x128xf32>
    %add3A_3093 = arith.addf %broadcast_in_dim3A_3085, %add3A_3092 : vector<128x128xf32>
    %select_n3A_3094 = arith.select %le3A_3090, %add3A_3093, %broadcast_in_dim3A_3085 : vector<128x128xi1>, vector<128x128xf32>
    %get3A_3095 = arith.constant 128 : index
    %get3A_3096 = arith.constant 0 : index
    %get3A_3097 = vector.load %arg3[%get3A_3095, %get3A_3096] : memref<2432x128xf32, #tpu.memory_space<vmem>>, vector<128x128xf32>
    %le3A_3098 = vector.broadcast %get3A_3083 : vector<1x128xf32> to vector<128x128xf32>
    %le3A_3099 = arith.cmpf ole, %get3A_3097, %le3A_3098 : vector<128x128xf32>
    %add3A_3100 = arith.constant 1.000000e+00 : f32
    %add3A_3101 = vector.broadcast %add3A_3100 : f32 to vector<128x128xf32>
    %add3A_3102 = arith.addf %select_n3A_3094, %add3A_3101 : vector<128x128xf32>
    %select_n3A_3103 = arith.select %le3A_3099, %add3A_3102, %select_n3A_3094 : vector<128x128xi1>, vector<128x128xf32>
    %get3A_3104 = arith.constant 256 : index
    %get3A_3105 = arith.constant 0 : index
    %get3A_3106 = vector.load %arg3[%get3A_3104, %get3A_3105] : memref<2432x128xf32, #tpu.memory_space<vmem>>, vector<128x128xf32>
    %le3A_3107 = vector.broadcast %get3A_3083 : vector<1x128xf32> to vector<128x128xf32>
    %le3A_3108 = arith.cmpf ole, %get3A_3106, %le3A_3107 : vector<128x128xf32>
    %add3A_3109 = arith.constant 1.000000e+00 : f32
    %add3A_3110 = vector.broadcast %add3A_3109 : f32 to vector<128x128xf32>
    %add3A_3111 = arith.addf %select_n3A_3103, %add3A_3110 : vector<128x128xf32>
    %select_n3A_3112 = arith.select %le3A_3108, %add3A_3111, %select_n3A_3103 : vector<128x128xi1>, vector<128x128xf32>
    %get3A_3113 = arith.constant 384 : index
    %get3A_3114 = arith.constant 0 : index
    %get3A_3115 = vector.load %arg3[%get3A_3113, %get3A_3114] : memref<2432x128xf32, #tpu.memory_space<vmem>>, vector<128x128xf32>
    %le3A_3116 = vector.broadcast %get3A_3083 : vector<1x128xf32> to vector<128x128xf32>
    %le3A_3117 = arith.cmpf ole, %get3A_3115, %le3A_3116 : vector<128x128xf32>
    %add3A_3118 = arith.constant 1.000000e+00 : f32
    %add3A_3119 = vector.broadcast %add3A_3118 : f32 to vector<128x128xf32>
    %add3A_3120 = arith.addf %select_n3A_3112, %add3A_3119 : vector<128x128xf32>
    %select_n3A_3121 = arith.select %le3A_3117, %add3A_3120, %select_n3A_3112 : vector<128x128xi1>, vector<128x128xf32>
    %get3A_3122 = arith.constant 512 : index
    %get3A_3123 = arith.constant 0 : index
    %get3A_3124 = vector.load %arg3[%get3A_3122, %get3A_3123] : memref<2432x128xf32, #tpu.memory_space<vmem>>, vector<128x128xf32>
    %le3A_3125 = vector.broadcast %get3A_3083 : vector<1x128xf32> to vector<128x128xf32>
    %le3A_3126 = arith.cmpf ole, %get3A_3124, %le3A_3125 : vector<128x128xf32>
    %add3A_3127 = arith.constant 1.000000e+00 : f32
    %add3A_3128 = vector.broadcast %add3A_3127 : f32 to vector<128x128xf32>
    %add3A_3129 = arith.addf %select_n3A_3121, %add3A_3128 : vector<128x128xf32>
    %select_n3A_3130 = arith.select %le3A_3126, %add3A_3129, %select_n3A_3121 : vector<128x128xi1>, vector<128x128xf32>
    %get3A_3131 = arith.constant 640 : index
    %get3A_3132 = arith.constant 0 : index
    %get3A_3133 = vector.load %arg3[%get3A_3131, %get3A_3132] : memref<2432x128xf32, #tpu.memory_space<vmem>>, vector<128x128xf32>
    %le3A_3134 = vector.broadcast %get3A_3083 : vector<1x128xf32> to vector<128x128xf32>
    %le3A_3135 = arith.cmpf ole, %get3A_3133, %le3A_3134 : vector<128x128xf32>
    %add3A_3136 = arith.constant 1.000000e+00 : f32
    %add3A_3137 = vector.broadcast %add3A_3136 : f32 to vector<128x128xf32>
    %add3A_3138 = arith.addf %select_n3A_3130, %add3A_3137 : vector<128x128xf32>
    %select_n3A_3139 = arith.select %le3A_3135, %add3A_3138, %select_n3A_3130 : vector<128x128xi1>, vector<128x128xf32>
    %get3A_3140 = arith.constant 768 : index
    %get3A_3141 = arith.constant 0 : index
    %get3A_3142 = vector.load %arg3[%get3A_3140, %get3A_3141] : memref<2432x128xf32, #tpu.memory_space<vmem>>, vector<128x128xf32>
    %le3A_3143 = vector.broadcast %get3A_3083 : vector<1x128xf32> to vector<128x128xf32>
    %le3A_3144 = arith.cmpf ole, %get3A_3142, %le3A_3143 : vector<128x128xf32>
    %add3A_3145 = arith.constant 1.000000e+00 : f32
    %add3A_3146 = vector.broadcast %add3A_3145 : f32 to vector<128x128xf32>
    %add3A_3147 = arith.addf %select_n3A_3139, %add3A_3146 : vector<128x128xf32>
    %select_n3A_3148 = arith.select %le3A_3144, %add3A_3147, %select_n3A_3139 : vector<128x128xi1>, vector<128x128xf32>
    %get3A_3149 = arith.constant 896 : index
    %get3A_3150 = arith.constant 0 : index
    %get3A_3151 = vector.load %arg3[%get3A_3149, %get3A_3150] : memref<2432x128xf32, #tpu.memory_space<vmem>>, vector<128x128xf32>
    %le3A_3152 = vector.broadcast %get3A_3083 : vector<1x128xf32> to vector<128x128xf32>
    %le3A_3153 = arith.cmpf ole, %get3A_3151, %le3A_3152 : vector<128x128xf32>
    %add3A_3154 = arith.constant 1.000000e+00 : f32
    %add3A_3155 = vector.broadcast %add3A_3154 : f32 to vector<128x128xf32>
    %add3A_3156 = arith.addf %select_n3A_3148, %add3A_3155 : vector<128x128xf32>
    %select_n3A_3157 = arith.select %le3A_3153, %add3A_3156, %select_n3A_3148 : vector<128x128xi1>, vector<128x128xf32>
    %get3A_3158 = arith.constant 1024 : index
    %get3A_3159 = arith.constant 0 : index
    %get3A_3160 = vector.load %arg3[%get3A_3158, %get3A_3159] : memref<2432x128xf32, #tpu.memory_space<vmem>>, vector<128x128xf32>
    %le3A_3161 = vector.broadcast %get3A_3083 : vector<1x128xf32> to vector<128x128xf32>
    %le3A_3162 = arith.cmpf ole, %get3A_3160, %le3A_3161 : vector<128x128xf32>
    %add3A_3163 = arith.constant 1.000000e+00 : f32
    %add3A_3164 = vector.broadcast %add3A_3163 : f32 to vector<128x128xf32>
    %add3A_3165 = arith.addf %select_n3A_3157, %add3A_3164 : vector<128x128xf32>
    %select_n3A_3166 = arith.select %le3A_3162, %add3A_3165, %select_n3A_3157 : vector<128x128xi1>, vector<128x128xf32>
    %get3A_3167 = arith.constant 1152 : index
    %get3A_3168 = arith.constant 0 : index
    %get3A_3169 = vector.load %arg3[%get3A_3167, %get3A_3168] : memref<2432x128xf32, #tpu.memory_space<vmem>>, vector<128x128xf32>
    %le3A_3170 = vector.broadcast %get3A_3083 : vector<1x128xf32> to vector<128x128xf32>
    %le3A_3171 = arith.cmpf ole, %get3A_3169, %le3A_3170 : vector<128x128xf32>
    %add3A_3172 = arith.constant 1.000000e+00 : f32
    %add3A_3173 = vector.broadcast %add3A_3172 : f32 to vector<128x128xf32>
    %add3A_3174 = arith.addf %select_n3A_3166, %add3A_3173 : vector<128x128xf32>
    %select_n3A_3175 = arith.select %le3A_3171, %add3A_3174, %select_n3A_3166 : vector<128x128xi1>, vector<128x128xf32>
    %get3A_3176 = arith.constant 1280 : index
    %get3A_3177 = arith.constant 0 : index
    %get3A_3178 = vector.load %arg3[%get3A_3176, %get3A_3177] : memref<2432x128xf32, #tpu.memory_space<vmem>>, vector<128x128xf32>
    %le3A_3179 = vector.broadcast %get3A_3083 : vector<1x128xf32> to vector<128x128xf32>
    %le3A_3180 = arith.cmpf ole, %get3A_3178, %le3A_3179 : vector<128x128xf32>
    %add3A_3181 = arith.constant 1.000000e+00 : f32
    %add3A_3182 = vector.broadcast %add3A_3181 : f32 to vector<128x128xf32>
    %add3A_3183 = arith.addf %select_n3A_3175, %add3A_3182 : vector<128x128xf32>
    %select_n3A_3184 = arith.select %le3A_3180, %add3A_3183, %select_n3A_3175 : vector<128x128xi1>, vector<128x128xf32>
    %get3A_3185 = arith.constant 1408 : index
    %get3A_3186 = arith.constant 0 : index
    %get3A_3187 = vector.load %arg3[%get3A_3185, %get3A_3186] : memref<2432x128xf32, #tpu.memory_space<vmem>>, vector<128x128xf32>
    %le3A_3188 = vector.broadcast %get3A_3083 : vector<1x128xf32> to vector<128x128xf32>
    %le3A_3189 = arith.cmpf ole, %get3A_3187, %le3A_3188 : vector<128x128xf32>
    %add3A_3190 = arith.constant 1.000000e+00 : f32
    %add3A_3191 = vector.broadcast %add3A_3190 : f32 to vector<128x128xf32>
    %add3A_3192 = arith.addf %select_n3A_3184, %add3A_3191 : vector<128x128xf32>
    %select_n3A_3193 = arith.select %le3A_3189, %add3A_3192, %select_n3A_3184 : vector<128x128xi1>, vector<128x128xf32>
    %get3A_3194 = arith.constant 1536 : index
    %get3A_3195 = arith.constant 0 : index
    %get3A_3196 = vector.load %arg3[%get3A_3194, %get3A_3195] : memref<2432x128xf32, #tpu.memory_space<vmem>>, vector<128x128xf32>
    %le3A_3197 = vector.broadcast %get3A_3083 : vector<1x128xf32> to vector<128x128xf32>
    %le3A_3198 = arith.cmpf ole, %get3A_3196, %le3A_3197 : vector<128x128xf32>
    %add3A_3199 = arith.constant 1.000000e+00 : f32
    %add3A_3200 = vector.broadcast %add3A_3199 : f32 to vector<128x128xf32>
    %add3A_3201 = arith.addf %select_n3A_3193, %add3A_3200 : vector<128x128xf32>
    %select_n3A_3202 = arith.select %le3A_3198, %add3A_3201, %select_n3A_3193 : vector<128x128xi1>, vector<128x128xf32>
    %get3A_3203 = arith.constant 1664 : index
    %get3A_3204 = arith.constant 0 : index
    %get3A_3205 = vector.load %arg3[%get3A_3203, %get3A_3204] : memref<2432x128xf32, #tpu.memory_space<vmem>>, vector<128x128xf32>
    %le3A_3206 = vector.broadcast %get3A_3083 : vector<1x128xf32> to vector<128x128xf32>
    %le3A_3207 = arith.cmpf ole, %get3A_3205, %le3A_3206 : vector<128x128xf32>
    %add3A_3208 = arith.constant 1.000000e+00 : f32
    %add3A_3209 = vector.broadcast %add3A_3208 : f32 to vector<128x128xf32>
    %add3A_3210 = arith.addf %select_n3A_3202, %add3A_3209 : vector<128x128xf32>
    %select_n3A_3211 = arith.select %le3A_3207, %add3A_3210, %select_n3A_3202 : vector<128x128xi1>, vector<128x128xf32>
    %get3A_3212 = arith.constant 1792 : index
    %get3A_3213 = arith.constant 0 : index
    %get3A_3214 = vector.load %arg3[%get3A_3212, %get3A_3213] : memref<2432x128xf32, #tpu.memory_space<vmem>>, vector<128x128xf32>
    %le3A_3215 = vector.broadcast %get3A_3083 : vector<1x128xf32> to vector<128x128xf32>
    %le3A_3216 = arith.cmpf ole, %get3A_3214, %le3A_3215 : vector<128x128xf32>
    %add3A_3217 = arith.constant 1.000000e+00 : f32
    %add3A_3218 = vector.broadcast %add3A_3217 : f32 to vector<128x128xf32>
    %add3A_3219 = arith.addf %select_n3A_3211, %add3A_3218 : vector<128x128xf32>
    %select_n3A_3220 = arith.select %le3A_3216, %add3A_3219, %select_n3A_3211 : vector<128x128xi1>, vector<128x128xf32>
    %get3A_3221 = arith.constant 1920 : index
    %get3A_3222 = arith.constant 0 : index
    %get3A_3223 = vector.load %arg3[%get3A_3221, %get3A_3222] : memref<2432x128xf32, #tpu.memory_space<vmem>>, vector<128x128xf32>
    %lt3A_3224 = vector.broadcast %get3A_3083 : vector<1x128xf32> to vector<128x128xf32>
    %lt3A_3225 = arith.cmpf olt, %get3A_3223, %lt3A_3224 : vector<128x128xf32>
    %le3A_3226 = vector.broadcast %get3A_3083 : vector<1x128xf32> to vector<128x128xf32>
    %le3A_3227 = arith.cmpf ole, %get3A_3223, %le3A_3226 : vector<128x128xf32>
    %and3A_3228 = arith.andi %le3A_3227, %lt3A : vector<128x128xi1>
    %or3A_3229 = arith.ori %lt3A_3225, %and3A_3228 : vector<128x128xi1>
    %add3A_3230 = arith.constant 1.000000e+00 : f32
    %add3A_3231 = vector.broadcast %add3A_3230 : f32 to vector<128x128xf32>
    %add3A_3232 = arith.addf %select_n3A_3220, %add3A_3231 : vector<128x128xf32>
    %select_n3A_3233 = arith.select %or3A_3229, %add3A_3232, %select_n3A_3220 : vector<128x128xi1>, vector<128x128xf32>
    %get3A_3234 = arith.constant 2048 : index
    %get3A_3235 = arith.constant 0 : index
    %get3A_3236 = vector.load %arg3[%get3A_3234, %get3A_3235] : memref<2432x128xf32, #tpu.memory_space<vmem>>, vector<128x128xf32>
    %lt3A_3237 = vector.broadcast %get3A_3083 : vector<1x128xf32> to vector<128x128xf32>
    %lt3A_3238 = arith.cmpf olt, %get3A_3236, %lt3A_3237 : vector<128x128xf32>
    %add3A_3239 = arith.constant 1.000000e+00 : f32
    %add3A_3240 = vector.broadcast %add3A_3239 : f32 to vector<128x128xf32>
    %add3A_3241 = arith.addf %select_n3A_3233, %add3A_3240 : vector<128x128xf32>
    %select_n3A_3242 = arith.select %lt3A_3238, %add3A_3241, %select_n3A_3233 : vector<128x128xi1>, vector<128x128xf32>
    %get3A_3243 = arith.constant 2176 : index
    %get3A_3244 = arith.constant 0 : index
    %get3A_3245 = vector.load %arg3[%get3A_3243, %get3A_3244] : memref<2432x128xf32, #tpu.memory_space<vmem>>, vector<128x128xf32>
    %lt3A_3246 = vector.broadcast %get3A_3083 : vector<1x128xf32> to vector<128x128xf32>
    %lt3A_3247 = arith.cmpf olt, %get3A_3245, %lt3A_3246 : vector<128x128xf32>
    %add3A_3248 = arith.constant 1.000000e+00 : f32
    %add3A_3249 = vector.broadcast %add3A_3248 : f32 to vector<128x128xf32>
    %add3A_3250 = arith.addf %select_n3A_3242, %add3A_3249 : vector<128x128xf32>
    %select_n3A_3251 = arith.select %lt3A_3247, %add3A_3250, %select_n3A_3242 : vector<128x128xi1>, vector<128x128xf32>
    %get3A_3252 = arith.constant 2304 : index
    %get3A_3253 = arith.constant 0 : index
    %get3A_3254 = vector.load %arg3[%get3A_3252, %get3A_3253] : memref<2432x128xf32, #tpu.memory_space<vmem>>, vector<128x128xf32>
    %lt3A_3255 = vector.broadcast %get3A_3083 : vector<1x128xf32> to vector<128x128xf32>
    %lt3A_3256 = arith.cmpf olt, %get3A_3254, %lt3A_3255 : vector<128x128xf32>
    %add3A_3257 = arith.constant 1.000000e+00 : f32
    %add3A_3258 = vector.broadcast %add3A_3257 : f32 to vector<128x128xf32>
    %add3A_3259 = arith.addf %select_n3A_3251, %add3A_3258 : vector<128x128xf32>
    %select_n3A_3260 = arith.select %lt3A_3256, %add3A_3259, %select_n3A_3251 : vector<128x128xi1>, vector<128x128xf32>
    %reduce_sum3A_3261 = arith.constant dense<0.000000e+00> : vector<128xf32>
    %reduce_sum3A_3262 = vector.multi_reduction <add>, %select_n3A_3260, %reduce_sum3A_3261 [0] : vector<128x128xf32> to vector<128xf32>
    %broadcast_in_dim3A_3263 = vector.shape_cast %reduce_sum3A_3262 : vector<128xf32> to vector<1x128xf32>
    %convert_element_type3A_3264 = arith.fptosi %broadcast_in_dim3A_3263 : vector<1x128xf32> to vector<1x128xi32>
    %swap3A_3265 = arith.constant 0 : index
    %swap3A_3266 = arith.constant 0 : index
    %swap3A_3267 = arith.constant 1920 : index
    %swap3A_3268 = vector.load %arg2[%swap3A_3265, %swap3A_3266, %swap3A_3267] : memref<1x1x2432xi32, #tpu.memory_space<vmem>>, vector<1x1x128xi32>
    %swap3A_3269 = vector.shape_cast %swap3A_3268 : vector<1x1x128xi32> to vector<1x128xi32>
    %swap3A_3270 = vector.shape_cast %convert_element_type3A_3264 : vector<1x128xi32> to vector<1x1x128xi32>
    tpu.vector_store %arg2[%swap3A_3265, %swap3A_3266, %swap3A_3267], %swap3A_3270 {strides = array<i32>} : memref<1x1x2432xi32, #tpu.memory_space<vmem>>, vector<1x1x128xi32>,
    %get3A_3271 = arith.constant 0 : index
    %get3A_3272 = arith.constant 0 : index
    %get3A_3273 = arith.constant 2048 : index
    %get3A_3274 = vector.load %arg1[%get3A_3271, %get3A_3272, %get3A_3273] : memref<1x1x2432xf32, #tpu.memory_space<vmem>>, vector<1x1x128xf32>
    %get3A_3275 = vector.shape_cast %get3A_3274 : vector<1x1x128xf32> to vector<1x128xf32>
    %broadcast_in_dim3A_3276 = arith.constant 0.000000e+00 : f32
    %broadcast_in_dim3A_3277 = vector.broadcast %broadcast_in_dim3A_3276 : f32 to vector<128x128xf32>
    %get3A_3278 = arith.constant 0 : index
    %get3A_3279 = arith.constant 0 : index
    %get3A_3280 = vector.load %arg3[%get3A_3278, %get3A_3279] : memref<2432x128xf32, #tpu.memory_space<vmem>>, vector<128x128xf32>
    %le3A_3281 = vector.broadcast %get3A_3275 : vector<1x128xf32> to vector<128x128xf32>
    %le3A_3282 = arith.cmpf ole, %get3A_3280, %le3A_3281 : vector<128x128xf32>
    %add3A_3283 = arith.constant 1.000000e+00 : f32
    %add3A_3284 = vector.broadcast %add3A_3283 : f32 to vector<128x128xf32>
    %add3A_3285 = arith.addf %broadcast_in_dim3A_3277, %add3A_3284 : vector<128x128xf32>
    %select_n3A_3286 = arith.select %le3A_3282, %add3A_3285, %broadcast_in_dim3A_3277 : vector<128x128xi1>, vector<128x128xf32>
    %get3A_3287 = arith.constant 128 : index
    %get3A_3288 = arith.constant 0 : index
    %get3A_3289 = vector.load %arg3[%get3A_3287, %get3A_3288] : memref<2432x128xf32, #tpu.memory_space<vmem>>, vector<128x128xf32>
    %le3A_3290 = vector.broadcast %get3A_3275 : vector<1x128xf32> to vector<128x128xf32>
    %le3A_3291 = arith.cmpf ole, %get3A_3289, %le3A_3290 : vector<128x128xf32>
    %add3A_3292 = arith.constant 1.000000e+00 : f32
    %add3A_3293 = vector.broadcast %add3A_3292 : f32 to vector<128x128xf32>
    %add3A_3294 = arith.addf %select_n3A_3286, %add3A_3293 : vector<128x128xf32>
    %select_n3A_3295 = arith.select %le3A_3291, %add3A_3294, %select_n3A_3286 : vector<128x128xi1>, vector<128x128xf32>
    %get3A_3296 = arith.constant 256 : index
    %get3A_3297 = arith.constant 0 : index
    %get3A_3298 = vector.load %arg3[%get3A_3296, %get3A_3297] : memref<2432x128xf32, #tpu.memory_space<vmem>>, vector<128x128xf32>
    %le3A_3299 = vector.broadcast %get3A_3275 : vector<1x128xf32> to vector<128x128xf32>
    %le3A_3300 = arith.cmpf ole, %get3A_3298, %le3A_3299 : vector<128x128xf32>
    %add3A_3301 = arith.constant 1.000000e+00 : f32
    %add3A_3302 = vector.broadcast %add3A_3301 : f32 to vector<128x128xf32>
    %add3A_3303 = arith.addf %select_n3A_3295, %add3A_3302 : vector<128x128xf32>
    %select_n3A_3304 = arith.select %le3A_3300, %add3A_3303, %select_n3A_3295 : vector<128x128xi1>, vector<128x128xf32>
    %get3A_3305 = arith.constant 384 : index
    %get3A_3306 = arith.constant 0 : index
    %get3A_3307 = vector.load %arg3[%get3A_3305, %get3A_3306] : memref<2432x128xf32, #tpu.memory_space<vmem>>, vector<128x128xf32>
    %le3A_3308 = vector.broadcast %get3A_3275 : vector<1x128xf32> to vector<128x128xf32>
    %le3A_3309 = arith.cmpf ole, %get3A_3307, %le3A_3308 : vector<128x128xf32>
    %add3A_3310 = arith.constant 1.000000e+00 : f32
    %add3A_3311 = vector.broadcast %add3A_3310 : f32 to vector<128x128xf32>
    %add3A_3312 = arith.addf %select_n3A_3304, %add3A_3311 : vector<128x128xf32>
    %select_n3A_3313 = arith.select %le3A_3309, %add3A_3312, %select_n3A_3304 : vector<128x128xi1>, vector<128x128xf32>
    %get3A_3314 = arith.constant 512 : index
    %get3A_3315 = arith.constant 0 : index
    %get3A_3316 = vector.load %arg3[%get3A_3314, %get3A_3315] : memref<2432x128xf32, #tpu.memory_space<vmem>>, vector<128x128xf32>
    %le3A_3317 = vector.broadcast %get3A_3275 : vector<1x128xf32> to vector<128x128xf32>
    %le3A_3318 = arith.cmpf ole, %get3A_3316, %le3A_3317 : vector<128x128xf32>
    %add3A_3319 = arith.constant 1.000000e+00 : f32
    %add3A_3320 = vector.broadcast %add3A_3319 : f32 to vector<128x128xf32>
    %add3A_3321 = arith.addf %select_n3A_3313, %add3A_3320 : vector<128x128xf32>
    %select_n3A_3322 = arith.select %le3A_3318, %add3A_3321, %select_n3A_3313 : vector<128x128xi1>, vector<128x128xf32>
    %get3A_3323 = arith.constant 640 : index
    %get3A_3324 = arith.constant 0 : index
    %get3A_3325 = vector.load %arg3[%get3A_3323, %get3A_3324] : memref<2432x128xf32, #tpu.memory_space<vmem>>, vector<128x128xf32>
    %le3A_3326 = vector.broadcast %get3A_3275 : vector<1x128xf32> to vector<128x128xf32>
    %le3A_3327 = arith.cmpf ole, %get3A_3325, %le3A_3326 : vector<128x128xf32>
    %add3A_3328 = arith.constant 1.000000e+00 : f32
    %add3A_3329 = vector.broadcast %add3A_3328 : f32 to vector<128x128xf32>
    %add3A_3330 = arith.addf %select_n3A_3322, %add3A_3329 : vector<128x128xf32>
    %select_n3A_3331 = arith.select %le3A_3327, %add3A_3330, %select_n3A_3322 : vector<128x128xi1>, vector<128x128xf32>
    %get3A_3332 = arith.constant 768 : index
    %get3A_3333 = arith.constant 0 : index
    %get3A_3334 = vector.load %arg3[%get3A_3332, %get3A_3333] : memref<2432x128xf32, #tpu.memory_space<vmem>>, vector<128x128xf32>
    %le3A_3335 = vector.broadcast %get3A_3275 : vector<1x128xf32> to vector<128x128xf32>
    %le3A_3336 = arith.cmpf ole, %get3A_3334, %le3A_3335 : vector<128x128xf32>
    %add3A_3337 = arith.constant 1.000000e+00 : f32
    %add3A_3338 = vector.broadcast %add3A_3337 : f32 to vector<128x128xf32>
    %add3A_3339 = arith.addf %select_n3A_3331, %add3A_3338 : vector<128x128xf32>
    %select_n3A_3340 = arith.select %le3A_3336, %add3A_3339, %select_n3A_3331 : vector<128x128xi1>, vector<128x128xf32>
    %get3A_3341 = arith.constant 896 : index
    %get3A_3342 = arith.constant 0 : index
    %get3A_3343 = vector.load %arg3[%get3A_3341, %get3A_3342] : memref<2432x128xf32, #tpu.memory_space<vmem>>, vector<128x128xf32>
    %le3A_3344 = vector.broadcast %get3A_3275 : vector<1x128xf32> to vector<128x128xf32>
    %le3A_3345 = arith.cmpf ole, %get3A_3343, %le3A_3344 : vector<128x128xf32>
    %add3A_3346 = arith.constant 1.000000e+00 : f32
    %add3A_3347 = vector.broadcast %add3A_3346 : f32 to vector<128x128xf32>
    %add3A_3348 = arith.addf %select_n3A_3340, %add3A_3347 : vector<128x128xf32>
    %select_n3A_3349 = arith.select %le3A_3345, %add3A_3348, %select_n3A_3340 : vector<128x128xi1>, vector<128x128xf32>
    %get3A_3350 = arith.constant 1024 : index
    %get3A_3351 = arith.constant 0 : index
    %get3A_3352 = vector.load %arg3[%get3A_3350, %get3A_3351] : memref<2432x128xf32, #tpu.memory_space<vmem>>, vector<128x128xf32>
    %le3A_3353 = vector.broadcast %get3A_3275 : vector<1x128xf32> to vector<128x128xf32>
    %le3A_3354 = arith.cmpf ole, %get3A_3352, %le3A_3353 : vector<128x128xf32>
    %add3A_3355 = arith.constant 1.000000e+00 : f32
    %add3A_3356 = vector.broadcast %add3A_3355 : f32 to vector<128x128xf32>
    %add3A_3357 = arith.addf %select_n3A_3349, %add3A_3356 : vector<128x128xf32>
    %select_n3A_3358 = arith.select %le3A_3354, %add3A_3357, %select_n3A_3349 : vector<128x128xi1>, vector<128x128xf32>
    %get3A_3359 = arith.constant 1152 : index
    %get3A_3360 = arith.constant 0 : index
    %get3A_3361 = vector.load %arg3[%get3A_3359, %get3A_3360] : memref<2432x128xf32, #tpu.memory_space<vmem>>, vector<128x128xf32>
    %le3A_3362 = vector.broadcast %get3A_3275 : vector<1x128xf32> to vector<128x128xf32>
    %le3A_3363 = arith.cmpf ole, %get3A_3361, %le3A_3362 : vector<128x128xf32>
    %add3A_3364 = arith.constant 1.000000e+00 : f32
    %add3A_3365 = vector.broadcast %add3A_3364 : f32 to vector<128x128xf32>
    %add3A_3366 = arith.addf %select_n3A_3358, %add3A_3365 : vector<128x128xf32>
    %select_n3A_3367 = arith.select %le3A_3363, %add3A_3366, %select_n3A_3358 : vector<128x128xi1>, vector<128x128xf32>
    %get3A_3368 = arith.constant 1280 : index
    %get3A_3369 = arith.constant 0 : index
    %get3A_3370 = vector.load %arg3[%get3A_3368, %get3A_3369] : memref<2432x128xf32, #tpu.memory_space<vmem>>, vector<128x128xf32>
    %le3A_3371 = vector.broadcast %get3A_3275 : vector<1x128xf32> to vector<128x128xf32>
    %le3A_3372 = arith.cmpf ole, %get3A_3370, %le3A_3371 : vector<128x128xf32>
    %add3A_3373 = arith.constant 1.000000e+00 : f32
    %add3A_3374 = vector.broadcast %add3A_3373 : f32 to vector<128x128xf32>
    %add3A_3375 = arith.addf %select_n3A_3367, %add3A_3374 : vector<128x128xf32>
    %select_n3A_3376 = arith.select %le3A_3372, %add3A_3375, %select_n3A_3367 : vector<128x128xi1>, vector<128x128xf32>
    %get3A_3377 = arith.constant 1408 : index
    %get3A_3378 = arith.constant 0 : index
    %get3A_3379 = vector.load %arg3[%get3A_3377, %get3A_3378] : memref<2432x128xf32, #tpu.memory_space<vmem>>, vector<128x128xf32>
    %le3A_3380 = vector.broadcast %get3A_3275 : vector<1x128xf32> to vector<128x128xf32>
    %le3A_3381 = arith.cmpf ole, %get3A_3379, %le3A_3380 : vector<128x128xf32>
    %add3A_3382 = arith.constant 1.000000e+00 : f32
    %add3A_3383 = vector.broadcast %add3A_3382 : f32 to vector<128x128xf32>
    %add3A_3384 = arith.addf %select_n3A_3376, %add3A_3383 : vector<128x128xf32>
    %select_n3A_3385 = arith.select %le3A_3381, %add3A_3384, %select_n3A_3376 : vector<128x128xi1>, vector<128x128xf32>
    %get3A_3386 = arith.constant 1536 : index
    %get3A_3387 = arith.constant 0 : index
    %get3A_3388 = vector.load %arg3[%get3A_3386, %get3A_3387] : memref<2432x128xf32, #tpu.memory_space<vmem>>, vector<128x128xf32>
    %le3A_3389 = vector.broadcast %get3A_3275 : vector<1x128xf32> to vector<128x128xf32>
    %le3A_3390 = arith.cmpf ole, %get3A_3388, %le3A_3389 : vector<128x128xf32>
    %add3A_3391 = arith.constant 1.000000e+00 : f32
    %add3A_3392 = vector.broadcast %add3A_3391 : f32 to vector<128x128xf32>
    %add3A_3393 = arith.addf %select_n3A_3385, %add3A_3392 : vector<128x128xf32>
    %select_n3A_3394 = arith.select %le3A_3390, %add3A_3393, %select_n3A_3385 : vector<128x128xi1>, vector<128x128xf32>
    %get3A_3395 = arith.constant 1664 : index
    %get3A_3396 = arith.constant 0 : index
    %get3A_3397 = vector.load %arg3[%get3A_3395, %get3A_3396] : memref<2432x128xf32, #tpu.memory_space<vmem>>, vector<128x128xf32>
    %le3A_3398 = vector.broadcast %get3A_3275 : vector<1x128xf32> to vector<128x128xf32>
    %le3A_3399 = arith.cmpf ole, %get3A_3397, %le3A_3398 : vector<128x128xf32>
    %add3A_3400 = arith.constant 1.000000e+00 : f32
    %add3A_3401 = vector.broadcast %add3A_3400 : f32 to vector<128x128xf32>
    %add3A_3402 = arith.addf %select_n3A_3394, %add3A_3401 : vector<128x128xf32>
    %select_n3A_3403 = arith.select %le3A_3399, %add3A_3402, %select_n3A_3394 : vector<128x128xi1>, vector<128x128xf32>
    %get3A_3404 = arith.constant 1792 : index
    %get3A_3405 = arith.constant 0 : index
    %get3A_3406 = vector.load %arg3[%get3A_3404, %get3A_3405] : memref<2432x128xf32, #tpu.memory_space<vmem>>, vector<128x128xf32>
    %le3A_3407 = vector.broadcast %get3A_3275 : vector<1x128xf32> to vector<128x128xf32>
    %le3A_3408 = arith.cmpf ole, %get3A_3406, %le3A_3407 : vector<128x128xf32>
    %add3A_3409 = arith.constant 1.000000e+00 : f32
    %add3A_3410 = vector.broadcast %add3A_3409 : f32 to vector<128x128xf32>
    %add3A_3411 = arith.addf %select_n3A_3403, %add3A_3410 : vector<128x128xf32>
    %select_n3A_3412 = arith.select %le3A_3408, %add3A_3411, %select_n3A_3403 : vector<128x128xi1>, vector<128x128xf32>
    %get3A_3413 = arith.constant 1920 : index
    %get3A_3414 = arith.constant 0 : index
    %get3A_3415 = vector.load %arg3[%get3A_3413, %get3A_3414] : memref<2432x128xf32, #tpu.memory_space<vmem>>, vector<128x128xf32>
    %le3A_3416 = vector.broadcast %get3A_3275 : vector<1x128xf32> to vector<128x128xf32>
    %le3A_3417 = arith.cmpf ole, %get3A_3415, %le3A_3416 : vector<128x128xf32>
    %add3A_3418 = arith.constant 1.000000e+00 : f32
    %add3A_3419 = vector.broadcast %add3A_3418 : f32 to vector<128x128xf32>
    %add3A_3420 = arith.addf %select_n3A_3412, %add3A_3419 : vector<128x128xf32>
    %select_n3A_3421 = arith.select %le3A_3417, %add3A_3420, %select_n3A_3412 : vector<128x128xi1>, vector<128x128xf32>
    %get3A_3422 = arith.constant 2048 : index
    %get3A_3423 = arith.constant 0 : index
    %get3A_3424 = vector.load %arg3[%get3A_3422, %get3A_3423] : memref<2432x128xf32, #tpu.memory_space<vmem>>, vector<128x128xf32>
    %lt3A_3425 = vector.broadcast %get3A_3275 : vector<1x128xf32> to vector<128x128xf32>
    %lt3A_3426 = arith.cmpf olt, %get3A_3424, %lt3A_3425 : vector<128x128xf32>
    %le3A_3427 = vector.broadcast %get3A_3275 : vector<1x128xf32> to vector<128x128xf32>
    %le3A_3428 = arith.cmpf ole, %get3A_3424, %le3A_3427 : vector<128x128xf32>
    %and3A_3429 = arith.andi %le3A_3428, %lt3A : vector<128x128xi1>
    %or3A_3430 = arith.ori %lt3A_3426, %and3A_3429 : vector<128x128xi1>
    %add3A_3431 = arith.constant 1.000000e+00 : f32
    %add3A_3432 = vector.broadcast %add3A_3431 : f32 to vector<128x128xf32>
    %add3A_3433 = arith.addf %select_n3A_3421, %add3A_3432 : vector<128x128xf32>
    %select_n3A_3434 = arith.select %or3A_3430, %add3A_3433, %select_n3A_3421 : vector<128x128xi1>, vector<128x128xf32>
    %get3A_3435 = arith.constant 2176 : index
    %get3A_3436 = arith.constant 0 : index
    %get3A_3437 = vector.load %arg3[%get3A_3435, %get3A_3436] : memref<2432x128xf32, #tpu.memory_space<vmem>>, vector<128x128xf32>
    %lt3A_3438 = vector.broadcast %get3A_3275 : vector<1x128xf32> to vector<128x128xf32>
    %lt3A_3439 = arith.cmpf olt, %get3A_3437, %lt3A_3438 : vector<128x128xf32>
    %add3A_3440 = arith.constant 1.000000e+00 : f32
    %add3A_3441 = vector.broadcast %add3A_3440 : f32 to vector<128x128xf32>
    %add3A_3442 = arith.addf %select_n3A_3434, %add3A_3441 : vector<128x128xf32>
    %select_n3A_3443 = arith.select %lt3A_3439, %add3A_3442, %select_n3A_3434 : vector<128x128xi1>, vector<128x128xf32>
    %get3A_3444 = arith.constant 2304 : index
    %get3A_3445 = arith.constant 0 : index
    %get3A_3446 = vector.load %arg3[%get3A_3444, %get3A_3445] : memref<2432x128xf32, #tpu.memory_space<vmem>>, vector<128x128xf32>
    %lt3A_3447 = vector.broadcast %get3A_3275 : vector<1x128xf32> to vector<128x128xf32>
    %lt3A_3448 = arith.cmpf olt, %get3A_3446, %lt3A_3447 : vector<128x128xf32>
    %add3A_3449 = arith.constant 1.000000e+00 : f32
    %add3A_3450 = vector.broadcast %add3A_3449 : f32 to vector<128x128xf32>
    %add3A_3451 = arith.addf %select_n3A_3443, %add3A_3450 : vector<128x128xf32>
    %select_n3A_3452 = arith.select %lt3A_3448, %add3A_3451, %select_n3A_3443 : vector<128x128xi1>, vector<128x128xf32>
    %reduce_sum3A_3453 = arith.constant dense<0.000000e+00> : vector<128xf32>
    %reduce_sum3A_3454 = vector.multi_reduction <add>, %select_n3A_3452, %reduce_sum3A_3453 [0] : vector<128x128xf32> to vector<128xf32>
    %broadcast_in_dim3A_3455 = vector.shape_cast %reduce_sum3A_3454 : vector<128xf32> to vector<1x128xf32>
    %convert_element_type3A_3456 = arith.fptosi %broadcast_in_dim3A_3455 : vector<1x128xf32> to vector<1x128xi32>
    %swap3A_3457 = arith.constant 0 : index
    %swap3A_3458 = arith.constant 0 : index
    %swap3A_3459 = arith.constant 2048 : index
    %swap3A_3460 = vector.load %arg2[%swap3A_3457, %swap3A_3458, %swap3A_3459] : memref<1x1x2432xi32, #tpu.memory_space<vmem>>, vector<1x1x128xi32>
    %swap3A_3461 = vector.shape_cast %swap3A_3460 : vector<1x1x128xi32> to vector<1x128xi32>
    %swap3A_3462 = vector.shape_cast %convert_element_type3A_3456 : vector<1x128xi32> to vector<1x1x128xi32>
    tpu.vector_store %arg2[%swap3A_3457, %swap3A_3458, %swap3A_3459], %swap3A_3462 {strides = array<i32>} : memref<1x1x2432xi32, #tpu.memory_space<vmem>>, vector<1x1x128xi32>,
    %get3A_3463 = arith.constant 0 : index
    %get3A_3464 = arith.constant 0 : index
    %get3A_3465 = arith.constant 2176 : index
    %get3A_3466 = vector.load %arg1[%get3A_3463, %get3A_3464, %get3A_3465] : memref<1x1x2432xf32, #tpu.memory_space<vmem>>, vector<1x1x128xf32>
    %get3A_3467 = vector.shape_cast %get3A_3466 : vector<1x1x128xf32> to vector<1x128xf32>
    %broadcast_in_dim3A_3468 = arith.constant 0.000000e+00 : f32
    %broadcast_in_dim3A_3469 = vector.broadcast %broadcast_in_dim3A_3468 : f32 to vector<128x128xf32>
    %get3A_3470 = arith.constant 0 : index
    %get3A_3471 = arith.constant 0 : index
    %get3A_3472 = vector.load %arg3[%get3A_3470, %get3A_3471] : memref<2432x128xf32, #tpu.memory_space<vmem>>, vector<128x128xf32>
    %le3A_3473 = vector.broadcast %get3A_3467 : vector<1x128xf32> to vector<128x128xf32>
    %le3A_3474 = arith.cmpf ole, %get3A_3472, %le3A_3473 : vector<128x128xf32>
    %add3A_3475 = arith.constant 1.000000e+00 : f32
    %add3A_3476 = vector.broadcast %add3A_3475 : f32 to vector<128x128xf32>
    %add3A_3477 = arith.addf %broadcast_in_dim3A_3469, %add3A_3476 : vector<128x128xf32>
    %select_n3A_3478 = arith.select %le3A_3474, %add3A_3477, %broadcast_in_dim3A_3469 : vector<128x128xi1>, vector<128x128xf32>
    %get3A_3479 = arith.constant 128 : index
    %get3A_3480 = arith.constant 0 : index
    %get3A_3481 = vector.load %arg3[%get3A_3479, %get3A_3480] : memref<2432x128xf32, #tpu.memory_space<vmem>>, vector<128x128xf32>
    %le3A_3482 = vector.broadcast %get3A_3467 : vector<1x128xf32> to vector<128x128xf32>
    %le3A_3483 = arith.cmpf ole, %get3A_3481, %le3A_3482 : vector<128x128xf32>
    %add3A_3484 = arith.constant 1.000000e+00 : f32
    %add3A_3485 = vector.broadcast %add3A_3484 : f32 to vector<128x128xf32>
    %add3A_3486 = arith.addf %select_n3A_3478, %add3A_3485 : vector<128x128xf32>
    %select_n3A_3487 = arith.select %le3A_3483, %add3A_3486, %select_n3A_3478 : vector<128x128xi1>, vector<128x128xf32>
    %get3A_3488 = arith.constant 256 : index
    %get3A_3489 = arith.constant 0 : index
    %get3A_3490 = vector.load %arg3[%get3A_3488, %get3A_3489] : memref<2432x128xf32, #tpu.memory_space<vmem>>, vector<128x128xf32>
    %le3A_3491 = vector.broadcast %get3A_3467 : vector<1x128xf32> to vector<128x128xf32>
    %le3A_3492 = arith.cmpf ole, %get3A_3490, %le3A_3491 : vector<128x128xf32>
    %add3A_3493 = arith.constant 1.000000e+00 : f32
    %add3A_3494 = vector.broadcast %add3A_3493 : f32 to vector<128x128xf32>
    %add3A_3495 = arith.addf %select_n3A_3487, %add3A_3494 : vector<128x128xf32>
    %select_n3A_3496 = arith.select %le3A_3492, %add3A_3495, %select_n3A_3487 : vector<128x128xi1>, vector<128x128xf32>
    %get3A_3497 = arith.constant 384 : index
    %get3A_3498 = arith.constant 0 : index
    %get3A_3499 = vector.load %arg3[%get3A_3497, %get3A_3498] : memref<2432x128xf32, #tpu.memory_space<vmem>>, vector<128x128xf32>
    %le3A_3500 = vector.broadcast %get3A_3467 : vector<1x128xf32> to vector<128x128xf32>
    %le3A_3501 = arith.cmpf ole, %get3A_3499, %le3A_3500 : vector<128x128xf32>
    %add3A_3502 = arith.constant 1.000000e+00 : f32
    %add3A_3503 = vector.broadcast %add3A_3502 : f32 to vector<128x128xf32>
    %add3A_3504 = arith.addf %select_n3A_3496, %add3A_3503 : vector<128x128xf32>
    %select_n3A_3505 = arith.select %le3A_3501, %add3A_3504, %select_n3A_3496 : vector<128x128xi1>, vector<128x128xf32>
    %get3A_3506 = arith.constant 512 : index
    %get3A_3507 = arith.constant 0 : index
    %get3A_3508 = vector.load %arg3[%get3A_3506, %get3A_3507] : memref<2432x128xf32, #tpu.memory_space<vmem>>, vector<128x128xf32>
    %le3A_3509 = vector.broadcast %get3A_3467 : vector<1x128xf32> to vector<128x128xf32>
    %le3A_3510 = arith.cmpf ole, %get3A_3508, %le3A_3509 : vector<128x128xf32>
    %add3A_3511 = arith.constant 1.000000e+00 : f32
    %add3A_3512 = vector.broadcast %add3A_3511 : f32 to vector<128x128xf32>
    %add3A_3513 = arith.addf %select_n3A_3505, %add3A_3512 : vector<128x128xf32>
    %select_n3A_3514 = arith.select %le3A_3510, %add3A_3513, %select_n3A_3505 : vector<128x128xi1>, vector<128x128xf32>
    %get3A_3515 = arith.constant 640 : index
    %get3A_3516 = arith.constant 0 : index
    %get3A_3517 = vector.load %arg3[%get3A_3515, %get3A_3516] : memref<2432x128xf32, #tpu.memory_space<vmem>>, vector<128x128xf32>
    %le3A_3518 = vector.broadcast %get3A_3467 : vector<1x128xf32> to vector<128x128xf32>
    %le3A_3519 = arith.cmpf ole, %get3A_3517, %le3A_3518 : vector<128x128xf32>
    %add3A_3520 = arith.constant 1.000000e+00 : f32
    %add3A_3521 = vector.broadcast %add3A_3520 : f32 to vector<128x128xf32>
    %add3A_3522 = arith.addf %select_n3A_3514, %add3A_3521 : vector<128x128xf32>
    %select_n3A_3523 = arith.select %le3A_3519, %add3A_3522, %select_n3A_3514 : vector<128x128xi1>, vector<128x128xf32>
    %get3A_3524 = arith.constant 768 : index
    %get3A_3525 = arith.constant 0 : index
    %get3A_3526 = vector.load %arg3[%get3A_3524, %get3A_3525] : memref<2432x128xf32, #tpu.memory_space<vmem>>, vector<128x128xf32>
    %le3A_3527 = vector.broadcast %get3A_3467 : vector<1x128xf32> to vector<128x128xf32>
    %le3A_3528 = arith.cmpf ole, %get3A_3526, %le3A_3527 : vector<128x128xf32>
    %add3A_3529 = arith.constant 1.000000e+00 : f32
    %add3A_3530 = vector.broadcast %add3A_3529 : f32 to vector<128x128xf32>
    %add3A_3531 = arith.addf %select_n3A_3523, %add3A_3530 : vector<128x128xf32>
    %select_n3A_3532 = arith.select %le3A_3528, %add3A_3531, %select_n3A_3523 : vector<128x128xi1>, vector<128x128xf32>
    %get3A_3533 = arith.constant 896 : index
    %get3A_3534 = arith.constant 0 : index
    %get3A_3535 = vector.load %arg3[%get3A_3533, %get3A_3534] : memref<2432x128xf32, #tpu.memory_space<vmem>>, vector<128x128xf32>
    %le3A_3536 = vector.broadcast %get3A_3467 : vector<1x128xf32> to vector<128x128xf32>
    %le3A_3537 = arith.cmpf ole, %get3A_3535, %le3A_3536 : vector<128x128xf32>
    %add3A_3538 = arith.constant 1.000000e+00 : f32
    %add3A_3539 = vector.broadcast %add3A_3538 : f32 to vector<128x128xf32>
    %add3A_3540 = arith.addf %select_n3A_3532, %add3A_3539 : vector<128x128xf32>
    %select_n3A_3541 = arith.select %le3A_3537, %add3A_3540, %select_n3A_3532 : vector<128x128xi1>, vector<128x128xf32>
    %get3A_3542 = arith.constant 1024 : index
    %get3A_3543 = arith.constant 0 : index
    %get3A_3544 = vector.load %arg3[%get3A_3542, %get3A_3543] : memref<2432x128xf32, #tpu.memory_space<vmem>>, vector<128x128xf32>
    %le3A_3545 = vector.broadcast %get3A_3467 : vector<1x128xf32> to vector<128x128xf32>
    %le3A_3546 = arith.cmpf ole, %get3A_3544, %le3A_3545 : vector<128x128xf32>
    %add3A_3547 = arith.constant 1.000000e+00 : f32
    %add3A_3548 = vector.broadcast %add3A_3547 : f32 to vector<128x128xf32>
    %add3A_3549 = arith.addf %select_n3A_3541, %add3A_3548 : vector<128x128xf32>
    %select_n3A_3550 = arith.select %le3A_3546, %add3A_3549, %select_n3A_3541 : vector<128x128xi1>, vector<128x128xf32>
    %get3A_3551 = arith.constant 1152 : index
    %get3A_3552 = arith.constant 0 : index
    %get3A_3553 = vector.load %arg3[%get3A_3551, %get3A_3552] : memref<2432x128xf32, #tpu.memory_space<vmem>>, vector<128x128xf32>
    %le3A_3554 = vector.broadcast %get3A_3467 : vector<1x128xf32> to vector<128x128xf32>
    %le3A_3555 = arith.cmpf ole, %get3A_3553, %le3A_3554 : vector<128x128xf32>
    %add3A_3556 = arith.constant 1.000000e+00 : f32
    %add3A_3557 = vector.broadcast %add3A_3556 : f32 to vector<128x128xf32>
    %add3A_3558 = arith.addf %select_n3A_3550, %add3A_3557 : vector<128x128xf32>
    %select_n3A_3559 = arith.select %le3A_3555, %add3A_3558, %select_n3A_3550 : vector<128x128xi1>, vector<128x128xf32>
    %get3A_3560 = arith.constant 1280 : index
    %get3A_3561 = arith.constant 0 : index
    %get3A_3562 = vector.load %arg3[%get3A_3560, %get3A_3561] : memref<2432x128xf32, #tpu.memory_space<vmem>>, vector<128x128xf32>
    %le3A_3563 = vector.broadcast %get3A_3467 : vector<1x128xf32> to vector<128x128xf32>
    %le3A_3564 = arith.cmpf ole, %get3A_3562, %le3A_3563 : vector<128x128xf32>
    %add3A_3565 = arith.constant 1.000000e+00 : f32
    %add3A_3566 = vector.broadcast %add3A_3565 : f32 to vector<128x128xf32>
    %add3A_3567 = arith.addf %select_n3A_3559, %add3A_3566 : vector<128x128xf32>
    %select_n3A_3568 = arith.select %le3A_3564, %add3A_3567, %select_n3A_3559 : vector<128x128xi1>, vector<128x128xf32>
    %get3A_3569 = arith.constant 1408 : index
    %get3A_3570 = arith.constant 0 : index
    %get3A_3571 = vector.load %arg3[%get3A_3569, %get3A_3570] : memref<2432x128xf32, #tpu.memory_space<vmem>>, vector<128x128xf32>
    %le3A_3572 = vector.broadcast %get3A_3467 : vector<1x128xf32> to vector<128x128xf32>
    %le3A_3573 = arith.cmpf ole, %get3A_3571, %le3A_3572 : vector<128x128xf32>
    %add3A_3574 = arith.constant 1.000000e+00 : f32
    %add3A_3575 = vector.broadcast %add3A_3574 : f32 to vector<128x128xf32>
    %add3A_3576 = arith.addf %select_n3A_3568, %add3A_3575 : vector<128x128xf32>
    %select_n3A_3577 = arith.select %le3A_3573, %add3A_3576, %select_n3A_3568 : vector<128x128xi1>, vector<128x128xf32>
    %get3A_3578 = arith.constant 1536 : index
    %get3A_3579 = arith.constant 0 : index
    %get3A_3580 = vector.load %arg3[%get3A_3578, %get3A_3579] : memref<2432x128xf32, #tpu.memory_space<vmem>>, vector<128x128xf32>
    %le3A_3581 = vector.broadcast %get3A_3467 : vector<1x128xf32> to vector<128x128xf32>
    %le3A_3582 = arith.cmpf ole, %get3A_3580, %le3A_3581 : vector<128x128xf32>
    %add3A_3583 = arith.constant 1.000000e+00 : f32
    %add3A_3584 = vector.broadcast %add3A_3583 : f32 to vector<128x128xf32>
    %add3A_3585 = arith.addf %select_n3A_3577, %add3A_3584 : vector<128x128xf32>
    %select_n3A_3586 = arith.select %le3A_3582, %add3A_3585, %select_n3A_3577 : vector<128x128xi1>, vector<128x128xf32>
    %get3A_3587 = arith.constant 1664 : index
    %get3A_3588 = arith.constant 0 : index
    %get3A_3589 = vector.load %arg3[%get3A_3587, %get3A_3588] : memref<2432x128xf32, #tpu.memory_space<vmem>>, vector<128x128xf32>
    %le3A_3590 = vector.broadcast %get3A_3467 : vector<1x128xf32> to vector<128x128xf32>
    %le3A_3591 = arith.cmpf ole, %get3A_3589, %le3A_3590 : vector<128x128xf32>
    %add3A_3592 = arith.constant 1.000000e+00 : f32
    %add3A_3593 = vector.broadcast %add3A_3592 : f32 to vector<128x128xf32>
    %add3A_3594 = arith.addf %select_n3A_3586, %add3A_3593 : vector<128x128xf32>
    %select_n3A_3595 = arith.select %le3A_3591, %add3A_3594, %select_n3A_3586 : vector<128x128xi1>, vector<128x128xf32>
    %get3A_3596 = arith.constant 1792 : index
    %get3A_3597 = arith.constant 0 : index
    %get3A_3598 = vector.load %arg3[%get3A_3596, %get3A_3597] : memref<2432x128xf32, #tpu.memory_space<vmem>>, vector<128x128xf32>
    %le3A_3599 = vector.broadcast %get3A_3467 : vector<1x128xf32> to vector<128x128xf32>
    %le3A_3600 = arith.cmpf ole, %get3A_3598, %le3A_3599 : vector<128x128xf32>
    %add3A_3601 = arith.constant 1.000000e+00 : f32
    %add3A_3602 = vector.broadcast %add3A_3601 : f32 to vector<128x128xf32>
    %add3A_3603 = arith.addf %select_n3A_3595, %add3A_3602 : vector<128x128xf32>
    %select_n3A_3604 = arith.select %le3A_3600, %add3A_3603, %select_n3A_3595 : vector<128x128xi1>, vector<128x128xf32>
    %get3A_3605 = arith.constant 1920 : index
    %get3A_3606 = arith.constant 0 : index
    %get3A_3607 = vector.load %arg3[%get3A_3605, %get3A_3606] : memref<2432x128xf32, #tpu.memory_space<vmem>>, vector<128x128xf32>
    %le3A_3608 = vector.broadcast %get3A_3467 : vector<1x128xf32> to vector<128x128xf32>
    %le3A_3609 = arith.cmpf ole, %get3A_3607, %le3A_3608 : vector<128x128xf32>
    %add3A_3610 = arith.constant 1.000000e+00 : f32
    %add3A_3611 = vector.broadcast %add3A_3610 : f32 to vector<128x128xf32>
    %add3A_3612 = arith.addf %select_n3A_3604, %add3A_3611 : vector<128x128xf32>
    %select_n3A_3613 = arith.select %le3A_3609, %add3A_3612, %select_n3A_3604 : vector<128x128xi1>, vector<128x128xf32>
    %get3A_3614 = arith.constant 2048 : index
    %get3A_3615 = arith.constant 0 : index
    %get3A_3616 = vector.load %arg3[%get3A_3614, %get3A_3615] : memref<2432x128xf32, #tpu.memory_space<vmem>>, vector<128x128xf32>
    %le3A_3617 = vector.broadcast %get3A_3467 : vector<1x128xf32> to vector<128x128xf32>
    %le3A_3618 = arith.cmpf ole, %get3A_3616, %le3A_3617 : vector<128x128xf32>
    %add3A_3619 = arith.constant 1.000000e+00 : f32
    %add3A_3620 = vector.broadcast %add3A_3619 : f32 to vector<128x128xf32>
    %add3A_3621 = arith.addf %select_n3A_3613, %add3A_3620 : vector<128x128xf32>
    %select_n3A_3622 = arith.select %le3A_3618, %add3A_3621, %select_n3A_3613 : vector<128x128xi1>, vector<128x128xf32>
    %get3A_3623 = arith.constant 2176 : index
    %get3A_3624 = arith.constant 0 : index
    %get3A_3625 = vector.load %arg3[%get3A_3623, %get3A_3624] : memref<2432x128xf32, #tpu.memory_space<vmem>>, vector<128x128xf32>
    %lt3A_3626 = vector.broadcast %get3A_3467 : vector<1x128xf32> to vector<128x128xf32>
    %lt3A_3627 = arith.cmpf olt, %get3A_3625, %lt3A_3626 : vector<128x128xf32>
    %le3A_3628 = vector.broadcast %get3A_3467 : vector<1x128xf32> to vector<128x128xf32>
    %le3A_3629 = arith.cmpf ole, %get3A_3625, %le3A_3628 : vector<128x128xf32>
    %and3A_3630 = arith.andi %le3A_3629, %lt3A : vector<128x128xi1>
    %or3A_3631 = arith.ori %lt3A_3627, %and3A_3630 : vector<128x128xi1>
    %add3A_3632 = arith.constant 1.000000e+00 : f32
    %add3A_3633 = vector.broadcast %add3A_3632 : f32 to vector<128x128xf32>
    %add3A_3634 = arith.addf %select_n3A_3622, %add3A_3633 : vector<128x128xf32>
    %select_n3A_3635 = arith.select %or3A_3631, %add3A_3634, %select_n3A_3622 : vector<128x128xi1>, vector<128x128xf32>
    %get3A_3636 = arith.constant 2304 : index
    %get3A_3637 = arith.constant 0 : index
    %get3A_3638 = vector.load %arg3[%get3A_3636, %get3A_3637] : memref<2432x128xf32, #tpu.memory_space<vmem>>, vector<128x128xf32>
    %lt3A_3639 = vector.broadcast %get3A_3467 : vector<1x128xf32> to vector<128x128xf32>
    %lt3A_3640 = arith.cmpf olt, %get3A_3638, %lt3A_3639 : vector<128x128xf32>
    %add3A_3641 = arith.constant 1.000000e+00 : f32
    %add3A_3642 = vector.broadcast %add3A_3641 : f32 to vector<128x128xf32>
    %add3A_3643 = arith.addf %select_n3A_3635, %add3A_3642 : vector<128x128xf32>
    %select_n3A_3644 = arith.select %lt3A_3640, %add3A_3643, %select_n3A_3635 : vector<128x128xi1>, vector<128x128xf32>
    %reduce_sum3A_3645 = arith.constant dense<0.000000e+00> : vector<128xf32>
    %reduce_sum3A_3646 = vector.multi_reduction <add>, %select_n3A_3644, %reduce_sum3A_3645 [0] : vector<128x128xf32> to vector<128xf32>
    %broadcast_in_dim3A_3647 = vector.shape_cast %reduce_sum3A_3646 : vector<128xf32> to vector<1x128xf32>
    %convert_element_type3A_3648 = arith.fptosi %broadcast_in_dim3A_3647 : vector<1x128xf32> to vector<1x128xi32>
    %swap3A_3649 = arith.constant 0 : index
    %swap3A_3650 = arith.constant 0 : index
    %swap3A_3651 = arith.constant 2176 : index
    %swap3A_3652 = vector.load %arg2[%swap3A_3649, %swap3A_3650, %swap3A_3651] : memref<1x1x2432xi32, #tpu.memory_space<vmem>>, vector<1x1x128xi32>
    %swap3A_3653 = vector.shape_cast %swap3A_3652 : vector<1x1x128xi32> to vector<1x128xi32>
    %swap3A_3654 = vector.shape_cast %convert_element_type3A_3648 : vector<1x128xi32> to vector<1x1x128xi32>
    tpu.vector_store %arg2[%swap3A_3649, %swap3A_3650, %swap3A_3651], %swap3A_3654 {strides = array<i32>} : memref<1x1x2432xi32, #tpu.memory_space<vmem>>, vector<1x1x128xi32>,
    %get3A_3655 = arith.constant 0 : index
    %get3A_3656 = arith.constant 0 : index
    %get3A_3657 = arith.constant 2304 : index
    %get3A_3658 = vector.load %arg1[%get3A_3655, %get3A_3656, %get3A_3657] : memref<1x1x2432xf32, #tpu.memory_space<vmem>>, vector<1x1x128xf32>
    %get3A_3659 = vector.shape_cast %get3A_3658 : vector<1x1x128xf32> to vector<1x128xf32>
    %broadcast_in_dim3A_3660 = arith.constant 0.000000e+00 : f32
    %broadcast_in_dim3A_3661 = vector.broadcast %broadcast_in_dim3A_3660 : f32 to vector<128x128xf32>
    %get3A_3662 = arith.constant 0 : index
    %get3A_3663 = arith.constant 0 : index
    %get3A_3664 = vector.load %arg3[%get3A_3662, %get3A_3663] : memref<2432x128xf32, #tpu.memory_space<vmem>>, vector<128x128xf32>
    %le3A_3665 = vector.broadcast %get3A_3659 : vector<1x128xf32> to vector<128x128xf32>
    %le3A_3666 = arith.cmpf ole, %get3A_3664, %le3A_3665 : vector<128x128xf32>
    %add3A_3667 = arith.constant 1.000000e+00 : f32
    %add3A_3668 = vector.broadcast %add3A_3667 : f32 to vector<128x128xf32>
    %add3A_3669 = arith.addf %broadcast_in_dim3A_3661, %add3A_3668 : vector<128x128xf32>
    %select_n3A_3670 = arith.select %le3A_3666, %add3A_3669, %broadcast_in_dim3A_3661 : vector<128x128xi1>, vector<128x128xf32>
    %get3A_3671 = arith.constant 128 : index
    %get3A_3672 = arith.constant 0 : index
    %get3A_3673 = vector.load %arg3[%get3A_3671, %get3A_3672] : memref<2432x128xf32, #tpu.memory_space<vmem>>, vector<128x128xf32>
    %le3A_3674 = vector.broadcast %get3A_3659 : vector<1x128xf32> to vector<128x128xf32>
    %le3A_3675 = arith.cmpf ole, %get3A_3673, %le3A_3674 : vector<128x128xf32>
    %add3A_3676 = arith.constant 1.000000e+00 : f32
    %add3A_3677 = vector.broadcast %add3A_3676 : f32 to vector<128x128xf32>
    %add3A_3678 = arith.addf %select_n3A_3670, %add3A_3677 : vector<128x128xf32>
    %select_n3A_3679 = arith.select %le3A_3675, %add3A_3678, %select_n3A_3670 : vector<128x128xi1>, vector<128x128xf32>
    %get3A_3680 = arith.constant 256 : index
    %get3A_3681 = arith.constant 0 : index
    %get3A_3682 = vector.load %arg3[%get3A_3680, %get3A_3681] : memref<2432x128xf32, #tpu.memory_space<vmem>>, vector<128x128xf32>
    %le3A_3683 = vector.broadcast %get3A_3659 : vector<1x128xf32> to vector<128x128xf32>
    %le3A_3684 = arith.cmpf ole, %get3A_3682, %le3A_3683 : vector<128x128xf32>
    %add3A_3685 = arith.constant 1.000000e+00 : f32
    %add3A_3686 = vector.broadcast %add3A_3685 : f32 to vector<128x128xf32>
    %add3A_3687 = arith.addf %select_n3A_3679, %add3A_3686 : vector<128x128xf32>
    %select_n3A_3688 = arith.select %le3A_3684, %add3A_3687, %select_n3A_3679 : vector<128x128xi1>, vector<128x128xf32>
    %get3A_3689 = arith.constant 384 : index
    %get3A_3690 = arith.constant 0 : index
    %get3A_3691 = vector.load %arg3[%get3A_3689, %get3A_3690] : memref<2432x128xf32, #tpu.memory_space<vmem>>, vector<128x128xf32>
    %le3A_3692 = vector.broadcast %get3A_3659 : vector<1x128xf32> to vector<128x128xf32>
    %le3A_3693 = arith.cmpf ole, %get3A_3691, %le3A_3692 : vector<128x128xf32>
    %add3A_3694 = arith.constant 1.000000e+00 : f32
    %add3A_3695 = vector.broadcast %add3A_3694 : f32 to vector<128x128xf32>
    %add3A_3696 = arith.addf %select_n3A_3688, %add3A_3695 : vector<128x128xf32>
    %select_n3A_3697 = arith.select %le3A_3693, %add3A_3696, %select_n3A_3688 : vector<128x128xi1>, vector<128x128xf32>
    %get3A_3698 = arith.constant 512 : index
    %get3A_3699 = arith.constant 0 : index
    %get3A_3700 = vector.load %arg3[%get3A_3698, %get3A_3699] : memref<2432x128xf32, #tpu.memory_space<vmem>>, vector<128x128xf32>
    %le3A_3701 = vector.broadcast %get3A_3659 : vector<1x128xf32> to vector<128x128xf32>
    %le3A_3702 = arith.cmpf ole, %get3A_3700, %le3A_3701 : vector<128x128xf32>
    %add3A_3703 = arith.constant 1.000000e+00 : f32
    %add3A_3704 = vector.broadcast %add3A_3703 : f32 to vector<128x128xf32>
    %add3A_3705 = arith.addf %select_n3A_3697, %add3A_3704 : vector<128x128xf32>
    %select_n3A_3706 = arith.select %le3A_3702, %add3A_3705, %select_n3A_3697 : vector<128x128xi1>, vector<128x128xf32>
    %get3A_3707 = arith.constant 640 : index
    %get3A_3708 = arith.constant 0 : index
    %get3A_3709 = vector.load %arg3[%get3A_3707, %get3A_3708] : memref<2432x128xf32, #tpu.memory_space<vmem>>, vector<128x128xf32>
    %le3A_3710 = vector.broadcast %get3A_3659 : vector<1x128xf32> to vector<128x128xf32>
    %le3A_3711 = arith.cmpf ole, %get3A_3709, %le3A_3710 : vector<128x128xf32>
    %add3A_3712 = arith.constant 1.000000e+00 : f32
    %add3A_3713 = vector.broadcast %add3A_3712 : f32 to vector<128x128xf32>
    %add3A_3714 = arith.addf %select_n3A_3706, %add3A_3713 : vector<128x128xf32>
    %select_n3A_3715 = arith.select %le3A_3711, %add3A_3714, %select_n3A_3706 : vector<128x128xi1>, vector<128x128xf32>
    %get3A_3716 = arith.constant 768 : index
    %get3A_3717 = arith.constant 0 : index
    %get3A_3718 = vector.load %arg3[%get3A_3716, %get3A_3717] : memref<2432x128xf32, #tpu.memory_space<vmem>>, vector<128x128xf32>
    %le3A_3719 = vector.broadcast %get3A_3659 : vector<1x128xf32> to vector<128x128xf32>
    %le3A_3720 = arith.cmpf ole, %get3A_3718, %le3A_3719 : vector<128x128xf32>
    %add3A_3721 = arith.constant 1.000000e+00 : f32
    %add3A_3722 = vector.broadcast %add3A_3721 : f32 to vector<128x128xf32>
    %add3A_3723 = arith.addf %select_n3A_3715, %add3A_3722 : vector<128x128xf32>
    %select_n3A_3724 = arith.select %le3A_3720, %add3A_3723, %select_n3A_3715 : vector<128x128xi1>, vector<128x128xf32>
    %get3A_3725 = arith.constant 896 : index
    %get3A_3726 = arith.constant 0 : index
    %get3A_3727 = vector.load %arg3[%get3A_3725, %get3A_3726] : memref<2432x128xf32, #tpu.memory_space<vmem>>, vector<128x128xf32>
    %le3A_3728 = vector.broadcast %get3A_3659 : vector<1x128xf32> to vector<128x128xf32>
    %le3A_3729 = arith.cmpf ole, %get3A_3727, %le3A_3728 : vector<128x128xf32>
    %add3A_3730 = arith.constant 1.000000e+00 : f32
    %add3A_3731 = vector.broadcast %add3A_3730 : f32 to vector<128x128xf32>
    %add3A_3732 = arith.addf %select_n3A_3724, %add3A_3731 : vector<128x128xf32>
    %select_n3A_3733 = arith.select %le3A_3729, %add3A_3732, %select_n3A_3724 : vector<128x128xi1>, vector<128x128xf32>
    %get3A_3734 = arith.constant 1024 : index
    %get3A_3735 = arith.constant 0 : index
    %get3A_3736 = vector.load %arg3[%get3A_3734, %get3A_3735] : memref<2432x128xf32, #tpu.memory_space<vmem>>, vector<128x128xf32>
    %le3A_3737 = vector.broadcast %get3A_3659 : vector<1x128xf32> to vector<128x128xf32>
    %le3A_3738 = arith.cmpf ole, %get3A_3736, %le3A_3737 : vector<128x128xf32>
    %add3A_3739 = arith.constant 1.000000e+00 : f32
    %add3A_3740 = vector.broadcast %add3A_3739 : f32 to vector<128x128xf32>
    %add3A_3741 = arith.addf %select_n3A_3733, %add3A_3740 : vector<128x128xf32>
    %select_n3A_3742 = arith.select %le3A_3738, %add3A_3741, %select_n3A_3733 : vector<128x128xi1>, vector<128x128xf32>
    %get3A_3743 = arith.constant 1152 : index
    %get3A_3744 = arith.constant 0 : index
    %get3A_3745 = vector.load %arg3[%get3A_3743, %get3A_3744] : memref<2432x128xf32, #tpu.memory_space<vmem>>, vector<128x128xf32>
    %le3A_3746 = vector.broadcast %get3A_3659 : vector<1x128xf32> to vector<128x128xf32>
    %le3A_3747 = arith.cmpf ole, %get3A_3745, %le3A_3746 : vector<128x128xf32>
    %add3A_3748 = arith.constant 1.000000e+00 : f32
    %add3A_3749 = vector.broadcast %add3A_3748 : f32 to vector<128x128xf32>
    %add3A_3750 = arith.addf %select_n3A_3742, %add3A_3749 : vector<128x128xf32>
    %select_n3A_3751 = arith.select %le3A_3747, %add3A_3750, %select_n3A_3742 : vector<128x128xi1>, vector<128x128xf32>
    %get3A_3752 = arith.constant 1280 : index
    %get3A_3753 = arith.constant 0 : index
    %get3A_3754 = vector.load %arg3[%get3A_3752, %get3A_3753] : memref<2432x128xf32, #tpu.memory_space<vmem>>, vector<128x128xf32>
    %le3A_3755 = vector.broadcast %get3A_3659 : vector<1x128xf32> to vector<128x128xf32>
    %le3A_3756 = arith.cmpf ole, %get3A_3754, %le3A_3755 : vector<128x128xf32>
    %add3A_3757 = arith.constant 1.000000e+00 : f32
    %add3A_3758 = vector.broadcast %add3A_3757 : f32 to vector<128x128xf32>
    %add3A_3759 = arith.addf %select_n3A_3751, %add3A_3758 : vector<128x128xf32>
    %select_n3A_3760 = arith.select %le3A_3756, %add3A_3759, %select_n3A_3751 : vector<128x128xi1>, vector<128x128xf32>
    %get3A_3761 = arith.constant 1408 : index
    %get3A_3762 = arith.constant 0 : index
    %get3A_3763 = vector.load %arg3[%get3A_3761, %get3A_3762] : memref<2432x128xf32, #tpu.memory_space<vmem>>, vector<128x128xf32>
    %le3A_3764 = vector.broadcast %get3A_3659 : vector<1x128xf32> to vector<128x128xf32>
    %le3A_3765 = arith.cmpf ole, %get3A_3763, %le3A_3764 : vector<128x128xf32>
    %add3A_3766 = arith.constant 1.000000e+00 : f32
    %add3A_3767 = vector.broadcast %add3A_3766 : f32 to vector<128x128xf32>
    %add3A_3768 = arith.addf %select_n3A_3760, %add3A_3767 : vector<128x128xf32>
    %select_n3A_3769 = arith.select %le3A_3765, %add3A_3768, %select_n3A_3760 : vector<128x128xi1>, vector<128x128xf32>
    %get3A_3770 = arith.constant 1536 : index
    %get3A_3771 = arith.constant 0 : index
    %get3A_3772 = vector.load %arg3[%get3A_3770, %get3A_3771] : memref<2432x128xf32, #tpu.memory_space<vmem>>, vector<128x128xf32>
    %le3A_3773 = vector.broadcast %get3A_3659 : vector<1x128xf32> to vector<128x128xf32>
    %le3A_3774 = arith.cmpf ole, %get3A_3772, %le3A_3773 : vector<128x128xf32>
    %add3A_3775 = arith.constant 1.000000e+00 : f32
    %add3A_3776 = vector.broadcast %add3A_3775 : f32 to vector<128x128xf32>
    %add3A_3777 = arith.addf %select_n3A_3769, %add3A_3776 : vector<128x128xf32>
    %select_n3A_3778 = arith.select %le3A_3774, %add3A_3777, %select_n3A_3769 : vector<128x128xi1>, vector<128x128xf32>
    %get3A_3779 = arith.constant 1664 : index
    %get3A_3780 = arith.constant 0 : index
    %get3A_3781 = vector.load %arg3[%get3A_3779, %get3A_3780] : memref<2432x128xf32, #tpu.memory_space<vmem>>, vector<128x128xf32>
    %le3A_3782 = vector.broadcast %get3A_3659 : vector<1x128xf32> to vector<128x128xf32>
    %le3A_3783 = arith.cmpf ole, %get3A_3781, %le3A_3782 : vector<128x128xf32>
    %add3A_3784 = arith.constant 1.000000e+00 : f32
    %add3A_3785 = vector.broadcast %add3A_3784 : f32 to vector<128x128xf32>
    %add3A_3786 = arith.addf %select_n3A_3778, %add3A_3785 : vector<128x128xf32>
    %select_n3A_3787 = arith.select %le3A_3783, %add3A_3786, %select_n3A_3778 : vector<128x128xi1>, vector<128x128xf32>
    %get3A_3788 = arith.constant 1792 : index
    %get3A_3789 = arith.constant 0 : index
    %get3A_3790 = vector.load %arg3[%get3A_3788, %get3A_3789] : memref<2432x128xf32, #tpu.memory_space<vmem>>, vector<128x128xf32>
    %le3A_3791 = vector.broadcast %get3A_3659 : vector<1x128xf32> to vector<128x128xf32>
    %le3A_3792 = arith.cmpf ole, %get3A_3790, %le3A_3791 : vector<128x128xf32>
    %add3A_3793 = arith.constant 1.000000e+00 : f32
    %add3A_3794 = vector.broadcast %add3A_3793 : f32 to vector<128x128xf32>
    %add3A_3795 = arith.addf %select_n3A_3787, %add3A_3794 : vector<128x128xf32>
    %select_n3A_3796 = arith.select %le3A_3792, %add3A_3795, %select_n3A_3787 : vector<128x128xi1>, vector<128x128xf32>
    %get3A_3797 = arith.constant 1920 : index
    %get3A_3798 = arith.constant 0 : index
    %get3A_3799 = vector.load %arg3[%get3A_3797, %get3A_3798] : memref<2432x128xf32, #tpu.memory_space<vmem>>, vector<128x128xf32>
    %le3A_3800 = vector.broadcast %get3A_3659 : vector<1x128xf32> to vector<128x128xf32>
    %le3A_3801 = arith.cmpf ole, %get3A_3799, %le3A_3800 : vector<128x128xf32>
    %add3A_3802 = arith.constant 1.000000e+00 : f32
    %add3A_3803 = vector.broadcast %add3A_3802 : f32 to vector<128x128xf32>
    %add3A_3804 = arith.addf %select_n3A_3796, %add3A_3803 : vector<128x128xf32>
    %select_n3A_3805 = arith.select %le3A_3801, %add3A_3804, %select_n3A_3796 : vector<128x128xi1>, vector<128x128xf32>
    %get3A_3806 = arith.constant 2048 : index
    %get3A_3807 = arith.constant 0 : index
    %get3A_3808 = vector.load %arg3[%get3A_3806, %get3A_3807] : memref<2432x128xf32, #tpu.memory_space<vmem>>, vector<128x128xf32>
    %le3A_3809 = vector.broadcast %get3A_3659 : vector<1x128xf32> to vector<128x128xf32>
    %le3A_3810 = arith.cmpf ole, %get3A_3808, %le3A_3809 : vector<128x128xf32>
    %add3A_3811 = arith.constant 1.000000e+00 : f32
    %add3A_3812 = vector.broadcast %add3A_3811 : f32 to vector<128x128xf32>
    %add3A_3813 = arith.addf %select_n3A_3805, %add3A_3812 : vector<128x128xf32>
    %select_n3A_3814 = arith.select %le3A_3810, %add3A_3813, %select_n3A_3805 : vector<128x128xi1>, vector<128x128xf32>
    %get3A_3815 = arith.constant 2176 : index
    %get3A_3816 = arith.constant 0 : index
    %get3A_3817 = vector.load %arg3[%get3A_3815, %get3A_3816] : memref<2432x128xf32, #tpu.memory_space<vmem>>, vector<128x128xf32>
    %le3A_3818 = vector.broadcast %get3A_3659 : vector<1x128xf32> to vector<128x128xf32>
    %le3A_3819 = arith.cmpf ole, %get3A_3817, %le3A_3818 : vector<128x128xf32>
    %add3A_3820 = arith.constant 1.000000e+00 : f32
    %add3A_3821 = vector.broadcast %add3A_3820 : f32 to vector<128x128xf32>
    %add3A_3822 = arith.addf %select_n3A_3814, %add3A_3821 : vector<128x128xf32>
    %select_n3A_3823 = arith.select %le3A_3819, %add3A_3822, %select_n3A_3814 : vector<128x128xi1>, vector<128x128xf32>
    %get3A_3824 = arith.constant 2304 : index
    %get3A_3825 = arith.constant 0 : index
    %get3A_3826 = vector.load %arg3[%get3A_3824, %get3A_3825] : memref<2432x128xf32, #tpu.memory_space<vmem>>, vector<128x128xf32>
    %lt3A_3827 = vector.broadcast %get3A_3659 : vector<1x128xf32> to vector<128x128xf32>
    %lt3A_3828 = arith.cmpf olt, %get3A_3826, %lt3A_3827 : vector<128x128xf32>
    %le3A_3829 = vector.broadcast %get3A_3659 : vector<1x128xf32> to vector<128x128xf32>
    %le3A_3830 = arith.cmpf ole, %get3A_3826, %le3A_3829 : vector<128x128xf32>
    %and3A_3831 = arith.andi %le3A_3830, %lt3A : vector<128x128xi1>
    %or3A_3832 = arith.ori %lt3A_3828, %and3A_3831 : vector<128x128xi1>
    %add3A_3833 = arith.constant 1.000000e+00 : f32
    %add3A_3834 = vector.broadcast %add3A_3833 : f32 to vector<128x128xf32>
    %add3A_3835 = arith.addf %select_n3A_3823, %add3A_3834 : vector<128x128xf32>
    %select_n3A_3836 = arith.select %or3A_3832, %add3A_3835, %select_n3A_3823 : vector<128x128xi1>, vector<128x128xf32>
    %reduce_sum3A_3837 = arith.constant dense<0.000000e+00> : vector<128xf32>
    %reduce_sum3A_3838 = vector.multi_reduction <add>, %select_n3A_3836, %reduce_sum3A_3837 [0] : vector<128x128xf32> to vector<128xf32>
    %broadcast_in_dim3A_3839 = vector.shape_cast %reduce_sum3A_3838 : vector<128xf32> to vector<1x128xf32>
    %convert_element_type3A_3840 = arith.fptosi %broadcast_in_dim3A_3839 : vector<1x128xf32> to vector<1x128xi32>
    %swap3A_3841 = arith.constant 0 : index
    %swap3A_3842 = arith.constant 0 : index
    %swap3A_3843 = arith.constant 2304 : index
    %swap3A_3844 = vector.load %arg2[%swap3A_3841, %swap3A_3842, %swap3A_3843] : memref<1x1x2432xi32, #tpu.memory_space<vmem>>, vector<1x1x128xi32>
    %swap3A_3845 = vector.shape_cast %swap3A_3844 : vector<1x1x128xi32> to vector<1x128xi32>
    %swap3A_3846 = vector.shape_cast %convert_element_type3A_3840 : vector<1x128xi32> to vector<1x1x128xi32>
    tpu.vector_store %arg2[%swap3A_3841, %swap3A_3842, %swap3A_3843], %swap3A_3846 {strides = array<i32>} : memref<1x1x2432xi32, #tpu.memory_space<vmem>>, vector<1x1x128xi32>,
    return
  }
  func.func @transform_0(%arg0: i32) -> (i32, i32, i32) {
    %c0_i32 = arith.constant 0 : i32
    %c0_i32_0 = arith.constant 0 : i32
    %c0_i32_1 = arith.constant 0 : i32
    return %arg0, %c0_i32, %c0_i32_0 : i32, i32, i32
  }
  func.func @transform_1(%arg0: i32) -> (i32, i32, i32) {
    %c0_i32 = arith.constant 0 : i32
    %c0_i32_0 = arith.constant 0 : i32
    %c0_i32_1 = arith.constant 0 : i32
    return %arg0, %c0_i32, %c0_i32_0 : i32, i32, i32
  }
}

</mosaic_0001>

<sc_bundles>
// kernel: kernel.5.cloned.1.call-start
scs
__scs_entry_jumppad:
0x0: {  	(pc) =	sbr.rel $0x88, $3  }
0x1: {  	(tag) =	ssettag $0x0;
	lr =	simm.s32 $0x1  }
0x2: {  	[smem:$0x3FA0] =	sst lr;
	_ =	strace $0xD0000000  }
0x3: {  	_ = 	snop  }
0x4: {  	_ = 	snop  }
0x5: {  	_ = 	snop  }
0x6: {  	_ = 	snop  }
0x7: {  	_ = 	snop  }
__scs_overlays_trampoline_lowered:
0x8: {  	[smem:$0x3FAF] =	sst s0  }
0x9: {  	[smem:$0x3FB0] =	sst s1  }
0xa: {  	[smem:$0x3FB1] =	sst s2  }
0xb: {  	[smem:$0x3FB2] =	sst s3  }
0xc: {  	[smem:$0x3FB3] =	sst s4  }
0xd: {  	[smem:$0x3FB4] =	sst s5  }
0xe: {  	[smem:$0x3FB5] =	sst s6  }
0xf: {  	[smem:$0x3FB6] =	sst s7  }
0x10: {  	[smem:$0x3FB7] =	sst s8  }
0x11: {  	[smem:$0x3FB8] =	sst s9;
	s0 =	simm.s32 @!p0 $0x0  }
0x12: {  	s1 =	sld [smem:$0x3F9E];
	s0 =	simm.s32 @p0 $0x1  }
0x13: {  	[smem:$0x3FB9] =	sst s0;
	s0 =	simm.s32 @!p1 $0x0  }
0x14: {  	s2 =	sld [smem:$0x3F9D];
	s0 =	simm.s32 @p1 $0x1  }
0x15: {  	[smem:$0x3FBA] =	sst s0;
	s0 =	simm.s32 @!p2 $0x0  }
0x16: {  	s3 =	sld [smem:$0x3FDB];
	s0 =	simm.s32 @p2 $0x1  }
0x17: {  	s4 =	simm.s32 $0x1BF5;
	[smem:$0x3FBC] =	sst s0  }
0x18: {  	s0 =	sld [smem:$0x3F9F];
	_ =	swait.ge [sflag:s4], $0x0  }
0x19: {  	s7 =	sld [smem:$0x3FA0]  }
0x1a: {  	s8 =	sadd.s32 $0xFFFFE003, lr  }
0x1b: {  	s9 =	sadd.s32 $0xFFFFFEF7, lr;
	s5 =	simm.s32 $0xFFFFFFFF;
	p2 =	slt.u32 s8, $0xFFFFF086  }
0x1c: {  	p1 =	slt.u32 s9, $0xF7A;
	s5 =	simm.s32 @!p2 $0x0  }
0x1d: {  	s5 =	simm.s32 @p1 $0x1;
	p0 =	seq.s32 s7, s2  }
0x1e: {  	s7 =	smul.u32 @!p0 $0xF7A, s2;
	p2 =	seq.s32 @!p0 s5, $0x0  }
0x1f: {  	s9 =	smul.u32 $0xF7A, s1;
	s8 =	simm.s32 @!p0 $0x1BF5;
	p2 =	por !p2, p0  }
0x20: {  	[sflag:s8] =	ssyncset.s32 @!p0 $0xFFFFF086;
	s6 =	sadd.s32 @!p0 s3, s7;
	s7 =	simm.s32 @!p0 $0x108  }
0x21: {  	s3 =	sadd.s32 s3, s9;
	s6 =	sadd.s32 @!p0 $0x88, s6;
	s7 =	simm.s32 @p2 $0x1082  }
0x22: {  	[simem:s7], [sflag:s8] =	dma.local @!p0 [hbm:s6], $0xF7A  }
0x23: {  	s9 =	sor.u32 $0xD0000000, s2;
	s6 =	simm.s32 $0x108;
	_ =	swait.ge @!p0 [sflag:s8], $0x0  }
0x24: {  	s3 =	sadd.s32 $0x88, s3;
	s6 =	simm.s32 @!p1 $0x1082;
	[sflag:s4] =	ssyncset.s32 $0xFFFFF086  }
0x25: {  	[simem:s6], [sflag:s4] =	dma.local [hbm:s3], $0xF7A  }
0x26: {  	[smem:$0x3FA0] =	sst s1;
	(tag) =	ssettag s2;
	_ =	strace s9  }
0x27: {  	s1 =	sld [smem:$0x3FB0]  }
0x28: {  	s2 =	sld [smem:$0x3FB1]  }
0x29: {  	s4 =	sld [smem:$0x3FB3]  }
0x2a: {  	p0 =	seq.s32 s5, $0x0;
	s5 =	sld [smem:$0x3FB4]  }
0x2b: {  	s6 =	sld [smem:$0x3FB5]  }
0x2c: {  	s7 =	sld [smem:$0x3FB6]  }
0x2d: {  	s3 =	simm.s32 $0x108;
	s8 =	sld [smem:$0x3FB7]  }
0x2e: {  	s3 =	simm.s32 @!p0 $0x1082;
	s9 =	sld [smem:$0x3FB8]  }
0x2f: {  	lr =	sadd.s32 s0, s3;
	s0 =	sld [smem:$0x3FAF]  }
0x30: {  	s3 =	sld [smem:$0x3FB2]  }
0x31: {  	[smem:$0x3FBB] =	sst s10  }
0x32: {  	s10 =	sld [smem:$0x3FB9];
	_ =	sdelay $0x3  }
0x33: {  	p0 =	seq.s32 s10, $0x1;
	s10 =	sld [smem:$0x3FBB];
	_ =	sdelay $0x3  }
0x34: {  	[smem:$0x3FBB] =	sst s10  }
0x35: {  	s10 =	sld [smem:$0x3FBA];
	_ =	sdelay $0x3  }
0x36: {  	p1 =	seq.s32 s10, $0x1;
	s10 =	sld [smem:$0x3FBB];
	_ =	sdelay $0x3  }
0x37: {  	[smem:$0x3FBB] =	sst s10  }
0x38: {  	s10 =	sld [smem:$0x3FBC]  }
0x39: {  	_ = 	snop;
	(pc) =	sbr.ind lr, $3  }
0x3a: {  	_ = 	snop  }
0x3b: {  	_ = 	snop  }
0x3c: {  	p2 =	seq.s32 s10, $0x1;
	s10 =	sld [smem:$0x3FBB]  }
0x3d: {  	_ =	shalt  }
0x3e: {  	_ =	shalt  }
0x3f: {  	_ =	shalt  }
0x40: {  	_ =	shalt  }
0x41: {  	_ =	shalt  }
0x42: {  	_ =	shalt  }
0x43: {  	_ =	shalt  }
0x44: {  	_ =	shalt  }
0x45: {  	_ =	shalt  }
0x46: {  	_ =	shalt  }
0x47: {  	_ =	shalt  }
0x48: {  	_ =	shalt  }
0x49: {  	_ =	shalt  }
0x4a: {  	_ =	shalt  }
0x4b: {  	_ =	shalt  }
0x4c: {  	_ =	shalt  }
0x4d: {  	_ =	shalt  }
0x4e: {  	_ =	shalt  }
0x4f: {  	_ =	shalt  }
0x50: {  	_ =	shalt  }
0x51: {  	_ =	shalt  }
0x52: {  	_ =	shalt  }
0x53: {  	_ =	shalt  }
0x54: {  	_ =	shalt  }
0x55: {  	_ =	shalt  }
0x56: {  	_ =	shalt  }
0x57: {  	_ =	shalt  }
0x58: {  	_ =	shalt  }
0x59: {  	_ =	shalt  }
0x5a: {  	_ =	shalt  }
0x5b: {  	_ =	shalt  }
0x5c: {  	_ =	shalt  }
0x5d: {  	_ =	shalt  }
0x5e: {  	_ =	shalt  }
0x5f: {  	_ =	shalt  }
0x60: {  	_ =	shalt  }
0x61: {  	_ =	shalt  }
0x62: {  	_ =	shalt  }
0x63: {  	_ =	shalt  }
0x64: {  	_ =	shalt  }
0x65: {  	_ =	shalt  }
0x66: {  	_ =	shalt  }
0x67: {  	_ =	shalt  }
0x68: {  	_ =	shalt  }
0x69: {  	_ =	shalt  }
0x6a: {  	_ =	shalt  }
0x6b: {  	_ =	shalt  }
0x6c: {  	_ =	shalt  }
0x6d: {  	_ =	shalt  }
0x6e: {  	_ =	shalt  }
0x6f: {  	_ =	shalt  }
0x70: {  	_ =	shalt  }
0x71: {  	_ =	shalt  }
0x72: {  	_ =	shalt  }
0x73: {  	_ =	shalt  }
0x74: {  	_ =	shalt  }
0x75: {  	_ =	shalt  }
0x76: {  	_ =	shalt  }
0x77: {  	_ =	shalt  }
0x78: {  	_ =	shalt  }
0x79: {  	_ =	shalt  }
0x7a: {  	_ =	shalt  }
0x7b: {  	_ =	shalt  }
0x7c: {  	_ =	shalt  }
0x7d: {  	_ =	shalt  }
0x7e: {  	_ =	shalt  }
0x7f: {  	_ =	shalt  }
0x80: {  	_ =	shalt  }
0x81: {  	_ =	shalt  }
0x82: {  	_ =	shalt  }
0x83: {  	_ =	shalt  }
0x84: {  	_ =	shalt  }
0x85: {  	_ =	shalt  }
0x86: {  	_ =	shalt  }
0x87: {  	_ =	shalt  }
.Lfunc_end0:
.L_simem_size_0:
called_computation_lowered:
.L_overlay_start_0:
0x88: {  	s2 =	sld [smem:$0x3FD9]  }
0x89: {  	s3 =	sld [smem:$0x3FFE];
	_ =	sdelay $0x1  }
0x8a: {  	s1 =	srdreg.scid  }
0x8b: {  	s0 =	sand.u32 $0x1, s1  }
0x8c: {  	s17 =	sshll.u32 s0, $0xA;
	s2 =	sadd.s32 s3, s2  }
0x8d: {  	s2 =	sadd.s32 s2, s17  }
0x8e: {  	[smem:$0x3FC7] =	sst s2  }
0x8f: {  	_ = 	snop  }
0x90: {  	s2 =	sld [smem:$0x3FD0];
	(tm) =	ssettm $0x1  }
0x91: {  	s18 =	sld [smem:$0x3FFB];
	_ =	sdelay $0x3  }
0x92: {  	_ =	strace s18  }
0x93: {  	s3 =	sld [smem:$0x3FFC];
	_ =	sdelay $0x3  }
0x94: {  	_ =	strace s3  }
0x95: {  	s3 =	sld [smem:$0x3FFD];
	_ =	sdelay $0x3  }
0x96: {  	_ =	strace s3  }
0x97: {  	_ =	strace $0x8FFFFFFF  }
0x98: {  	s19 =	sld [smem:$0x3FDB];
	_ =	sdelay $0x1  }
0x99: {  	s4 =	simm.s32 $_scs_section_size  }
0x9a: {  	s5 =	simm.s32 $_size__tile_overlayer_lowered;
	s6 =	simm.s32 $_tile_overlayer_lowered  }
0x9b: {  	s22 =	simm.s32 $0x1BFF;
	s21 =	sshll.u32 s6, $0x1;
	s3 =	sadd.s32 s4, s19  }
0x9c: {  	s7 =	simm.s32 $0x0;
	s20 =	sshll.u32 s5, $0x1;
	s5 =	sadd.s32 s21, s3  }
0x9d: {  	[timem:s7], [sflag:s22] =	dma.local [hbm:s5], s20  }
0x9e: {  	_ =	swait.ge [sflag:s22], s20  }
0x9f: {  	s4 =	ssub.s32 $0x0, s20;
	[sflag:s22] =	ssyncset.done $0x0  }
0xa0: {  	[sflag:s22] =	ssyncadd.s32 s4;
	_ =	sdelay $0x1  }
0xa1: {  	s23 =	simm.s32 $0x1B8B  }
0xa2: {  	_ =	swait.ge [sflag:s23], $0x1  }
0xa3: {  	[sflag:s23] =	ssyncset.done $0x0  }
0xa4: {  	s25 =	simm.s32 $0x1B8E;
	s24 =	sld [smem:$0x3FFE];
	[sflag:s23] =	ssyncadd.s32 $0xFFFFFFFF  }
0xa5: {  	s26 =	simm.s32 $execute0_lowered;
	[smem:$0x3FD2] =	sst s25  }
0xa6: {  	s5 =	sshll.u32 s26, $0x1;
	_ =	strace $0x80000046;
	[dreg:$0x1] =	wrdreg $0xFFFFFFFF  }
0xa7: {  	s28 =	simm.s32 $_size_execute0_lowered;
	s3 =	sadd.s32 s3, s5;
	[dreg:$0x0] =	wrdreg $0x0  }
0xa8: {  	s5 =	sshll.u32 s28, $0x1;
	[dreg:$0x2] =	wrdreg s3  }
0xa9: {  	[dreg:$0x3] =	wrdreg s5  }
0xaa: {  	[dreg:$0x4] =	wrdreg $0xC0  }
0xab: {  	_ =	task [dreg:s7], $0x5FFFF  }
0xac: {  	[dreg:$0x1] =	wrdreg $0xFFFFFFFF  }
0xad: {  	[dreg:$0x0] =	wrdreg $0x60  }
0xae: {  	[dreg:$0x2] =	wrdreg s24  }
0xaf: {  	[dreg:$0x3] =	wrdreg s2  }
0xb0: {  	[dreg:$0x4] =	wrdreg $0x9  }
0xb1: {  	_ =	task.clear_ibuf [dreg:s7], $0x5FFFF;
	_ =	strace $0x90000046  }
0xb2: {  	s29 =	simm.s32 $0x9;
	_ =	strace $0x80000048  }
0xb3: {  	_ =	swait.ge [sflag:s29], $0x1  }
0xb4: {  	[sflag:s29] =	ssyncadd.s32 $0xFFFFFFFF  }
0xb5: {  	_ =	strace $0x90000048  }
0xb6: {  	_ =	sfence  }
0xb7: {  	s30 =	sld [smem:$0x0];
	_ =	sdelay $0x2  }
0xb8: {  	s31 =	sshll.u32 s1, $0xD;
	s1 =	sshrl.u32 s1, $0x2  }
0xb9: {  	s3 =	sand.u32 $0x4000, s31;
	s1 =	sadd.s32 s1, s30  }
0xba: {  	s0 =	sor.u32 s3, s0;
	s1 =	sshll.u32 s1, $0x11  }
0xbb: {  	s0 =	sor.u32 s1, s0  }
0xbc: {  	s0 =	sadd.s32 $0x8F2B, s0  }
0xbd: {  	[sflag:s0] =	ssyncadd.remote.s32 $0x1  }
0xbe: {  	_ =	sfence.sel $0xFFFF  }
0xbf: {  	[dreg:$0x0] =	wrdreg $0xFFFFFFFF;
	(pc) =	sbr.abs _section_cstart, $3  }
0xc0: {  	[dreg:$0x1] =	wrdreg $0xFFFFFFFF  }
0xc1: {  	_ =	task.clear_ibuf [dreg:s7], $0x2FFFF;
	_ =	strace $0x9FFFFFFF  }
0xc2: {  	(tm) =	ssettm $0x7FFFFFFF  }
0xc3: {  	_ =	shalt  }
tec
execute0_lowered:
.L_overlay_start_1:
0x0: {  	(tag) =	ssettag $0x1  }
0x1: {  	s3 =	rddreg [dreg:$0x0]  }
0x2: {  	s1 =	rddreg [dreg:$0x1]  }
0x3: {  	s0 =	rddreg [dreg:$0x2];
	s2 =	simm.s32 $0x0  }
0x4: {  	s4 =	srdreg.scid;
	s9 =	simm.s32 $0x310;
	s10 =	simm.s32 $0x1570  }
0x5: {  	v0 =	vlaneseq.u32;
	s11 =	simm.s32 $0x0;
	[smem:$0x7FF] =	sst s2;
	s6 =	sand.u32 $0x1, s4  }
0x6: {  	s4 =	sadd.s32 $0xC00, s3;
	v1 =	vand.u32 $0x3, v0;
	s5 =	sadd.s32 $0xD000, s3;
	s7 =	ssub.s32 $0x2, s6  }
0x7: {  	s3 =	stileid.u32;
	v0 =	vmul.u32 $0x2, v0;
	_ =	strace $0x80000047;
	v1 =	vmul.u32 $0x2, v1;
	s8 =	sshrl.u32 s7, $0x1  }
0x8: {  	v3 =	vimm.s32 $0x0;
	s31 =	sshll.u32 s3, $0x5;
	s6 =	sshll.u32 s6, $0x4;
	s7 =	ssub.s32 s7, s8  }
0x9: {  	v4 =	vimm.f32 $1.000000020e+30;
	s6 =	sor.u32 s6, s31;
	v2 =	vor.u32 $0x1, v0;
	s8 =	simm.s32 $0x1;
	v1 =	vor.u32 $0xFFFFFFF8, v1;
	s7 =	smax.u32 s7, $0x1  }
.LBB2_1:
0xa: {  	s12 =	simm.s32 $0x0  }
.LBB2_2:
0xb: {  	s13 =	sadd.s32 s6, s12  }
0xc: {  	s14 =	smul.u32 $0x62, s13;
	_ =	sdelay $0x1  }
0xd: {  	s15 =	simm.s32 $0x0;
	s14 =	sadd.s32 s4, s14  }
0xe: {  	[tilespmem:s15], [sflag:$0x1] =	stream.linear.gather [hbm4b:s14+s15], $0x310, $0x38;
	[tilespmem:$0x1EF0] =	vst v63  }
0xf: {  	s30 =	smul.u32 $0x24C, s13;
	_ =	swait.ge [sflag:s8], $0x310  }
0x10: {  	v5 =	vor.u32 s15, v0;
	[sflag:s8] =	ssyncset.done $0x0  }
0x11: {  	v5 =	vand.u32 v1, v5;
	s14 =	sadd.s32 s1, s30;
	[sflag:s8] =	ssyncadd.s32 $0xFFFFFCF0  }
0x12: {  	v6 =	vor.u32 s15, v2;
	[tilespmem:s9], [sflag:$0x1] =	stream.linear.gather [hbm4b:s14+s15], $0x1260, $0x38;
	[tilespmem:$0x1EF0] =	vst v63  }
0x13: {  	_ =	swait.ge [sflag:s8], $0x1260  }
0x14: {  	[sflag:s8] =	ssyncset.done $0x0  }
0x15: {  	[sflag:s8] =	ssyncadd.s32 $0xFFFFEDA0  }
0x16: {  	v5 =	vld.idx.msk [tilespmem:v5+s9+$0x0], $0xffff  }
0x17: {  	v6 =	vld.idx.msk [tilespmem:v6+s9+$0x0], $0xffff;
	_ =	sdelay $0x3  }
0x18: {  	v5 =	vmul.f32 $2.700000000e+01, v5  }
0x19: {  	v6 =	vmul.f32 $2.700000000e+01, v6  }
0x1a: {  	v7 =	vtrunc.f32 v5  }
0x1b: {  	v8 =	vtrunc.f32 v6;
	v7 =	vcvt.f32.s32 v7  }
0x1c: {  	v8 =	vcvt.f32.s32 v8  }
0x1d: {  	v9 =	vcvt.s32.f32 v7  }
0x1e: {  	v10 =	vcvt.s32.f32 v8  }
0x1f: {  	vm0 =	vgt.f32 v5, v9  }
0x20: {  	v12 =	vmul.u32 $0x1C, v7;
	vm13 =	vgt.f32 v6, v10;
	v11 =	vsel vm0, $0x1, v3  }
0x21: {  	v53 =	vsel vm13, $0x1, v3;
	v7 =	vadd.s32 v7, v11  }
0x22: {  	v13 =	vadd.s32 v8, v12;
	v11 =	vadd.s32 v8, v53;
	v7 =	vmul.u32 $0x1C, v7  }
0x23: {  	v12 =	vadd.s32 v12, v11  }
0x24: {  	v8 =	vadd.s32 v8, v7  }
0x25: {  	v7 =	vadd.s32 v11, v7;
	_ =	sdelay $0x1  }
0x26: {  	v54 =	vld.idx.msk [tilespmem:v13+s2+$0x0], $0xffff  }
0x27: {  	v12 =	vld.idx.msk [tilespmem:v12+s2+$0x0], $0xffff  }
0x28: {  	v8 =	vld.idx.msk [tilespmem:v8+s2+$0x0], $0xffff  }
0x29: {  	v5 =	vsub.f32 v5, v9;
	v7 =	vld.idx.msk [tilespmem:v7+s2+$0x0], $0xffff;
	_ =	sdelay $0x1  }
0x2a: {  	v9 =	vsub.f32 $1.000000000e+00, v5;
	_ =	sdelay $0x1  }
0x2b: {  	v6 =	vsub.f32 v6, v10;
	v55 =	vmul.f32 v9, v54;
	v9 =	vmul.f32 v9, v12  }
0x2c: {  	v8 =	vmul.f32 v5, v8;
	v5 =	vmul.f32 v7, v5  }
0x2d: {  	v7 =	vsub.f32 $1.000000000e+00, v6  }
0x2e: {  	v8 =	vadd.f32 v55, v8;
	v5 =	vadd.f32 v5, v9  }
0x2f: {  	s31 =	simm.s32 $0x20  }
0x30: {  	v56 =	vor.u32 s31, v0;
	v7 =	vmul.f32 v8, v7;
	v5 =	vmul.f32 v5, v6  }
0x31: {  	v6 =	vand.u32 v1, v56  }
0x32: {  	v8 =	vor.u32 s31, v2;
	v5 =	vadd.f32 v5, v7;
	_ =	sdelay $0x1  }
0x33: {  	s14 =	simm.s32 $0x1570;
	v5 =	vand.u32 $0x7FFFFFFF, v5  }
0x34: {  	[tilespmem:s14+$0x0] =	vst v5  }
0x35: {  	v5 =	vld.idx.msk [tilespmem:v6+s9+$0x0], $0xffff  }
0x36: {  	v6 =	vld.idx.msk [tilespmem:v8+s9+$0x0], $0xffff;
	_ =	sdelay $0x3  }
0x37: {  	v5 =	vmul.f32 $2.700000000e+01, v5  }
0x38: {  	v6 =	vmul.f32 $2.700000000e+01, v6  }
0x39: {  	v7 =	vtrunc.f32 v5  }
0x3a: {  	v8 =	vtrunc.f32 v6;
	v7 =	vcvt.f32.s32 v7  }
0x3b: {  	v8 =	vcvt.f32.s32 v8  }
0x3c: {  	v57 =	vcvt.s32.f32 v7  }
0x3d: {  	v58 =	vcvt.s32.f32 v8  }
0x3e: {  	vm14 =	vgt.f32 v5, v57  }
0x3f: {  	v60 =	vmul.u32 $0x1C, v7;
	vm15 =	vgt.f32 v6, v58;
	v59 =	vsel vm14, $0x1, v3  }
0x40: {  	v61 =	vsel vm15, $0x1, v3;
	v7 =	vadd.s32 v7, v59  }
0x41: {  	v62 =	vadd.s32 v8, v60;
	v11 =	vadd.s32 v8, v61;
	v7 =	vmul.u32 $0x1C, v7  }
0x42: {  	v12 =	vadd.s32 v60, v11  }
0x43: {  	v8 =	vadd.s32 v8, v7  }
0x44: {  	v7 =	vadd.s32 v11, v7;
	_ =	sdelay $0x1  }
0x45: {  	v63 =	vld.idx.msk [tilespmem:v62+s2+$0x0], $0xffff  }
0x46: {  	v12 =	vld.idx.msk [tilespmem:v12+s2+$0x0], $0xffff  }
0x47: {  	v8 =	vld.idx.msk [tilespmem:v8+s2+$0x0], $0xffff  }
0x48: {  	v5 =	vsub.f32 v5, v57;
	v7 =	vld.idx.msk [tilespmem:v7+s2+$0x0], $0xffff;
	_ =	sdelay $0x1  }
0x49: {  	v9 =	vsub.f32 $1.000000000e+00, v5;
	_ =	sdelay $0x1  }
0x4a: {  	v10 =	vsub.f32 v6, v58;
	v6 =	vmul.f32 v9, v63;
	v9 =	vmul.f32 v9, v12  }
0x4b: {  	v8 =	vmul.f32 v5, v8;
	v5 =	vmul.f32 v7, v5  }
0x4c: {  	v7 =	vsub.f32 $1.000000000e+00, v10  }
0x4d: {  	v6 =	vadd.f32 v6, v8;
	v5 =	vadd.f32 v5, v9  }
0x4e: {  	s15 =	simm.s32 $0x40  }
0x4f: {  	v8 =	vor.u32 s15, v0;
	v6 =	vmul.f32 v6, v7;
	v7 =	vmul.f32 v5, v10  }
0x50: {  	s16 =	simm.s32 $0x60;
	v5 =	vand.u32 v1, v8  }
.LBB2_3:
0x51: {  	p0 =	sne.s32 s16, $0x1240;
	v8 =	vor.u32 s15, v2;
	v6 =	vadd.f32 v7, v6;
	s15 =	smov.u32 s16;
	_ =	sdelay $0x1  }
0x52: {  	s14 =	sadd.s32 $0x10, s14;
	v6 =	vand.u32 $0x7FFFFFFF, v6  }
0x53: {  	[tilespmem:s14+$0x0] =	vst v6  }
0x54: {  	v5 =	vld.idx.msk [tilespmem:v5+s9+$0x0], $0xffff  }
0x55: {  	v6 =	vld.idx.msk [tilespmem:v8+s9+$0x0], $0xffff;
	_ =	sdelay $0x4  }
0x56: {  	v5 =	vmul.f32 $2.700000000e+01, v5  }
0x57: {  	v6 =	vmul.f32 $2.700000000e+01, v6  }
0x58: {  	v7 =	vtrunc.f32 v5  }
0x59: {  	v7 =	vcvt.f32.s32 v7;
	v8 =	vtrunc.f32 v6  }
0x5a: {  	v8 =	vcvt.f32.s32 v8  }
0x5b: {  	v9 =	vcvt.s32.f32 v7  }
0x5c: {  	v10 =	vcvt.s32.f32 v8  }
0x5d: {  	vm0 =	vgt.f32 v5, v9  }
0x5e: {  	v12 =	vmul.u32 $0x1C, v7;
	v11 =	vsel vm0, $0x1, v3;
	vm0 =	vgt.f32 v6, v10  }
0x5f: {  	v7 =	vadd.s32 v7, v11;
	v11 =	vsel vm0, $0x1, v3  }
0x60: {  	v13 =	vadd.s32 v8, v12;
	v11 =	vadd.s32 v8, v11;
	v7 =	vmul.u32 $0x1C, v7  }
0x61: {  	v12 =	vadd.s32 v12, v11  }
0x62: {  	v8 =	vadd.s32 v8, v7  }
0x63: {  	v7 =	vadd.s32 v11, v7;
	_ =	sdelay $0x1  }
0x64: {  	v11 =	vld.idx.msk [tilespmem:v13+s2+$0x0], $0xffff  }
0x65: {  	v12 =	vld.idx.msk [tilespmem:v12+s2+$0x0], $0xffff  }
0x66: {  	v8 =	vld.idx.msk [tilespmem:v8+s2+$0x0], $0xffff  }
0x67: {  	v7 =	vld.idx.msk [tilespmem:v7+s2+$0x0], $0xffff  }
0x68: {  	v5 =	vsub.f32 v5, v9;
	_ =	sdelay $0x1  }
0x69: {  	v9 =	vsub.f32 $1.000000000e+00, v5;
	_ =	sdelay $0x1  }
0x6a: {  	v10 =	vsub.f32 v6, v10;
	v6 =	vmul.f32 v9, v11;
	v9 =	vmul.f32 v9, v12  }
0x6b: {  	v8 =	vmul.f32 v5, v8;
	v5 =	vmul.f32 v7, v5  }
.Ltmp0:
0x6c: {  	v7 =	vsub.f32 $1.000000000e+00, v10;
	(pc) =	sbr.rel @p0 .LBB2_3-.Ltmp0, $3  }
0x6d: {  	v6 =	vadd.f32 v6, v8;
	v5 =	vadd.f32 v5, v9;
	_ =	sdelay $0x1  }
0x6e: {  	v8 =	vor.u32 s16, v0;
	v6 =	vmul.f32 v6, v7;
	v7 =	vmul.f32 v5, v10  }
0x6f: {  	s16 =	sadd.s32 $0x20, s16;
	v5 =	vand.u32 v1, v8  }
0x70: {  	v8 =	vor.u32 s15, v2;
	v6 =	vadd.f32 v7, v6;
	_ =	sdelay $0x1  }
0x71: {  	s14 =	sadd.s32 $0x10, s14;
	v6 =	vand.u32 $0x7FFFFFFF, v6  }
0x72: {  	[tilespmem:s14+$0x0] =	vst v6  }
0x73: {  	v5 =	vld.idx.msk [tilespmem:v5+s9+$0x0], $0xffff  }
0x74: {  	v6 =	vld.idx.msk [tilespmem:v8+s9+$0x0], $0xffff;
	_ =	sdelay $0x3  }
0x75: {  	v5 =	vmul.f32 $2.700000000e+01, v5  }
0x76: {  	v6 =	vmul.f32 $2.700000000e+01, v6  }
0x77: {  	v7 =	vtrunc.f32 v5  }
0x78: {  	v7 =	vcvt.f32.s32 v7;
	v60 =	vtrunc.f32 v6  }
0x79: {  	v8 =	vcvt.f32.s32 v60  }
0x7a: {  	v9 =	vcvt.s32.f32 v7  }
0x7b: {  	v10 =	vcvt.s32.f32 v8  }
0x7c: {  	vm0 =	vgt.f32 v5, v9  }
0x7d: {  	v12 =	vmul.u32 $0x1C, v7;
	v11 =	vsel vm0, $0x1, v3;
	vm15 =	vgt.f32 v6, v10  }
0x7e: {  	v7 =	vadd.s32 v7, v11;
	v61 =	vsel vm15, $0x1, v3  }
0x7f: {  	v13 =	vadd.s32 v8, v12;
	v11 =	vadd.s32 v8, v61;
	v7 =	vmul.u32 $0x1C, v7  }
0x80: {  	v12 =	vadd.s32 v12, v11  }
0x81: {  	v8 =	vadd.s32 v8, v7  }
0x82: {  	v7 =	vadd.s32 v11, v7;
	_ =	sdelay $0x1  }
0x83: {  	v62 =	vld.idx.msk [tilespmem:v13+s2+$0x0], $0xffff  }
0x84: {  	v12 =	vld.idx.msk [tilespmem:v12+s2+$0x0], $0xffff  }
0x85: {  	v8 =	vld.idx.msk [tilespmem:v8+s2+$0x0], $0xffff  }
0x86: {  	v5 =	vsub.f32 v5, v9;
	v7 =	vld.idx.msk [tilespmem:v7+s2+$0x0], $0xffff;
	_ =	sdelay $0x1  }
0x87: {  	v9 =	vsub.f32 $1.000000000e+00, v5;
	_ =	sdelay $0x1  }
0x88: {  	v6 =	vsub.f32 v6, v10;
	v63 =	vmul.f32 v9, v62;
	v9 =	vmul.f32 v9, v12  }
0x89: {  	v8 =	vmul.f32 v5, v8;
	v5 =	vmul.f32 v7, v5  }
0x8a: {  	v7 =	vsub.f32 $1.000000000e+00, v6  }
0x8b: {  	v8 =	vadd.f32 v63, v8;
	v5 =	vadd.f32 v5, v9;
	_ =	sdelay $0x1  }
0x8c: {  	v7 =	vmul.f32 v8, v7;
	v5 =	vmul.f32 v5, v6;
	_ =	sdelay $0x1  }
0x8d: {  	v5 =	vadd.f32 v5, v7;
	_ =	sdelay $0x1  }
0x8e: {  	s14 =	sadd.s32 $0x10, s14;
	v5 =	vand.u32 $0x7FFFFFFF, v5  }
0x8f: {  	[tilespmem:s14+$0x0] =	vst v5  }
0x90: {  	[tilespmem:$0x1EA0] =	vst v4  }
0x91: {  	[tilespmem:$0x1EB0] =	vst v4  }
0x92: {  	s13 =	smul.u32 $0x130, s13;
	s12 =	sadd.s32 $0x1, s12;
	[tilespmem:$0x1EC0] =	vst v4  }
0x93: {  	p0 =	sne.s32 s12, $0x10;
	[tilespmem:$0x1ED0] =	vst v4  }
.Ltmp1:
0x94: {  	s13 =	sadd.s32 s5, s13;
	[tilespmem:$0x1EE0] =	vst v4;
	(pc) =	sbr.rel @p0 .LBB2_2-.Ltmp1, $4  }
0x95: {  	[hbm4b:s13+s2] =	stream.linear.scatter [tilespmem:s10], [sflag:$0x1], $0x980, $0x38;
	[tilespmem:$0x1EF0] =	vst v63  }
0x96: {  	_ =	swait.ge [sflag:s8], $0x980  }
0x97: {  	[sflag:s8] =	ssyncset.done $0x0  }
0x98: {  	[sflag:s8] =	ssyncadd.s32 $0xFFFFF680  }
0x99: {  	s11 =	sadd.s32 $0x1, s11  }
0x9a: {  	p0 =	sne.s32 s11, s7  }
.Ltmp2:
0x9b: {  	_ = 	snop;
	(pc) =	sbr.rel @p0 .LBB2_1-.Ltmp2, $1  }
0x9c: {  	_ =	sdelay $0x3  }
0x9d: {  	_ =	sfence.sel $0x180000  }
0x9e: {  	[bflag:$0x0] =	sbarrier.arrive $0xFFFF  }
0x9f: {  	p0 =	sne.s32 s3, $0x0;
	_ =	strace $0x90000047  }
0xa0: {  	s0 =	sadd.s32 @!p0 $0x100000, s0;
	[bflag:$0x2] =	sbarrier.arrive $0xFFFF  }
0xa1: {  	[sflag:s0] =	ssyncadd.tile.s32 @!p0 $0x1;
	_ =	shalt  }
.Lfunc_end2:
_tile_overlayer_lowered:
.L_overlay_start_2:
0xa2: {  	(tag) =	ssettag $0x2  }
0xa3: {  	s0 =	rddreg [dreg:$0x0];
	s2 =	stileid.u32  }
0xa4: {  	s1 =	rddreg [dreg:$0x1];
	p0 =	sne.s32 s2, $0x0  }
0xa5: {  	s3 =	rddreg [dreg:$0x2];
	[bflag:$0x3] =	sbarrier.arrive $0xFFFF;
	s2 =	simm.s32 @!p0 $0x1C01  }
0xa6: {  	[timem:s3], [sflag:s2] =	dma.local @!p0 [hbm:s0], s1  }
0xa7: {  	s0 =	simm.s32 @!p0 $0x1  }
0xa8: {  	_ =	swait.ge @!p0 [sflag:s0], s1  }
0xa9: {  	s1 =	ssub.s32 @!p0 $0x0, s1;
	[sflag:s0] =	ssyncset.done @!p0 $0x0  }
0xaa: {  	[sflag:s0] =	ssyncadd.s32 @!p0 s1  }
0xab: {  	[bflag:$0x3] =	sbarrier.arrive $0xFFFF  }
0xac: {  	_ =	shalt  }

// kernel: kernel.8.cloned.1.call-start
scs
__scs_entry_jumppad:
0x0: {  	(pc) =	sbr.rel $0x88, $3  }
0x1: {  	(tag) =	ssettag $0x0;
	lr =	simm.s32 $0x1  }
0x2: {  	[smem:$0x3FA0] =	sst lr;
	_ =	strace $0xD0000000  }
0x3: {  	_ = 	snop  }
0x4: {  	_ = 	snop  }
0x5: {  	_ = 	snop  }
0x6: {  	_ = 	snop  }
0x7: {  	_ = 	snop  }
__scs_overlays_trampoline_lowered:
0x8: {  	[smem:$0x3FAF] =	sst s0  }
0x9: {  	[smem:$0x3FB0] =	sst s1  }
0xa: {  	[smem:$0x3FB1] =	sst s2  }
0xb: {  	[smem:$0x3FB2] =	sst s3  }
0xc: {  	[smem:$0x3FB3] =	sst s4  }
0xd: {  	[smem:$0x3FB4] =	sst s5  }
0xe: {  	[smem:$0x3FB5] =	sst s6  }
0xf: {  	[smem:$0x3FB6] =	sst s7  }
0x10: {  	[smem:$0x3FB7] =	sst s8  }
0x11: {  	[smem:$0x3FB8] =	sst s9;
	s0 =	simm.s32 @!p0 $0x0  }
0x12: {  	s1 =	sld [smem:$0x3F9E];
	s0 =	simm.s32 @p0 $0x1  }
0x13: {  	[smem:$0x3FB9] =	sst s0;
	s0 =	simm.s32 @!p1 $0x0  }
0x14: {  	s2 =	sld [smem:$0x3F9D];
	s0 =	simm.s32 @p1 $0x1  }
0x15: {  	[smem:$0x3FBA] =	sst s0;
	s0 =	simm.s32 @!p2 $0x0  }
0x16: {  	s3 =	sld [smem:$0x3FDB];
	s0 =	simm.s32 @p2 $0x1  }
0x17: {  	s4 =	simm.s32 $0x1BF5;
	[smem:$0x3FBC] =	sst s0  }
0x18: {  	s0 =	sld [smem:$0x3F9F];
	_ =	swait.ge [sflag:s4], $0x0  }
0x19: {  	s7 =	sld [smem:$0x3FA0]  }
0x1a: {  	s8 =	sadd.s32 $0xFFFFE003, lr  }
0x1b: {  	s9 =	sadd.s32 $0xFFFFFEF7, lr;
	s5 =	simm.s32 $0xFFFFFFFF;
	p2 =	slt.u32 s8, $0xFFFFF086  }
0x1c: {  	p1 =	slt.u32 s9, $0xF7A;
	s5 =	simm.s32 @!p2 $0x0  }
0x1d: {  	s5 =	simm.s32 @p1 $0x1;
	p0 =	seq.s32 s7, s2  }
0x1e: {  	s7 =	smul.u32 @!p0 $0xF7A, s2;
	p2 =	seq.s32 @!p0 s5, $0x0  }
0x1f: {  	s9 =	smul.u32 $0xF7A, s1;
	s8 =	simm.s32 @!p0 $0x1BF5;
	p2 =	por !p2, p0  }
0x20: {  	[sflag:s8] =	ssyncset.s32 @!p0 $0xFFFFF086;
	s6 =	sadd.s32 @!p0 s3, s7;
	s7 =	simm.s32 @!p0 $0x108  }
0x21: {  	s3 =	sadd.s32 s3, s9;
	s6 =	sadd.s32 @!p0 $0x88, s6;
	s7 =	simm.s32 @p2 $0x1082  }
0x22: {  	[simem:s7], [sflag:s8] =	dma.local @!p0 [hbm:s6], $0xF7A  }
0x23: {  	s9 =	sor.u32 $0xD0000000, s2;
	s6 =	simm.s32 $0x108;
	_ =	swait.ge @!p0 [sflag:s8], $0x0  }
0x24: {  	s3 =	sadd.s32 $0x88, s3;
	s6 =	simm.s32 @!p1 $0x1082;
	[sflag:s4] =	ssyncset.s32 $0xFFFFF086  }
0x25: {  	[simem:s6], [sflag:s4] =	dma.local [hbm:s3], $0xF7A  }
0x26: {  	[smem:$0x3FA0] =	sst s1;
	(tag) =	ssettag s2;
	_ =	strace s9  }
0x27: {  	s1 =	sld [smem:$0x3FB0]  }
0x28: {  	s2 =	sld [smem:$0x3FB1]  }
0x29: {  	s4 =	sld [smem:$0x3FB3]  }
0x2a: {  	p0 =	seq.s32 s5, $0x0;
	s5 =	sld [smem:$0x3FB4]  }
0x2b: {  	s6 =	sld [smem:$0x3FB5]  }
0x2c: {  	s7 =	sld [smem:$0x3FB6]  }
0x2d: {  	s3 =	simm.s32 $0x108;
	s8 =	sld [smem:$0x3FB7]  }
0x2e: {  	s3 =	simm.s32 @!p0 $0x1082;
	s9 =	sld [smem:$0x3FB8]  }
0x2f: {  	lr =	sadd.s32 s0, s3;
	s0 =	sld [smem:$0x3FAF]  }
0x30: {  	s3 =	sld [smem:$0x3FB2]  }
0x31: {  	[smem:$0x3FBB] =	sst s10  }
0x32: {  	s10 =	sld [smem:$0x3FB9];
	_ =	sdelay $0x3  }
0x33: {  	p0 =	seq.s32 s10, $0x1;
	s10 =	sld [smem:$0x3FBB];
	_ =	sdelay $0x3  }
0x34: {  	[smem:$0x3FBB] =	sst s10  }
0x35: {  	s10 =	sld [smem:$0x3FBA];
	_ =	sdelay $0x3  }
0x36: {  	p1 =	seq.s32 s10, $0x1;
	s10 =	sld [smem:$0x3FBB];
	_ =	sdelay $0x3  }
0x37: {  	[smem:$0x3FBB] =	sst s10  }
0x38: {  	s10 =	sld [smem:$0x3FBC]  }
0x39: {  	_ = 	snop;
	(pc) =	sbr.ind lr, $3  }
0x3a: {  	_ = 	snop  }
0x3b: {  	_ = 	snop  }
0x3c: {  	p2 =	seq.s32 s10, $0x1;
	s10 =	sld [smem:$0x3FBB]  }
0x3d: {  	_ =	shalt  }
0x3e: {  	_ =	shalt  }
0x3f: {  	_ =	shalt  }
0x40: {  	_ =	shalt  }
0x41: {  	_ =	shalt  }
0x42: {  	_ =	shalt  }
0x43: {  	_ =	shalt  }
0x44: {  	_ =	shalt  }
0x45: {  	_ =	shalt  }
0x46: {  	_ =	shalt  }
0x47: {  	_ =	shalt  }
0x48: {  	_ =	shalt  }
0x49: {  	_ =	shalt  }
0x4a: {  	_ =	shalt  }
0x4b: {  	_ =	shalt  }
0x4c: {  	_ =	shalt  }
0x4d: {  	_ =	shalt  }
0x4e: {  	_ =	shalt  }
0x4f: {  	_ =	shalt  }
0x50: {  	_ =	shalt  }
0x51: {  	_ =	shalt  }
0x52: {  	_ =	shalt  }
0x53: {  	_ =	shalt  }
0x54: {  	_ =	shalt  }
0x55: {  	_ =	shalt  }
0x56: {  	_ =	shalt  }
0x57: {  	_ =	shalt  }
0x58: {  	_ =	shalt  }
0x59: {  	_ =	shalt  }
0x5a: {  	_ =	shalt  }
0x5b: {  	_ =	shalt  }
0x5c: {  	_ =	shalt  }
0x5d: {  	_ =	shalt  }
0x5e: {  	_ =	shalt  }
0x5f: {  	_ =	shalt  }
0x60: {  	_ =	shalt  }
0x61: {  	_ =	shalt  }
0x62: {  	_ =	shalt  }
0x63: {  	_ =	shalt  }
0x64: {  	_ =	shalt  }
0x65: {  	_ =	shalt  }
0x66: {  	_ =	shalt  }
0x67: {  	_ =	shalt  }
0x68: {  	_ =	shalt  }
0x69: {  	_ =	shalt  }
0x6a: {  	_ =	shalt  }
0x6b: {  	_ =	shalt  }
0x6c: {  	_ =	shalt  }
0x6d: {  	_ =	shalt  }
0x6e: {  	_ =	shalt  }
0x6f: {  	_ =	shalt  }
0x70: {  	_ =	shalt  }
0x71: {  	_ =	shalt  }
0x72: {  	_ =	shalt  }
0x73: {  	_ =	shalt  }
0x74: {  	_ =	shalt  }
0x75: {  	_ =	shalt  }
0x76: {  	_ =	shalt  }
0x77: {  	_ =	shalt  }
0x78: {  	_ =	shalt  }
0x79: {  	_ =	shalt  }
0x7a: {  	_ =	shalt  }
0x7b: {  	_ =	shalt  }
0x7c: {  	_ =	shalt  }
0x7d: {  	_ =	shalt  }
0x7e: {  	_ =	shalt  }
0x7f: {  	_ =	shalt  }
0x80: {  	_ =	shalt  }
0x81: {  	_ =	shalt  }
0x82: {  	_ =	shalt  }
0x83: {  	_ =	shalt  }
0x84: {  	_ =	shalt  }
0x85: {  	_ =	shalt  }
0x86: {  	_ =	shalt  }
0x87: {  	_ =	shalt  }
.Lfunc_end0:
.L_simem_size_0:
called_computation.1_lowered:
.L_overlay_start_0:
0x88: {  	s2 =	sld [smem:$0x3FD9]  }
0x89: {  	s3 =	sld [smem:$0x3FFE];
	_ =	sdelay $0x1  }
0x8a: {  	s1 =	srdreg.scid  }
0x8b: {  	s0 =	sand.u32 $0x1, s1  }
0x8c: {  	s17 =	sshll.u32 s0, $0xA;
	s2 =	sadd.s32 s3, s2  }
0x8d: {  	s2 =	sadd.s32 s2, s17  }
0x8e: {  	[smem:$0x3FC7] =	sst s2  }
0x8f: {  	_ = 	snop  }
0x90: {  	s2 =	sld [smem:$0x3FD0];
	(tm) =	ssettm $0x1  }
0x91: {  	s18 =	sld [smem:$0x3FFB];
	_ =	sdelay $0x3  }
0x92: {  	_ =	strace s18  }
0x93: {  	s3 =	sld [smem:$0x3FFC];
	_ =	sdelay $0x3  }
0x94: {  	_ =	strace s3  }
0x95: {  	s3 =	sld [smem:$0x3FFD];
	_ =	sdelay $0x3  }
0x96: {  	_ =	strace s3  }
0x97: {  	_ =	strace $0x8FFFFFFF  }
0x98: {  	s19 =	sld [smem:$0x3FDB];
	_ =	sdelay $0x1  }
0x99: {  	s4 =	simm.s32 $_scs_section_size  }
0x9a: {  	s5 =	simm.s32 $_size__tile_overlayer_lowered;
	s6 =	simm.s32 $_tile_overlayer_lowered  }
0x9b: {  	s22 =	simm.s32 $0x1BFF;
	s21 =	sshll.u32 s6, $0x1;
	s3 =	sadd.s32 s4, s19  }
0x9c: {  	s7 =	simm.s32 $0x0;
	s20 =	sshll.u32 s5, $0x1;
	s5 =	sadd.s32 s21, s3  }
0x9d: {  	[timem:s7], [sflag:s22] =	dma.local [hbm:s5], s20  }
0x9e: {  	_ =	swait.ge [sflag:s22], s20  }
0x9f: {  	s4 =	ssub.s32 $0x0, s20;
	[sflag:s22] =	ssyncset.done $0x0  }
0xa0: {  	[sflag:s22] =	ssyncadd.s32 s4;
	_ =	sdelay $0x1  }
0xa1: {  	s23 =	simm.s32 $0x1B8B  }
0xa2: {  	_ =	swait.ge [sflag:s23], $0x1  }
0xa3: {  	[sflag:s23] =	ssyncset.done $0x0  }
0xa4: {  	s25 =	simm.s32 $0x1B8E;
	s24 =	sld [smem:$0x3FFE];
	[sflag:s23] =	ssyncadd.s32 $0xFFFFFFFF  }
0xa5: {  	s26 =	simm.s32 $execute0_lowered;
	[smem:$0x3FD2] =	sst s25  }
0xa6: {  	s5 =	sshll.u32 s26, $0x1;
	_ =	strace $0x80000049;
	[dreg:$0x1] =	wrdreg $0xFFFFFFFF  }
0xa7: {  	s28 =	simm.s32 $_size_execute0_lowered;
	s3 =	sadd.s32 s3, s5;
	[dreg:$0x0] =	wrdreg $0x0  }
0xa8: {  	s5 =	sshll.u32 s28, $0x1;
	[dreg:$0x2] =	wrdreg s3  }
0xa9: {  	[dreg:$0x3] =	wrdreg s5  }
0xaa: {  	[dreg:$0x4] =	wrdreg $0xC0  }
0xab: {  	_ =	task [dreg:s7], $0x5FFFF  }
0xac: {  	[dreg:$0x1] =	wrdreg $0xFFFFFFFF  }
0xad: {  	[dreg:$0x0] =	wrdreg $0x60  }
0xae: {  	[dreg:$0x2] =	wrdreg s24  }
0xaf: {  	[dreg:$0x3] =	wrdreg s2  }
0xb0: {  	[dreg:$0x4] =	wrdreg $0x9  }
0xb1: {  	_ =	task.clear_ibuf [dreg:s7], $0x5FFFF;
	_ =	strace $0x90000049  }
0xb2: {  	s29 =	simm.s32 $0x9;
	_ =	strace $0x8000004B  }
0xb3: {  	_ =	swait.ge [sflag:s29], $0x1  }
0xb4: {  	[sflag:s29] =	ssyncadd.s32 $0xFFFFFFFF  }
0xb5: {  	_ =	strace $0x9000004B  }
0xb6: {  	_ =	sfence  }
0xb7: {  	s30 =	sld [smem:$0x0];
	_ =	sdelay $0x2  }
0xb8: {  	s31 =	sshll.u32 s1, $0xD;
	s1 =	sshrl.u32 s1, $0x2  }
0xb9: {  	s3 =	sand.u32 $0x4000, s31;
	s1 =	sadd.s32 s1, s30  }
0xba: {  	s0 =	sor.u32 s3, s0;
	s1 =	sshll.u32 s1, $0x11  }
0xbb: {  	s0 =	sor.u32 s1, s0  }
0xbc: {  	s0 =	sadd.s32 $0x8F2B, s0  }
0xbd: {  	[sflag:s0] =	ssyncadd.remote.s32 $0x1  }
0xbe: {  	_ =	sfence.sel $0xFFFF  }
0xbf: {  	[dreg:$0x0] =	wrdreg $0xFFFFFFFF;
	(pc) =	sbr.abs _section_cstart, $3  }
0xc0: {  	[dreg:$0x1] =	wrdreg $0xFFFFFFFF  }
0xc1: {  	_ =	task.clear_ibuf [dreg:s7], $0x2FFFF;
	_ =	strace $0x9FFFFFFF  }
0xc2: {  	(tm) =	ssettm $0x7FFFFFFF  }
0xc3: {  	_ =	shalt  }
tec
execute0_lowered:
.L_overlay_start_1:
0x0: {  	(tag) =	ssettag $0x1  }
0x1: {  	s6 =	rddreg [dreg:$0x0]  }
0x2: {  	s1 =	rddreg [dreg:$0x1]  }
0x3: {  	s0 =	rddreg [dreg:$0x2]  }
0x4: {  	s2 =	simm.s32 $0x0;
	s3 =	srdreg.scid;
	s11 =	simm.s32 $0x29A8  }
0x5: {  	s12 =	simm.s32 $0x1BE0;
	s13 =	simm.s32 $0x0;
	[smem:$0x7FF] =	sst s2  }
0x6: {  	v0 =	vlaneseq.u32;
	s4 =	sadd.s32 $0xC00, s6;
	s7 =	sand.u32 $0x1, s3;
	s5 =	sadd.s32 $0x33000, s6  }
0x7: {  	s3 =	stileid.u32;
	v1 =	vand.u32 $0x3, v0;
	s6 =	sadd.s32 $0x45600, s6;
	s8 =	ssub.s32 $0x2, s7  }
0x8: {  	v0 =	vmul.u32 $0x2, v0;
	s10 =	sshll.u32 s3, $0x5;
	s7 =	sshll.u32 s7, $0x4;
	v1 =	vmul.u32 $0x2, v1;
	s9 =	sshrl.u32 s8, $0x1  }
0x9: {  	_ =	strace $0x8000004A;
	s7 =	sor.u32 s7, s10;
	s8 =	ssub.s32 s8, s9  }
0xa: {  	s10 =	simm.s32 $0x980;
	v2 =	vor.u32 $0x1, v0;
	s9 =	simm.s32 $0x1;
	v1 =	vor.u32 $0xFFFFFFF8, v1;
	s8 =	smax.u32 s8, $0x1  }
.LBB2_1:
0xb: {  	s14 =	simm.s32 $0x0  }
.LBB2_2:
0xc: {  	s17 =	sadd.s32 s7, s14  }
0xd: {  	s15 =	smul.u32 $0x130, s17;
	_ =	sdelay $0x1  }
0xe: {  	s16 =	simm.s32 $0x0;
	s15 =	sadd.s32 s4, s15  }
0xf: {  	[tilespmem:s16], [sflag:$0x1] =	stream.linear.gather [hbm4b:s15+s16], $0x980, $0x38;
	[tilespmem:$0x2E40] =	vst v63  }
0x10: {  	s15 =	smul.u32 $0x24C, s17;
	_ =	swait.ge [sflag:s9], $0x980  }
0x11: {  	[sflag:s9] =	ssyncset.done $0x0  }
0x12: {  	s18 =	sadd.s32 s1, s15;
	[sflag:s9] =	ssyncadd.s32 $0xFFFFF680  }
0x13: {  	[tilespmem:s10], [sflag:$0x1] =	stream.linear.gather [hbm4b:s18+s16], $0x1260, $0x38;
	[tilespmem:$0x2E40] =	vst v63  }
0x14: {  	s17 =	smul.u32 $0x93, s17;
	_ =	swait.ge [sflag:s9], $0x1260  }
0x15: {  	[sflag:s9] =	ssyncset.done $0x0  }
0x16: {  	s17 =	sadd.s32 s5, s17;
	[sflag:s9] =	ssyncadd.s32 $0xFFFFEDA0  }
0x17: {  	[tilespmem:s11], [sflag:$0x1] =	stream.linear.gather [hbm4b:s17+s16], $0x498, $0x38;
	[tilespmem:$0x2E40] =	vst v63  }
0x18: {  	_ =	swait.ge [sflag:s9], $0x498  }
0x19: {  	[sflag:s9] =	ssyncset.done $0x0  }
0x1a: {  	v4 =	vor.u32 s16, v0;
	[sflag:s9] =	ssyncadd.s32 $0xFFFFFB68  }
0x1b: {  	v4 =	vand.u32 v1, v4;
	s18 =	simm.s32 $0x0;
	s17 =	simm.s32 $0x20;
	v3 =	vld [tilespmem:s16+$0x0]  }
.LBB2_3:
0x1c: {  	p0 =	sne.s32 s17, $0x1240;
	v5 =	vor.u32 s16, v2;
	s16 =	smov.u32 s17;
	_ =	sdelay $0x3  }
0x1d: {  	vm0 =	vlt.s32 v3, $0x6E4;
	v4 =	vld.idx.msk [tilespmem:v4+s10+$0x0], $0xffff  }
0x1e: {  	v3 =	vshll.u32 v3, $0x1;
	v5 =	vld.idx.msk [tilespmem:v5+s10+$0x0], $0xffff  }
0x1f: {  	v6 =	vor.u32 $0x1, v3;
	_ =	sdelay $0x1  }
.Ltmp0:
0x20: {  	(pc) =	sbr.rel @p0 .LBB2_3-.Ltmp0, $4  }
0x21: {  	_ = 	snop  }
0x22: {  	[tilespmem:v3+s12+$0x0] =	vst.idx.msk vm0, v4  }
0x23: {  	s18 =	sadd.s32 $0x10, s18;
	v4 =	vor.u32 s17, v0;
	[tilespmem:v6+s12+$0x0] =	vst.idx.msk vm0, v5  }
0x24: {  	s17 =	sadd.s32 $0x20, s17;
	v4 =	vand.u32 v1, v4;
	v3 =	vld [tilespmem:s18+$0x0]  }
0x25: {  	_ = 	snop  }
0x26: {  	v5 =	vor.u32 s16, v2;
	_ =	sdelay $0x2  }
0x27: {  	vm0 =	vlt.s32 v3, $0x6E4  }
0x28: {  	v4 =	vld.idx.msk [tilespmem:v4+s10+$0x0], $0xffff;
	v3 =	vshll.u32 v3, $0x1  }
0x29: {  	v5 =	vld.idx.msk [tilespmem:v5+s10+$0x0], $0xffff;
	v6 =	vor.u32 $0x1, v3;
	_ =	sdelay $0x2  }
0x2a: {  	s14 =	sadd.s32 $0x1, s14  }
0x2b: {  	p0 =	sne.s32 s14, $0x10;
	[tilespmem:v3+s12+$0x0] =	vst.idx.msk vm0, v4  }
.Ltmp1:
0x2c: {  	s15 =	sadd.s32 s6, s15;
	[tilespmem:v6+s12+$0x0] =	vst.idx.msk vm0, v5;
	(pc) =	sbr.rel @p0 .LBB2_2-.Ltmp1, $4  }
0x2d: {  	[hbm4b:s15+s2] =	stream.linear.scatter [tilespmem:s12], [sflag:$0x1], $0x1260, $0x38;
	[tilespmem:$0x2E40] =	vst v63  }
0x2e: {  	_ =	swait.ge [sflag:s9], $0x1260  }
0x2f: {  	[sflag:s9] =	ssyncset.done $0x0  }
0x30: {  	[sflag:s9] =	ssyncadd.s32 $0xFFFFEDA0  }
0x31: {  	s13 =	sadd.s32 $0x1, s13  }
0x32: {  	p0 =	sne.s32 s13, s8  }
.Ltmp2:
0x33: {  	_ = 	snop;
	(pc) =	sbr.rel @p0 .LBB2_1-.Ltmp2, $1  }
0x34: {  	_ =	sdelay $0x3  }
0x35: {  	_ =	sfence.sel $0x180000  }
0x36: {  	[bflag:$0x0] =	sbarrier.arrive $0xFFFF  }
0x37: {  	p0 =	sne.s32 s3, $0x0;
	_ =	strace $0x9000004A  }
0x38: {  	s0 =	sadd.s32 @!p0 $0x100000, s0;
	[bflag:$0x2] =	sbarrier.arrive $0xFFFF  }
0x39: {  	[sflag:s0] =	ssyncadd.tile.s32 @!p0 $0x1;
	_ =	shalt  }
.Lfunc_end2:
_tile_overlayer_lowered:
.L_overlay_start_2:
0x3a: {  	(tag) =	ssettag $0x2  }
0x3b: {  	s0 =	rddreg [dreg:$0x0];
	s2 =	stileid.u32  }
0x3c: {  	s1 =	rddreg [dreg:$0x1];
	p0 =	sne.s32 s2, $0x0  }
0x3d: {  	s3 =	rddreg [dreg:$0x2];
	[bflag:$0x3] =	sbarrier.arrive $0xFFFF;
	s2 =	simm.s32 @!p0 $0x1C01  }
0x3e: {  	[timem:s3], [sflag:s2] =	dma.local @!p0 [hbm:s0], s1  }
0x3f: {  	s0 =	simm.s32 @!p0 $0x1  }
0x40: {  	_ =	swait.ge @!p0 [sflag:s0], s1  }
0x41: {  	s1 =	ssub.s32 @!p0 $0x0, s1;
	[sflag:s0] =	ssyncset.done @!p0 $0x0  }
0x42: {  	[sflag:s0] =	ssyncadd.s32 @!p0 s1  }
0x43: {  	[bflag:$0x3] =	sbarrier.arrive $0xFFFF  }
0x44: {  	_ =	shalt  }

</sc_bundles>
